<compile_context>
chip_gen: v7x
topology: tpu7x:2x2x1
jax: 0.10.2.dev20260603
libtpu: 0.0.44.dev20260713+nightly
codegen_flags: <defaults>
</compile_context>

<pallas_src>
import functools

import jax
import jax.numpy as jnp
from jax import lax
from jax.experimental import pallas as pl
from jax.experimental.pallas import tpu as pltpu
from jax.experimental.pallas import tpu_sc as plsc

NC = 2
NS = 16
NW = NC * NS
L = 16

F = 128


def _mesh():
    return plsc.VectorSubcoreMesh(core_axis_name="c", subcore_axis_name="s")


def _make_agg(n_pad, e, ch):
    ept = e // NW
    rpt = n_pad // NS
    n_chunks = ept // ch

    scratch = (
        pltpu.VMEM_SHARED((n_pad, F), jnp.float32),
        pltpu.VMEM((ch, F), jnp.float32),
        pltpu.VMEM((ch,), jnp.int32),
        pltpu.VMEM((ch,), jnp.int32),
        pltpu.SemaphoreType.DMA,
    )

    def body(feat_hbm, src_hbm, dst_hbm, agg_out, table, msg, sbuf, dbuf, sem):
        c = lax.axis_index("c")
        s = lax.axis_index("s")
        wid = c * NS + s

        def zmsg(i, _):
            for j in range(F // L):
                msg[i, pl.ds(j * L, L)] = jnp.zeros((L,), jnp.float32)
            return 0
        lax.fori_loop(0, ch, zmsg, 0)
        off = 0
        while off < rpt:
            step = min(ch, rpt - off)
            pltpu.sync_copy(msg.at[pl.ds(0, step)],
                            table.at[pl.ds(s * rpt + off, step)])
            off += step
        plsc.subcore_barrier()

        ebase = wid * ept

        def chunk(k, _):
            base = ebase + k * ch
            pltpu.sync_copy(src_hbm.at[pl.ds(base, ch)], sbuf)
            pltpu.sync_copy(dst_hbm.at[pl.ds(base, ch)], dbuf)
            pltpu.async_copy(feat_hbm.at[sbuf], msg, sem).wait()
            pltpu.sync_copy(msg, table.at[dbuf], add=True)
            return 0
        lax.fori_loop(0, n_chunks, chunk, 0)
        plsc.subcore_barrier()

        obase = c * n_pad + s * rpt
        off = 0
        while off < rpt:
            step = min(ch, rpt - off)
            pltpu.sync_copy(table.at[pl.ds(s * rpt + off, step)],
                            agg_out.at[pl.ds(obase + off, step)])
            off += step

    return pl.kernel(body,
                     out_type=jax.ShapeDtypeStruct((NC * n_pad, F),
                                                   jnp.float32),
                     mesh=_mesh(), scratch_types=scratch)


def _make_deg(n_pad, e, ch):
    ept = e // NW
    rpt = n_pad // NS
    n_chunks = ept // ch

    scratch = (
        pltpu.VMEM_SHARED((n_pad, F), jnp.float32),
        pltpu.VMEM((ch, F), jnp.float32),
        pltpu.VMEM((ch,), jnp.int32),
    )

    def body(dst_hbm, deg_out, dtable, ones, dbuf):
        c = lax.axis_index("c")
        s = lax.axis_index("s")
        wid = c * NS + s

        def zones(i, _):
            for j in range(F // L):
                ones[i, pl.ds(j * L, L)] = jnp.zeros((L,), jnp.float32)
            return 0
        lax.fori_loop(0, ch, zones, 0)
        off = 0
        while off < rpt:
            step = min(ch, rpt - off)
            pltpu.sync_copy(ones.at[pl.ds(0, step)],
                            dtable.at[pl.ds(s * rpt + off, step)])
            off += step

        def fones(i, _):
            for j in range(F // L):
                ones[i, pl.ds(j * L, L)] = jnp.ones((L,), jnp.float32)
            return 0
        lax.fori_loop(0, ch, fones, 0)
        plsc.subcore_barrier()

        ebase = wid * ept

        def chunk(k, _):
            base = ebase + k * ch
            pltpu.sync_copy(dst_hbm.at[pl.ds(base, ch)], dbuf)
            pltpu.sync_copy(ones, dtable.at[dbuf], add=True)
            return 0
        lax.fori_loop(0, n_chunks, chunk, 0)
        plsc.subcore_barrier()

        obase = c * n_pad + s * rpt
        off = 0
        while off < rpt:
            step = min(ch, rpt - off)
            pltpu.sync_copy(dtable.at[pl.ds(s * rpt + off, step)],
                            deg_out.at[pl.ds(obase + off, step)])
            off += step

    return pl.kernel(body,
                     out_type=jax.ShapeDtypeStruct((NC * n_pad, F),
                                                   jnp.float32),
                     mesh=_mesh(), scratch_types=scratch)


def _make_classifier(e, ch):
    ept = e // NW
    n_chunks = ept // ch

    scratch = (
        pltpu.VMEM((ch, F), jnp.float32),
        pltpu.VMEM((ch, F), jnp.float32),
        pltpu.VMEM((ch, F), jnp.float32),
        pltpu.VMEM((ch,), jnp.int32),
        pltpu.VMEM((ch,), jnp.int32),
        pltpu.VMEM((ch, L), jnp.float32),
        pltpu.VMEM((F,), jnp.float32),
        pltpu.VMEM((L,), jnp.float32),
        pltpu.SemaphoreType.DMA,
        pltpu.SemaphoreType.DMA,
    )

    def body(p_hbm, q_hbm, t_hbm, src_hbm, dst_hbm, w_hbm, a0_hbm, out_hbm,
             bufa, bufb, buft, sbuf, dbuf, obuf, wbuf, a0buf, sem1, sem2):
        c = lax.axis_index("c")
        s = lax.axis_index("s")
        wid = c * NS + s
        pltpu.sync_copy(w_hbm, wbuf)
        pltpu.sync_copy(a0_hbm, a0buf)
        wvecs = [wbuf[pl.ds(j * L, L)] for j in range(F // L)]
        acc0 = a0buf[...]
        ebase = wid * ept

        def chunk(k, _):
            base = ebase + k * ch
            pltpu.sync_copy(src_hbm.at[pl.ds(base, ch)], sbuf)
            pltpu.sync_copy(dst_hbm.at[pl.ds(base, ch)], dbuf)
            cp1 = pltpu.async_copy(p_hbm.at[sbuf], bufa, sem1)
            cp2 = pltpu.async_copy(q_hbm.at[dbuf], bufb, sem2)
            pltpu.sync_copy(t_hbm.at[pl.ds(base, ch)], buft)
            cp1.wait()
            cp2.wait()

            def edge(i, _):
                acc = acc0
                for j in range(F // L):
                    a = bufa[i, pl.ds(j * L, L)]
                    b = bufb[i, pl.ds(j * L, L)]
                    t = buft[i, pl.ds(j * L, L)]
                    z = jnp.maximum(a + b + t, 0.0)
                    acc = acc + z * wvecs[j]
                obuf[i, pl.ds(0, L)] = acc
                return 0
            lax.fori_loop(0, ch, edge, 0)
            pltpu.sync_copy(obuf, out_hbm.at[pl.ds(base, ch)])
            return 0
        lax.fori_loop(0, n_chunks, chunk, 0)

    return pl.kernel(body, out_type=jax.ShapeDtypeStruct((e, L), jnp.float32),
                     mesh=_mesh(), scratch_types=scratch)


def _tc_layer(aggp, degp, feat, Wl, bl, Wr, relu, blk=512):
    n_pad = feat.shape[0]

    def body(a_ref, d_ref, f_ref, wl_ref, bl_ref, wr_ref, o_ref):
        agg = a_ref[0] + a_ref[1]
        deg = d_ref[0, :, 0:1] + d_ref[1, :, 0:1]
        mean = agg / jnp.maximum(deg, 1.0)
        h = (jnp.dot(mean, wl_ref[...], preferred_element_type=jnp.float32)
             + bl_ref[...]
             + jnp.dot(f_ref[...], wr_ref[...],
                       preferred_element_type=jnp.float32))
        if relu:
            h = jnp.maximum(h, 0.0)
        o_ref[...] = h

    return pl.pallas_call(
        body,
        grid=(n_pad // blk,),
        in_specs=[
            pl.BlockSpec((NC, blk, F), lambda i: (0, i, 0)),
            pl.BlockSpec((NC, blk, F), lambda i: (0, i, 0)),
            pl.BlockSpec((blk, F), lambda i: (i, 0)),
            pl.BlockSpec((F, F), lambda i: (0, 0)),
            pl.BlockSpec((1, F), lambda i: (0, 0)),
            pl.BlockSpec((F, F), lambda i: (0, 0)),
        ],
        out_specs=pl.BlockSpec((blk, F), lambda i: (i, 0)),
        out_shape=jax.ShapeDtypeStruct((n_pad, F), jnp.float32),
    )(aggp.reshape(NC, n_pad, F), degp.reshape(NC, n_pad, F), feat,
      Wl, bl.reshape(1, F), Wr)


def _tc_layer2_pq(aggp, degp, feat, Wl, bl, Wr, Wa, Wb, blk=512):
    n_pad = feat.shape[0]

    def body(a_ref, d_ref, f_ref, wl_ref, bl_ref, wr_ref, wa_ref, wb_ref,
             p_ref, q_ref):
        agg = a_ref[0] + a_ref[1]
        deg = d_ref[0, :, 0:1] + d_ref[1, :, 0:1]
        mean = agg / jnp.maximum(deg, 1.0)
        h2 = (jnp.dot(mean, wl_ref[...], preferred_element_type=jnp.float32)
              + bl_ref[...]
              + jnp.dot(f_ref[...], wr_ref[...],
                        preferred_element_type=jnp.float32))
        p_ref[...] = jnp.dot(h2, wa_ref[...], preferred_element_type=jnp.float32)
        q_ref[...] = jnp.dot(h2, wb_ref[...], preferred_element_type=jnp.float32)

    return pl.pallas_call(
        body,
        grid=(n_pad // blk,),
        in_specs=[
            pl.BlockSpec((NC, blk, F), lambda i: (0, i, 0)),
            pl.BlockSpec((NC, blk, F), lambda i: (0, i, 0)),
            pl.BlockSpec((blk, F), lambda i: (i, 0)),
            pl.BlockSpec((F, F), lambda i: (0, 0)),
            pl.BlockSpec((1, F), lambda i: (0, 0)),
            pl.BlockSpec((F, F), lambda i: (0, 0)),
            pl.BlockSpec((F, F), lambda i: (0, 0)),
            pl.BlockSpec((F, F), lambda i: (0, 0)),
        ],
        out_specs=[
            pl.BlockSpec((blk, F), lambda i: (i, 0)),
            pl.BlockSpec((blk, F), lambda i: (i, 0)),
        ],
        out_shape=[
            jax.ShapeDtypeStruct((n_pad, F), jnp.float32),
            jax.ShapeDtypeStruct((n_pad, F), jnp.float32),
        ],
    )(aggp.reshape(NC, n_pad, F), degp.reshape(NC, n_pad, F), feat,
      Wl, bl.reshape(1, F), Wr, Wa, Wb)


def _tc_rowsum(part, blk=3200):
    e = part.shape[0]

    def body(z_ref, o_ref):
        o_ref[...] = jnp.sum(z_ref[...], axis=1, keepdims=True)

    return pl.pallas_call(
        body,
        grid=(e // blk,),
        in_specs=[pl.BlockSpec((blk, L), lambda i: (i, 0))],
        out_specs=pl.BlockSpec((blk, 1), lambda i: (i, 0)),
        out_shape=jax.ShapeDtypeStruct((e, 1), jnp.float32),
    )(part)


def _tc_edge_term(edge_attr, Wc, bc, blk=2048):
    e, de = edge_attr.shape

    def body(ea_ref, wc_ref, bc_ref, t_ref):
        t_ref[...] = (jnp.dot(ea_ref[...], wc_ref[...],
                              preferred_element_type=jnp.float32)
                      + bc_ref[...])

    return pl.pallas_call(
        body,
        grid=(e // blk,),
        in_specs=[
            pl.BlockSpec((blk, de), lambda i: (i, 0)),
            pl.BlockSpec((de, F), lambda i: (0, 0)),
            pl.BlockSpec((1, F), lambda i: (0, 0)),
        ],
        out_specs=pl.BlockSpec((blk, F), lambda i: (i, 0)),
        out_shape=jax.ShapeDtypeStruct((e, F), jnp.float32),
    )(edge_attr, Wc, bc.reshape(1, F))


def kernel(x, edge_index, edge_attr, Wl1, bl1, Wr1, Wl2, bl2, Wr2,
           Wc1, bc1, Wc2, bc2):
    n = x.shape[0]
    e = edge_index.shape[1]
    n_pad = ((n + 511) // 512) * 512
    ch = 64
    ept_pad = ((e // NW + ch - 1) // ch) * ch
    e_pad = ept_pad * NW
    src = edge_index[0]
    dst = edge_index[1]

    x_pad = jnp.pad(x, ((0, n_pad - n), (0, 0)))
    src_p = jnp.pad(src, (0, e_pad - e))
    dst_p = jnp.pad(dst, (0, e_pad - e), constant_values=n_pad - 1)
    ea_p = jnp.pad(edge_attr, ((0, e_pad - e), (0, 0)))

    degp = _make_deg(n_pad, e_pad, ch)(dst_p)
    agg1p = _make_agg(n_pad, e_pad, ch)(x_pad, src_p, dst_p)
    h1 = _tc_layer(agg1p, degp, x_pad, Wl1, bl1, Wr1, relu=True)
    agg2p = _make_agg(n_pad, e_pad, ch)(h1, src_p, dst_p)
    p_tab, q_tab = _tc_layer2_pq(agg2p, degp, h1, Wl2, bl2, Wr2,
                                 Wc1[0:F], Wc1[F:2 * F])
    t_term = _tc_edge_term(ea_p, Wc1[2 * F:], bc1)

    acc0 = jnp.zeros((L,), jnp.float32).at[0].set(bc2[0])
    partials = _make_classifier(e_pad, ch)(p_tab, q_tab, t_term, src_p, dst_p,
                                           Wc2.reshape(F), acc0)
    return _tc_rowsum(partials[:e])

# --- scband reference (transcript-rebuilt; emitter-appended) ---
"""Pipeline reference for scband-edge-gcn-55078660604120 (READ-ONLY COPY).

The authoritative reference and input builder live on the scoring server;
editing this copy changes nothing except your own understanding.
"""

import jax, jax.numpy as jnp
import numpy as np

N = 10000
E = 320000
D = 128
H = 128
DE = 16


def _glorot(key, shape):
    fan_in = shape[0]
    return jax.random.normal(key, shape, jnp.float32) * (1.0 / np.sqrt(fan_in))


def setup_inputs(seed: int = 0) -> dict:
    key = jax.random.key(seed)
    ks = jax.random.split(key, 16)
    x = jax.random.normal(ks[0], (N, D), jnp.float32)
    edge_index = jax.random.randint(ks[1], (2, E), 0, N, dtype=jnp.int32)
    edge_attr = jax.random.normal(ks[2], (E, DE), jnp.float32)
    # SAGEConv 1: lin_l (aggregated neighbors, with bias), lin_r (root, no bias)
    Wl1 = _glorot(ks[3], (D, H)); bl1 = jnp.zeros((H,), jnp.float32)
    Wr1 = _glorot(ks[4], (D, H))
    # SAGEConv 2
    Wl2 = _glorot(ks[5], (H, H)); bl2 = jnp.zeros((H,), jnp.float32)
    Wr2 = _glorot(ks[6], (H, H))
    # edge classifier MLP: Linear(2H+DE -> H), ReLU, Dropout(eval), Linear(H -> 1)
    Wc1 = _glorot(ks[7], (2 * H + DE, H)); bc1 = jnp.zeros((H,), jnp.float32)
    Wc2 = _glorot(ks[8], (H, 1)); bc2 = jnp.zeros((1,), jnp.float32)
    return {"x": x, "edge_index": edge_index, "edge_attr": edge_attr,
            "Wl1": Wl1, "bl1": bl1, "Wr1": Wr1,
            "Wl2": Wl2, "bl2": bl2, "Wr2": Wr2,
            "Wc1": Wc1, "bc1": bc1, "Wc2": Wc2, "bc2": bc2}


def _sage_conv(x, src, dst, Wl, bl, Wr):
    n = x.shape[0]
    msgs = jnp.take(x, src, axis=0)                      # gather source node feats
    agg = jax.ops.segment_sum(msgs, dst, num_segments=n) # scatter-add to dst
    deg = jax.ops.segment_sum(jnp.ones((src.shape[0], 1), jnp.float32), dst, num_segments=n)
    mean = agg / jnp.maximum(deg, 1.0)                   # mean aggregation
    return mean @ Wl + bl + x @ Wr


def reference(x, edge_index, edge_attr, Wl1, bl1, Wr1, Wl2, bl2, Wr2, Wc1, bc1, Wc2, bc2):
    src = edge_index[0]
    dst = edge_index[1]
    h = _sage_conv(x, src, dst, Wl1, bl1, Wr1)
    h = jax.nn.relu(h)
    h = _sage_conv(h, src, dst, Wl2, bl2, Wr2)
    source_embed = jnp.take(h, src, axis=0)
    target_embed = jnp.take(h, dst, axis=0)
    combined = jnp.concatenate([source_embed, target_embed, edge_attr], axis=1)
    hidden = jax.nn.relu(combined @ Wc1 + bc1)
    # Dropout(p=0.5) is identity in eval mode
    edge_logits = hidden @ Wc2 + bc2
    return edge_logits

if __name__ == "__main__":
    import jax
    _d = setup_inputs()
    print(jax.jit(kernel)(*tuple(_d.values())))

</pallas_src>

<mosaic_0001>
#map = affine_map<(d0, d1) -> (0, 0)>
#map1 = affine_map<(d0, d1) -> (0)>
module attributes {stable_mosaic.version = 14 : i64} {
  func.func @body(%arg0: i32, %arg1: i32, %arg2: memref<10240x128xf32, #tpu.memory_space<hbm>>, %arg3: memref<321536xi32, #tpu.memory_space<hbm>>, %arg4: memref<321536xi32, #tpu.memory_space<hbm>>, %arg5: memref<20480x128xf32, #tpu.memory_space<hbm>>, %arg6: memref<10240x128xf32, #tpu.memory_space<vmem_shared>>, %arg7: memref<64x128xf32, #tpu.memory_space<vmem>>, %arg8: memref<64xi32, #tpu.memory_space<vmem>>, %arg9: memref<64xi32, #tpu.memory_space<vmem>>, %arg10: memref<!tpu.dma_semaphore, #tpu.memory_space<semaphore_mem>>) attributes {dimension_semantics = [#tpu.dimension_semantics<core_parallel>, #tpu.dimension_semantics<subcore_parallel>], iteration_bounds = array<i64: 2, 16>, scalar_prefetch = 0 : i64, scratch_operands = 5 : i64, tpu.core_type = #tpu.core_type<sc_vector_subcore>, window_params = [{transform_indices = #map}, {transform_indices = #map1}, {transform_indices = #map1}, {transform_indices = #map}]} {
    %mul3A = arith.constant 16 : i32
    %mul3A_0 = arith.muli %arg0, %mul3A : i32
    %add3A = arith.addi %mul3A_0, %arg1 : i32
    %scan3A = arith.constant 0 : i32
    %scan3A_1 = arith.constant 0 : i32
    %scan3A_2 = arith.constant 64 : i32
    %scan3A_3 = arith.addi %scan3A_1, %scan3A_2 : i32
    %scan3A_4 = arith.constant 1 : i32
    %scan3A_5 = scf.for %scan3A_122 = %scan3A_1 to %scan3A_3 step %scan3A_4 iter_args(%scan3A_123 = %scan3A) -> (i32)  : i32 {
      %broadcast_in_dim3A = arith.constant 0.000000e+00 : f32
      %broadcast_in_dim3A_124 = vector.broadcast %broadcast_in_dim3A : f32 to vector<16xf32>
      %swap3A = arith.index_cast %scan3A_122 : i32 to index
      %swap3A_125 = arith.constant 0 : index
      %swap3A_126 = tpu.vector_load %arg7[%swap3A, %swap3A_125] {strides = array<i32>} : memref<64x128xf32, #tpu.memory_space<vmem>>, vector<1x16xf32>,
      %swap3A_127 = vector.shape_cast %swap3A_126 : vector<1x16xf32> to vector<16xf32>
      %swap3A_128 = vector.shape_cast %broadcast_in_dim3A_124 : vector<16xf32> to vector<1x16xf32>
      tpu.vector_store %arg7[%swap3A, %swap3A_125], %swap3A_128 {strides = array<i32>} : memref<64x128xf32, #tpu.memory_space<vmem>>, vector<1x16xf32>,
      %broadcast_in_dim3A_129 = arith.constant 0.000000e+00 : f32
      %broadcast_in_dim3A_130 = vector.broadcast %broadcast_in_dim3A_129 : f32 to vector<16xf32>
      %swap3A_131 = arith.index_cast %scan3A_122 : i32 to index
      %swap3A_132 = arith.constant 16 : index
      %swap3A_133 = tpu.vector_load %arg7[%swap3A_131, %swap3A_132] {strides = array<i32>} : memref<64x128xf32, #tpu.memory_space<vmem>>, vector<1x16xf32>,
      %swap3A_134 = vector.shape_cast %swap3A_133 : vector<1x16xf32> to vector<16xf32>
      %swap3A_135 = vector.shape_cast %broadcast_in_dim3A_130 : vector<16xf32> to vector<1x16xf32>
      tpu.vector_store %arg7[%swap3A_131, %swap3A_132], %swap3A_135 {strides = array<i32>} : memref<64x128xf32, #tpu.memory_space<vmem>>, vector<1x16xf32>,
      %broadcast_in_dim3A_136 = arith.constant 0.000000e+00 : f32
      %broadcast_in_dim3A_137 = vector.broadcast %broadcast_in_dim3A_136 : f32 to vector<16xf32>
      %swap3A_138 = arith.index_cast %scan3A_122 : i32 to index
      %swap3A_139 = arith.constant 32 : index
      %swap3A_140 = tpu.vector_load %arg7[%swap3A_138, %swap3A_139] {strides = array<i32>} : memref<64x128xf32, #tpu.memory_space<vmem>>, vector<1x16xf32>,
      %swap3A_141 = vector.shape_cast %swap3A_140 : vector<1x16xf32> to vector<16xf32>
      %swap3A_142 = vector.shape_cast %broadcast_in_dim3A_137 : vector<16xf32> to vector<1x16xf32>
      tpu.vector_store %arg7[%swap3A_138, %swap3A_139], %swap3A_142 {strides = array<i32>} : memref<64x128xf32, #tpu.memory_space<vmem>>, vector<1x16xf32>,
      %broadcast_in_dim3A_143 = arith.constant 0.000000e+00 : f32
      %broadcast_in_dim3A_144 = vector.broadcast %broadcast_in_dim3A_143 : f32 to vector<16xf32>
      %swap3A_145 = arith.index_cast %scan3A_122 : i32 to index
      %swap3A_146 = arith.constant 48 : index
      %swap3A_147 = tpu.vector_load %arg7[%swap3A_145, %swap3A_146] {strides = array<i32>} : memref<64x128xf32, #tpu.memory_space<vmem>>, vector<1x16xf32>,
      %swap3A_148 = vector.shape_cast %swap3A_147 : vector<1x16xf32> to vector<16xf32>
      %swap3A_149 = vector.shape_cast %broadcast_in_dim3A_144 : vector<16xf32> to vector<1x16xf32>
      tpu.vector_store %arg7[%swap3A_145, %swap3A_146], %swap3A_149 {strides = array<i32>} : memref<64x128xf32, #tpu.memory_space<vmem>>, vector<1x16xf32>,
      %broadcast_in_dim3A_150 = arith.constant 0.000000e+00 : f32
      %broadcast_in_dim3A_151 = vector.broadcast %broadcast_in_dim3A_150 : f32 to vector<16xf32>
      %swap3A_152 = arith.index_cast %scan3A_122 : i32 to index
      %swap3A_153 = arith.constant 64 : index
      %swap3A_154 = tpu.vector_load %arg7[%swap3A_152, %swap3A_153] {strides = array<i32>} : memref<64x128xf32, #tpu.memory_space<vmem>>, vector<1x16xf32>,
      %swap3A_155 = vector.shape_cast %swap3A_154 : vector<1x16xf32> to vector<16xf32>
      %swap3A_156 = vector.shape_cast %broadcast_in_dim3A_151 : vector<16xf32> to vector<1x16xf32>
      tpu.vector_store %arg7[%swap3A_152, %swap3A_153], %swap3A_156 {strides = array<i32>} : memref<64x128xf32, #tpu.memory_space<vmem>>, vector<1x16xf32>,
      %broadcast_in_dim3A_157 = arith.constant 0.000000e+00 : f32
      %broadcast_in_dim3A_158 = vector.broadcast %broadcast_in_dim3A_157 : f32 to vector<16xf32>
      %swap3A_159 = arith.index_cast %scan3A_122 : i32 to index
      %swap3A_160 = arith.constant 80 : index
      %swap3A_161 = tpu.vector_load %arg7[%swap3A_159, %swap3A_160] {strides = array<i32>} : memref<64x128xf32, #tpu.memory_space<vmem>>, vector<1x16xf32>,
      %swap3A_162 = vector.shape_cast %swap3A_161 : vector<1x16xf32> to vector<16xf32>
      %swap3A_163 = vector.shape_cast %broadcast_in_dim3A_158 : vector<16xf32> to vector<1x16xf32>
      tpu.vector_store %arg7[%swap3A_159, %swap3A_160], %swap3A_163 {strides = array<i32>} : memref<64x128xf32, #tpu.memory_space<vmem>>, vector<1x16xf32>,
      %broadcast_in_dim3A_164 = arith.constant 0.000000e+00 : f32
      %broadcast_in_dim3A_165 = vector.broadcast %broadcast_in_dim3A_164 : f32 to vector<16xf32>
      %swap3A_166 = arith.index_cast %scan3A_122 : i32 to index
      %swap3A_167 = arith.constant 96 : index
      %swap3A_168 = tpu.vector_load %arg7[%swap3A_166, %swap3A_167] {strides = array<i32>} : memref<64x128xf32, #tpu.memory_space<vmem>>, vector<1x16xf32>,
      %swap3A_169 = vector.shape_cast %swap3A_168 : vector<1x16xf32> to vector<16xf32>
      %swap3A_170 = vector.shape_cast %broadcast_in_dim3A_165 : vector<16xf32> to vector<1x16xf32>
      tpu.vector_store %arg7[%swap3A_166, %swap3A_167], %swap3A_170 {strides = array<i32>} : memref<64x128xf32, #tpu.memory_space<vmem>>, vector<1x16xf32>,
      %broadcast_in_dim3A_171 = arith.constant 0.000000e+00 : f32
      %broadcast_in_dim3A_172 = vector.broadcast %broadcast_in_dim3A_171 : f32 to vector<16xf32>
      %swap3A_173 = arith.index_cast %scan3A_122 : i32 to index
      %swap3A_174 = arith.constant 112 : index
      %swap3A_175 = tpu.vector_load %arg7[%swap3A_173, %swap3A_174] {strides = array<i32>} : memref<64x128xf32, #tpu.memory_space<vmem>>, vector<1x16xf32>,
      %swap3A_176 = vector.shape_cast %swap3A_175 : vector<1x16xf32> to vector<16xf32>
      %swap3A_177 = vector.shape_cast %broadcast_in_dim3A_172 : vector<16xf32> to vector<1x16xf32>
      tpu.vector_store %arg7[%swap3A_173, %swap3A_174], %swap3A_177 {strides = array<i32>} : memref<64x128xf32, #tpu.memory_space<vmem>>, vector<1x16xf32>,
      %scan3A_178 = arith.constant 0 : i32
      scf.yield %scan3A_178 : i32
    }
    %scan3A_6 = arith.constant 64 : i32
    %mul3A_7 = arith.constant 640 : i32
    %mul3A_8 = arith.muli %arg1, %mul3A_7 : i32
    %add3A_9 = arith.constant 0 : i32
    %add3A_10 = arith.addi %mul3A_8, %add3A_9 : i32
    "tpu.region"() ({
      %run_scoped3A = tpu.sem_alloc : memref<!tpu.dma_semaphore, #tpu.memory_space<semaphore_mem>>
      %dma_start3A = arith.constant 0 : i32
      %dma_start3A_122 = arith.constant 0 : i32
      %dma_start3A_123 = tpu.memref_slice %arg7[%dma_start3A, %dma_start3A_122] : memref<64x128xf32, #tpu.memory_space<vmem>> -> memref<64x128xf32, #tpu.memory_space<vmem>>
      %dma_start3A_124 = arith.constant 0 : i32
      %dma_start3A_125 = tpu.memref_slice %arg6[%add3A_10, %dma_start3A_124] : memref<10240x128xf32, #tpu.memory_space<vmem_shared>> -> memref<64x128xf32, #tpu.memory_space<vmem_shared>>
      %dma_start3A_126 = arith.constant 0 : i32
      %dma_start3A_127 = tpu.memref_slice %arg6[%add3A_10, %dma_start3A_126] : memref<10240x128xf32, #tpu.memory_space<vmem_shared>> -> memref<64x128xf32, #tpu.memory_space<vmem_shared>>
      %dma_start3A_128 = arith.constant 0 : i32
      %dma_start3A_129 = arith.constant 0 : i32
      %dma_start3A_130 = tpu.memref_slice %arg7[%dma_start3A_128, %dma_start3A_129] : memref<64x128xf32, #tpu.memory_space<vmem>> -> memref<64x128xf32, #tpu.memory_space<vmem>>
      tpu.enqueue_dma source(%dma_start3A_130 : memref<64x128xf32, #tpu.memory_space<vmem>>) target(%dma_start3A_127 : memref<64x128xf32, #tpu.memory_space<vmem_shared>>) target_semaphore(%run_scoped3A : memref<!tpu.dma_semaphore, #tpu.memory_space<semaphore_mem>>)
      %dma_wait3A = arith.constant 0 : i32
      %dma_wait3A_131 = arith.constant 0 : i32
      %dma_wait3A_132 = tpu.memref_slice %arg7[%dma_wait3A, %dma_wait3A_131] : memref<64x128xf32, #tpu.memory_space<vmem>> -> memref<64x128xf32, #tpu.memory_space<vmem>>
      %dma_wait3A_133 = arith.constant 0 : i32
      %dma_wait3A_134 = tpu.memref_slice %arg6[%add3A_10, %dma_wait3A_133] : memref<10240x128xf32, #tpu.memory_space<vmem_shared>> -> memref<64x128xf32, #tpu.memory_space<vmem_shared>>
      %dma_wait3A_135 = arith.constant 0 : i32
      %dma_wait3A_136 = tpu.memref_slice %arg6[%add3A_10, %dma_wait3A_135] : memref<10240x128xf32, #tpu.memory_space<vmem_shared>> -> memref<64x128xf32, #tpu.memory_space<vmem_shared>>
      %dma_wait3A_137 = arith.constant 0 : i32
      %dma_wait3A_138 = arith.constant 0 : i32
      %dma_wait3A_139 = tpu.memref_slice %arg7[%dma_wait3A_137, %dma_wait3A_138] : memref<64x128xf32, #tpu.memory_space<vmem>> -> memref<64x128xf32, #tpu.memory_space<vmem>>
      tpu.wait_dma2 semaphore(%run_scoped3A : memref<!tpu.dma_semaphore, #tpu.memory_space<semaphore_mem>>) src(%dma_wait3A_139 : memref<64x128xf32, #tpu.memory_space<vmem>>) dst(%dma_wait3A_136 : memref<64x128xf32, #tpu.memory_space<vmem_shared>>)
      tpu.yield
    }) : () -> ()
    %mul3A_11 = arith.constant 640 : i32
    %mul3A_12 = arith.muli %arg1, %mul3A_11 : i32
    %add3A_13 = arith.constant 64 : i32
    %add3A_14 = arith.addi %mul3A_12, %add3A_13 : i32
    "tpu.region"() ({
      %run_scoped3A = tpu.sem_alloc : memref<!tpu.dma_semaphore, #tpu.memory_space<semaphore_mem>>
      %dma_start3A = arith.constant 0 : i32
      %dma_start3A_122 = arith.constant 0 : i32
      %dma_start3A_123 = tpu.memref_slice %arg7[%dma_start3A, %dma_start3A_122] : memref<64x128xf32, #tpu.memory_space<vmem>> -> memref<64x128xf32, #tpu.memory_space<vmem>>
      %dma_start3A_124 = arith.constant 0 : i32
      %dma_start3A_125 = tpu.memref_slice %arg6[%add3A_14, %dma_start3A_124] : memref<10240x128xf32, #tpu.memory_space<vmem_shared>> -> memref<64x128xf32, #tpu.memory_space<vmem_shared>>
      %dma_start3A_126 = arith.constant 0 : i32
      %dma_start3A_127 = tpu.memref_slice %arg6[%add3A_14, %dma_start3A_126] : memref<10240x128xf32, #tpu.memory_space<vmem_shared>> -> memref<64x128xf32, #tpu.memory_space<vmem_shared>>
      %dma_start3A_128 = arith.constant 0 : i32
      %dma_start3A_129 = arith.constant 0 : i32
      %dma_start3A_130 = tpu.memref_slice %arg7[%dma_start3A_128, %dma_start3A_129] : memref<64x128xf32, #tpu.memory_space<vmem>> -> memref<64x128xf32, #tpu.memory_space<vmem>>
      tpu.enqueue_dma source(%dma_start3A_130 : memref<64x128xf32, #tpu.memory_space<vmem>>) target(%dma_start3A_127 : memref<64x128xf32, #tpu.memory_space<vmem_shared>>) target_semaphore(%run_scoped3A : memref<!tpu.dma_semaphore, #tpu.memory_space<semaphore_mem>>)
      %dma_wait3A = arith.constant 0 : i32
      %dma_wait3A_131 = arith.constant 0 : i32
      %dma_wait3A_132 = tpu.memref_slice %arg7[%dma_wait3A, %dma_wait3A_131] : memref<64x128xf32, #tpu.memory_space<vmem>> -> memref<64x128xf32, #tpu.memory_space<vmem>>
      %dma_wait3A_133 = arith.constant 0 : i32
      %dma_wait3A_134 = tpu.memref_slice %arg6[%add3A_14, %dma_wait3A_133] : memref<10240x128xf32, #tpu.memory_space<vmem_shared>> -> memref<64x128xf32, #tpu.memory_space<vmem_shared>>
      %dma_wait3A_135 = arith.constant 0 : i32
      %dma_wait3A_136 = tpu.memref_slice %arg6[%add3A_14, %dma_wait3A_135] : memref<10240x128xf32, #tpu.memory_space<vmem_shared>> -> memref<64x128xf32, #tpu.memory_space<vmem_shared>>
      %dma_wait3A_137 = arith.constant 0 : i32
      %dma_wait3A_138 = arith.constant 0 : i32
      %dma_wait3A_139 = tpu.memref_slice %arg7[%dma_wait3A_137, %dma_wait3A_138] : memref<64x128xf32, #tpu.memory_space<vmem>> -> memref<64x128xf32, #tpu.memory_space<vmem>>
      tpu.wait_dma2 semaphore(%run_scoped3A : memref<!tpu.dma_semaphore, #tpu.memory_space<semaphore_mem>>) src(%dma_wait3A_139 : memref<64x128xf32, #tpu.memory_space<vmem>>) dst(%dma_wait3A_136 : memref<64x128xf32, #tpu.memory_space<vmem_shared>>)
      tpu.yield
    }) : () -> ()
    %mul3A_15 = arith.constant 640 : i32
    %mul3A_16 = arith.muli %arg1, %mul3A_15 : i32
    %add3A_17 = arith.constant 128 : i32
    %add3A_18 = arith.addi %mul3A_16, %add3A_17 : i32
    "tpu.region"() ({
      %run_scoped3A = tpu.sem_alloc : memref<!tpu.dma_semaphore, #tpu.memory_space<semaphore_mem>>
      %dma_start3A = arith.constant 0 : i32
      %dma_start3A_122 = arith.constant 0 : i32
      %dma_start3A_123 = tpu.memref_slice %arg7[%dma_start3A, %dma_start3A_122] : memref<64x128xf32, #tpu.memory_space<vmem>> -> memref<64x128xf32, #tpu.memory_space<vmem>>
      %dma_start3A_124 = arith.constant 0 : i32
      %dma_start3A_125 = tpu.memref_slice %arg6[%add3A_18, %dma_start3A_124] : memref<10240x128xf32, #tpu.memory_space<vmem_shared>> -> memref<64x128xf32, #tpu.memory_space<vmem_shared>>
      %dma_start3A_126 = arith.constant 0 : i32
      %dma_start3A_127 = tpu.memref_slice %arg6[%add3A_18, %dma_start3A_126] : memref<10240x128xf32, #tpu.memory_space<vmem_shared>> -> memref<64x128xf32, #tpu.memory_space<vmem_shared>>
      %dma_start3A_128 = arith.constant 0 : i32
      %dma_start3A_129 = arith.constant 0 : i32
      %dma_start3A_130 = tpu.memref_slice %arg7[%dma_start3A_128, %dma_start3A_129] : memref<64x128xf32, #tpu.memory_space<vmem>> -> memref<64x128xf32, #tpu.memory_space<vmem>>
      tpu.enqueue_dma source(%dma_start3A_130 : memref<64x128xf32, #tpu.memory_space<vmem>>) target(%dma_start3A_127 : memref<64x128xf32, #tpu.memory_space<vmem_shared>>) target_semaphore(%run_scoped3A : memref<!tpu.dma_semaphore, #tpu.memory_space<semaphore_mem>>)
      %dma_wait3A = arith.constant 0 : i32
      %dma_wait3A_131 = arith.constant 0 : i32
      %dma_wait3A_132 = tpu.memref_slice %arg7[%dma_wait3A, %dma_wait3A_131] : memref<64x128xf32, #tpu.memory_space<vmem>> -> memref<64x128xf32, #tpu.memory_space<vmem>>
      %dma_wait3A_133 = arith.constant 0 : i32
      %dma_wait3A_134 = tpu.memref_slice %arg6[%add3A_18, %dma_wait3A_133] : memref<10240x128xf32, #tpu.memory_space<vmem_shared>> -> memref<64x128xf32, #tpu.memory_space<vmem_shared>>
      %dma_wait3A_135 = arith.constant 0 : i32
      %dma_wait3A_136 = tpu.memref_slice %arg6[%add3A_18, %dma_wait3A_135] : memref<10240x128xf32, #tpu.memory_space<vmem_shared>> -> memref<64x128xf32, #tpu.memory_space<vmem_shared>>
      %dma_wait3A_137 = arith.constant 0 : i32
      %dma_wait3A_138 = arith.constant 0 : i32
      %dma_wait3A_139 = tpu.memref_slice %arg7[%dma_wait3A_137, %dma_wait3A_138] : memref<64x128xf32, #tpu.memory_space<vmem>> -> memref<64x128xf32, #tpu.memory_space<vmem>>
      tpu.wait_dma2 semaphore(%run_scoped3A : memref<!tpu.dma_semaphore, #tpu.memory_space<semaphore_mem>>) src(%dma_wait3A_139 : memref<64x128xf32, #tpu.memory_space<vmem>>) dst(%dma_wait3A_136 : memref<64x128xf32, #tpu.memory_space<vmem_shared>>)
      tpu.yield
    }) : () -> ()
    %mul3A_19 = arith.constant 640 : i32
    %mul3A_20 = arith.muli %arg1, %mul3A_19 : i32
    %add3A_21 = arith.constant 192 : i32
    %add3A_22 = arith.addi %mul3A_20, %add3A_21 : i32
    "tpu.region"() ({
      %run_scoped3A = tpu.sem_alloc : memref<!tpu.dma_semaphore, #tpu.memory_space<semaphore_mem>>
      %dma_start3A = arith.constant 0 : i32
      %dma_start3A_122 = arith.constant 0 : i32
      %dma_start3A_123 = tpu.memref_slice %arg7[%dma_start3A, %dma_start3A_122] : memref<64x128xf32, #tpu.memory_space<vmem>> -> memref<64x128xf32, #tpu.memory_space<vmem>>
      %dma_start3A_124 = arith.constant 0 : i32
      %dma_start3A_125 = tpu.memref_slice %arg6[%add3A_22, %dma_start3A_124] : memref<10240x128xf32, #tpu.memory_space<vmem_shared>> -> memref<64x128xf32, #tpu.memory_space<vmem_shared>>
      %dma_start3A_126 = arith.constant 0 : i32
      %dma_start3A_127 = tpu.memref_slice %arg6[%add3A_22, %dma_start3A_126] : memref<10240x128xf32, #tpu.memory_space<vmem_shared>> -> memref<64x128xf32, #tpu.memory_space<vmem_shared>>
      %dma_start3A_128 = arith.constant 0 : i32
      %dma_start3A_129 = arith.constant 0 : i32
      %dma_start3A_130 = tpu.memref_slice %arg7[%dma_start3A_128, %dma_start3A_129] : memref<64x128xf32, #tpu.memory_space<vmem>> -> memref<64x128xf32, #tpu.memory_space<vmem>>
      tpu.enqueue_dma source(%dma_start3A_130 : memref<64x128xf32, #tpu.memory_space<vmem>>) target(%dma_start3A_127 : memref<64x128xf32, #tpu.memory_space<vmem_shared>>) target_semaphore(%run_scoped3A : memref<!tpu.dma_semaphore, #tpu.memory_space<semaphore_mem>>)
      %dma_wait3A = arith.constant 0 : i32
      %dma_wait3A_131 = arith.constant 0 : i32
      %dma_wait3A_132 = tpu.memref_slice %arg7[%dma_wait3A, %dma_wait3A_131] : memref<64x128xf32, #tpu.memory_space<vmem>> -> memref<64x128xf32, #tpu.memory_space<vmem>>
      %dma_wait3A_133 = arith.constant 0 : i32
      %dma_wait3A_134 = tpu.memref_slice %arg6[%add3A_22, %dma_wait3A_133] : memref<10240x128xf32, #tpu.memory_space<vmem_shared>> -> memref<64x128xf32, #tpu.memory_space<vmem_shared>>
      %dma_wait3A_135 = arith.constant 0 : i32
      %dma_wait3A_136 = tpu.memref_slice %arg6[%add3A_22, %dma_wait3A_135] : memref<10240x128xf32, #tpu.memory_space<vmem_shared>> -> memref<64x128xf32, #tpu.memory_space<vmem_shared>>
      %dma_wait3A_137 = arith.constant 0 : i32
      %dma_wait3A_138 = arith.constant 0 : i32
      %dma_wait3A_139 = tpu.memref_slice %arg7[%dma_wait3A_137, %dma_wait3A_138] : memref<64x128xf32, #tpu.memory_space<vmem>> -> memref<64x128xf32, #tpu.memory_space<vmem>>
      tpu.wait_dma2 semaphore(%run_scoped3A : memref<!tpu.dma_semaphore, #tpu.memory_space<semaphore_mem>>) src(%dma_wait3A_139 : memref<64x128xf32, #tpu.memory_space<vmem>>) dst(%dma_wait3A_136 : memref<64x128xf32, #tpu.memory_space<vmem_shared>>)
      tpu.yield
    }) : () -> ()
    %mul3A_23 = arith.constant 640 : i32
    %mul3A_24 = arith.muli %arg1, %mul3A_23 : i32
    %add3A_25 = arith.constant 256 : i32
    %add3A_26 = arith.addi %mul3A_24, %add3A_25 : i32
    "tpu.region"() ({
      %run_scoped3A = tpu.sem_alloc : memref<!tpu.dma_semaphore, #tpu.memory_space<semaphore_mem>>
      %dma_start3A = arith.constant 0 : i32
      %dma_start3A_122 = arith.constant 0 : i32
      %dma_start3A_123 = tpu.memref_slice %arg7[%dma_start3A, %dma_start3A_122] : memref<64x128xf32, #tpu.memory_space<vmem>> -> memref<64x128xf32, #tpu.memory_space<vmem>>
      %dma_start3A_124 = arith.constant 0 : i32
      %dma_start3A_125 = tpu.memref_slice %arg6[%add3A_26, %dma_start3A_124] : memref<10240x128xf32, #tpu.memory_space<vmem_shared>> -> memref<64x128xf32, #tpu.memory_space<vmem_shared>>
      %dma_start3A_126 = arith.constant 0 : i32
      %dma_start3A_127 = tpu.memref_slice %arg6[%add3A_26, %dma_start3A_126] : memref<10240x128xf32, #tpu.memory_space<vmem_shared>> -> memref<64x128xf32, #tpu.memory_space<vmem_shared>>
      %dma_start3A_128 = arith.constant 0 : i32
      %dma_start3A_129 = arith.constant 0 : i32
      %dma_start3A_130 = tpu.memref_slice %arg7[%dma_start3A_128, %dma_start3A_129] : memref<64x128xf32, #tpu.memory_space<vmem>> -> memref<64x128xf32, #tpu.memory_space<vmem>>
      tpu.enqueue_dma source(%dma_start3A_130 : memref<64x128xf32, #tpu.memory_space<vmem>>) target(%dma_start3A_127 : memref<64x128xf32, #tpu.memory_space<vmem_shared>>) target_semaphore(%run_scoped3A : memref<!tpu.dma_semaphore, #tpu.memory_space<semaphore_mem>>)
      %dma_wait3A = arith.constant 0 : i32
      %dma_wait3A_131 = arith.constant 0 : i32
      %dma_wait3A_132 = tpu.memref_slice %arg7[%dma_wait3A, %dma_wait3A_131] : memref<64x128xf32, #tpu.memory_space<vmem>> -> memref<64x128xf32, #tpu.memory_space<vmem>>
      %dma_wait3A_133 = arith.constant 0 : i32
      %dma_wait3A_134 = tpu.memref_slice %arg6[%add3A_26, %dma_wait3A_133] : memref<10240x128xf32, #tpu.memory_space<vmem_shared>> -> memref<64x128xf32, #tpu.memory_space<vmem_shared>>
      %dma_wait3A_135 = arith.constant 0 : i32
      %dma_wait3A_136 = tpu.memref_slice %arg6[%add3A_26, %dma_wait3A_135] : memref<10240x128xf32, #tpu.memory_space<vmem_shared>> -> memref<64x128xf32, #tpu.memory_space<vmem_shared>>
      %dma_wait3A_137 = arith.constant 0 : i32
      %dma_wait3A_138 = arith.constant 0 : i32
      %dma_wait3A_139 = tpu.memref_slice %arg7[%dma_wait3A_137, %dma_wait3A_138] : memref<64x128xf32, #tpu.memory_space<vmem>> -> memref<64x128xf32, #tpu.memory_space<vmem>>
      tpu.wait_dma2 semaphore(%run_scoped3A : memref<!tpu.dma_semaphore, #tpu.memory_space<semaphore_mem>>) src(%dma_wait3A_139 : memref<64x128xf32, #tpu.memory_space<vmem>>) dst(%dma_wait3A_136 : memref<64x128xf32, #tpu.memory_space<vmem_shared>>)
      tpu.yield
    }) : () -> ()
    %mul3A_27 = arith.constant 640 : i32
    %mul3A_28 = arith.muli %arg1, %mul3A_27 : i32
    %add3A_29 = arith.constant 320 : i32
    %add3A_30 = arith.addi %mul3A_28, %add3A_29 : i32
    "tpu.region"() ({
      %run_scoped3A = tpu.sem_alloc : memref<!tpu.dma_semaphore, #tpu.memory_space<semaphore_mem>>
      %dma_start3A = arith.constant 0 : i32
      %dma_start3A_122 = arith.constant 0 : i32
      %dma_start3A_123 = tpu.memref_slice %arg7[%dma_start3A, %dma_start3A_122] : memref<64x128xf32, #tpu.memory_space<vmem>> -> memref<64x128xf32, #tpu.memory_space<vmem>>
      %dma_start3A_124 = arith.constant 0 : i32
      %dma_start3A_125 = tpu.memref_slice %arg6[%add3A_30, %dma_start3A_124] : memref<10240x128xf32, #tpu.memory_space<vmem_shared>> -> memref<64x128xf32, #tpu.memory_space<vmem_shared>>
      %dma_start3A_126 = arith.constant 0 : i32
      %dma_start3A_127 = tpu.memref_slice %arg6[%add3A_30, %dma_start3A_126] : memref<10240x128xf32, #tpu.memory_space<vmem_shared>> -> memref<64x128xf32, #tpu.memory_space<vmem_shared>>
      %dma_start3A_128 = arith.constant 0 : i32
      %dma_start3A_129 = arith.constant 0 : i32
      %dma_start3A_130 = tpu.memref_slice %arg7[%dma_start3A_128, %dma_start3A_129] : memref<64x128xf32, #tpu.memory_space<vmem>> -> memref<64x128xf32, #tpu.memory_space<vmem>>
      tpu.enqueue_dma source(%dma_start3A_130 : memref<64x128xf32, #tpu.memory_space<vmem>>) target(%dma_start3A_127 : memref<64x128xf32, #tpu.memory_space<vmem_shared>>) target_semaphore(%run_scoped3A : memref<!tpu.dma_semaphore, #tpu.memory_space<semaphore_mem>>)
      %dma_wait3A = arith.constant 0 : i32
      %dma_wait3A_131 = arith.constant 0 : i32
      %dma_wait3A_132 = tpu.memref_slice %arg7[%dma_wait3A, %dma_wait3A_131] : memref<64x128xf32, #tpu.memory_space<vmem>> -> memref<64x128xf32, #tpu.memory_space<vmem>>
      %dma_wait3A_133 = arith.constant 0 : i32
      %dma_wait3A_134 = tpu.memref_slice %arg6[%add3A_30, %dma_wait3A_133] : memref<10240x128xf32, #tpu.memory_space<vmem_shared>> -> memref<64x128xf32, #tpu.memory_space<vmem_shared>>
      %dma_wait3A_135 = arith.constant 0 : i32
      %dma_wait3A_136 = tpu.memref_slice %arg6[%add3A_30, %dma_wait3A_135] : memref<10240x128xf32, #tpu.memory_space<vmem_shared>> -> memref<64x128xf32, #tpu.memory_space<vmem_shared>>
      %dma_wait3A_137 = arith.constant 0 : i32
      %dma_wait3A_138 = arith.constant 0 : i32
      %dma_wait3A_139 = tpu.memref_slice %arg7[%dma_wait3A_137, %dma_wait3A_138] : memref<64x128xf32, #tpu.memory_space<vmem>> -> memref<64x128xf32, #tpu.memory_space<vmem>>
      tpu.wait_dma2 semaphore(%run_scoped3A : memref<!tpu.dma_semaphore, #tpu.memory_space<semaphore_mem>>) src(%dma_wait3A_139 : memref<64x128xf32, #tpu.memory_space<vmem>>) dst(%dma_wait3A_136 : memref<64x128xf32, #tpu.memory_space<vmem_shared>>)
      tpu.yield
    }) : () -> ()
    %mul3A_31 = arith.constant 640 : i32
    %mul3A_32 = arith.muli %arg1, %mul3A_31 : i32
    %add3A_33 = arith.constant 384 : i32
    %add3A_34 = arith.addi %mul3A_32, %add3A_33 : i32
    "tpu.region"() ({
      %run_scoped3A = tpu.sem_alloc : memref<!tpu.dma_semaphore, #tpu.memory_space<semaphore_mem>>
      %dma_start3A = arith.constant 0 : i32
      %dma_start3A_122 = arith.constant 0 : i32
      %dma_start3A_123 = tpu.memref_slice %arg7[%dma_start3A, %dma_start3A_122] : memref<64x128xf32, #tpu.memory_space<vmem>> -> memref<64x128xf32, #tpu.memory_space<vmem>>
      %dma_start3A_124 = arith.constant 0 : i32
      %dma_start3A_125 = tpu.memref_slice %arg6[%add3A_34, %dma_start3A_124] : memref<10240x128xf32, #tpu.memory_space<vmem_shared>> -> memref<64x128xf32, #tpu.memory_space<vmem_shared>>
      %dma_start3A_126 = arith.constant 0 : i32
      %dma_start3A_127 = tpu.memref_slice %arg6[%add3A_34, %dma_start3A_126] : memref<10240x128xf32, #tpu.memory_space<vmem_shared>> -> memref<64x128xf32, #tpu.memory_space<vmem_shared>>
      %dma_start3A_128 = arith.constant 0 : i32
      %dma_start3A_129 = arith.constant 0 : i32
      %dma_start3A_130 = tpu.memref_slice %arg7[%dma_start3A_128, %dma_start3A_129] : memref<64x128xf32, #tpu.memory_space<vmem>> -> memref<64x128xf32, #tpu.memory_space<vmem>>
      tpu.enqueue_dma source(%dma_start3A_130 : memref<64x128xf32, #tpu.memory_space<vmem>>) target(%dma_start3A_127 : memref<64x128xf32, #tpu.memory_space<vmem_shared>>) target_semaphore(%run_scoped3A : memref<!tpu.dma_semaphore, #tpu.memory_space<semaphore_mem>>)
      %dma_wait3A = arith.constant 0 : i32
      %dma_wait3A_131 = arith.constant 0 : i32
      %dma_wait3A_132 = tpu.memref_slice %arg7[%dma_wait3A, %dma_wait3A_131] : memref<64x128xf32, #tpu.memory_space<vmem>> -> memref<64x128xf32, #tpu.memory_space<vmem>>
      %dma_wait3A_133 = arith.constant 0 : i32
      %dma_wait3A_134 = tpu.memref_slice %arg6[%add3A_34, %dma_wait3A_133] : memref<10240x128xf32, #tpu.memory_space<vmem_shared>> -> memref<64x128xf32, #tpu.memory_space<vmem_shared>>
      %dma_wait3A_135 = arith.constant 0 : i32
      %dma_wait3A_136 = tpu.memref_slice %arg6[%add3A_34, %dma_wait3A_135] : memref<10240x128xf32, #tpu.memory_space<vmem_shared>> -> memref<64x128xf32, #tpu.memory_space<vmem_shared>>
      %dma_wait3A_137 = arith.constant 0 : i32
      %dma_wait3A_138 = arith.constant 0 : i32
      %dma_wait3A_139 = tpu.memref_slice %arg7[%dma_wait3A_137, %dma_wait3A_138] : memref<64x128xf32, #tpu.memory_space<vmem>> -> memref<64x128xf32, #tpu.memory_space<vmem>>
      tpu.wait_dma2 semaphore(%run_scoped3A : memref<!tpu.dma_semaphore, #tpu.memory_space<semaphore_mem>>) src(%dma_wait3A_139 : memref<64x128xf32, #tpu.memory_space<vmem>>) dst(%dma_wait3A_136 : memref<64x128xf32, #tpu.memory_space<vmem_shared>>)
      tpu.yield
    }) : () -> ()
    %mul3A_35 = arith.constant 640 : i32
    %mul3A_36 = arith.muli %arg1, %mul3A_35 : i32
    %add3A_37 = arith.constant 448 : i32
    %add3A_38 = arith.addi %mul3A_36, %add3A_37 : i32
    "tpu.region"() ({
      %run_scoped3A = tpu.sem_alloc : memref<!tpu.dma_semaphore, #tpu.memory_space<semaphore_mem>>
      %dma_start3A = arith.constant 0 : i32
      %dma_start3A_122 = arith.constant 0 : i32
      %dma_start3A_123 = tpu.memref_slice %arg7[%dma_start3A, %dma_start3A_122] : memref<64x128xf32, #tpu.memory_space<vmem>> -> memref<64x128xf32, #tpu.memory_space<vmem>>
      %dma_start3A_124 = arith.constant 0 : i32
      %dma_start3A_125 = tpu.memref_slice %arg6[%add3A_38, %dma_start3A_124] : memref<10240x128xf32, #tpu.memory_space<vmem_shared>> -> memref<64x128xf32, #tpu.memory_space<vmem_shared>>
      %dma_start3A_126 = arith.constant 0 : i32
      %dma_start3A_127 = tpu.memref_slice %arg6[%add3A_38, %dma_start3A_126] : memref<10240x128xf32, #tpu.memory_space<vmem_shared>> -> memref<64x128xf32, #tpu.memory_space<vmem_shared>>
      %dma_start3A_128 = arith.constant 0 : i32
      %dma_start3A_129 = arith.constant 0 : i32
      %dma_start3A_130 = tpu.memref_slice %arg7[%dma_start3A_128, %dma_start3A_129] : memref<64x128xf32, #tpu.memory_space<vmem>> -> memref<64x128xf32, #tpu.memory_space<vmem>>
      tpu.enqueue_dma source(%dma_start3A_130 : memref<64x128xf32, #tpu.memory_space<vmem>>) target(%dma_start3A_127 : memref<64x128xf32, #tpu.memory_space<vmem_shared>>) target_semaphore(%run_scoped3A : memref<!tpu.dma_semaphore, #tpu.memory_space<semaphore_mem>>)
      %dma_wait3A = arith.constant 0 : i32
      %dma_wait3A_131 = arith.constant 0 : i32
      %dma_wait3A_132 = tpu.memref_slice %arg7[%dma_wait3A, %dma_wait3A_131] : memref<64x128xf32, #tpu.memory_space<vmem>> -> memref<64x128xf32, #tpu.memory_space<vmem>>
      %dma_wait3A_133 = arith.constant 0 : i32
      %dma_wait3A_134 = tpu.memref_slice %arg6[%add3A_38, %dma_wait3A_133] : memref<10240x128xf32, #tpu.memory_space<vmem_shared>> -> memref<64x128xf32, #tpu.memory_space<vmem_shared>>
      %dma_wait3A_135 = arith.constant 0 : i32
      %dma_wait3A_136 = tpu.memref_slice %arg6[%add3A_38, %dma_wait3A_135] : memref<10240x128xf32, #tpu.memory_space<vmem_shared>> -> memref<64x128xf32, #tpu.memory_space<vmem_shared>>
      %dma_wait3A_137 = arith.constant 0 : i32
      %dma_wait3A_138 = arith.constant 0 : i32
      %dma_wait3A_139 = tpu.memref_slice %arg7[%dma_wait3A_137, %dma_wait3A_138] : memref<64x128xf32, #tpu.memory_space<vmem>> -> memref<64x128xf32, #tpu.memory_space<vmem>>
      tpu.wait_dma2 semaphore(%run_scoped3A : memref<!tpu.dma_semaphore, #tpu.memory_space<semaphore_mem>>) src(%dma_wait3A_139 : memref<64x128xf32, #tpu.memory_space<vmem>>) dst(%dma_wait3A_136 : memref<64x128xf32, #tpu.memory_space<vmem_shared>>)
      tpu.yield
    }) : () -> ()
    %mul3A_39 = arith.constant 640 : i32
    %mul3A_40 = arith.muli %arg1, %mul3A_39 : i32
    %add3A_41 = arith.constant 512 : i32
    %add3A_42 = arith.addi %mul3A_40, %add3A_41 : i32
    "tpu.region"() ({
      %run_scoped3A = tpu.sem_alloc : memref<!tpu.dma_semaphore, #tpu.memory_space<semaphore_mem>>
      %dma_start3A = arith.constant 0 : i32
      %dma_start3A_122 = arith.constant 0 : i32
      %dma_start3A_123 = tpu.memref_slice %arg7[%dma_start3A, %dma_start3A_122] : memref<64x128xf32, #tpu.memory_space<vmem>> -> memref<64x128xf32, #tpu.memory_space<vmem>>
      %dma_start3A_124 = arith.constant 0 : i32
      %dma_start3A_125 = tpu.memref_slice %arg6[%add3A_42, %dma_start3A_124] : memref<10240x128xf32, #tpu.memory_space<vmem_shared>> -> memref<64x128xf32, #tpu.memory_space<vmem_shared>>
      %dma_start3A_126 = arith.constant 0 : i32
      %dma_start3A_127 = tpu.memref_slice %arg6[%add3A_42, %dma_start3A_126] : memref<10240x128xf32, #tpu.memory_space<vmem_shared>> -> memref<64x128xf32, #tpu.memory_space<vmem_shared>>
      %dma_start3A_128 = arith.constant 0 : i32
      %dma_start3A_129 = arith.constant 0 : i32
      %dma_start3A_130 = tpu.memref_slice %arg7[%dma_start3A_128, %dma_start3A_129] : memref<64x128xf32, #tpu.memory_space<vmem>> -> memref<64x128xf32, #tpu.memory_space<vmem>>
      tpu.enqueue_dma source(%dma_start3A_130 : memref<64x128xf32, #tpu.memory_space<vmem>>) target(%dma_start3A_127 : memref<64x128xf32, #tpu.memory_space<vmem_shared>>) target_semaphore(%run_scoped3A : memref<!tpu.dma_semaphore, #tpu.memory_space<semaphore_mem>>)
      %dma_wait3A = arith.constant 0 : i32
      %dma_wait3A_131 = arith.constant 0 : i32
      %dma_wait3A_132 = tpu.memref_slice %arg7[%dma_wait3A, %dma_wait3A_131] : memref<64x128xf32, #tpu.memory_space<vmem>> -> memref<64x128xf32, #tpu.memory_space<vmem>>
      %dma_wait3A_133 = arith.constant 0 : i32
      %dma_wait3A_134 = tpu.memref_slice %arg6[%add3A_42, %dma_wait3A_133] : memref<10240x128xf32, #tpu.memory_space<vmem_shared>> -> memref<64x128xf32, #tpu.memory_space<vmem_shared>>
      %dma_wait3A_135 = arith.constant 0 : i32
      %dma_wait3A_136 = tpu.memref_slice %arg6[%add3A_42, %dma_wait3A_135] : memref<10240x128xf32, #tpu.memory_space<vmem_shared>> -> memref<64x128xf32, #tpu.memory_space<vmem_shared>>
      %dma_wait3A_137 = arith.constant 0 : i32
      %dma_wait3A_138 = arith.constant 0 : i32
      %dma_wait3A_139 = tpu.memref_slice %arg7[%dma_wait3A_137, %dma_wait3A_138] : memref<64x128xf32, #tpu.memory_space<vmem>> -> memref<64x128xf32, #tpu.memory_space<vmem>>
      tpu.wait_dma2 semaphore(%run_scoped3A : memref<!tpu.dma_semaphore, #tpu.memory_space<semaphore_mem>>) src(%dma_wait3A_139 : memref<64x128xf32, #tpu.memory_space<vmem>>) dst(%dma_wait3A_136 : memref<64x128xf32, #tpu.memory_space<vmem_shared>>)
      tpu.yield
    }) : () -> ()
    %mul3A_43 = arith.constant 640 : i32
    %mul3A_44 = arith.muli %arg1, %mul3A_43 : i32
    %add3A_45 = arith.constant 576 : i32
    %add3A_46 = arith.addi %mul3A_44, %add3A_45 : i32
    "tpu.region"() ({
      %run_scoped3A = tpu.sem_alloc : memref<!tpu.dma_semaphore, #tpu.memory_space<semaphore_mem>>
      %dma_start3A = arith.constant 0 : i32
      %dma_start3A_122 = arith.constant 0 : i32
      %dma_start3A_123 = tpu.memref_slice %arg7[%dma_start3A, %dma_start3A_122] : memref<64x128xf32, #tpu.memory_space<vmem>> -> memref<64x128xf32, #tpu.memory_space<vmem>>
      %dma_start3A_124 = arith.constant 0 : i32
      %dma_start3A_125 = tpu.memref_slice %arg6[%add3A_46, %dma_start3A_124] : memref<10240x128xf32, #tpu.memory_space<vmem_shared>> -> memref<64x128xf32, #tpu.memory_space<vmem_shared>>
      %dma_start3A_126 = arith.constant 0 : i32
      %dma_start3A_127 = tpu.memref_slice %arg6[%add3A_46, %dma_start3A_126] : memref<10240x128xf32, #tpu.memory_space<vmem_shared>> -> memref<64x128xf32, #tpu.memory_space<vmem_shared>>
      %dma_start3A_128 = arith.constant 0 : i32
      %dma_start3A_129 = arith.constant 0 : i32
      %dma_start3A_130 = tpu.memref_slice %arg7[%dma_start3A_128, %dma_start3A_129] : memref<64x128xf32, #tpu.memory_space<vmem>> -> memref<64x128xf32, #tpu.memory_space<vmem>>
      tpu.enqueue_dma source(%dma_start3A_130 : memref<64x128xf32, #tpu.memory_space<vmem>>) target(%dma_start3A_127 : memref<64x128xf32, #tpu.memory_space<vmem_shared>>) target_semaphore(%run_scoped3A : memref<!tpu.dma_semaphore, #tpu.memory_space<semaphore_mem>>)
      %dma_wait3A = arith.constant 0 : i32
      %dma_wait3A_131 = arith.constant 0 : i32
      %dma_wait3A_132 = tpu.memref_slice %arg7[%dma_wait3A, %dma_wait3A_131] : memref<64x128xf32, #tpu.memory_space<vmem>> -> memref<64x128xf32, #tpu.memory_space<vmem>>
      %dma_wait3A_133 = arith.constant 0 : i32
      %dma_wait3A_134 = tpu.memref_slice %arg6[%add3A_46, %dma_wait3A_133] : memref<10240x128xf32, #tpu.memory_space<vmem_shared>> -> memref<64x128xf32, #tpu.memory_space<vmem_shared>>
      %dma_wait3A_135 = arith.constant 0 : i32
      %dma_wait3A_136 = tpu.memref_slice %arg6[%add3A_46, %dma_wait3A_135] : memref<10240x128xf32, #tpu.memory_space<vmem_shared>> -> memref<64x128xf32, #tpu.memory_space<vmem_shared>>
      %dma_wait3A_137 = arith.constant 0 : i32
      %dma_wait3A_138 = arith.constant 0 : i32
      %dma_wait3A_139 = tpu.memref_slice %arg7[%dma_wait3A_137, %dma_wait3A_138] : memref<64x128xf32, #tpu.memory_space<vmem>> -> memref<64x128xf32, #tpu.memory_space<vmem>>
      tpu.wait_dma2 semaphore(%run_scoped3A : memref<!tpu.dma_semaphore, #tpu.memory_space<semaphore_mem>>) src(%dma_wait3A_139 : memref<64x128xf32, #tpu.memory_space<vmem>>) dst(%dma_wait3A_136 : memref<64x128xf32, #tpu.memory_space<vmem_shared>>)
      tpu.yield
    }) : () -> ()
    %barrier3A = arith.constant 0 : index
    tpu.barrier barrier_id(%barrier3A)
    %mul3A_47 = arith.constant 10048 : i32
    %mul3A_48 = arith.muli %add3A, %mul3A_47 : i32
    %scan3A_49 = arith.constant 0 : i32
    %scan3A_50 = arith.constant 0 : i32
    %scan3A_51 = arith.constant 157 : i32
    %scan3A_52 = arith.addi %scan3A_50, %scan3A_51 : i32
    %scan3A_53 = arith.constant 1 : i32
    %scan3A_54 = scf.for %scan3A_122 = %scan3A_50 to %scan3A_52 step %scan3A_53 iter_args(%scan3A_123 = %scan3A_49) -> (i32)  : i32 {
      %mul3A_124 = arith.constant 64 : i32
      %mul3A_125 = arith.muli %scan3A_122, %mul3A_124 : i32
      %add3A_126 = arith.addi %mul3A_48, %mul3A_125 : i32
      "tpu.region"() ({
        %run_scoped3A = tpu.sem_alloc : memref<!tpu.dma_semaphore, #tpu.memory_space<semaphore_mem>>
        %dma_start3A_132 = tpu.memref_slice %arg3[%add3A_126] : memref<321536xi32, #tpu.memory_space<hbm>> -> memref<64xi32, #tpu.memory_space<hbm>>
        %dma_start3A_133 = tpu.memref_slice %arg3[%add3A_126] : memref<321536xi32, #tpu.memory_space<hbm>> -> memref<64xi32, #tpu.memory_space<hbm>>
        tpu.enqueue_dma source(%dma_start3A_133 : memref<64xi32, #tpu.memory_space<hbm>>) target(%arg8 : memref<64xi32, #tpu.memory_space<vmem>>) target_semaphore(%run_scoped3A : memref<!tpu.dma_semaphore, #tpu.memory_space<semaphore_mem>>)
        %dma_wait3A_134 = tpu.memref_slice %arg3[%add3A_126] : memref<321536xi32, #tpu.memory_space<hbm>> -> memref<64xi32, #tpu.memory_space<hbm>>
        %dma_wait3A_135 = tpu.memref_slice %arg3[%add3A_126] : memref<321536xi32, #tpu.memory_space<hbm>> -> memref<64xi32, #tpu.memory_space<hbm>>
        tpu.wait_dma2 semaphore(%run_scoped3A : memref<!tpu.dma_semaphore, #tpu.memory_space<semaphore_mem>>) src(%dma_wait3A_135 : memref<64xi32, #tpu.memory_space<hbm>>) dst(%arg8 : memref<64xi32, #tpu.memory_space<vmem>>)
        tpu.yield
      }) : () -> ()
      "tpu.region"() ({
        %run_scoped3A = tpu.sem_alloc : memref<!tpu.dma_semaphore, #tpu.memory_space<semaphore_mem>>
        %dma_start3A_132 = tpu.memref_slice %arg4[%add3A_126] : memref<321536xi32, #tpu.memory_space<hbm>> -> memref<64xi32, #tpu.memory_space<hbm>>
        %dma_start3A_133 = tpu.memref_slice %arg4[%add3A_126] : memref<321536xi32, #tpu.memory_space<hbm>> -> memref<64xi32, #tpu.memory_space<hbm>>
        tpu.enqueue_dma source(%dma_start3A_133 : memref<64xi32, #tpu.memory_space<hbm>>) target(%arg9 : memref<64xi32, #tpu.memory_space<vmem>>) target_semaphore(%run_scoped3A : memref<!tpu.dma_semaphore, #tpu.memory_space<semaphore_mem>>)
        %dma_wait3A_134 = tpu.memref_slice %arg4[%add3A_126] : memref<321536xi32, #tpu.memory_space<hbm>> -> memref<64xi32, #tpu.memory_space<hbm>>
        %dma_wait3A_135 = tpu.memref_slice %arg4[%add3A_126] : memref<321536xi32, #tpu.memory_space<hbm>> -> memref<64xi32, #tpu.memory_space<hbm>>
        tpu.wait_dma2 semaphore(%run_scoped3A : memref<!tpu.dma_semaphore, #tpu.memory_space<semaphore_mem>>) src(%dma_wait3A_135 : memref<64xi32, #tpu.memory_space<hbm>>) dst(%arg9 : memref<64xi32, #tpu.memory_space<vmem>>)
        tpu.yield
      }) : () -> ()
      %dma_start3A = arith.constant 0 : i32
      %dma_start3A_127 = arith.constant 0 : i32
      %dma_start3A_128 = tpu.memref_slice %arg2[%dma_start3A, %dma_start3A_127] : memref<10240x128xf32, #tpu.memory_space<hbm>> -> memref<10240x128xf32, #tpu.memory_space<hbm>>
      tpu.enqueue_indirect_dma source(%dma_start3A_128 : memref<10240x128xf32, #tpu.memory_space<hbm>>) target(%arg7 : memref<64x128xf32, #tpu.memory_space<vmem>>) offsets(%arg8 : memref<64xi32, #tpu.memory_space<vmem>>) semaphore(%arg10 : memref<!tpu.dma_semaphore, #tpu.memory_space<semaphore_mem>>)
      %dma_wait3A = arith.constant 0 : i32
      %dma_wait3A_129 = arith.constant 0 : i32
      %dma_wait3A_130 = tpu.memref_slice %arg2[%dma_wait3A, %dma_wait3A_129] : memref<10240x128xf32, #tpu.memory_space<hbm>> -> memref<10240x128xf32, #tpu.memory_space<hbm>>
      tpu.wait_indirect_dma semaphore(%arg10 : memref<!tpu.dma_semaphore, #tpu.memory_space<semaphore_mem>>) src(%dma_wait3A_130 : memref<10240x128xf32, #tpu.memory_space<hbm>>) dst(%arg7 : memref<64x128xf32, #tpu.memory_space<vmem>>)
      "tpu.region"() ({
        %run_scoped3A = tpu.sem_alloc : memref<!tpu.dma_semaphore, #tpu.memory_space<semaphore_mem>>
        %dma_start3A_132 = arith.constant 0 : i32
        %dma_start3A_133 = arith.constant 0 : i32
        %dma_start3A_134 = tpu.memref_slice %arg6[%dma_start3A_132, %dma_start3A_133] : memref<10240x128xf32, #tpu.memory_space<vmem_shared>> -> memref<10240x128xf32, #tpu.memory_space<vmem_shared>>
        tpu.enqueue_indirect_dma source(%arg7 : memref<64x128xf32, #tpu.memory_space<vmem>>) target(%dma_start3A_134 : memref<10240x128xf32, #tpu.memory_space<vmem_shared>>) offsets(%arg9 : memref<64xi32, #tpu.memory_space<vmem>>) semaphore(%run_scoped3A : memref<!tpu.dma_semaphore, #tpu.memory_space<semaphore_mem>>) {add = true}
        %dma_wait3A_135 = arith.constant 0 : i32
        %dma_wait3A_136 = arith.constant 0 : i32
        %dma_wait3A_137 = tpu.memref_slice %arg6[%dma_wait3A_135, %dma_wait3A_136] : memref<10240x128xf32, #tpu.memory_space<vmem_shared>> -> memref<10240x128xf32, #tpu.memory_space<vmem_shared>>
        tpu.wait_indirect_dma semaphore(%run_scoped3A : memref<!tpu.dma_semaphore, #tpu.memory_space<semaphore_mem>>) src(%arg7 : memref<64x128xf32, #tpu.memory_space<vmem>>) dst(%dma_wait3A_137 : memref<10240x128xf32, #tpu.memory_space<vmem_shared>>)
        tpu.yield
      }) : () -> ()
      %scan3A_131 = arith.constant 0 : i32
      scf.yield %scan3A_131 : i32
    }
    %scan3A_55 = arith.constant 157 : i32
    %barrier3A_56 = arith.constant 0 : index
    tpu.barrier barrier_id(%barrier3A_56)
    %mul3A_57 = arith.constant 10240 : i32
    %mul3A_58 = arith.muli %arg0, %mul3A_57 : i32
    %mul3A_59 = arith.constant 640 : i32
    %mul3A_60 = arith.muli %arg1, %mul3A_59 : i32
    %add3A_61 = arith.addi %mul3A_58, %mul3A_60 : i32
    %mul3A_62 = arith.constant 640 : i32
    %mul3A_63 = arith.muli %arg1, %mul3A_62 : i32
    %add3A_64 = arith.constant 0 : i32
    %add3A_65 = arith.addi %mul3A_63, %add3A_64 : i32
    %add3A_66 = arith.constant 0 : i32
    %add3A_67 = arith.addi %add3A_61, %add3A_66 : i32
    "tpu.region"() ({
      %run_scoped3A = tpu.sem_alloc : memref<!tpu.dma_semaphore, #tpu.memory_space<semaphore_mem>>
      %dma_start3A = arith.constant 0 : i32
      %dma_start3A_122 = tpu.memref_slice %arg5[%add3A_67, %dma_start3A] : memref<20480x128xf32, #tpu.memory_space<hbm>> -> memref<64x128xf32, #tpu.memory_space<hbm>>
      %dma_start3A_123 = arith.constant 0 : i32
      %dma_start3A_124 = tpu.memref_slice %arg6[%add3A_65, %dma_start3A_123] : memref<10240x128xf32, #tpu.memory_space<vmem_shared>> -> memref<64x128xf32, #tpu.memory_space<vmem_shared>>
      tpu.enqueue_dma source(%dma_start3A_124 : memref<64x128xf32, #tpu.memory_space<vmem_shared>>) target(%dma_start3A_122 : memref<64x128xf32, #tpu.memory_space<hbm>>) target_semaphore(%run_scoped3A : memref<!tpu.dma_semaphore, #tpu.memory_space<semaphore_mem>>)
      %dma_wait3A = arith.constant 0 : i32
      %dma_wait3A_125 = tpu.memref_slice %arg5[%add3A_67, %dma_wait3A] : memref<20480x128xf32, #tpu.memory_space<hbm>> -> memref<64x128xf32, #tpu.memory_space<hbm>>
      %dma_wait3A_126 = arith.constant 0 : i32
      %dma_wait3A_127 = tpu.memref_slice %arg6[%add3A_65, %dma_wait3A_126] : memref<10240x128xf32, #tpu.memory_space<vmem_shared>> -> memref<64x128xf32, #tpu.memory_space<vmem_shared>>
      tpu.wait_dma2 semaphore(%run_scoped3A : memref<!tpu.dma_semaphore, #tpu.memory_space<semaphore_mem>>) src(%dma_wait3A_127 : memref<64x128xf32, #tpu.memory_space<vmem_shared>>) dst(%dma_wait3A_125 : memref<64x128xf32, #tpu.memory_space<hbm>>)
      tpu.yield
    }) : () -> ()
    %mul3A_68 = arith.constant 640 : i32
    %mul3A_69 = arith.muli %arg1, %mul3A_68 : i32
    %add3A_70 = arith.constant 64 : i32
    %add3A_71 = arith.addi %mul3A_69, %add3A_70 : i32
    %add3A_72 = arith.constant 64 : i32
    %add3A_73 = arith.addi %add3A_61, %add3A_72 : i32
    "tpu.region"() ({
      %run_scoped3A = tpu.sem_alloc : memref<!tpu.dma_semaphore, #tpu.memory_space<semaphore_mem>>
      %dma_start3A = arith.constant 0 : i32
      %dma_start3A_122 = tpu.memref_slice %arg5[%add3A_73, %dma_start3A] : memref<20480x128xf32, #tpu.memory_space<hbm>> -> memref<64x128xf32, #tpu.memory_space<hbm>>
      %dma_start3A_123 = arith.constant 0 : i32
      %dma_start3A_124 = tpu.memref_slice %arg6[%add3A_71, %dma_start3A_123] : memref<10240x128xf32, #tpu.memory_space<vmem_shared>> -> memref<64x128xf32, #tpu.memory_space<vmem_shared>>
      tpu.enqueue_dma source(%dma_start3A_124 : memref<64x128xf32, #tpu.memory_space<vmem_shared>>) target(%dma_start3A_122 : memref<64x128xf32, #tpu.memory_space<hbm>>) target_semaphore(%run_scoped3A : memref<!tpu.dma_semaphore, #tpu.memory_space<semaphore_mem>>)
      %dma_wait3A = arith.constant 0 : i32
      %dma_wait3A_125 = tpu.memref_slice %arg5[%add3A_73, %dma_wait3A] : memref<20480x128xf32, #tpu.memory_space<hbm>> -> memref<64x128xf32, #tpu.memory_space<hbm>>
      %dma_wait3A_126 = arith.constant 0 : i32
      %dma_wait3A_127 = tpu.memref_slice %arg6[%add3A_71, %dma_wait3A_126] : memref<10240x128xf32, #tpu.memory_space<vmem_shared>> -> memref<64x128xf32, #tpu.memory_space<vmem_shared>>
      tpu.wait_dma2 semaphore(%run_scoped3A : memref<!tpu.dma_semaphore, #tpu.memory_space<semaphore_mem>>) src(%dma_wait3A_127 : memref<64x128xf32, #tpu.memory_space<vmem_shared>>) dst(%dma_wait3A_125 : memref<64x128xf32, #tpu.memory_space<hbm>>)
      tpu.yield
    }) : () -> ()
    %mul3A_74 = arith.constant 640 : i32
    %mul3A_75 = arith.muli %arg1, %mul3A_74 : i32
    %add3A_76 = arith.constant 128 : i32
    %add3A_77 = arith.addi %mul3A_75, %add3A_76 : i32
    %add3A_78 = arith.constant 128 : i32
    %add3A_79 = arith.addi %add3A_61, %add3A_78 : i32
    "tpu.region"() ({
      %run_scoped3A = tpu.sem_alloc : memref<!tpu.dma_semaphore, #tpu.memory_space<semaphore_mem>>
      %dma_start3A = arith.constant 0 : i32
      %dma_start3A_122 = tpu.memref_slice %arg5[%add3A_79, %dma_start3A] : memref<20480x128xf32, #tpu.memory_space<hbm>> -> memref<64x128xf32, #tpu.memory_space<hbm>>
      %dma_start3A_123 = arith.constant 0 : i32
      %dma_start3A_124 = tpu.memref_slice %arg6[%add3A_77, %dma_start3A_123] : memref<10240x128xf32, #tpu.memory_space<vmem_shared>> -> memref<64x128xf32, #tpu.memory_space<vmem_shared>>
      tpu.enqueue_dma source(%dma_start3A_124 : memref<64x128xf32, #tpu.memory_space<vmem_shared>>) target(%dma_start3A_122 : memref<64x128xf32, #tpu.memory_space<hbm>>) target_semaphore(%run_scoped3A : memref<!tpu.dma_semaphore, #tpu.memory_space<semaphore_mem>>)
      %dma_wait3A = arith.constant 0 : i32
      %dma_wait3A_125 = tpu.memref_slice %arg5[%add3A_79, %dma_wait3A] : memref<20480x128xf32, #tpu.memory_space<hbm>> -> memref<64x128xf32, #tpu.memory_space<hbm>>
      %dma_wait3A_126 = arith.constant 0 : i32
      %dma_wait3A_127 = tpu.memref_slice %arg6[%add3A_77, %dma_wait3A_126] : memref<10240x128xf32, #tpu.memory_space<vmem_shared>> -> memref<64x128xf32, #tpu.memory_space<vmem_shared>>
      tpu.wait_dma2 semaphore(%run_scoped3A : memref<!tpu.dma_semaphore, #tpu.memory_space<semaphore_mem>>) src(%dma_wait3A_127 : memref<64x128xf32, #tpu.memory_space<vmem_shared>>) dst(%dma_wait3A_125 : memref<64x128xf32, #tpu.memory_space<hbm>>)
      tpu.yield
    }) : () -> ()
    %mul3A_80 = arith.constant 640 : i32
    %mul3A_81 = arith.muli %arg1, %mul3A_80 : i32
    %add3A_82 = arith.constant 192 : i32
    %add3A_83 = arith.addi %mul3A_81, %add3A_82 : i32
    %add3A_84 = arith.constant 192 : i32
    %add3A_85 = arith.addi %add3A_61, %add3A_84 : i32
    "tpu.region"() ({
      %run_scoped3A = tpu.sem_alloc : memref<!tpu.dma_semaphore, #tpu.memory_space<semaphore_mem>>
      %dma_start3A = arith.constant 0 : i32
      %dma_start3A_122 = tpu.memref_slice %arg5[%add3A_85, %dma_start3A] : memref<20480x128xf32, #tpu.memory_space<hbm>> -> memref<64x128xf32, #tpu.memory_space<hbm>>
      %dma_start3A_123 = arith.constant 0 : i32
      %dma_start3A_124 = tpu.memref_slice %arg6[%add3A_83, %dma_start3A_123] : memref<10240x128xf32, #tpu.memory_space<vmem_shared>> -> memref<64x128xf32, #tpu.memory_space<vmem_shared>>
      tpu.enqueue_dma source(%dma_start3A_124 : memref<64x128xf32, #tpu.memory_space<vmem_shared>>) target(%dma_start3A_122 : memref<64x128xf32, #tpu.memory_space<hbm>>) target_semaphore(%run_scoped3A : memref<!tpu.dma_semaphore, #tpu.memory_space<semaphore_mem>>)
      %dma_wait3A = arith.constant 0 : i32
      %dma_wait3A_125 = tpu.memref_slice %arg5[%add3A_85, %dma_wait3A] : memref<20480x128xf32, #tpu.memory_space<hbm>> -> memref<64x128xf32, #tpu.memory_space<hbm>>
      %dma_wait3A_126 = arith.constant 0 : i32
      %dma_wait3A_127 = tpu.memref_slice %arg6[%add3A_83, %dma_wait3A_126] : memref<10240x128xf32, #tpu.memory_space<vmem_shared>> -> memref<64x128xf32, #tpu.memory_space<vmem_shared>>
      tpu.wait_dma2 semaphore(%run_scoped3A : memref<!tpu.dma_semaphore, #tpu.memory_space<semaphore_mem>>) src(%dma_wait3A_127 : memref<64x128xf32, #tpu.memory_space<vmem_shared>>) dst(%dma_wait3A_125 : memref<64x128xf32, #tpu.memory_space<hbm>>)
      tpu.yield
    }) : () -> ()
    %mul3A_86 = arith.constant 640 : i32
    %mul3A_87 = arith.muli %arg1, %mul3A_86 : i32
    %add3A_88 = arith.constant 256 : i32
    %add3A_89 = arith.addi %mul3A_87, %add3A_88 : i32
    %add3A_90 = arith.constant 256 : i32
    %add3A_91 = arith.addi %add3A_61, %add3A_90 : i32
    "tpu.region"() ({
      %run_scoped3A = tpu.sem_alloc : memref<!tpu.dma_semaphore, #tpu.memory_space<semaphore_mem>>
      %dma_start3A = arith.constant 0 : i32
      %dma_start3A_122 = tpu.memref_slice %arg5[%add3A_91, %dma_start3A] : memref<20480x128xf32, #tpu.memory_space<hbm>> -> memref<64x128xf32, #tpu.memory_space<hbm>>
      %dma_start3A_123 = arith.constant 0 : i32
      %dma_start3A_124 = tpu.memref_slice %arg6[%add3A_89, %dma_start3A_123] : memref<10240x128xf32, #tpu.memory_space<vmem_shared>> -> memref<64x128xf32, #tpu.memory_space<vmem_shared>>
      tpu.enqueue_dma source(%dma_start3A_124 : memref<64x128xf32, #tpu.memory_space<vmem_shared>>) target(%dma_start3A_122 : memref<64x128xf32, #tpu.memory_space<hbm>>) target_semaphore(%run_scoped3A : memref<!tpu.dma_semaphore, #tpu.memory_space<semaphore_mem>>)
      %dma_wait3A = arith.constant 0 : i32
      %dma_wait3A_125 = tpu.memref_slice %arg5[%add3A_91, %dma_wait3A] : memref<20480x128xf32, #tpu.memory_space<hbm>> -> memref<64x128xf32, #tpu.memory_space<hbm>>
      %dma_wait3A_126 = arith.constant 0 : i32
      %dma_wait3A_127 = tpu.memref_slice %arg6[%add3A_89, %dma_wait3A_126] : memref<10240x128xf32, #tpu.memory_space<vmem_shared>> -> memref<64x128xf32, #tpu.memory_space<vmem_shared>>
      tpu.wait_dma2 semaphore(%run_scoped3A : memref<!tpu.dma_semaphore, #tpu.memory_space<semaphore_mem>>) src(%dma_wait3A_127 : memref<64x128xf32, #tpu.memory_space<vmem_shared>>) dst(%dma_wait3A_125 : memref<64x128xf32, #tpu.memory_space<hbm>>)
      tpu.yield
    }) : () -> ()
    %mul3A_92 = arith.constant 640 : i32
    %mul3A_93 = arith.muli %arg1, %mul3A_92 : i32
    %add3A_94 = arith.constant 320 : i32
    %add3A_95 = arith.addi %mul3A_93, %add3A_94 : i32
    %add3A_96 = arith.constant 320 : i32
    %add3A_97 = arith.addi %add3A_61, %add3A_96 : i32
    "tpu.region"() ({
      %run_scoped3A = tpu.sem_alloc : memref<!tpu.dma_semaphore, #tpu.memory_space<semaphore_mem>>
      %dma_start3A = arith.constant 0 : i32
      %dma_start3A_122 = tpu.memref_slice %arg5[%add3A_97, %dma_start3A] : memref<20480x128xf32, #tpu.memory_space<hbm>> -> memref<64x128xf32, #tpu.memory_space<hbm>>
      %dma_start3A_123 = arith.constant 0 : i32
      %dma_start3A_124 = tpu.memref_slice %arg6[%add3A_95, %dma_start3A_123] : memref<10240x128xf32, #tpu.memory_space<vmem_shared>> -> memref<64x128xf32, #tpu.memory_space<vmem_shared>>
      tpu.enqueue_dma source(%dma_start3A_124 : memref<64x128xf32, #tpu.memory_space<vmem_shared>>) target(%dma_start3A_122 : memref<64x128xf32, #tpu.memory_space<hbm>>) target_semaphore(%run_scoped3A : memref<!tpu.dma_semaphore, #tpu.memory_space<semaphore_mem>>)
      %dma_wait3A = arith.constant 0 : i32
      %dma_wait3A_125 = tpu.memref_slice %arg5[%add3A_97, %dma_wait3A] : memref<20480x128xf32, #tpu.memory_space<hbm>> -> memref<64x128xf32, #tpu.memory_space<hbm>>
      %dma_wait3A_126 = arith.constant 0 : i32
      %dma_wait3A_127 = tpu.memref_slice %arg6[%add3A_95, %dma_wait3A_126] : memref<10240x128xf32, #tpu.memory_space<vmem_shared>> -> memref<64x128xf32, #tpu.memory_space<vmem_shared>>
      tpu.wait_dma2 semaphore(%run_scoped3A : memref<!tpu.dma_semaphore, #tpu.memory_space<semaphore_mem>>) src(%dma_wait3A_127 : memref<64x128xf32, #tpu.memory_space<vmem_shared>>) dst(%dma_wait3A_125 : memref<64x128xf32, #tpu.memory_space<hbm>>)
      tpu.yield
    }) : () -> ()
    %mul3A_98 = arith.constant 640 : i32
    %mul3A_99 = arith.muli %arg1, %mul3A_98 : i32
    %add3A_100 = arith.constant 384 : i32
    %add3A_101 = arith.addi %mul3A_99, %add3A_100 : i32
    %add3A_102 = arith.constant 384 : i32
    %add3A_103 = arith.addi %add3A_61, %add3A_102 : i32
    "tpu.region"() ({
      %run_scoped3A = tpu.sem_alloc : memref<!tpu.dma_semaphore, #tpu.memory_space<semaphore_mem>>
      %dma_start3A = arith.constant 0 : i32
      %dma_start3A_122 = tpu.memref_slice %arg5[%add3A_103, %dma_start3A] : memref<20480x128xf32, #tpu.memory_space<hbm>> -> memref<64x128xf32, #tpu.memory_space<hbm>>
      %dma_start3A_123 = arith.constant 0 : i32
      %dma_start3A_124 = tpu.memref_slice %arg6[%add3A_101, %dma_start3A_123] : memref<10240x128xf32, #tpu.memory_space<vmem_shared>> -> memref<64x128xf32, #tpu.memory_space<vmem_shared>>
      tpu.enqueue_dma source(%dma_start3A_124 : memref<64x128xf32, #tpu.memory_space<vmem_shared>>) target(%dma_start3A_122 : memref<64x128xf32, #tpu.memory_space<hbm>>) target_semaphore(%run_scoped3A : memref<!tpu.dma_semaphore, #tpu.memory_space<semaphore_mem>>)
      %dma_wait3A = arith.constant 0 : i32
      %dma_wait3A_125 = tpu.memref_slice %arg5[%add3A_103, %dma_wait3A] : memref<20480x128xf32, #tpu.memory_space<hbm>> -> memref<64x128xf32, #tpu.memory_space<hbm>>
      %dma_wait3A_126 = arith.constant 0 : i32
      %dma_wait3A_127 = tpu.memref_slice %arg6[%add3A_101, %dma_wait3A_126] : memref<10240x128xf32, #tpu.memory_space<vmem_shared>> -> memref<64x128xf32, #tpu.memory_space<vmem_shared>>
      tpu.wait_dma2 semaphore(%run_scoped3A : memref<!tpu.dma_semaphore, #tpu.memory_space<semaphore_mem>>) src(%dma_wait3A_127 : memref<64x128xf32, #tpu.memory_space<vmem_shared>>) dst(%dma_wait3A_125 : memref<64x128xf32, #tpu.memory_space<hbm>>)
      tpu.yield
    }) : () -> ()
    %mul3A_104 = arith.constant 640 : i32
    %mul3A_105 = arith.muli %arg1, %mul3A_104 : i32
    %add3A_106 = arith.constant 448 : i32
    %add3A_107 = arith.addi %mul3A_105, %add3A_106 : i32
    %add3A_108 = arith.constant 448 : i32
    %add3A_109 = arith.addi %add3A_61, %add3A_108 : i32
    "tpu.region"() ({
      %run_scoped3A = tpu.sem_alloc : memref<!tpu.dma_semaphore, #tpu.memory_space<semaphore_mem>>
      %dma_start3A = arith.constant 0 : i32
      %dma_start3A_122 = tpu.memref_slice %arg5[%add3A_109, %dma_start3A] : memref<20480x128xf32, #tpu.memory_space<hbm>> -> memref<64x128xf32, #tpu.memory_space<hbm>>
      %dma_start3A_123 = arith.constant 0 : i32
      %dma_start3A_124 = tpu.memref_slice %arg6[%add3A_107, %dma_start3A_123] : memref<10240x128xf32, #tpu.memory_space<vmem_shared>> -> memref<64x128xf32, #tpu.memory_space<vmem_shared>>
      tpu.enqueue_dma source(%dma_start3A_124 : memref<64x128xf32, #tpu.memory_space<vmem_shared>>) target(%dma_start3A_122 : memref<64x128xf32, #tpu.memory_space<hbm>>) target_semaphore(%run_scoped3A : memref<!tpu.dma_semaphore, #tpu.memory_space<semaphore_mem>>)
      %dma_wait3A = arith.constant 0 : i32
      %dma_wait3A_125 = tpu.memref_slice %arg5[%add3A_109, %dma_wait3A] : memref<20480x128xf32, #tpu.memory_space<hbm>> -> memref<64x128xf32, #tpu.memory_space<hbm>>
      %dma_wait3A_126 = arith.constant 0 : i32
      %dma_wait3A_127 = tpu.memref_slice %arg6[%add3A_107, %dma_wait3A_126] : memref<10240x128xf32, #tpu.memory_space<vmem_shared>> -> memref<64x128xf32, #tpu.memory_space<vmem_shared>>
      tpu.wait_dma2 semaphore(%run_scoped3A : memref<!tpu.dma_semaphore, #tpu.memory_space<semaphore_mem>>) src(%dma_wait3A_127 : memref<64x128xf32, #tpu.memory_space<vmem_shared>>) dst(%dma_wait3A_125 : memref<64x128xf32, #tpu.memory_space<hbm>>)
      tpu.yield
    }) : () -> ()
    %mul3A_110 = arith.constant 640 : i32
    %mul3A_111 = arith.muli %arg1, %mul3A_110 : i32
    %add3A_112 = arith.constant 512 : i32
    %add3A_113 = arith.addi %mul3A_111, %add3A_112 : i32
    %add3A_114 = arith.constant 512 : i32
    %add3A_115 = arith.addi %add3A_61, %add3A_114 : i32
    "tpu.region"() ({
      %run_scoped3A = tpu.sem_alloc : memref<!tpu.dma_semaphore, #tpu.memory_space<semaphore_mem>>
      %dma_start3A = arith.constant 0 : i32
      %dma_start3A_122 = tpu.memref_slice %arg5[%add3A_115, %dma_start3A] : memref<20480x128xf32, #tpu.memory_space<hbm>> -> memref<64x128xf32, #tpu.memory_space<hbm>>
      %dma_start3A_123 = arith.constant 0 : i32
      %dma_start3A_124 = tpu.memref_slice %arg6[%add3A_113, %dma_start3A_123] : memref<10240x128xf32, #tpu.memory_space<vmem_shared>> -> memref<64x128xf32, #tpu.memory_space<vmem_shared>>
      tpu.enqueue_dma source(%dma_start3A_124 : memref<64x128xf32, #tpu.memory_space<vmem_shared>>) target(%dma_start3A_122 : memref<64x128xf32, #tpu.memory_space<hbm>>) target_semaphore(%run_scoped3A : memref<!tpu.dma_semaphore, #tpu.memory_space<semaphore_mem>>)
      %dma_wait3A = arith.constant 0 : i32
      %dma_wait3A_125 = tpu.memref_slice %arg5[%add3A_115, %dma_wait3A] : memref<20480x128xf32, #tpu.memory_space<hbm>> -> memref<64x128xf32, #tpu.memory_space<hbm>>
      %dma_wait3A_126 = arith.constant 0 : i32
      %dma_wait3A_127 = tpu.memref_slice %arg6[%add3A_113, %dma_wait3A_126] : memref<10240x128xf32, #tpu.memory_space<vmem_shared>> -> memref<64x128xf32, #tpu.memory_space<vmem_shared>>
      tpu.wait_dma2 semaphore(%run_scoped3A : memref<!tpu.dma_semaphore, #tpu.memory_space<semaphore_mem>>) src(%dma_wait3A_127 : memref<64x128xf32, #tpu.memory_space<vmem_shared>>) dst(%dma_wait3A_125 : memref<64x128xf32, #tpu.memory_space<hbm>>)
      tpu.yield
    }) : () -> ()
    %mul3A_116 = arith.constant 640 : i32
    %mul3A_117 = arith.muli %arg1, %mul3A_116 : i32
    %add3A_118 = arith.constant 576 : i32
    %add3A_119 = arith.addi %mul3A_117, %add3A_118 : i32
    %add3A_120 = arith.constant 576 : i32
    %add3A_121 = arith.addi %add3A_61, %add3A_120 : i32
    "tpu.region"() ({
      %run_scoped3A = tpu.sem_alloc : memref<!tpu.dma_semaphore, #tpu.memory_space<semaphore_mem>>
      %dma_start3A = arith.constant 0 : i32
      %dma_start3A_122 = tpu.memref_slice %arg5[%add3A_121, %dma_start3A] : memref<20480x128xf32, #tpu.memory_space<hbm>> -> memref<64x128xf32, #tpu.memory_space<hbm>>
      %dma_start3A_123 = arith.constant 0 : i32
      %dma_start3A_124 = tpu.memref_slice %arg6[%add3A_119, %dma_start3A_123] : memref<10240x128xf32, #tpu.memory_space<vmem_shared>> -> memref<64x128xf32, #tpu.memory_space<vmem_shared>>
      tpu.enqueue_dma source(%dma_start3A_124 : memref<64x128xf32, #tpu.memory_space<vmem_shared>>) target(%dma_start3A_122 : memref<64x128xf32, #tpu.memory_space<hbm>>) target_semaphore(%run_scoped3A : memref<!tpu.dma_semaphore, #tpu.memory_space<semaphore_mem>>)
      %dma_wait3A = arith.constant 0 : i32
      %dma_wait3A_125 = tpu.memref_slice %arg5[%add3A_121, %dma_wait3A] : memref<20480x128xf32, #tpu.memory_space<hbm>> -> memref<64x128xf32, #tpu.memory_space<hbm>>
      %dma_wait3A_126 = arith.constant 0 : i32
      %dma_wait3A_127 = tpu.memref_slice %arg6[%add3A_119, %dma_wait3A_126] : memref<10240x128xf32, #tpu.memory_space<vmem_shared>> -> memref<64x128xf32, #tpu.memory_space<vmem_shared>>
      tpu.wait_dma2 semaphore(%run_scoped3A : memref<!tpu.dma_semaphore, #tpu.memory_space<semaphore_mem>>) src(%dma_wait3A_127 : memref<64x128xf32, #tpu.memory_space<vmem_shared>>) dst(%dma_wait3A_125 : memref<64x128xf32, #tpu.memory_space<hbm>>)
      tpu.yield
    }) : () -> ()
    return
  }
}

#map = affine_map<(d0, d1) -> (0)>
#map1 = affine_map<(d0, d1) -> (0, 0)>
module attributes {stable_mosaic.version = 14 : i64} {
  func.func @body(%arg0: i32, %arg1: i32, %arg2: memref<321536xi32, #tpu.memory_space<hbm>>, %arg3: memref<20480x128xf32, #tpu.memory_space<hbm>>, %arg4: memref<10240x128xf32, #tpu.memory_space<vmem_shared>>, %arg5: memref<64x128xf32, #tpu.memory_space<vmem>>, %arg6: memref<64xi32, #tpu.memory_space<vmem>>) attributes {dimension_semantics = [#tpu.dimension_semantics<core_parallel>, #tpu.dimension_semantics<subcore_parallel>], iteration_bounds = array<i64: 2, 16>, scalar_prefetch = 0 : i64, scratch_operands = 3 : i64, tpu.core_type = #tpu.core_type<sc_vector_subcore>, window_params = [{transform_indices = #map}, {transform_indices = #map1}]} {
    %mul3A = arith.constant 16 : i32
    %mul3A_0 = arith.muli %arg0, %mul3A : i32
    %add3A = arith.addi %mul3A_0, %arg1 : i32
    %scan3A = arith.constant 0 : i32
    %scan3A_1 = arith.constant 0 : i32
    %scan3A_2 = arith.constant 64 : i32
    %scan3A_3 = arith.addi %scan3A_1, %scan3A_2 : i32
    %scan3A_4 = arith.constant 1 : i32
    %scan3A_5 = scf.for %scan3A_129 = %scan3A_1 to %scan3A_3 step %scan3A_4 iter_args(%scan3A_130 = %scan3A) -> (i32)  : i32 {
      %broadcast_in_dim3A = arith.constant 0.000000e+00 : f32
      %broadcast_in_dim3A_131 = vector.broadcast %broadcast_in_dim3A : f32 to vector<16xf32>
      %swap3A = arith.index_cast %scan3A_129 : i32 to index
      %swap3A_132 = arith.constant 0 : index
      %swap3A_133 = tpu.vector_load %arg5[%swap3A, %swap3A_132] {strides = array<i32>} : memref<64x128xf32, #tpu.memory_space<vmem>>, vector<1x16xf32>,
      %swap3A_134 = vector.shape_cast %swap3A_133 : vector<1x16xf32> to vector<16xf32>
      %swap3A_135 = vector.shape_cast %broadcast_in_dim3A_131 : vector<16xf32> to vector<1x16xf32>
      tpu.vector_store %arg5[%swap3A, %swap3A_132], %swap3A_135 {strides = array<i32>} : memref<64x128xf32, #tpu.memory_space<vmem>>, vector<1x16xf32>,
      %broadcast_in_dim3A_136 = arith.constant 0.000000e+00 : f32
      %broadcast_in_dim3A_137 = vector.broadcast %broadcast_in_dim3A_136 : f32 to vector<16xf32>
      %swap3A_138 = arith.index_cast %scan3A_129 : i32 to index
      %swap3A_139 = arith.constant 16 : index
      %swap3A_140 = tpu.vector_load %arg5[%swap3A_138, %swap3A_139] {strides = array<i32>} : memref<64x128xf32, #tpu.memory_space<vmem>>, vector<1x16xf32>,
      %swap3A_141 = vector.shape_cast %swap3A_140 : vector<1x16xf32> to vector<16xf32>
      %swap3A_142 = vector.shape_cast %broadcast_in_dim3A_137 : vector<16xf32> to vector<1x16xf32>
      tpu.vector_store %arg5[%swap3A_138, %swap3A_139], %swap3A_142 {strides = array<i32>} : memref<64x128xf32, #tpu.memory_space<vmem>>, vector<1x16xf32>,
      %broadcast_in_dim3A_143 = arith.constant 0.000000e+00 : f32
      %broadcast_in_dim3A_144 = vector.broadcast %broadcast_in_dim3A_143 : f32 to vector<16xf32>
      %swap3A_145 = arith.index_cast %scan3A_129 : i32 to index
      %swap3A_146 = arith.constant 32 : index
      %swap3A_147 = tpu.vector_load %arg5[%swap3A_145, %swap3A_146] {strides = array<i32>} : memref<64x128xf32, #tpu.memory_space<vmem>>, vector<1x16xf32>,
      %swap3A_148 = vector.shape_cast %swap3A_147 : vector<1x16xf32> to vector<16xf32>
      %swap3A_149 = vector.shape_cast %broadcast_in_dim3A_144 : vector<16xf32> to vector<1x16xf32>
      tpu.vector_store %arg5[%swap3A_145, %swap3A_146], %swap3A_149 {strides = array<i32>} : memref<64x128xf32, #tpu.memory_space<vmem>>, vector<1x16xf32>,
      %broadcast_in_dim3A_150 = arith.constant 0.000000e+00 : f32
      %broadcast_in_dim3A_151 = vector.broadcast %broadcast_in_dim3A_150 : f32 to vector<16xf32>
      %swap3A_152 = arith.index_cast %scan3A_129 : i32 to index
      %swap3A_153 = arith.constant 48 : index
      %swap3A_154 = tpu.vector_load %arg5[%swap3A_152, %swap3A_153] {strides = array<i32>} : memref<64x128xf32, #tpu.memory_space<vmem>>, vector<1x16xf32>,
      %swap3A_155 = vector.shape_cast %swap3A_154 : vector<1x16xf32> to vector<16xf32>
      %swap3A_156 = vector.shape_cast %broadcast_in_dim3A_151 : vector<16xf32> to vector<1x16xf32>
      tpu.vector_store %arg5[%swap3A_152, %swap3A_153], %swap3A_156 {strides = array<i32>} : memref<64x128xf32, #tpu.memory_space<vmem>>, vector<1x16xf32>,
      %broadcast_in_dim3A_157 = arith.constant 0.000000e+00 : f32
      %broadcast_in_dim3A_158 = vector.broadcast %broadcast_in_dim3A_157 : f32 to vector<16xf32>
      %swap3A_159 = arith.index_cast %scan3A_129 : i32 to index
      %swap3A_160 = arith.constant 64 : index
      %swap3A_161 = tpu.vector_load %arg5[%swap3A_159, %swap3A_160] {strides = array<i32>} : memref<64x128xf32, #tpu.memory_space<vmem>>, vector<1x16xf32>,
      %swap3A_162 = vector.shape_cast %swap3A_161 : vector<1x16xf32> to vector<16xf32>
      %swap3A_163 = vector.shape_cast %broadcast_in_dim3A_158 : vector<16xf32> to vector<1x16xf32>
      tpu.vector_store %arg5[%swap3A_159, %swap3A_160], %swap3A_163 {strides = array<i32>} : memref<64x128xf32, #tpu.memory_space<vmem>>, vector<1x16xf32>,
      %broadcast_in_dim3A_164 = arith.constant 0.000000e+00 : f32
      %broadcast_in_dim3A_165 = vector.broadcast %broadcast_in_dim3A_164 : f32 to vector<16xf32>
      %swap3A_166 = arith.index_cast %scan3A_129 : i32 to index
      %swap3A_167 = arith.constant 80 : index
      %swap3A_168 = tpu.vector_load %arg5[%swap3A_166, %swap3A_167] {strides = array<i32>} : memref<64x128xf32, #tpu.memory_space<vmem>>, vector<1x16xf32>,
      %swap3A_169 = vector.shape_cast %swap3A_168 : vector<1x16xf32> to vector<16xf32>
      %swap3A_170 = vector.shape_cast %broadcast_in_dim3A_165 : vector<16xf32> to vector<1x16xf32>
      tpu.vector_store %arg5[%swap3A_166, %swap3A_167], %swap3A_170 {strides = array<i32>} : memref<64x128xf32, #tpu.memory_space<vmem>>, vector<1x16xf32>,
      %broadcast_in_dim3A_171 = arith.constant 0.000000e+00 : f32
      %broadcast_in_dim3A_172 = vector.broadcast %broadcast_in_dim3A_171 : f32 to vector<16xf32>
      %swap3A_173 = arith.index_cast %scan3A_129 : i32 to index
      %swap3A_174 = arith.constant 96 : index
      %swap3A_175 = tpu.vector_load %arg5[%swap3A_173, %swap3A_174] {strides = array<i32>} : memref<64x128xf32, #tpu.memory_space<vmem>>, vector<1x16xf32>,
      %swap3A_176 = vector.shape_cast %swap3A_175 : vector<1x16xf32> to vector<16xf32>
      %swap3A_177 = vector.shape_cast %broadcast_in_dim3A_172 : vector<16xf32> to vector<1x16xf32>
      tpu.vector_store %arg5[%swap3A_173, %swap3A_174], %swap3A_177 {strides = array<i32>} : memref<64x128xf32, #tpu.memory_space<vmem>>, vector<1x16xf32>,
      %broadcast_in_dim3A_178 = arith.constant 0.000000e+00 : f32
      %broadcast_in_dim3A_179 = vector.broadcast %broadcast_in_dim3A_178 : f32 to vector<16xf32>
      %swap3A_180 = arith.index_cast %scan3A_129 : i32 to index
      %swap3A_181 = arith.constant 112 : index
      %swap3A_182 = tpu.vector_load %arg5[%swap3A_180, %swap3A_181] {strides = array<i32>} : memref<64x128xf32, #tpu.memory_space<vmem>>, vector<1x16xf32>,
      %swap3A_183 = vector.shape_cast %swap3A_182 : vector<1x16xf32> to vector<16xf32>
      %swap3A_184 = vector.shape_cast %broadcast_in_dim3A_179 : vector<16xf32> to vector<1x16xf32>
      tpu.vector_store %arg5[%swap3A_180, %swap3A_181], %swap3A_184 {strides = array<i32>} : memref<64x128xf32, #tpu.memory_space<vmem>>, vector<1x16xf32>,
      %scan3A_185 = arith.constant 0 : i32
      scf.yield %scan3A_185 : i32
    }
    %scan3A_6 = arith.constant 64 : i32
    %mul3A_7 = arith.constant 640 : i32
    %mul3A_8 = arith.muli %arg1, %mul3A_7 : i32
    %add3A_9 = arith.constant 0 : i32
    %add3A_10 = arith.addi %mul3A_8, %add3A_9 : i32
    "tpu.region"() ({
      %run_scoped3A = tpu.sem_alloc : memref<!tpu.dma_semaphore, #tpu.memory_space<semaphore_mem>>
      %dma_start3A = arith.constant 0 : i32
      %dma_start3A_129 = arith.constant 0 : i32
      %dma_start3A_130 = tpu.memref_slice %arg5[%dma_start3A, %dma_start3A_129] : memref<64x128xf32, #tpu.memory_space<vmem>> -> memref<64x128xf32, #tpu.memory_space<vmem>>
      %dma_start3A_131 = arith.constant 0 : i32
      %dma_start3A_132 = tpu.memref_slice %arg4[%add3A_10, %dma_start3A_131] : memref<10240x128xf32, #tpu.memory_space<vmem_shared>> -> memref<64x128xf32, #tpu.memory_space<vmem_shared>>
      %dma_start3A_133 = arith.constant 0 : i32
      %dma_start3A_134 = tpu.memref_slice %arg4[%add3A_10, %dma_start3A_133] : memref<10240x128xf32, #tpu.memory_space<vmem_shared>> -> memref<64x128xf32, #tpu.memory_space<vmem_shared>>
      %dma_start3A_135 = arith.constant 0 : i32
      %dma_start3A_136 = arith.constant 0 : i32
      %dma_start3A_137 = tpu.memref_slice %arg5[%dma_start3A_135, %dma_start3A_136] : memref<64x128xf32, #tpu.memory_space<vmem>> -> memref<64x128xf32, #tpu.memory_space<vmem>>
      tpu.enqueue_dma source(%dma_start3A_137 : memref<64x128xf32, #tpu.memory_space<vmem>>) target(%dma_start3A_134 : memref<64x128xf32, #tpu.memory_space<vmem_shared>>) target_semaphore(%run_scoped3A : memref<!tpu.dma_semaphore, #tpu.memory_space<semaphore_mem>>)
      %dma_wait3A = arith.constant 0 : i32
      %dma_wait3A_138 = arith.constant 0 : i32
      %dma_wait3A_139 = tpu.memref_slice %arg5[%dma_wait3A, %dma_wait3A_138] : memref<64x128xf32, #tpu.memory_space<vmem>> -> memref<64x128xf32, #tpu.memory_space<vmem>>
      %dma_wait3A_140 = arith.constant 0 : i32
      %dma_wait3A_141 = tpu.memref_slice %arg4[%add3A_10, %dma_wait3A_140] : memref<10240x128xf32, #tpu.memory_space<vmem_shared>> -> memref<64x128xf32, #tpu.memory_space<vmem_shared>>
      %dma_wait3A_142 = arith.constant 0 : i32
      %dma_wait3A_143 = tpu.memref_slice %arg4[%add3A_10, %dma_wait3A_142] : memref<10240x128xf32, #tpu.memory_space<vmem_shared>> -> memref<64x128xf32, #tpu.memory_space<vmem_shared>>
      %dma_wait3A_144 = arith.constant 0 : i32
      %dma_wait3A_145 = arith.constant 0 : i32
      %dma_wait3A_146 = tpu.memref_slice %arg5[%dma_wait3A_144, %dma_wait3A_145] : memref<64x128xf32, #tpu.memory_space<vmem>> -> memref<64x128xf32, #tpu.memory_space<vmem>>
      tpu.wait_dma2 semaphore(%run_scoped3A : memref<!tpu.dma_semaphore, #tpu.memory_space<semaphore_mem>>) src(%dma_wait3A_146 : memref<64x128xf32, #tpu.memory_space<vmem>>) dst(%dma_wait3A_143 : memref<64x128xf32, #tpu.memory_space<vmem_shared>>)
      tpu.yield
    }) : () -> ()
    %mul3A_11 = arith.constant 640 : i32
    %mul3A_12 = arith.muli %arg1, %mul3A_11 : i32
    %add3A_13 = arith.constant 64 : i32
    %add3A_14 = arith.addi %mul3A_12, %add3A_13 : i32
    "tpu.region"() ({
      %run_scoped3A = tpu.sem_alloc : memref<!tpu.dma_semaphore, #tpu.memory_space<semaphore_mem>>
      %dma_start3A = arith.constant 0 : i32
      %dma_start3A_129 = arith.constant 0 : i32
      %dma_start3A_130 = tpu.memref_slice %arg5[%dma_start3A, %dma_start3A_129] : memref<64x128xf32, #tpu.memory_space<vmem>> -> memref<64x128xf32, #tpu.memory_space<vmem>>
      %dma_start3A_131 = arith.constant 0 : i32
      %dma_start3A_132 = tpu.memref_slice %arg4[%add3A_14, %dma_start3A_131] : memref<10240x128xf32, #tpu.memory_space<vmem_shared>> -> memref<64x128xf32, #tpu.memory_space<vmem_shared>>
      %dma_start3A_133 = arith.constant 0 : i32
      %dma_start3A_134 = tpu.memref_slice %arg4[%add3A_14, %dma_start3A_133] : memref<10240x128xf32, #tpu.memory_space<vmem_shared>> -> memref<64x128xf32, #tpu.memory_space<vmem_shared>>
      %dma_start3A_135 = arith.constant 0 : i32
      %dma_start3A_136 = arith.constant 0 : i32
      %dma_start3A_137 = tpu.memref_slice %arg5[%dma_start3A_135, %dma_start3A_136] : memref<64x128xf32, #tpu.memory_space<vmem>> -> memref<64x128xf32, #tpu.memory_space<vmem>>
      tpu.enqueue_dma source(%dma_start3A_137 : memref<64x128xf32, #tpu.memory_space<vmem>>) target(%dma_start3A_134 : memref<64x128xf32, #tpu.memory_space<vmem_shared>>) target_semaphore(%run_scoped3A : memref<!tpu.dma_semaphore, #tpu.memory_space<semaphore_mem>>)
      %dma_wait3A = arith.constant 0 : i32
      %dma_wait3A_138 = arith.constant 0 : i32
      %dma_wait3A_139 = tpu.memref_slice %arg5[%dma_wait3A, %dma_wait3A_138] : memref<64x128xf32, #tpu.memory_space<vmem>> -> memref<64x128xf32, #tpu.memory_space<vmem>>
      %dma_wait3A_140 = arith.constant 0 : i32
      %dma_wait3A_141 = tpu.memref_slice %arg4[%add3A_14, %dma_wait3A_140] : memref<10240x128xf32, #tpu.memory_space<vmem_shared>> -> memref<64x128xf32, #tpu.memory_space<vmem_shared>>
      %dma_wait3A_142 = arith.constant 0 : i32
      %dma_wait3A_143 = tpu.memref_slice %arg4[%add3A_14, %dma_wait3A_142] : memref<10240x128xf32, #tpu.memory_space<vmem_shared>> -> memref<64x128xf32, #tpu.memory_space<vmem_shared>>
      %dma_wait3A_144 = arith.constant 0 : i32
      %dma_wait3A_145 = arith.constant 0 : i32
      %dma_wait3A_146 = tpu.memref_slice %arg5[%dma_wait3A_144, %dma_wait3A_145] : memref<64x128xf32, #tpu.memory_space<vmem>> -> memref<64x128xf32, #tpu.memory_space<vmem>>
      tpu.wait_dma2 semaphore(%run_scoped3A : memref<!tpu.dma_semaphore, #tpu.memory_space<semaphore_mem>>) src(%dma_wait3A_146 : memref<64x128xf32, #tpu.memory_space<vmem>>) dst(%dma_wait3A_143 : memref<64x128xf32, #tpu.memory_space<vmem_shared>>)
      tpu.yield
    }) : () -> ()
    %mul3A_15 = arith.constant 640 : i32
    %mul3A_16 = arith.muli %arg1, %mul3A_15 : i32
    %add3A_17 = arith.constant 128 : i32
    %add3A_18 = arith.addi %mul3A_16, %add3A_17 : i32
    "tpu.region"() ({
      %run_scoped3A = tpu.sem_alloc : memref<!tpu.dma_semaphore, #tpu.memory_space<semaphore_mem>>
      %dma_start3A = arith.constant 0 : i32
      %dma_start3A_129 = arith.constant 0 : i32
      %dma_start3A_130 = tpu.memref_slice %arg5[%dma_start3A, %dma_start3A_129] : memref<64x128xf32, #tpu.memory_space<vmem>> -> memref<64x128xf32, #tpu.memory_space<vmem>>
      %dma_start3A_131 = arith.constant 0 : i32
      %dma_start3A_132 = tpu.memref_slice %arg4[%add3A_18, %dma_start3A_131] : memref<10240x128xf32, #tpu.memory_space<vmem_shared>> -> memref<64x128xf32, #tpu.memory_space<vmem_shared>>
      %dma_start3A_133 = arith.constant 0 : i32
      %dma_start3A_134 = tpu.memref_slice %arg4[%add3A_18, %dma_start3A_133] : memref<10240x128xf32, #tpu.memory_space<vmem_shared>> -> memref<64x128xf32, #tpu.memory_space<vmem_shared>>
      %dma_start3A_135 = arith.constant 0 : i32
      %dma_start3A_136 = arith.constant 0 : i32
      %dma_start3A_137 = tpu.memref_slice %arg5[%dma_start3A_135, %dma_start3A_136] : memref<64x128xf32, #tpu.memory_space<vmem>> -> memref<64x128xf32, #tpu.memory_space<vmem>>
      tpu.enqueue_dma source(%dma_start3A_137 : memref<64x128xf32, #tpu.memory_space<vmem>>) target(%dma_start3A_134 : memref<64x128xf32, #tpu.memory_space<vmem_shared>>) target_semaphore(%run_scoped3A : memref<!tpu.dma_semaphore, #tpu.memory_space<semaphore_mem>>)
      %dma_wait3A = arith.constant 0 : i32
      %dma_wait3A_138 = arith.constant 0 : i32
      %dma_wait3A_139 = tpu.memref_slice %arg5[%dma_wait3A, %dma_wait3A_138] : memref<64x128xf32, #tpu.memory_space<vmem>> -> memref<64x128xf32, #tpu.memory_space<vmem>>
      %dma_wait3A_140 = arith.constant 0 : i32
      %dma_wait3A_141 = tpu.memref_slice %arg4[%add3A_18, %dma_wait3A_140] : memref<10240x128xf32, #tpu.memory_space<vmem_shared>> -> memref<64x128xf32, #tpu.memory_space<vmem_shared>>
      %dma_wait3A_142 = arith.constant 0 : i32
      %dma_wait3A_143 = tpu.memref_slice %arg4[%add3A_18, %dma_wait3A_142] : memref<10240x128xf32, #tpu.memory_space<vmem_shared>> -> memref<64x128xf32, #tpu.memory_space<vmem_shared>>
      %dma_wait3A_144 = arith.constant 0 : i32
      %dma_wait3A_145 = arith.constant 0 : i32
      %dma_wait3A_146 = tpu.memref_slice %arg5[%dma_wait3A_144, %dma_wait3A_145] : memref<64x128xf32, #tpu.memory_space<vmem>> -> memref<64x128xf32, #tpu.memory_space<vmem>>
      tpu.wait_dma2 semaphore(%run_scoped3A : memref<!tpu.dma_semaphore, #tpu.memory_space<semaphore_mem>>) src(%dma_wait3A_146 : memref<64x128xf32, #tpu.memory_space<vmem>>) dst(%dma_wait3A_143 : memref<64x128xf32, #tpu.memory_space<vmem_shared>>)
      tpu.yield
    }) : () -> ()
    %mul3A_19 = arith.constant 640 : i32
    %mul3A_20 = arith.muli %arg1, %mul3A_19 : i32
    %add3A_21 = arith.constant 192 : i32
    %add3A_22 = arith.addi %mul3A_20, %add3A_21 : i32
    "tpu.region"() ({
      %run_scoped3A = tpu.sem_alloc : memref<!tpu.dma_semaphore, #tpu.memory_space<semaphore_mem>>
      %dma_start3A = arith.constant 0 : i32
      %dma_start3A_129 = arith.constant 0 : i32
      %dma_start3A_130 = tpu.memref_slice %arg5[%dma_start3A, %dma_start3A_129] : memref<64x128xf32, #tpu.memory_space<vmem>> -> memref<64x128xf32, #tpu.memory_space<vmem>>
      %dma_start3A_131 = arith.constant 0 : i32
      %dma_start3A_132 = tpu.memref_slice %arg4[%add3A_22, %dma_start3A_131] : memref<10240x128xf32, #tpu.memory_space<vmem_shared>> -> memref<64x128xf32, #tpu.memory_space<vmem_shared>>
      %dma_start3A_133 = arith.constant 0 : i32
      %dma_start3A_134 = tpu.memref_slice %arg4[%add3A_22, %dma_start3A_133] : memref<10240x128xf32, #tpu.memory_space<vmem_shared>> -> memref<64x128xf32, #tpu.memory_space<vmem_shared>>
      %dma_start3A_135 = arith.constant 0 : i32
      %dma_start3A_136 = arith.constant 0 : i32
      %dma_start3A_137 = tpu.memref_slice %arg5[%dma_start3A_135, %dma_start3A_136] : memref<64x128xf32, #tpu.memory_space<vmem>> -> memref<64x128xf32, #tpu.memory_space<vmem>>
      tpu.enqueue_dma source(%dma_start3A_137 : memref<64x128xf32, #tpu.memory_space<vmem>>) target(%dma_start3A_134 : memref<64x128xf32, #tpu.memory_space<vmem_shared>>) target_semaphore(%run_scoped3A : memref<!tpu.dma_semaphore, #tpu.memory_space<semaphore_mem>>)
      %dma_wait3A = arith.constant 0 : i32
      %dma_wait3A_138 = arith.constant 0 : i32
      %dma_wait3A_139 = tpu.memref_slice %arg5[%dma_wait3A, %dma_wait3A_138] : memref<64x128xf32, #tpu.memory_space<vmem>> -> memref<64x128xf32, #tpu.memory_space<vmem>>
      %dma_wait3A_140 = arith.constant 0 : i32
      %dma_wait3A_141 = tpu.memref_slice %arg4[%add3A_22, %dma_wait3A_140] : memref<10240x128xf32, #tpu.memory_space<vmem_shared>> -> memref<64x128xf32, #tpu.memory_space<vmem_shared>>
      %dma_wait3A_142 = arith.constant 0 : i32
      %dma_wait3A_143 = tpu.memref_slice %arg4[%add3A_22, %dma_wait3A_142] : memref<10240x128xf32, #tpu.memory_space<vmem_shared>> -> memref<64x128xf32, #tpu.memory_space<vmem_shared>>
      %dma_wait3A_144 = arith.constant 0 : i32
      %dma_wait3A_145 = arith.constant 0 : i32
      %dma_wait3A_146 = tpu.memref_slice %arg5[%dma_wait3A_144, %dma_wait3A_145] : memref<64x128xf32, #tpu.memory_space<vmem>> -> memref<64x128xf32, #tpu.memory_space<vmem>>
      tpu.wait_dma2 semaphore(%run_scoped3A : memref<!tpu.dma_semaphore, #tpu.memory_space<semaphore_mem>>) src(%dma_wait3A_146 : memref<64x128xf32, #tpu.memory_space<vmem>>) dst(%dma_wait3A_143 : memref<64x128xf32, #tpu.memory_space<vmem_shared>>)
      tpu.yield
    }) : () -> ()
    %mul3A_23 = arith.constant 640 : i32
    %mul3A_24 = arith.muli %arg1, %mul3A_23 : i32
    %add3A_25 = arith.constant 256 : i32
    %add3A_26 = arith.addi %mul3A_24, %add3A_25 : i32
    "tpu.region"() ({
      %run_scoped3A = tpu.sem_alloc : memref<!tpu.dma_semaphore, #tpu.memory_space<semaphore_mem>>
      %dma_start3A = arith.constant 0 : i32
      %dma_start3A_129 = arith.constant 0 : i32
      %dma_start3A_130 = tpu.memref_slice %arg5[%dma_start3A, %dma_start3A_129] : memref<64x128xf32, #tpu.memory_space<vmem>> -> memref<64x128xf32, #tpu.memory_space<vmem>>
      %dma_start3A_131 = arith.constant 0 : i32
      %dma_start3A_132 = tpu.memref_slice %arg4[%add3A_26, %dma_start3A_131] : memref<10240x128xf32, #tpu.memory_space<vmem_shared>> -> memref<64x128xf32, #tpu.memory_space<vmem_shared>>
      %dma_start3A_133 = arith.constant 0 : i32
      %dma_start3A_134 = tpu.memref_slice %arg4[%add3A_26, %dma_start3A_133] : memref<10240x128xf32, #tpu.memory_space<vmem_shared>> -> memref<64x128xf32, #tpu.memory_space<vmem_shared>>
      %dma_start3A_135 = arith.constant 0 : i32
      %dma_start3A_136 = arith.constant 0 : i32
      %dma_start3A_137 = tpu.memref_slice %arg5[%dma_start3A_135, %dma_start3A_136] : memref<64x128xf32, #tpu.memory_space<vmem>> -> memref<64x128xf32, #tpu.memory_space<vmem>>
      tpu.enqueue_dma source(%dma_start3A_137 : memref<64x128xf32, #tpu.memory_space<vmem>>) target(%dma_start3A_134 : memref<64x128xf32, #tpu.memory_space<vmem_shared>>) target_semaphore(%run_scoped3A : memref<!tpu.dma_semaphore, #tpu.memory_space<semaphore_mem>>)
      %dma_wait3A = arith.constant 0 : i32
      %dma_wait3A_138 = arith.constant 0 : i32
      %dma_wait3A_139 = tpu.memref_slice %arg5[%dma_wait3A, %dma_wait3A_138] : memref<64x128xf32, #tpu.memory_space<vmem>> -> memref<64x128xf32, #tpu.memory_space<vmem>>
      %dma_wait3A_140 = arith.constant 0 : i32
      %dma_wait3A_141 = tpu.memref_slice %arg4[%add3A_26, %dma_wait3A_140] : memref<10240x128xf32, #tpu.memory_space<vmem_shared>> -> memref<64x128xf32, #tpu.memory_space<vmem_shared>>
      %dma_wait3A_142 = arith.constant 0 : i32
      %dma_wait3A_143 = tpu.memref_slice %arg4[%add3A_26, %dma_wait3A_142] : memref<10240x128xf32, #tpu.memory_space<vmem_shared>> -> memref<64x128xf32, #tpu.memory_space<vmem_shared>>
      %dma_wait3A_144 = arith.constant 0 : i32
      %dma_wait3A_145 = arith.constant 0 : i32
      %dma_wait3A_146 = tpu.memref_slice %arg5[%dma_wait3A_144, %dma_wait3A_145] : memref<64x128xf32, #tpu.memory_space<vmem>> -> memref<64x128xf32, #tpu.memory_space<vmem>>
      tpu.wait_dma2 semaphore(%run_scoped3A : memref<!tpu.dma_semaphore, #tpu.memory_space<semaphore_mem>>) src(%dma_wait3A_146 : memref<64x128xf32, #tpu.memory_space<vmem>>) dst(%dma_wait3A_143 : memref<64x128xf32, #tpu.memory_space<vmem_shared>>)
      tpu.yield
    }) : () -> ()
    %mul3A_27 = arith.constant 640 : i32
    %mul3A_28 = arith.muli %arg1, %mul3A_27 : i32
    %add3A_29 = arith.constant 320 : i32
    %add3A_30 = arith.addi %mul3A_28, %add3A_29 : i32
    "tpu.region"() ({
      %run_scoped3A = tpu.sem_alloc : memref<!tpu.dma_semaphore, #tpu.memory_space<semaphore_mem>>
      %dma_start3A = arith.constant 0 : i32
      %dma_start3A_129 = arith.constant 0 : i32
      %dma_start3A_130 = tpu.memref_slice %arg5[%dma_start3A, %dma_start3A_129] : memref<64x128xf32, #tpu.memory_space<vmem>> -> memref<64x128xf32, #tpu.memory_space<vmem>>
      %dma_start3A_131 = arith.constant 0 : i32
      %dma_start3A_132 = tpu.memref_slice %arg4[%add3A_30, %dma_start3A_131] : memref<10240x128xf32, #tpu.memory_space<vmem_shared>> -> memref<64x128xf32, #tpu.memory_space<vmem_shared>>
      %dma_start3A_133 = arith.constant 0 : i32
      %dma_start3A_134 = tpu.memref_slice %arg4[%add3A_30, %dma_start3A_133] : memref<10240x128xf32, #tpu.memory_space<vmem_shared>> -> memref<64x128xf32, #tpu.memory_space<vmem_shared>>
      %dma_start3A_135 = arith.constant 0 : i32
      %dma_start3A_136 = arith.constant 0 : i32
      %dma_start3A_137 = tpu.memref_slice %arg5[%dma_start3A_135, %dma_start3A_136] : memref<64x128xf32, #tpu.memory_space<vmem>> -> memref<64x128xf32, #tpu.memory_space<vmem>>
      tpu.enqueue_dma source(%dma_start3A_137 : memref<64x128xf32, #tpu.memory_space<vmem>>) target(%dma_start3A_134 : memref<64x128xf32, #tpu.memory_space<vmem_shared>>) target_semaphore(%run_scoped3A : memref<!tpu.dma_semaphore, #tpu.memory_space<semaphore_mem>>)
      %dma_wait3A = arith.constant 0 : i32
      %dma_wait3A_138 = arith.constant 0 : i32
      %dma_wait3A_139 = tpu.memref_slice %arg5[%dma_wait3A, %dma_wait3A_138] : memref<64x128xf32, #tpu.memory_space<vmem>> -> memref<64x128xf32, #tpu.memory_space<vmem>>
      %dma_wait3A_140 = arith.constant 0 : i32
      %dma_wait3A_141 = tpu.memref_slice %arg4[%add3A_30, %dma_wait3A_140] : memref<10240x128xf32, #tpu.memory_space<vmem_shared>> -> memref<64x128xf32, #tpu.memory_space<vmem_shared>>
      %dma_wait3A_142 = arith.constant 0 : i32
      %dma_wait3A_143 = tpu.memref_slice %arg4[%add3A_30, %dma_wait3A_142] : memref<10240x128xf32, #tpu.memory_space<vmem_shared>> -> memref<64x128xf32, #tpu.memory_space<vmem_shared>>
      %dma_wait3A_144 = arith.constant 0 : i32
      %dma_wait3A_145 = arith.constant 0 : i32
      %dma_wait3A_146 = tpu.memref_slice %arg5[%dma_wait3A_144, %dma_wait3A_145] : memref<64x128xf32, #tpu.memory_space<vmem>> -> memref<64x128xf32, #tpu.memory_space<vmem>>
      tpu.wait_dma2 semaphore(%run_scoped3A : memref<!tpu.dma_semaphore, #tpu.memory_space<semaphore_mem>>) src(%dma_wait3A_146 : memref<64x128xf32, #tpu.memory_space<vmem>>) dst(%dma_wait3A_143 : memref<64x128xf32, #tpu.memory_space<vmem_shared>>)
      tpu.yield
    }) : () -> ()
    %mul3A_31 = arith.constant 640 : i32
    %mul3A_32 = arith.muli %arg1, %mul3A_31 : i32
    %add3A_33 = arith.constant 384 : i32
    %add3A_34 = arith.addi %mul3A_32, %add3A_33 : i32
    "tpu.region"() ({
      %run_scoped3A = tpu.sem_alloc : memref<!tpu.dma_semaphore, #tpu.memory_space<semaphore_mem>>
      %dma_start3A = arith.constant 0 : i32
      %dma_start3A_129 = arith.constant 0 : i32
      %dma_start3A_130 = tpu.memref_slice %arg5[%dma_start3A, %dma_start3A_129] : memref<64x128xf32, #tpu.memory_space<vmem>> -> memref<64x128xf32, #tpu.memory_space<vmem>>
      %dma_start3A_131 = arith.constant 0 : i32
      %dma_start3A_132 = tpu.memref_slice %arg4[%add3A_34, %dma_start3A_131] : memref<10240x128xf32, #tpu.memory_space<vmem_shared>> -> memref<64x128xf32, #tpu.memory_space<vmem_shared>>
      %dma_start3A_133 = arith.constant 0 : i32
      %dma_start3A_134 = tpu.memref_slice %arg4[%add3A_34, %dma_start3A_133] : memref<10240x128xf32, #tpu.memory_space<vmem_shared>> -> memref<64x128xf32, #tpu.memory_space<vmem_shared>>
      %dma_start3A_135 = arith.constant 0 : i32
      %dma_start3A_136 = arith.constant 0 : i32
      %dma_start3A_137 = tpu.memref_slice %arg5[%dma_start3A_135, %dma_start3A_136] : memref<64x128xf32, #tpu.memory_space<vmem>> -> memref<64x128xf32, #tpu.memory_space<vmem>>
      tpu.enqueue_dma source(%dma_start3A_137 : memref<64x128xf32, #tpu.memory_space<vmem>>) target(%dma_start3A_134 : memref<64x128xf32, #tpu.memory_space<vmem_shared>>) target_semaphore(%run_scoped3A : memref<!tpu.dma_semaphore, #tpu.memory_space<semaphore_mem>>)
      %dma_wait3A = arith.constant 0 : i32
      %dma_wait3A_138 = arith.constant 0 : i32
      %dma_wait3A_139 = tpu.memref_slice %arg5[%dma_wait3A, %dma_wait3A_138] : memref<64x128xf32, #tpu.memory_space<vmem>> -> memref<64x128xf32, #tpu.memory_space<vmem>>
      %dma_wait3A_140 = arith.constant 0 : i32
      %dma_wait3A_141 = tpu.memref_slice %arg4[%add3A_34, %dma_wait3A_140] : memref<10240x128xf32, #tpu.memory_space<vmem_shared>> -> memref<64x128xf32, #tpu.memory_space<vmem_shared>>
      %dma_wait3A_142 = arith.constant 0 : i32
      %dma_wait3A_143 = tpu.memref_slice %arg4[%add3A_34, %dma_wait3A_142] : memref<10240x128xf32, #tpu.memory_space<vmem_shared>> -> memref<64x128xf32, #tpu.memory_space<vmem_shared>>
      %dma_wait3A_144 = arith.constant 0 : i32
      %dma_wait3A_145 = arith.constant 0 : i32
      %dma_wait3A_146 = tpu.memref_slice %arg5[%dma_wait3A_144, %dma_wait3A_145] : memref<64x128xf32, #tpu.memory_space<vmem>> -> memref<64x128xf32, #tpu.memory_space<vmem>>
      tpu.wait_dma2 semaphore(%run_scoped3A : memref<!tpu.dma_semaphore, #tpu.memory_space<semaphore_mem>>) src(%dma_wait3A_146 : memref<64x128xf32, #tpu.memory_space<vmem>>) dst(%dma_wait3A_143 : memref<64x128xf32, #tpu.memory_space<vmem_shared>>)
      tpu.yield
    }) : () -> ()
    %mul3A_35 = arith.constant 640 : i32
    %mul3A_36 = arith.muli %arg1, %mul3A_35 : i32
    %add3A_37 = arith.constant 448 : i32
    %add3A_38 = arith.addi %mul3A_36, %add3A_37 : i32
    "tpu.region"() ({
      %run_scoped3A = tpu.sem_alloc : memref<!tpu.dma_semaphore, #tpu.memory_space<semaphore_mem>>
      %dma_start3A = arith.constant 0 : i32
      %dma_start3A_129 = arith.constant 0 : i32
      %dma_start3A_130 = tpu.memref_slice %arg5[%dma_start3A, %dma_start3A_129] : memref<64x128xf32, #tpu.memory_space<vmem>> -> memref<64x128xf32, #tpu.memory_space<vmem>>
      %dma_start3A_131 = arith.constant 0 : i32
      %dma_start3A_132 = tpu.memref_slice %arg4[%add3A_38, %dma_start3A_131] : memref<10240x128xf32, #tpu.memory_space<vmem_shared>> -> memref<64x128xf32, #tpu.memory_space<vmem_shared>>
      %dma_start3A_133 = arith.constant 0 : i32
      %dma_start3A_134 = tpu.memref_slice %arg4[%add3A_38, %dma_start3A_133] : memref<10240x128xf32, #tpu.memory_space<vmem_shared>> -> memref<64x128xf32, #tpu.memory_space<vmem_shared>>
      %dma_start3A_135 = arith.constant 0 : i32
      %dma_start3A_136 = arith.constant 0 : i32
      %dma_start3A_137 = tpu.memref_slice %arg5[%dma_start3A_135, %dma_start3A_136] : memref<64x128xf32, #tpu.memory_space<vmem>> -> memref<64x128xf32, #tpu.memory_space<vmem>>
      tpu.enqueue_dma source(%dma_start3A_137 : memref<64x128xf32, #tpu.memory_space<vmem>>) target(%dma_start3A_134 : memref<64x128xf32, #tpu.memory_space<vmem_shared>>) target_semaphore(%run_scoped3A : memref<!tpu.dma_semaphore, #tpu.memory_space<semaphore_mem>>)
      %dma_wait3A = arith.constant 0 : i32
      %dma_wait3A_138 = arith.constant 0 : i32
      %dma_wait3A_139 = tpu.memref_slice %arg5[%dma_wait3A, %dma_wait3A_138] : memref<64x128xf32, #tpu.memory_space<vmem>> -> memref<64x128xf32, #tpu.memory_space<vmem>>
      %dma_wait3A_140 = arith.constant 0 : i32
      %dma_wait3A_141 = tpu.memref_slice %arg4[%add3A_38, %dma_wait3A_140] : memref<10240x128xf32, #tpu.memory_space<vmem_shared>> -> memref<64x128xf32, #tpu.memory_space<vmem_shared>>
      %dma_wait3A_142 = arith.constant 0 : i32
      %dma_wait3A_143 = tpu.memref_slice %arg4[%add3A_38, %dma_wait3A_142] : memref<10240x128xf32, #tpu.memory_space<vmem_shared>> -> memref<64x128xf32, #tpu.memory_space<vmem_shared>>
      %dma_wait3A_144 = arith.constant 0 : i32
      %dma_wait3A_145 = arith.constant 0 : i32
      %dma_wait3A_146 = tpu.memref_slice %arg5[%dma_wait3A_144, %dma_wait3A_145] : memref<64x128xf32, #tpu.memory_space<vmem>> -> memref<64x128xf32, #tpu.memory_space<vmem>>
      tpu.wait_dma2 semaphore(%run_scoped3A : memref<!tpu.dma_semaphore, #tpu.memory_space<semaphore_mem>>) src(%dma_wait3A_146 : memref<64x128xf32, #tpu.memory_space<vmem>>) dst(%dma_wait3A_143 : memref<64x128xf32, #tpu.memory_space<vmem_shared>>)
      tpu.yield
    }) : () -> ()
    %mul3A_39 = arith.constant 640 : i32
    %mul3A_40 = arith.muli %arg1, %mul3A_39 : i32
    %add3A_41 = arith.constant 512 : i32
    %add3A_42 = arith.addi %mul3A_40, %add3A_41 : i32
    "tpu.region"() ({
      %run_scoped3A = tpu.sem_alloc : memref<!tpu.dma_semaphore, #tpu.memory_space<semaphore_mem>>
      %dma_start3A = arith.constant 0 : i32
      %dma_start3A_129 = arith.constant 0 : i32
      %dma_start3A_130 = tpu.memref_slice %arg5[%dma_start3A, %dma_start3A_129] : memref<64x128xf32, #tpu.memory_space<vmem>> -> memref<64x128xf32, #tpu.memory_space<vmem>>
      %dma_start3A_131 = arith.constant 0 : i32
      %dma_start3A_132 = tpu.memref_slice %arg4[%add3A_42, %dma_start3A_131] : memref<10240x128xf32, #tpu.memory_space<vmem_shared>> -> memref<64x128xf32, #tpu.memory_space<vmem_shared>>
      %dma_start3A_133 = arith.constant 0 : i32
      %dma_start3A_134 = tpu.memref_slice %arg4[%add3A_42, %dma_start3A_133] : memref<10240x128xf32, #tpu.memory_space<vmem_shared>> -> memref<64x128xf32, #tpu.memory_space<vmem_shared>>
      %dma_start3A_135 = arith.constant 0 : i32
      %dma_start3A_136 = arith.constant 0 : i32
      %dma_start3A_137 = tpu.memref_slice %arg5[%dma_start3A_135, %dma_start3A_136] : memref<64x128xf32, #tpu.memory_space<vmem>> -> memref<64x128xf32, #tpu.memory_space<vmem>>
      tpu.enqueue_dma source(%dma_start3A_137 : memref<64x128xf32, #tpu.memory_space<vmem>>) target(%dma_start3A_134 : memref<64x128xf32, #tpu.memory_space<vmem_shared>>) target_semaphore(%run_scoped3A : memref<!tpu.dma_semaphore, #tpu.memory_space<semaphore_mem>>)
      %dma_wait3A = arith.constant 0 : i32
      %dma_wait3A_138 = arith.constant 0 : i32
      %dma_wait3A_139 = tpu.memref_slice %arg5[%dma_wait3A, %dma_wait3A_138] : memref<64x128xf32, #tpu.memory_space<vmem>> -> memref<64x128xf32, #tpu.memory_space<vmem>>
      %dma_wait3A_140 = arith.constant 0 : i32
      %dma_wait3A_141 = tpu.memref_slice %arg4[%add3A_42, %dma_wait3A_140] : memref<10240x128xf32, #tpu.memory_space<vmem_shared>> -> memref<64x128xf32, #tpu.memory_space<vmem_shared>>
      %dma_wait3A_142 = arith.constant 0 : i32
      %dma_wait3A_143 = tpu.memref_slice %arg4[%add3A_42, %dma_wait3A_142] : memref<10240x128xf32, #tpu.memory_space<vmem_shared>> -> memref<64x128xf32, #tpu.memory_space<vmem_shared>>
      %dma_wait3A_144 = arith.constant 0 : i32
      %dma_wait3A_145 = arith.constant 0 : i32
      %dma_wait3A_146 = tpu.memref_slice %arg5[%dma_wait3A_144, %dma_wait3A_145] : memref<64x128xf32, #tpu.memory_space<vmem>> -> memref<64x128xf32, #tpu.memory_space<vmem>>
      tpu.wait_dma2 semaphore(%run_scoped3A : memref<!tpu.dma_semaphore, #tpu.memory_space<semaphore_mem>>) src(%dma_wait3A_146 : memref<64x128xf32, #tpu.memory_space<vmem>>) dst(%dma_wait3A_143 : memref<64x128xf32, #tpu.memory_space<vmem_shared>>)
      tpu.yield
    }) : () -> ()
    %mul3A_43 = arith.constant 640 : i32
    %mul3A_44 = arith.muli %arg1, %mul3A_43 : i32
    %add3A_45 = arith.constant 576 : i32
    %add3A_46 = arith.addi %mul3A_44, %add3A_45 : i32
    "tpu.region"() ({
      %run_scoped3A = tpu.sem_alloc : memref<!tpu.dma_semaphore, #tpu.memory_space<semaphore_mem>>
      %dma_start3A = arith.constant 0 : i32
      %dma_start3A_129 = arith.constant 0 : i32
      %dma_start3A_130 = tpu.memref_slice %arg5[%dma_start3A, %dma_start3A_129] : memref<64x128xf32, #tpu.memory_space<vmem>> -> memref<64x128xf32, #tpu.memory_space<vmem>>
      %dma_start3A_131 = arith.constant 0 : i32
      %dma_start3A_132 = tpu.memref_slice %arg4[%add3A_46, %dma_start3A_131] : memref<10240x128xf32, #tpu.memory_space<vmem_shared>> -> memref<64x128xf32, #tpu.memory_space<vmem_shared>>
      %dma_start3A_133 = arith.constant 0 : i32
      %dma_start3A_134 = tpu.memref_slice %arg4[%add3A_46, %dma_start3A_133] : memref<10240x128xf32, #tpu.memory_space<vmem_shared>> -> memref<64x128xf32, #tpu.memory_space<vmem_shared>>
      %dma_start3A_135 = arith.constant 0 : i32
      %dma_start3A_136 = arith.constant 0 : i32
      %dma_start3A_137 = tpu.memref_slice %arg5[%dma_start3A_135, %dma_start3A_136] : memref<64x128xf32, #tpu.memory_space<vmem>> -> memref<64x128xf32, #tpu.memory_space<vmem>>
      tpu.enqueue_dma source(%dma_start3A_137 : memref<64x128xf32, #tpu.memory_space<vmem>>) target(%dma_start3A_134 : memref<64x128xf32, #tpu.memory_space<vmem_shared>>) target_semaphore(%run_scoped3A : memref<!tpu.dma_semaphore, #tpu.memory_space<semaphore_mem>>)
      %dma_wait3A = arith.constant 0 : i32
      %dma_wait3A_138 = arith.constant 0 : i32
      %dma_wait3A_139 = tpu.memref_slice %arg5[%dma_wait3A, %dma_wait3A_138] : memref<64x128xf32, #tpu.memory_space<vmem>> -> memref<64x128xf32, #tpu.memory_space<vmem>>
      %dma_wait3A_140 = arith.constant 0 : i32
      %dma_wait3A_141 = tpu.memref_slice %arg4[%add3A_46, %dma_wait3A_140] : memref<10240x128xf32, #tpu.memory_space<vmem_shared>> -> memref<64x128xf32, #tpu.memory_space<vmem_shared>>
      %dma_wait3A_142 = arith.constant 0 : i32
      %dma_wait3A_143 = tpu.memref_slice %arg4[%add3A_46, %dma_wait3A_142] : memref<10240x128xf32, #tpu.memory_space<vmem_shared>> -> memref<64x128xf32, #tpu.memory_space<vmem_shared>>
      %dma_wait3A_144 = arith.constant 0 : i32
      %dma_wait3A_145 = arith.constant 0 : i32
      %dma_wait3A_146 = tpu.memref_slice %arg5[%dma_wait3A_144, %dma_wait3A_145] : memref<64x128xf32, #tpu.memory_space<vmem>> -> memref<64x128xf32, #tpu.memory_space<vmem>>
      tpu.wait_dma2 semaphore(%run_scoped3A : memref<!tpu.dma_semaphore, #tpu.memory_space<semaphore_mem>>) src(%dma_wait3A_146 : memref<64x128xf32, #tpu.memory_space<vmem>>) dst(%dma_wait3A_143 : memref<64x128xf32, #tpu.memory_space<vmem_shared>>)
      tpu.yield
    }) : () -> ()
    %scan3A_47 = arith.constant 0 : i32
    %scan3A_48 = arith.constant 0 : i32
    %scan3A_49 = arith.constant 64 : i32
    %scan3A_50 = arith.addi %scan3A_48, %scan3A_49 : i32
    %scan3A_51 = arith.constant 1 : i32
    %scan3A_52 = scf.for %scan3A_129 = %scan3A_48 to %scan3A_50 step %scan3A_51 iter_args(%scan3A_130 = %scan3A_47) -> (i32)  : i32 {
      %broadcast_in_dim3A = arith.constant 1.000000e+00 : f32
      %broadcast_in_dim3A_131 = vector.broadcast %broadcast_in_dim3A : f32 to vector<16xf32>
      %swap3A = arith.index_cast %scan3A_129 : i32 to index
      %swap3A_132 = arith.constant 0 : index
      %swap3A_133 = tpu.vector_load %arg5[%swap3A, %swap3A_132] {strides = array<i32>} : memref<64x128xf32, #tpu.memory_space<vmem>>, vector<1x16xf32>,
      %swap3A_134 = vector.shape_cast %swap3A_133 : vector<1x16xf32> to vector<16xf32>
      %swap3A_135 = vector.shape_cast %broadcast_in_dim3A_131 : vector<16xf32> to vector<1x16xf32>
      tpu.vector_store %arg5[%swap3A, %swap3A_132], %swap3A_135 {strides = array<i32>} : memref<64x128xf32, #tpu.memory_space<vmem>>, vector<1x16xf32>,
      %broadcast_in_dim3A_136 = arith.constant 1.000000e+00 : f32
      %broadcast_in_dim3A_137 = vector.broadcast %broadcast_in_dim3A_136 : f32 to vector<16xf32>
      %swap3A_138 = arith.index_cast %scan3A_129 : i32 to index
      %swap3A_139 = arith.constant 16 : index
      %swap3A_140 = tpu.vector_load %arg5[%swap3A_138, %swap3A_139] {strides = array<i32>} : memref<64x128xf32, #tpu.memory_space<vmem>>, vector<1x16xf32>,
      %swap3A_141 = vector.shape_cast %swap3A_140 : vector<1x16xf32> to vector<16xf32>
      %swap3A_142 = vector.shape_cast %broadcast_in_dim3A_137 : vector<16xf32> to vector<1x16xf32>
      tpu.vector_store %arg5[%swap3A_138, %swap3A_139], %swap3A_142 {strides = array<i32>} : memref<64x128xf32, #tpu.memory_space<vmem>>, vector<1x16xf32>,
      %broadcast_in_dim3A_143 = arith.constant 1.000000e+00 : f32
      %broadcast_in_dim3A_144 = vector.broadcast %broadcast_in_dim3A_143 : f32 to vector<16xf32>
      %swap3A_145 = arith.index_cast %scan3A_129 : i32 to index
      %swap3A_146 = arith.constant 32 : index
      %swap3A_147 = tpu.vector_load %arg5[%swap3A_145, %swap3A_146] {strides = array<i32>} : memref<64x128xf32, #tpu.memory_space<vmem>>, vector<1x16xf32>,
      %swap3A_148 = vector.shape_cast %swap3A_147 : vector<1x16xf32> to vector<16xf32>
      %swap3A_149 = vector.shape_cast %broadcast_in_dim3A_144 : vector<16xf32> to vector<1x16xf32>
      tpu.vector_store %arg5[%swap3A_145, %swap3A_146], %swap3A_149 {strides = array<i32>} : memref<64x128xf32, #tpu.memory_space<vmem>>, vector<1x16xf32>,
      %broadcast_in_dim3A_150 = arith.constant 1.000000e+00 : f32
      %broadcast_in_dim3A_151 = vector.broadcast %broadcast_in_dim3A_150 : f32 to vector<16xf32>
      %swap3A_152 = arith.index_cast %scan3A_129 : i32 to index
      %swap3A_153 = arith.constant 48 : index
      %swap3A_154 = tpu.vector_load %arg5[%swap3A_152, %swap3A_153] {strides = array<i32>} : memref<64x128xf32, #tpu.memory_space<vmem>>, vector<1x16xf32>,
      %swap3A_155 = vector.shape_cast %swap3A_154 : vector<1x16xf32> to vector<16xf32>
      %swap3A_156 = vector.shape_cast %broadcast_in_dim3A_151 : vector<16xf32> to vector<1x16xf32>
      tpu.vector_store %arg5[%swap3A_152, %swap3A_153], %swap3A_156 {strides = array<i32>} : memref<64x128xf32, #tpu.memory_space<vmem>>, vector<1x16xf32>,
      %broadcast_in_dim3A_157 = arith.constant 1.000000e+00 : f32
      %broadcast_in_dim3A_158 = vector.broadcast %broadcast_in_dim3A_157 : f32 to vector<16xf32>
      %swap3A_159 = arith.index_cast %scan3A_129 : i32 to index
      %swap3A_160 = arith.constant 64 : index
      %swap3A_161 = tpu.vector_load %arg5[%swap3A_159, %swap3A_160] {strides = array<i32>} : memref<64x128xf32, #tpu.memory_space<vmem>>, vector<1x16xf32>,
      %swap3A_162 = vector.shape_cast %swap3A_161 : vector<1x16xf32> to vector<16xf32>
      %swap3A_163 = vector.shape_cast %broadcast_in_dim3A_158 : vector<16xf32> to vector<1x16xf32>
      tpu.vector_store %arg5[%swap3A_159, %swap3A_160], %swap3A_163 {strides = array<i32>} : memref<64x128xf32, #tpu.memory_space<vmem>>, vector<1x16xf32>,
      %broadcast_in_dim3A_164 = arith.constant 1.000000e+00 : f32
      %broadcast_in_dim3A_165 = vector.broadcast %broadcast_in_dim3A_164 : f32 to vector<16xf32>
      %swap3A_166 = arith.index_cast %scan3A_129 : i32 to index
      %swap3A_167 = arith.constant 80 : index
      %swap3A_168 = tpu.vector_load %arg5[%swap3A_166, %swap3A_167] {strides = array<i32>} : memref<64x128xf32, #tpu.memory_space<vmem>>, vector<1x16xf32>,
      %swap3A_169 = vector.shape_cast %swap3A_168 : vector<1x16xf32> to vector<16xf32>
      %swap3A_170 = vector.shape_cast %broadcast_in_dim3A_165 : vector<16xf32> to vector<1x16xf32>
      tpu.vector_store %arg5[%swap3A_166, %swap3A_167], %swap3A_170 {strides = array<i32>} : memref<64x128xf32, #tpu.memory_space<vmem>>, vector<1x16xf32>,
      %broadcast_in_dim3A_171 = arith.constant 1.000000e+00 : f32
      %broadcast_in_dim3A_172 = vector.broadcast %broadcast_in_dim3A_171 : f32 to vector<16xf32>
      %swap3A_173 = arith.index_cast %scan3A_129 : i32 to index
      %swap3A_174 = arith.constant 96 : index
      %swap3A_175 = tpu.vector_load %arg5[%swap3A_173, %swap3A_174] {strides = array<i32>} : memref<64x128xf32, #tpu.memory_space<vmem>>, vector<1x16xf32>,
      %swap3A_176 = vector.shape_cast %swap3A_175 : vector<1x16xf32> to vector<16xf32>
      %swap3A_177 = vector.shape_cast %broadcast_in_dim3A_172 : vector<16xf32> to vector<1x16xf32>
      tpu.vector_store %arg5[%swap3A_173, %swap3A_174], %swap3A_177 {strides = array<i32>} : memref<64x128xf32, #tpu.memory_space<vmem>>, vector<1x16xf32>,
      %broadcast_in_dim3A_178 = arith.constant 1.000000e+00 : f32
      %broadcast_in_dim3A_179 = vector.broadcast %broadcast_in_dim3A_178 : f32 to vector<16xf32>
      %swap3A_180 = arith.index_cast %scan3A_129 : i32 to index
      %swap3A_181 = arith.constant 112 : index
      %swap3A_182 = tpu.vector_load %arg5[%swap3A_180, %swap3A_181] {strides = array<i32>} : memref<64x128xf32, #tpu.memory_space<vmem>>, vector<1x16xf32>,
      %swap3A_183 = vector.shape_cast %swap3A_182 : vector<1x16xf32> to vector<16xf32>
      %swap3A_184 = vector.shape_cast %broadcast_in_dim3A_179 : vector<16xf32> to vector<1x16xf32>
      tpu.vector_store %arg5[%swap3A_180, %swap3A_181], %swap3A_184 {strides = array<i32>} : memref<64x128xf32, #tpu.memory_space<vmem>>, vector<1x16xf32>,
      %scan3A_185 = arith.constant 0 : i32
      scf.yield %scan3A_185 : i32
    }
    %scan3A_53 = arith.constant 64 : i32
    %barrier3A = arith.constant 0 : index
    tpu.barrier barrier_id(%barrier3A)
    %mul3A_54 = arith.constant 10048 : i32
    %mul3A_55 = arith.muli %add3A, %mul3A_54 : i32
    %scan3A_56 = arith.constant 0 : i32
    %scan3A_57 = arith.constant 0 : i32
    %scan3A_58 = arith.constant 157 : i32
    %scan3A_59 = arith.addi %scan3A_57, %scan3A_58 : i32
    %scan3A_60 = arith.constant 1 : i32
    %scan3A_61 = scf.for %scan3A_129 = %scan3A_57 to %scan3A_59 step %scan3A_60 iter_args(%scan3A_130 = %scan3A_56) -> (i32)  : i32 {
      %mul3A_131 = arith.constant 64 : i32
      %mul3A_132 = arith.muli %scan3A_129, %mul3A_131 : i32
      %add3A_133 = arith.addi %mul3A_55, %mul3A_132 : i32
      "tpu.region"() ({
        %run_scoped3A = tpu.sem_alloc : memref<!tpu.dma_semaphore, #tpu.memory_space<semaphore_mem>>
        %dma_start3A = tpu.memref_slice %arg2[%add3A_133] : memref<321536xi32, #tpu.memory_space<hbm>> -> memref<64xi32, #tpu.memory_space<hbm>>
        %dma_start3A_135 = tpu.memref_slice %arg2[%add3A_133] : memref<321536xi32, #tpu.memory_space<hbm>> -> memref<64xi32, #tpu.memory_space<hbm>>
        tpu.enqueue_dma source(%dma_start3A_135 : memref<64xi32, #tpu.memory_space<hbm>>) target(%arg6 : memref<64xi32, #tpu.memory_space<vmem>>) target_semaphore(%run_scoped3A : memref<!tpu.dma_semaphore, #tpu.memory_space<semaphore_mem>>)
        %dma_wait3A = tpu.memref_slice %arg2[%add3A_133] : memref<321536xi32, #tpu.memory_space<hbm>> -> memref<64xi32, #tpu.memory_space<hbm>>
        %dma_wait3A_136 = tpu.memref_slice %arg2[%add3A_133] : memref<321536xi32, #tpu.memory_space<hbm>> -> memref<64xi32, #tpu.memory_space<hbm>>
        tpu.wait_dma2 semaphore(%run_scoped3A : memref<!tpu.dma_semaphore, #tpu.memory_space<semaphore_mem>>) src(%dma_wait3A_136 : memref<64xi32, #tpu.memory_space<hbm>>) dst(%arg6 : memref<64xi32, #tpu.memory_space<vmem>>)
        tpu.yield
      }) : () -> ()
      "tpu.region"() ({
        %run_scoped3A = tpu.sem_alloc : memref<!tpu.dma_semaphore, #tpu.memory_space<semaphore_mem>>
        %dma_start3A = arith.constant 0 : i32
        %dma_start3A_135 = arith.constant 0 : i32
        %dma_start3A_136 = tpu.memref_slice %arg4[%dma_start3A, %dma_start3A_135] : memref<10240x128xf32, #tpu.memory_space<vmem_shared>> -> memref<10240x128xf32, #tpu.memory_space<vmem_shared>>
        tpu.enqueue_indirect_dma source(%arg5 : memref<64x128xf32, #tpu.memory_space<vmem>>) target(%dma_start3A_136 : memref<10240x128xf32, #tpu.memory_space<vmem_shared>>) offsets(%arg6 : memref<64xi32, #tpu.memory_space<vmem>>) semaphore(%run_scoped3A : memref<!tpu.dma_semaphore, #tpu.memory_space<semaphore_mem>>) {add = true}
        %dma_wait3A = arith.constant 0 : i32
        %dma_wait3A_137 = arith.constant 0 : i32
        %dma_wait3A_138 = tpu.memref_slice %arg4[%dma_wait3A, %dma_wait3A_137] : memref<10240x128xf32, #tpu.memory_space<vmem_shared>> -> memref<10240x128xf32, #tpu.memory_space<vmem_shared>>
        tpu.wait_indirect_dma semaphore(%run_scoped3A : memref<!tpu.dma_semaphore, #tpu.memory_space<semaphore_mem>>) src(%arg5 : memref<64x128xf32, #tpu.memory_space<vmem>>) dst(%dma_wait3A_138 : memref<10240x128xf32, #tpu.memory_space<vmem_shared>>)
        tpu.yield
      }) : () -> ()
      %scan3A_134 = arith.constant 0 : i32
      scf.yield %scan3A_134 : i32
    }
    %scan3A_62 = arith.constant 157 : i32
    %barrier3A_63 = arith.constant 0 : index
    tpu.barrier barrier_id(%barrier3A_63)
    %mul3A_64 = arith.constant 10240 : i32
    %mul3A_65 = arith.muli %arg0, %mul3A_64 : i32
    %mul3A_66 = arith.constant 640 : i32
    %mul3A_67 = arith.muli %arg1, %mul3A_66 : i32
    %add3A_68 = arith.addi %mul3A_65, %mul3A_67 : i32
    %mul3A_69 = arith.constant 640 : i32
    %mul3A_70 = arith.muli %arg1, %mul3A_69 : i32
    %add3A_71 = arith.constant 0 : i32
    %add3A_72 = arith.addi %mul3A_70, %add3A_71 : i32
    %add3A_73 = arith.constant 0 : i32
    %add3A_74 = arith.addi %add3A_68, %add3A_73 : i32
    "tpu.region"() ({
      %run_scoped3A = tpu.sem_alloc : memref<!tpu.dma_semaphore, #tpu.memory_space<semaphore_mem>>
      %dma_start3A = arith.constant 0 : i32
      %dma_start3A_129 = tpu.memref_slice %arg3[%add3A_74, %dma_start3A] : memref<20480x128xf32, #tpu.memory_space<hbm>> -> memref<64x128xf32, #tpu.memory_space<hbm>>
      %dma_start3A_130 = arith.constant 0 : i32
      %dma_start3A_131 = tpu.memref_slice %arg4[%add3A_72, %dma_start3A_130] : memref<10240x128xf32, #tpu.memory_space<vmem_shared>> -> memref<64x128xf32, #tpu.memory_space<vmem_shared>>
      tpu.enqueue_dma source(%dma_start3A_131 : memref<64x128xf32, #tpu.memory_space<vmem_shared>>) target(%dma_start3A_129 : memref<64x128xf32, #tpu.memory_space<hbm>>) target_semaphore(%run_scoped3A : memref<!tpu.dma_semaphore, #tpu.memory_space<semaphore_mem>>)
      %dma_wait3A = arith.constant 0 : i32
      %dma_wait3A_132 = tpu.memref_slice %arg3[%add3A_74, %dma_wait3A] : memref<20480x128xf32, #tpu.memory_space<hbm>> -> memref<64x128xf32, #tpu.memory_space<hbm>>
      %dma_wait3A_133 = arith.constant 0 : i32
      %dma_wait3A_134 = tpu.memref_slice %arg4[%add3A_72, %dma_wait3A_133] : memref<10240x128xf32, #tpu.memory_space<vmem_shared>> -> memref<64x128xf32, #tpu.memory_space<vmem_shared>>
      tpu.wait_dma2 semaphore(%run_scoped3A : memref<!tpu.dma_semaphore, #tpu.memory_space<semaphore_mem>>) src(%dma_wait3A_134 : memref<64x128xf32, #tpu.memory_space<vmem_shared>>) dst(%dma_wait3A_132 : memref<64x128xf32, #tpu.memory_space<hbm>>)
      tpu.yield
    }) : () -> ()
    %mul3A_75 = arith.constant 640 : i32
    %mul3A_76 = arith.muli %arg1, %mul3A_75 : i32
    %add3A_77 = arith.constant 64 : i32
    %add3A_78 = arith.addi %mul3A_76, %add3A_77 : i32
    %add3A_79 = arith.constant 64 : i32
    %add3A_80 = arith.addi %add3A_68, %add3A_79 : i32
    "tpu.region"() ({
      %run_scoped3A = tpu.sem_alloc : memref<!tpu.dma_semaphore, #tpu.memory_space<semaphore_mem>>
      %dma_start3A = arith.constant 0 : i32
      %dma_start3A_129 = tpu.memref_slice %arg3[%add3A_80, %dma_start3A] : memref<20480x128xf32, #tpu.memory_space<hbm>> -> memref<64x128xf32, #tpu.memory_space<hbm>>
      %dma_start3A_130 = arith.constant 0 : i32
      %dma_start3A_131 = tpu.memref_slice %arg4[%add3A_78, %dma_start3A_130] : memref<10240x128xf32, #tpu.memory_space<vmem_shared>> -> memref<64x128xf32, #tpu.memory_space<vmem_shared>>
      tpu.enqueue_dma source(%dma_start3A_131 : memref<64x128xf32, #tpu.memory_space<vmem_shared>>) target(%dma_start3A_129 : memref<64x128xf32, #tpu.memory_space<hbm>>) target_semaphore(%run_scoped3A : memref<!tpu.dma_semaphore, #tpu.memory_space<semaphore_mem>>)
      %dma_wait3A = arith.constant 0 : i32
      %dma_wait3A_132 = tpu.memref_slice %arg3[%add3A_80, %dma_wait3A] : memref<20480x128xf32, #tpu.memory_space<hbm>> -> memref<64x128xf32, #tpu.memory_space<hbm>>
      %dma_wait3A_133 = arith.constant 0 : i32
      %dma_wait3A_134 = tpu.memref_slice %arg4[%add3A_78, %dma_wait3A_133] : memref<10240x128xf32, #tpu.memory_space<vmem_shared>> -> memref<64x128xf32, #tpu.memory_space<vmem_shared>>
      tpu.wait_dma2 semaphore(%run_scoped3A : memref<!tpu.dma_semaphore, #tpu.memory_space<semaphore_mem>>) src(%dma_wait3A_134 : memref<64x128xf32, #tpu.memory_space<vmem_shared>>) dst(%dma_wait3A_132 : memref<64x128xf32, #tpu.memory_space<hbm>>)
      tpu.yield
    }) : () -> ()
    %mul3A_81 = arith.constant 640 : i32
    %mul3A_82 = arith.muli %arg1, %mul3A_81 : i32
    %add3A_83 = arith.constant 128 : i32
    %add3A_84 = arith.addi %mul3A_82, %add3A_83 : i32
    %add3A_85 = arith.constant 128 : i32
    %add3A_86 = arith.addi %add3A_68, %add3A_85 : i32
    "tpu.region"() ({
      %run_scoped3A = tpu.sem_alloc : memref<!tpu.dma_semaphore, #tpu.memory_space<semaphore_mem>>
      %dma_start3A = arith.constant 0 : i32
      %dma_start3A_129 = tpu.memref_slice %arg3[%add3A_86, %dma_start3A] : memref<20480x128xf32, #tpu.memory_space<hbm>> -> memref<64x128xf32, #tpu.memory_space<hbm>>
      %dma_start3A_130 = arith.constant 0 : i32
      %dma_start3A_131 = tpu.memref_slice %arg4[%add3A_84, %dma_start3A_130] : memref<10240x128xf32, #tpu.memory_space<vmem_shared>> -> memref<64x128xf32, #tpu.memory_space<vmem_shared>>
      tpu.enqueue_dma source(%dma_start3A_131 : memref<64x128xf32, #tpu.memory_space<vmem_shared>>) target(%dma_start3A_129 : memref<64x128xf32, #tpu.memory_space<hbm>>) target_semaphore(%run_scoped3A : memref<!tpu.dma_semaphore, #tpu.memory_space<semaphore_mem>>)
      %dma_wait3A = arith.constant 0 : i32
      %dma_wait3A_132 = tpu.memref_slice %arg3[%add3A_86, %dma_wait3A] : memref<20480x128xf32, #tpu.memory_space<hbm>> -> memref<64x128xf32, #tpu.memory_space<hbm>>
      %dma_wait3A_133 = arith.constant 0 : i32
      %dma_wait3A_134 = tpu.memref_slice %arg4[%add3A_84, %dma_wait3A_133] : memref<10240x128xf32, #tpu.memory_space<vmem_shared>> -> memref<64x128xf32, #tpu.memory_space<vmem_shared>>
      tpu.wait_dma2 semaphore(%run_scoped3A : memref<!tpu.dma_semaphore, #tpu.memory_space<semaphore_mem>>) src(%dma_wait3A_134 : memref<64x128xf32, #tpu.memory_space<vmem_shared>>) dst(%dma_wait3A_132 : memref<64x128xf32, #tpu.memory_space<hbm>>)
      tpu.yield
    }) : () -> ()
    %mul3A_87 = arith.constant 640 : i32
    %mul3A_88 = arith.muli %arg1, %mul3A_87 : i32
    %add3A_89 = arith.constant 192 : i32
    %add3A_90 = arith.addi %mul3A_88, %add3A_89 : i32
    %add3A_91 = arith.constant 192 : i32
    %add3A_92 = arith.addi %add3A_68, %add3A_91 : i32
    "tpu.region"() ({
      %run_scoped3A = tpu.sem_alloc : memref<!tpu.dma_semaphore, #tpu.memory_space<semaphore_mem>>
      %dma_start3A = arith.constant 0 : i32
      %dma_start3A_129 = tpu.memref_slice %arg3[%add3A_92, %dma_start3A] : memref<20480x128xf32, #tpu.memory_space<hbm>> -> memref<64x128xf32, #tpu.memory_space<hbm>>
      %dma_start3A_130 = arith.constant 0 : i32
      %dma_start3A_131 = tpu.memref_slice %arg4[%add3A_90, %dma_start3A_130] : memref<10240x128xf32, #tpu.memory_space<vmem_shared>> -> memref<64x128xf32, #tpu.memory_space<vmem_shared>>
      tpu.enqueue_dma source(%dma_start3A_131 : memref<64x128xf32, #tpu.memory_space<vmem_shared>>) target(%dma_start3A_129 : memref<64x128xf32, #tpu.memory_space<hbm>>) target_semaphore(%run_scoped3A : memref<!tpu.dma_semaphore, #tpu.memory_space<semaphore_mem>>)
      %dma_wait3A = arith.constant 0 : i32
      %dma_wait3A_132 = tpu.memref_slice %arg3[%add3A_92, %dma_wait3A] : memref<20480x128xf32, #tpu.memory_space<hbm>> -> memref<64x128xf32, #tpu.memory_space<hbm>>
      %dma_wait3A_133 = arith.constant 0 : i32
      %dma_wait3A_134 = tpu.memref_slice %arg4[%add3A_90, %dma_wait3A_133] : memref<10240x128xf32, #tpu.memory_space<vmem_shared>> -> memref<64x128xf32, #tpu.memory_space<vmem_shared>>
      tpu.wait_dma2 semaphore(%run_scoped3A : memref<!tpu.dma_semaphore, #tpu.memory_space<semaphore_mem>>) src(%dma_wait3A_134 : memref<64x128xf32, #tpu.memory_space<vmem_shared>>) dst(%dma_wait3A_132 : memref<64x128xf32, #tpu.memory_space<hbm>>)
      tpu.yield
    }) : () -> ()
    %mul3A_93 = arith.constant 640 : i32
    %mul3A_94 = arith.muli %arg1, %mul3A_93 : i32
    %add3A_95 = arith.constant 256 : i32
    %add3A_96 = arith.addi %mul3A_94, %add3A_95 : i32
    %add3A_97 = arith.constant 256 : i32
    %add3A_98 = arith.addi %add3A_68, %add3A_97 : i32
    "tpu.region"() ({
      %run_scoped3A = tpu.sem_alloc : memref<!tpu.dma_semaphore, #tpu.memory_space<semaphore_mem>>
      %dma_start3A = arith.constant 0 : i32
      %dma_start3A_129 = tpu.memref_slice %arg3[%add3A_98, %dma_start3A] : memref<20480x128xf32, #tpu.memory_space<hbm>> -> memref<64x128xf32, #tpu.memory_space<hbm>>
      %dma_start3A_130 = arith.constant 0 : i32
      %dma_start3A_131 = tpu.memref_slice %arg4[%add3A_96, %dma_start3A_130] : memref<10240x128xf32, #tpu.memory_space<vmem_shared>> -> memref<64x128xf32, #tpu.memory_space<vmem_shared>>
      tpu.enqueue_dma source(%dma_start3A_131 : memref<64x128xf32, #tpu.memory_space<vmem_shared>>) target(%dma_start3A_129 : memref<64x128xf32, #tpu.memory_space<hbm>>) target_semaphore(%run_scoped3A : memref<!tpu.dma_semaphore, #tpu.memory_space<semaphore_mem>>)
      %dma_wait3A = arith.constant 0 : i32
      %dma_wait3A_132 = tpu.memref_slice %arg3[%add3A_98, %dma_wait3A] : memref<20480x128xf32, #tpu.memory_space<hbm>> -> memref<64x128xf32, #tpu.memory_space<hbm>>
      %dma_wait3A_133 = arith.constant 0 : i32
      %dma_wait3A_134 = tpu.memref_slice %arg4[%add3A_96, %dma_wait3A_133] : memref<10240x128xf32, #tpu.memory_space<vmem_shared>> -> memref<64x128xf32, #tpu.memory_space<vmem_shared>>
      tpu.wait_dma2 semaphore(%run_scoped3A : memref<!tpu.dma_semaphore, #tpu.memory_space<semaphore_mem>>) src(%dma_wait3A_134 : memref<64x128xf32, #tpu.memory_space<vmem_shared>>) dst(%dma_wait3A_132 : memref<64x128xf32, #tpu.memory_space<hbm>>)
      tpu.yield
    }) : () -> ()
    %mul3A_99 = arith.constant 640 : i32
    %mul3A_100 = arith.muli %arg1, %mul3A_99 : i32
    %add3A_101 = arith.constant 320 : i32
    %add3A_102 = arith.addi %mul3A_100, %add3A_101 : i32
    %add3A_103 = arith.constant 320 : i32
    %add3A_104 = arith.addi %add3A_68, %add3A_103 : i32
    "tpu.region"() ({
      %run_scoped3A = tpu.sem_alloc : memref<!tpu.dma_semaphore, #tpu.memory_space<semaphore_mem>>
      %dma_start3A = arith.constant 0 : i32
      %dma_start3A_129 = tpu.memref_slice %arg3[%add3A_104, %dma_start3A] : memref<20480x128xf32, #tpu.memory_space<hbm>> -> memref<64x128xf32, #tpu.memory_space<hbm>>
      %dma_start3A_130 = arith.constant 0 : i32
      %dma_start3A_131 = tpu.memref_slice %arg4[%add3A_102, %dma_start3A_130] : memref<10240x128xf32, #tpu.memory_space<vmem_shared>> -> memref<64x128xf32, #tpu.memory_space<vmem_shared>>
      tpu.enqueue_dma source(%dma_start3A_131 : memref<64x128xf32, #tpu.memory_space<vmem_shared>>) target(%dma_start3A_129 : memref<64x128xf32, #tpu.memory_space<hbm>>) target_semaphore(%run_scoped3A : memref<!tpu.dma_semaphore, #tpu.memory_space<semaphore_mem>>)
      %dma_wait3A = arith.constant 0 : i32
      %dma_wait3A_132 = tpu.memref_slice %arg3[%add3A_104, %dma_wait3A] : memref<20480x128xf32, #tpu.memory_space<hbm>> -> memref<64x128xf32, #tpu.memory_space<hbm>>
      %dma_wait3A_133 = arith.constant 0 : i32
      %dma_wait3A_134 = tpu.memref_slice %arg4[%add3A_102, %dma_wait3A_133] : memref<10240x128xf32, #tpu.memory_space<vmem_shared>> -> memref<64x128xf32, #tpu.memory_space<vmem_shared>>
      tpu.wait_dma2 semaphore(%run_scoped3A : memref<!tpu.dma_semaphore, #tpu.memory_space<semaphore_mem>>) src(%dma_wait3A_134 : memref<64x128xf32, #tpu.memory_space<vmem_shared>>) dst(%dma_wait3A_132 : memref<64x128xf32, #tpu.memory_space<hbm>>)
      tpu.yield
    }) : () -> ()
    %mul3A_105 = arith.constant 640 : i32
    %mul3A_106 = arith.muli %arg1, %mul3A_105 : i32
    %add3A_107 = arith.constant 384 : i32
    %add3A_108 = arith.addi %mul3A_106, %add3A_107 : i32
    %add3A_109 = arith.constant 384 : i32
    %add3A_110 = arith.addi %add3A_68, %add3A_109 : i32
    "tpu.region"() ({
      %run_scoped3A = tpu.sem_alloc : memref<!tpu.dma_semaphore, #tpu.memory_space<semaphore_mem>>
      %dma_start3A = arith.constant 0 : i32
      %dma_start3A_129 = tpu.memref_slice %arg3[%add3A_110, %dma_start3A] : memref<20480x128xf32, #tpu.memory_space<hbm>> -> memref<64x128xf32, #tpu.memory_space<hbm>>
      %dma_start3A_130 = arith.constant 0 : i32
      %dma_start3A_131 = tpu.memref_slice %arg4[%add3A_108, %dma_start3A_130] : memref<10240x128xf32, #tpu.memory_space<vmem_shared>> -> memref<64x128xf32, #tpu.memory_space<vmem_shared>>
      tpu.enqueue_dma source(%dma_start3A_131 : memref<64x128xf32, #tpu.memory_space<vmem_shared>>) target(%dma_start3A_129 : memref<64x128xf32, #tpu.memory_space<hbm>>) target_semaphore(%run_scoped3A : memref<!tpu.dma_semaphore, #tpu.memory_space<semaphore_mem>>)
      %dma_wait3A = arith.constant 0 : i32
      %dma_wait3A_132 = tpu.memref_slice %arg3[%add3A_110, %dma_wait3A] : memref<20480x128xf32, #tpu.memory_space<hbm>> -> memref<64x128xf32, #tpu.memory_space<hbm>>
      %dma_wait3A_133 = arith.constant 0 : i32
      %dma_wait3A_134 = tpu.memref_slice %arg4[%add3A_108, %dma_wait3A_133] : memref<10240x128xf32, #tpu.memory_space<vmem_shared>> -> memref<64x128xf32, #tpu.memory_space<vmem_shared>>
      tpu.wait_dma2 semaphore(%run_scoped3A : memref<!tpu.dma_semaphore, #tpu.memory_space<semaphore_mem>>) src(%dma_wait3A_134 : memref<64x128xf32, #tpu.memory_space<vmem_shared>>) dst(%dma_wait3A_132 : memref<64x128xf32, #tpu.memory_space<hbm>>)
      tpu.yield
    }) : () -> ()
    %mul3A_111 = arith.constant 640 : i32
    %mul3A_112 = arith.muli %arg1, %mul3A_111 : i32
    %add3A_113 = arith.constant 448 : i32
    %add3A_114 = arith.addi %mul3A_112, %add3A_113 : i32
    %add3A_115 = arith.constant 448 : i32
    %add3A_116 = arith.addi %add3A_68, %add3A_115 : i32
    "tpu.region"() ({
      %run_scoped3A = tpu.sem_alloc : memref<!tpu.dma_semaphore, #tpu.memory_space<semaphore_mem>>
      %dma_start3A = arith.constant 0 : i32
      %dma_start3A_129 = tpu.memref_slice %arg3[%add3A_116, %dma_start3A] : memref<20480x128xf32, #tpu.memory_space<hbm>> -> memref<64x128xf32, #tpu.memory_space<hbm>>
      %dma_start3A_130 = arith.constant 0 : i32
      %dma_start3A_131 = tpu.memref_slice %arg4[%add3A_114, %dma_start3A_130] : memref<10240x128xf32, #tpu.memory_space<vmem_shared>> -> memref<64x128xf32, #tpu.memory_space<vmem_shared>>
      tpu.enqueue_dma source(%dma_start3A_131 : memref<64x128xf32, #tpu.memory_space<vmem_shared>>) target(%dma_start3A_129 : memref<64x128xf32, #tpu.memory_space<hbm>>) target_semaphore(%run_scoped3A : memref<!tpu.dma_semaphore, #tpu.memory_space<semaphore_mem>>)
      %dma_wait3A = arith.constant 0 : i32
      %dma_wait3A_132 = tpu.memref_slice %arg3[%add3A_116, %dma_wait3A] : memref<20480x128xf32, #tpu.memory_space<hbm>> -> memref<64x128xf32, #tpu.memory_space<hbm>>
      %dma_wait3A_133 = arith.constant 0 : i32
      %dma_wait3A_134 = tpu.memref_slice %arg4[%add3A_114, %dma_wait3A_133] : memref<10240x128xf32, #tpu.memory_space<vmem_shared>> -> memref<64x128xf32, #tpu.memory_space<vmem_shared>>
      tpu.wait_dma2 semaphore(%run_scoped3A : memref<!tpu.dma_semaphore, #tpu.memory_space<semaphore_mem>>) src(%dma_wait3A_134 : memref<64x128xf32, #tpu.memory_space<vmem_shared>>) dst(%dma_wait3A_132 : memref<64x128xf32, #tpu.memory_space<hbm>>)
      tpu.yield
    }) : () -> ()
    %mul3A_117 = arith.constant 640 : i32
    %mul3A_118 = arith.muli %arg1, %mul3A_117 : i32
    %add3A_119 = arith.constant 512 : i32
    %add3A_120 = arith.addi %mul3A_118, %add3A_119 : i32
    %add3A_121 = arith.constant 512 : i32
    %add3A_122 = arith.addi %add3A_68, %add3A_121 : i32
    "tpu.region"() ({
      %run_scoped3A = tpu.sem_alloc : memref<!tpu.dma_semaphore, #tpu.memory_space<semaphore_mem>>
      %dma_start3A = arith.constant 0 : i32
      %dma_start3A_129 = tpu.memref_slice %arg3[%add3A_122, %dma_start3A] : memref<20480x128xf32, #tpu.memory_space<hbm>> -> memref<64x128xf32, #tpu.memory_space<hbm>>
      %dma_start3A_130 = arith.constant 0 : i32
      %dma_start3A_131 = tpu.memref_slice %arg4[%add3A_120, %dma_start3A_130] : memref<10240x128xf32, #tpu.memory_space<vmem_shared>> -> memref<64x128xf32, #tpu.memory_space<vmem_shared>>
      tpu.enqueue_dma source(%dma_start3A_131 : memref<64x128xf32, #tpu.memory_space<vmem_shared>>) target(%dma_start3A_129 : memref<64x128xf32, #tpu.memory_space<hbm>>) target_semaphore(%run_scoped3A : memref<!tpu.dma_semaphore, #tpu.memory_space<semaphore_mem>>)
      %dma_wait3A = arith.constant 0 : i32
      %dma_wait3A_132 = tpu.memref_slice %arg3[%add3A_122, %dma_wait3A] : memref<20480x128xf32, #tpu.memory_space<hbm>> -> memref<64x128xf32, #tpu.memory_space<hbm>>
      %dma_wait3A_133 = arith.constant 0 : i32
      %dma_wait3A_134 = tpu.memref_slice %arg4[%add3A_120, %dma_wait3A_133] : memref<10240x128xf32, #tpu.memory_space<vmem_shared>> -> memref<64x128xf32, #tpu.memory_space<vmem_shared>>
      tpu.wait_dma2 semaphore(%run_scoped3A : memref<!tpu.dma_semaphore, #tpu.memory_space<semaphore_mem>>) src(%dma_wait3A_134 : memref<64x128xf32, #tpu.memory_space<vmem_shared>>) dst(%dma_wait3A_132 : memref<64x128xf32, #tpu.memory_space<hbm>>)
      tpu.yield
    }) : () -> ()
    %mul3A_123 = arith.constant 640 : i32
    %mul3A_124 = arith.muli %arg1, %mul3A_123 : i32
    %add3A_125 = arith.constant 576 : i32
    %add3A_126 = arith.addi %mul3A_124, %add3A_125 : i32
    %add3A_127 = arith.constant 576 : i32
    %add3A_128 = arith.addi %add3A_68, %add3A_127 : i32
    "tpu.region"() ({
      %run_scoped3A = tpu.sem_alloc : memref<!tpu.dma_semaphore, #tpu.memory_space<semaphore_mem>>
      %dma_start3A = arith.constant 0 : i32
      %dma_start3A_129 = tpu.memref_slice %arg3[%add3A_128, %dma_start3A] : memref<20480x128xf32, #tpu.memory_space<hbm>> -> memref<64x128xf32, #tpu.memory_space<hbm>>
      %dma_start3A_130 = arith.constant 0 : i32
      %dma_start3A_131 = tpu.memref_slice %arg4[%add3A_126, %dma_start3A_130] : memref<10240x128xf32, #tpu.memory_space<vmem_shared>> -> memref<64x128xf32, #tpu.memory_space<vmem_shared>>
      tpu.enqueue_dma source(%dma_start3A_131 : memref<64x128xf32, #tpu.memory_space<vmem_shared>>) target(%dma_start3A_129 : memref<64x128xf32, #tpu.memory_space<hbm>>) target_semaphore(%run_scoped3A : memref<!tpu.dma_semaphore, #tpu.memory_space<semaphore_mem>>)
      %dma_wait3A = arith.constant 0 : i32
      %dma_wait3A_132 = tpu.memref_slice %arg3[%add3A_128, %dma_wait3A] : memref<20480x128xf32, #tpu.memory_space<hbm>> -> memref<64x128xf32, #tpu.memory_space<hbm>>
      %dma_wait3A_133 = arith.constant 0 : i32
      %dma_wait3A_134 = tpu.memref_slice %arg4[%add3A_126, %dma_wait3A_133] : memref<10240x128xf32, #tpu.memory_space<vmem_shared>> -> memref<64x128xf32, #tpu.memory_space<vmem_shared>>
      tpu.wait_dma2 semaphore(%run_scoped3A : memref<!tpu.dma_semaphore, #tpu.memory_space<semaphore_mem>>) src(%dma_wait3A_134 : memref<64x128xf32, #tpu.memory_space<vmem_shared>>) dst(%dma_wait3A_132 : memref<64x128xf32, #tpu.memory_space<hbm>>)
      tpu.yield
    }) : () -> ()
    return
  }
}

#map = affine_map<(d0, d1) -> (0, 0)>
#map1 = affine_map<(d0, d1) -> (0)>
module attributes {stable_mosaic.version = 14 : i64} {
  func.func @body(%arg0: i32, %arg1: i32, %arg2: memref<10240x128xf32, #tpu.memory_space<hbm>>, %arg3: memref<10240x128xf32, #tpu.memory_space<hbm>>, %arg4: memref<321536x128xf32, #tpu.memory_space<hbm>>, %arg5: memref<321536xi32, #tpu.memory_space<hbm>>, %arg6: memref<321536xi32, #tpu.memory_space<hbm>>, %arg7: memref<128xf32, #tpu.memory_space<hbm>>, %arg8: memref<16xf32, #tpu.memory_space<hbm>>, %arg9: memref<321536x16xf32, #tpu.memory_space<hbm>>, %arg10: memref<64x128xf32, #tpu.memory_space<vmem>>, %arg11: memref<64x128xf32, #tpu.memory_space<vmem>>, %arg12: memref<64x128xf32, #tpu.memory_space<vmem>>, %arg13: memref<64xi32, #tpu.memory_space<vmem>>, %arg14: memref<64xi32, #tpu.memory_space<vmem>>, %arg15: memref<64x16xf32, #tpu.memory_space<vmem>>, %arg16: memref<128xf32, #tpu.memory_space<vmem>>, %arg17: memref<16xf32, #tpu.memory_space<vmem>>, %arg18: memref<!tpu.dma_semaphore, #tpu.memory_space<semaphore_mem>>, %arg19: memref<!tpu.dma_semaphore, #tpu.memory_space<semaphore_mem>>) attributes {dimension_semantics = [#tpu.dimension_semantics<core_parallel>, #tpu.dimension_semantics<subcore_parallel>], iteration_bounds = array<i64: 2, 16>, scalar_prefetch = 0 : i64, scratch_operands = 10 : i64, tpu.core_type = #tpu.core_type<sc_vector_subcore>, window_params = [{transform_indices = #map}, {transform_indices = #map}, {transform_indices = #map}, {transform_indices = #map1}, {transform_indices = #map1}, {transform_indices = #map1}, {transform_indices = #map1}, {transform_indices = #map}]} {
    %mul3A = arith.constant 16 : i32
    %mul3A_0 = arith.muli %arg0, %mul3A : i32
    %add3A = arith.addi %mul3A_0, %arg1 : i32
    "tpu.region"() ({
      %run_scoped3A = tpu.sem_alloc : memref<!tpu.dma_semaphore, #tpu.memory_space<semaphore_mem>>
      tpu.enqueue_dma source(%arg7 : memref<128xf32, #tpu.memory_space<hbm>>) target(%arg16 : memref<128xf32, #tpu.memory_space<vmem>>) target_semaphore(%run_scoped3A : memref<!tpu.dma_semaphore, #tpu.memory_space<semaphore_mem>>)
      tpu.wait_dma2 semaphore(%run_scoped3A : memref<!tpu.dma_semaphore, #tpu.memory_space<semaphore_mem>>) src(%arg7 : memref<128xf32, #tpu.memory_space<hbm>>) dst(%arg16 : memref<128xf32, #tpu.memory_space<vmem>>)
      tpu.yield
    }) : () -> ()
    "tpu.region"() ({
      %run_scoped3A = tpu.sem_alloc : memref<!tpu.dma_semaphore, #tpu.memory_space<semaphore_mem>>
      tpu.enqueue_dma source(%arg8 : memref<16xf32, #tpu.memory_space<hbm>>) target(%arg17 : memref<16xf32, #tpu.memory_space<vmem>>) target_semaphore(%run_scoped3A : memref<!tpu.dma_semaphore, #tpu.memory_space<semaphore_mem>>)
      tpu.wait_dma2 semaphore(%run_scoped3A : memref<!tpu.dma_semaphore, #tpu.memory_space<semaphore_mem>>) src(%arg8 : memref<16xf32, #tpu.memory_space<hbm>>) dst(%arg17 : memref<16xf32, #tpu.memory_space<vmem>>)
      tpu.yield
    }) : () -> ()
    %get3A = arith.constant 0 : index
    %get3A_1 = tpu.vector_load %arg16[%get3A] {strides = array<i32>} : memref<128xf32, #tpu.memory_space<vmem>>, vector<16xf32>,
    %get3A_2 = vector.shape_cast %get3A_1 : vector<16xf32> to vector<16xf32>
    %get3A_3 = arith.constant 16 : index
    %get3A_4 = tpu.vector_load %arg16[%get3A_3] {strides = array<i32>} : memref<128xf32, #tpu.memory_space<vmem>>, vector<16xf32>,
    %get3A_5 = vector.shape_cast %get3A_4 : vector<16xf32> to vector<16xf32>
    %get3A_6 = arith.constant 32 : index
    %get3A_7 = tpu.vector_load %arg16[%get3A_6] {strides = array<i32>} : memref<128xf32, #tpu.memory_space<vmem>>, vector<16xf32>,
    %get3A_8 = vector.shape_cast %get3A_7 : vector<16xf32> to vector<16xf32>
    %get3A_9 = arith.constant 48 : index
    %get3A_10 = tpu.vector_load %arg16[%get3A_9] {strides = array<i32>} : memref<128xf32, #tpu.memory_space<vmem>>, vector<16xf32>,
    %get3A_11 = vector.shape_cast %get3A_10 : vector<16xf32> to vector<16xf32>
    %get3A_12 = arith.constant 64 : index
    %get3A_13 = tpu.vector_load %arg16[%get3A_12] {strides = array<i32>} : memref<128xf32, #tpu.memory_space<vmem>>, vector<16xf32>,
    %get3A_14 = vector.shape_cast %get3A_13 : vector<16xf32> to vector<16xf32>
    %get3A_15 = arith.constant 80 : index
    %get3A_16 = tpu.vector_load %arg16[%get3A_15] {strides = array<i32>} : memref<128xf32, #tpu.memory_space<vmem>>, vector<16xf32>,
    %get3A_17 = vector.shape_cast %get3A_16 : vector<16xf32> to vector<16xf32>
    %get3A_18 = arith.constant 96 : index
    %get3A_19 = tpu.vector_load %arg16[%get3A_18] {strides = array<i32>} : memref<128xf32, #tpu.memory_space<vmem>>, vector<16xf32>,
    %get3A_20 = vector.shape_cast %get3A_19 : vector<16xf32> to vector<16xf32>
    %get3A_21 = arith.constant 112 : index
    %get3A_22 = tpu.vector_load %arg16[%get3A_21] {strides = array<i32>} : memref<128xf32, #tpu.memory_space<vmem>>, vector<16xf32>,
    %get3A_23 = vector.shape_cast %get3A_22 : vector<16xf32> to vector<16xf32>
    %get3A_24 = arith.constant 0 : index
    %get3A_25 = tpu.vector_load %arg17[%get3A_24] {strides = array<i32>} : memref<16xf32, #tpu.memory_space<vmem>>, vector<16xf32>,
    %get3A_26 = vector.shape_cast %get3A_25 : vector<16xf32> to vector<16xf32>
    %mul3A_27 = arith.constant 10048 : i32
    %mul3A_28 = arith.muli %add3A, %mul3A_27 : i32
    %scan3A = arith.constant 0 : i32
    %scan3A_29 = arith.constant 0 : i32
    %scan3A_30 = arith.constant 157 : i32
    %scan3A_31 = arith.addi %scan3A_29, %scan3A_30 : i32
    %scan3A_32 = arith.constant 1 : i32
    %scan3A_33 = scf.for %scan3A_35 = %scan3A_29 to %scan3A_31 step %scan3A_32 iter_args(%scan3A_36 = %scan3A) -> (i32)  : i32 {
      %mul3A_37 = arith.constant 64 : i32
      %mul3A_38 = arith.muli %scan3A_35, %mul3A_37 : i32
      %add3A_39 = arith.addi %mul3A_28, %mul3A_38 : i32
      "tpu.region"() ({
        %run_scoped3A = tpu.sem_alloc : memref<!tpu.dma_semaphore, #tpu.memory_space<semaphore_mem>>
        %dma_start3A_58 = tpu.memref_slice %arg5[%add3A_39] : memref<321536xi32, #tpu.memory_space<hbm>> -> memref<64xi32, #tpu.memory_space<hbm>>
        %dma_start3A_59 = tpu.memref_slice %arg5[%add3A_39] : memref<321536xi32, #tpu.memory_space<hbm>> -> memref<64xi32, #tpu.memory_space<hbm>>
        tpu.enqueue_dma source(%dma_start3A_59 : memref<64xi32, #tpu.memory_space<hbm>>) target(%arg13 : memref<64xi32, #tpu.memory_space<vmem>>) target_semaphore(%run_scoped3A : memref<!tpu.dma_semaphore, #tpu.memory_space<semaphore_mem>>)
        %dma_wait3A_60 = tpu.memref_slice %arg5[%add3A_39] : memref<321536xi32, #tpu.memory_space<hbm>> -> memref<64xi32, #tpu.memory_space<hbm>>
        %dma_wait3A_61 = tpu.memref_slice %arg5[%add3A_39] : memref<321536xi32, #tpu.memory_space<hbm>> -> memref<64xi32, #tpu.memory_space<hbm>>
        tpu.wait_dma2 semaphore(%run_scoped3A : memref<!tpu.dma_semaphore, #tpu.memory_space<semaphore_mem>>) src(%dma_wait3A_61 : memref<64xi32, #tpu.memory_space<hbm>>) dst(%arg13 : memref<64xi32, #tpu.memory_space<vmem>>)
        tpu.yield
      }) : () -> ()
      "tpu.region"() ({
        %run_scoped3A = tpu.sem_alloc : memref<!tpu.dma_semaphore, #tpu.memory_space<semaphore_mem>>
        %dma_start3A_58 = tpu.memref_slice %arg6[%add3A_39] : memref<321536xi32, #tpu.memory_space<hbm>> -> memref<64xi32, #tpu.memory_space<hbm>>
        %dma_start3A_59 = tpu.memref_slice %arg6[%add3A_39] : memref<321536xi32, #tpu.memory_space<hbm>> -> memref<64xi32, #tpu.memory_space<hbm>>
        tpu.enqueue_dma source(%dma_start3A_59 : memref<64xi32, #tpu.memory_space<hbm>>) target(%arg14 : memref<64xi32, #tpu.memory_space<vmem>>) target_semaphore(%run_scoped3A : memref<!tpu.dma_semaphore, #tpu.memory_space<semaphore_mem>>)
        %dma_wait3A_60 = tpu.memref_slice %arg6[%add3A_39] : memref<321536xi32, #tpu.memory_space<hbm>> -> memref<64xi32, #tpu.memory_space<hbm>>
        %dma_wait3A_61 = tpu.memref_slice %arg6[%add3A_39] : memref<321536xi32, #tpu.memory_space<hbm>> -> memref<64xi32, #tpu.memory_space<hbm>>
        tpu.wait_dma2 semaphore(%run_scoped3A : memref<!tpu.dma_semaphore, #tpu.memory_space<semaphore_mem>>) src(%dma_wait3A_61 : memref<64xi32, #tpu.memory_space<hbm>>) dst(%arg14 : memref<64xi32, #tpu.memory_space<vmem>>)
        tpu.yield
      }) : () -> ()
      %dma_start3A = arith.constant 0 : i32
      %dma_start3A_40 = arith.constant 0 : i32
      %dma_start3A_41 = tpu.memref_slice %arg2[%dma_start3A, %dma_start3A_40] : memref<10240x128xf32, #tpu.memory_space<hbm>> -> memref<10240x128xf32, #tpu.memory_space<hbm>>
      tpu.enqueue_indirect_dma source(%dma_start3A_41 : memref<10240x128xf32, #tpu.memory_space<hbm>>) target(%arg10 : memref<64x128xf32, #tpu.memory_space<vmem>>) offsets(%arg13 : memref<64xi32, #tpu.memory_space<vmem>>) semaphore(%arg18 : memref<!tpu.dma_semaphore, #tpu.memory_space<semaphore_mem>>)
      %dma_start3A_42 = arith.constant 0 : i32
      %dma_start3A_43 = arith.constant 0 : i32
      %dma_start3A_44 = tpu.memref_slice %arg3[%dma_start3A_42, %dma_start3A_43] : memref<10240x128xf32, #tpu.memory_space<hbm>> -> memref<10240x128xf32, #tpu.memory_space<hbm>>
      tpu.enqueue_indirect_dma source(%dma_start3A_44 : memref<10240x128xf32, #tpu.memory_space<hbm>>) target(%arg11 : memref<64x128xf32, #tpu.memory_space<vmem>>) offsets(%arg14 : memref<64xi32, #tpu.memory_space<vmem>>) semaphore(%arg19 : memref<!tpu.dma_semaphore, #tpu.memory_space<semaphore_mem>>)
      "tpu.region"() ({
        %run_scoped3A = tpu.sem_alloc : memref<!tpu.dma_semaphore, #tpu.memory_space<semaphore_mem>>
        %dma_start3A_58 = arith.constant 0 : i32
        %dma_start3A_59 = tpu.memref_slice %arg4[%add3A_39, %dma_start3A_58] : memref<321536x128xf32, #tpu.memory_space<hbm>> -> memref<64x128xf32, #tpu.memory_space<hbm>>
        %dma_start3A_60 = arith.constant 0 : i32
        %dma_start3A_61 = tpu.memref_slice %arg4[%add3A_39, %dma_start3A_60] : memref<321536x128xf32, #tpu.memory_space<hbm>> -> memref<64x128xf32, #tpu.memory_space<hbm>>
        tpu.enqueue_dma source(%dma_start3A_61 : memref<64x128xf32, #tpu.memory_space<hbm>>) target(%arg12 : memref<64x128xf32, #tpu.memory_space<vmem>>) target_semaphore(%run_scoped3A : memref<!tpu.dma_semaphore, #tpu.memory_space<semaphore_mem>>)
        %dma_wait3A_62 = arith.constant 0 : i32
        %dma_wait3A_63 = tpu.memref_slice %arg4[%add3A_39, %dma_wait3A_62] : memref<321536x128xf32, #tpu.memory_space<hbm>> -> memref<64x128xf32, #tpu.memory_space<hbm>>
        %dma_wait3A_64 = arith.constant 0 : i32
        %dma_wait3A_65 = tpu.memref_slice %arg4[%add3A_39, %dma_wait3A_64] : memref<321536x128xf32, #tpu.memory_space<hbm>> -> memref<64x128xf32, #tpu.memory_space<hbm>>
        tpu.wait_dma2 semaphore(%run_scoped3A : memref<!tpu.dma_semaphore, #tpu.memory_space<semaphore_mem>>) src(%dma_wait3A_65 : memref<64x128xf32, #tpu.memory_space<hbm>>) dst(%arg12 : memref<64x128xf32, #tpu.memory_space<vmem>>)
        tpu.yield
      }) : () -> ()
      %dma_wait3A = arith.constant 0 : i32
      %dma_wait3A_45 = arith.constant 0 : i32
      %dma_wait3A_46 = tpu.memref_slice %arg2[%dma_wait3A, %dma_wait3A_45] : memref<10240x128xf32, #tpu.memory_space<hbm>> -> memref<10240x128xf32, #tpu.memory_space<hbm>>
      tpu.wait_indirect_dma semaphore(%arg18 : memref<!tpu.dma_semaphore, #tpu.memory_space<semaphore_mem>>) src(%dma_wait3A_46 : memref<10240x128xf32, #tpu.memory_space<hbm>>) dst(%arg10 : memref<64x128xf32, #tpu.memory_space<vmem>>)
      %dma_wait3A_47 = arith.constant 0 : i32
      %dma_wait3A_48 = arith.constant 0 : i32
      %dma_wait3A_49 = tpu.memref_slice %arg3[%dma_wait3A_47, %dma_wait3A_48] : memref<10240x128xf32, #tpu.memory_space<hbm>> -> memref<10240x128xf32, #tpu.memory_space<hbm>>
      tpu.wait_indirect_dma semaphore(%arg19 : memref<!tpu.dma_semaphore, #tpu.memory_space<semaphore_mem>>) src(%dma_wait3A_49 : memref<10240x128xf32, #tpu.memory_space<hbm>>) dst(%arg11 : memref<64x128xf32, #tpu.memory_space<vmem>>)
      %scan3A_50 = arith.constant 0 : i32
      %scan3A_51 = arith.constant 0 : i32
      %scan3A_52 = arith.constant 64 : i32
      %scan3A_53 = arith.addi %scan3A_51, %scan3A_52 : i32
      %scan3A_54 = arith.constant 1 : i32
      %scan3A_55 = scf.for %scan3A_58 = %scan3A_51 to %scan3A_53 step %scan3A_54 iter_args(%scan3A_59 = %scan3A_50) -> (i32)  : i32 {
        %get3A_60 = arith.index_cast %scan3A_58 : i32 to index
        %get3A_61 = arith.constant 0 : index
        %get3A_62 = tpu.vector_load %arg10[%get3A_60, %get3A_61] {strides = array<i32>} : memref<64x128xf32, #tpu.memory_space<vmem>>, vector<1x16xf32>,
        %get3A_63 = vector.shape_cast %get3A_62 : vector<1x16xf32> to vector<16xf32>
        %get3A_64 = arith.index_cast %scan3A_58 : i32 to index
        %get3A_65 = arith.constant 0 : index
        %get3A_66 = tpu.vector_load %arg11[%get3A_64, %get3A_65] {strides = array<i32>} : memref<64x128xf32, #tpu.memory_space<vmem>>, vector<1x16xf32>,
        %get3A_67 = vector.shape_cast %get3A_66 : vector<1x16xf32> to vector<16xf32>
        %get3A_68 = arith.index_cast %scan3A_58 : i32 to index
        %get3A_69 = arith.constant 0 : index
        %get3A_70 = tpu.vector_load %arg12[%get3A_68, %get3A_69] {strides = array<i32>} : memref<64x128xf32, #tpu.memory_space<vmem>>, vector<1x16xf32>,
        %get3A_71 = vector.shape_cast %get3A_70 : vector<1x16xf32> to vector<16xf32>
        %add3A_72 = arith.addf %get3A_63, %get3A_67 : vector<16xf32>
        %add3A_73 = arith.addf %add3A_72, %get3A_71 : vector<16xf32>
        %max3A = arith.constant 0.000000e+00 : f32
        %max3A_74 = vector.broadcast %max3A : f32 to vector<16xf32>
        %max3A_75 = arith.maximumf %add3A_73, %max3A_74 : vector<16xf32>
        %mul3A_76 = arith.mulf %max3A_75, %get3A_2 : vector<16xf32>
        %add3A_77 = arith.addf %get3A_26, %mul3A_76 : vector<16xf32>
        %get3A_78 = arith.index_cast %scan3A_58 : i32 to index
        %get3A_79 = arith.constant 16 : index
        %get3A_80 = tpu.vector_load %arg10[%get3A_78, %get3A_79] {strides = array<i32>} : memref<64x128xf32, #tpu.memory_space<vmem>>, vector<1x16xf32>,
        %get3A_81 = vector.shape_cast %get3A_80 : vector<1x16xf32> to vector<16xf32>
        %get3A_82 = arith.index_cast %scan3A_58 : i32 to index
        %get3A_83 = arith.constant 16 : index
        %get3A_84 = tpu.vector_load %arg11[%get3A_82, %get3A_83] {strides = array<i32>} : memref<64x128xf32, #tpu.memory_space<vmem>>, vector<1x16xf32>,
        %get3A_85 = vector.shape_cast %get3A_84 : vector<1x16xf32> to vector<16xf32>
        %get3A_86 = arith.index_cast %scan3A_58 : i32 to index
        %get3A_87 = arith.constant 16 : index
        %get3A_88 = tpu.vector_load %arg12[%get3A_86, %get3A_87] {strides = array<i32>} : memref<64x128xf32, #tpu.memory_space<vmem>>, vector<1x16xf32>,
        %get3A_89 = vector.shape_cast %get3A_88 : vector<1x16xf32> to vector<16xf32>
        %add3A_90 = arith.addf %get3A_81, %get3A_85 : vector<16xf32>
        %add3A_91 = arith.addf %add3A_90, %get3A_89 : vector<16xf32>
        %max3A_92 = arith.constant 0.000000e+00 : f32
        %max3A_93 = vector.broadcast %max3A_92 : f32 to vector<16xf32>
        %max3A_94 = arith.maximumf %add3A_91, %max3A_93 : vector<16xf32>
        %mul3A_95 = arith.mulf %max3A_94, %get3A_5 : vector<16xf32>
        %add3A_96 = arith.addf %add3A_77, %mul3A_95 : vector<16xf32>
        %get3A_97 = arith.index_cast %scan3A_58 : i32 to index
        %get3A_98 = arith.constant 32 : index
        %get3A_99 = tpu.vector_load %arg10[%get3A_97, %get3A_98] {strides = array<i32>} : memref<64x128xf32, #tpu.memory_space<vmem>>, vector<1x16xf32>,
        %get3A_100 = vector.shape_cast %get3A_99 : vector<1x16xf32> to vector<16xf32>
        %get3A_101 = arith.index_cast %scan3A_58 : i32 to index
        %get3A_102 = arith.constant 32 : index
        %get3A_103 = tpu.vector_load %arg11[%get3A_101, %get3A_102] {strides = array<i32>} : memref<64x128xf32, #tpu.memory_space<vmem>>, vector<1x16xf32>,
        %get3A_104 = vector.shape_cast %get3A_103 : vector<1x16xf32> to vector<16xf32>
        %get3A_105 = arith.index_cast %scan3A_58 : i32 to index
        %get3A_106 = arith.constant 32 : index
        %get3A_107 = tpu.vector_load %arg12[%get3A_105, %get3A_106] {strides = array<i32>} : memref<64x128xf32, #tpu.memory_space<vmem>>, vector<1x16xf32>,
        %get3A_108 = vector.shape_cast %get3A_107 : vector<1x16xf32> to vector<16xf32>
        %add3A_109 = arith.addf %get3A_100, %get3A_104 : vector<16xf32>
        %add3A_110 = arith.addf %add3A_109, %get3A_108 : vector<16xf32>
        %max3A_111 = arith.constant 0.000000e+00 : f32
        %max3A_112 = vector.broadcast %max3A_111 : f32 to vector<16xf32>
        %max3A_113 = arith.maximumf %add3A_110, %max3A_112 : vector<16xf32>
        %mul3A_114 = arith.mulf %max3A_113, %get3A_8 : vector<16xf32>
        %add3A_115 = arith.addf %add3A_96, %mul3A_114 : vector<16xf32>
        %get3A_116 = arith.index_cast %scan3A_58 : i32 to index
        %get3A_117 = arith.constant 48 : index
        %get3A_118 = tpu.vector_load %arg10[%get3A_116, %get3A_117] {strides = array<i32>} : memref<64x128xf32, #tpu.memory_space<vmem>>, vector<1x16xf32>,
        %get3A_119 = vector.shape_cast %get3A_118 : vector<1x16xf32> to vector<16xf32>
        %get3A_120 = arith.index_cast %scan3A_58 : i32 to index
        %get3A_121 = arith.constant 48 : index
        %get3A_122 = tpu.vector_load %arg11[%get3A_120, %get3A_121] {strides = array<i32>} : memref<64x128xf32, #tpu.memory_space<vmem>>, vector<1x16xf32>,
        %get3A_123 = vector.shape_cast %get3A_122 : vector<1x16xf32> to vector<16xf32>
        %get3A_124 = arith.index_cast %scan3A_58 : i32 to index
        %get3A_125 = arith.constant 48 : index
        %get3A_126 = tpu.vector_load %arg12[%get3A_124, %get3A_125] {strides = array<i32>} : memref<64x128xf32, #tpu.memory_space<vmem>>, vector<1x16xf32>,
        %get3A_127 = vector.shape_cast %get3A_126 : vector<1x16xf32> to vector<16xf32>
        %add3A_128 = arith.addf %get3A_119, %get3A_123 : vector<16xf32>
        %add3A_129 = arith.addf %add3A_128, %get3A_127 : vector<16xf32>
        %max3A_130 = arith.constant 0.000000e+00 : f32
        %max3A_131 = vector.broadcast %max3A_130 : f32 to vector<16xf32>
        %max3A_132 = arith.maximumf %add3A_129, %max3A_131 : vector<16xf32>
        %mul3A_133 = arith.mulf %max3A_132, %get3A_11 : vector<16xf32>
        %add3A_134 = arith.addf %add3A_115, %mul3A_133 : vector<16xf32>
        %get3A_135 = arith.index_cast %scan3A_58 : i32 to index
        %get3A_136 = arith.constant 64 : index
        %get3A_137 = tpu.vector_load %arg10[%get3A_135, %get3A_136] {strides = array<i32>} : memref<64x128xf32, #tpu.memory_space<vmem>>, vector<1x16xf32>,
        %get3A_138 = vector.shape_cast %get3A_137 : vector<1x16xf32> to vector<16xf32>
        %get3A_139 = arith.index_cast %scan3A_58 : i32 to index
        %get3A_140 = arith.constant 64 : index
        %get3A_141 = tpu.vector_load %arg11[%get3A_139, %get3A_140] {strides = array<i32>} : memref<64x128xf32, #tpu.memory_space<vmem>>, vector<1x16xf32>,
        %get3A_142 = vector.shape_cast %get3A_141 : vector<1x16xf32> to vector<16xf32>
        %get3A_143 = arith.index_cast %scan3A_58 : i32 to index
        %get3A_144 = arith.constant 64 : index
        %get3A_145 = tpu.vector_load %arg12[%get3A_143, %get3A_144] {strides = array<i32>} : memref<64x128xf32, #tpu.memory_space<vmem>>, vector<1x16xf32>,
        %get3A_146 = vector.shape_cast %get3A_145 : vector<1x16xf32> to vector<16xf32>
        %add3A_147 = arith.addf %get3A_138, %get3A_142 : vector<16xf32>
        %add3A_148 = arith.addf %add3A_147, %get3A_146 : vector<16xf32>
        %max3A_149 = arith.constant 0.000000e+00 : f32
        %max3A_150 = vector.broadcast %max3A_149 : f32 to vector<16xf32>
        %max3A_151 = arith.maximumf %add3A_148, %max3A_150 : vector<16xf32>
        %mul3A_152 = arith.mulf %max3A_151, %get3A_14 : vector<16xf32>
        %add3A_153 = arith.addf %add3A_134, %mul3A_152 : vector<16xf32>
        %get3A_154 = arith.index_cast %scan3A_58 : i32 to index
        %get3A_155 = arith.constant 80 : index
        %get3A_156 = tpu.vector_load %arg10[%get3A_154, %get3A_155] {strides = array<i32>} : memref<64x128xf32, #tpu.memory_space<vmem>>, vector<1x16xf32>,
        %get3A_157 = vector.shape_cast %get3A_156 : vector<1x16xf32> to vector<16xf32>
        %get3A_158 = arith.index_cast %scan3A_58 : i32 to index
        %get3A_159 = arith.constant 80 : index
        %get3A_160 = tpu.vector_load %arg11[%get3A_158, %get3A_159] {strides = array<i32>} : memref<64x128xf32, #tpu.memory_space<vmem>>, vector<1x16xf32>,
        %get3A_161 = vector.shape_cast %get3A_160 : vector<1x16xf32> to vector<16xf32>
        %get3A_162 = arith.index_cast %scan3A_58 : i32 to index
        %get3A_163 = arith.constant 80 : index
        %get3A_164 = tpu.vector_load %arg12[%get3A_162, %get3A_163] {strides = array<i32>} : memref<64x128xf32, #tpu.memory_space<vmem>>, vector<1x16xf32>,
        %get3A_165 = vector.shape_cast %get3A_164 : vector<1x16xf32> to vector<16xf32>
        %add3A_166 = arith.addf %get3A_157, %get3A_161 : vector<16xf32>
        %add3A_167 = arith.addf %add3A_166, %get3A_165 : vector<16xf32>
        %max3A_168 = arith.constant 0.000000e+00 : f32
        %max3A_169 = vector.broadcast %max3A_168 : f32 to vector<16xf32>
        %max3A_170 = arith.maximumf %add3A_167, %max3A_169 : vector<16xf32>
        %mul3A_171 = arith.mulf %max3A_170, %get3A_17 : vector<16xf32>
        %add3A_172 = arith.addf %add3A_153, %mul3A_171 : vector<16xf32>
        %get3A_173 = arith.index_cast %scan3A_58 : i32 to index
        %get3A_174 = arith.constant 96 : index
        %get3A_175 = tpu.vector_load %arg10[%get3A_173, %get3A_174] {strides = array<i32>} : memref<64x128xf32, #tpu.memory_space<vmem>>, vector<1x16xf32>,
        %get3A_176 = vector.shape_cast %get3A_175 : vector<1x16xf32> to vector<16xf32>
        %get3A_177 = arith.index_cast %scan3A_58 : i32 to index
        %get3A_178 = arith.constant 96 : index
        %get3A_179 = tpu.vector_load %arg11[%get3A_177, %get3A_178] {strides = array<i32>} : memref<64x128xf32, #tpu.memory_space<vmem>>, vector<1x16xf32>,
        %get3A_180 = vector.shape_cast %get3A_179 : vector<1x16xf32> to vector<16xf32>
        %get3A_181 = arith.index_cast %scan3A_58 : i32 to index
        %get3A_182 = arith.constant 96 : index
        %get3A_183 = tpu.vector_load %arg12[%get3A_181, %get3A_182] {strides = array<i32>} : memref<64x128xf32, #tpu.memory_space<vmem>>, vector<1x16xf32>,
        %get3A_184 = vector.shape_cast %get3A_183 : vector<1x16xf32> to vector<16xf32>
        %add3A_185 = arith.addf %get3A_176, %get3A_180 : vector<16xf32>
        %add3A_186 = arith.addf %add3A_185, %get3A_184 : vector<16xf32>
        %max3A_187 = arith.constant 0.000000e+00 : f32
        %max3A_188 = vector.broadcast %max3A_187 : f32 to vector<16xf32>
        %max3A_189 = arith.maximumf %add3A_186, %max3A_188 : vector<16xf32>
        %mul3A_190 = arith.mulf %max3A_189, %get3A_20 : vector<16xf32>
        %add3A_191 = arith.addf %add3A_172, %mul3A_190 : vector<16xf32>
        %get3A_192 = arith.index_cast %scan3A_58 : i32 to index
        %get3A_193 = arith.constant 112 : index
        %get3A_194 = tpu.vector_load %arg10[%get3A_192, %get3A_193] {strides = array<i32>} : memref<64x128xf32, #tpu.memory_space<vmem>>, vector<1x16xf32>,
        %get3A_195 = vector.shape_cast %get3A_194 : vector<1x16xf32> to vector<16xf32>
        %get3A_196 = arith.index_cast %scan3A_58 : i32 to index
        %get3A_197 = arith.constant 112 : index
        %get3A_198 = tpu.vector_load %arg11[%get3A_196, %get3A_197] {strides = array<i32>} : memref<64x128xf32, #tpu.memory_space<vmem>>, vector<1x16xf32>,
        %get3A_199 = vector.shape_cast %get3A_198 : vector<1x16xf32> to vector<16xf32>
        %get3A_200 = arith.index_cast %scan3A_58 : i32 to index
        %get3A_201 = arith.constant 112 : index
        %get3A_202 = tpu.vector_load %arg12[%get3A_200, %get3A_201] {strides = array<i32>} : memref<64x128xf32, #tpu.memory_space<vmem>>, vector<1x16xf32>,
        %get3A_203 = vector.shape_cast %get3A_202 : vector<1x16xf32> to vector<16xf32>
        %add3A_204 = arith.addf %get3A_195, %get3A_199 : vector<16xf32>
        %add3A_205 = arith.addf %add3A_204, %get3A_203 : vector<16xf32>
        %max3A_206 = arith.constant 0.000000e+00 : f32
        %max3A_207 = vector.broadcast %max3A_206 : f32 to vector<16xf32>
        %max3A_208 = arith.maximumf %add3A_205, %max3A_207 : vector<16xf32>
        %mul3A_209 = arith.mulf %max3A_208, %get3A_23 : vector<16xf32>
        %add3A_210 = arith.addf %add3A_191, %mul3A_209 : vector<16xf32>
        %swap3A = arith.index_cast %scan3A_58 : i32 to index
        %swap3A_211 = arith.constant 0 : index
        %swap3A_212 = tpu.vector_load %arg15[%swap3A, %swap3A_211] {strides = array<i32>} : memref<64x16xf32, #tpu.memory_space<vmem>>, vector<1x16xf32>,
        %swap3A_213 = vector.shape_cast %swap3A_212 : vector<1x16xf32> to vector<16xf32>
        %swap3A_214 = vector.shape_cast %add3A_210 : vector<16xf32> to vector<1x16xf32>
        tpu.vector_store %arg15[%swap3A, %swap3A_211], %swap3A_214 {strides = array<i32>} : memref<64x16xf32, #tpu.memory_space<vmem>>, vector<1x16xf32>,
        %scan3A_215 = arith.constant 0 : i32
        scf.yield %scan3A_215 : i32
      }
      %scan3A_56 = arith.constant 64 : i32
      "tpu.region"() ({
        %run_scoped3A = tpu.sem_alloc : memref<!tpu.dma_semaphore, #tpu.memory_space<semaphore_mem>>
        %dma_start3A_58 = arith.constant 0 : i32
        %dma_start3A_59 = tpu.memref_slice %arg9[%add3A_39, %dma_start3A_58] : memref<321536x16xf32, #tpu.memory_space<hbm>> -> memref<64x16xf32, #tpu.memory_space<hbm>>
        %dma_start3A_60 = arith.constant 0 : i32
        %dma_start3A_61 = tpu.memref_slice %arg9[%add3A_39, %dma_start3A_60] : memref<321536x16xf32, #tpu.memory_space<hbm>> -> memref<64x16xf32, #tpu.memory_space<hbm>>
        tpu.enqueue_dma source(%arg15 : memref<64x16xf32, #tpu.memory_space<vmem>>) target(%dma_start3A_61 : memref<64x16xf32, #tpu.memory_space<hbm>>) target_semaphore(%run_scoped3A : memref<!tpu.dma_semaphore, #tpu.memory_space<semaphore_mem>>)
        %dma_wait3A_62 = arith.constant 0 : i32
        %dma_wait3A_63 = tpu.memref_slice %arg9[%add3A_39, %dma_wait3A_62] : memref<321536x16xf32, #tpu.memory_space<hbm>> -> memref<64x16xf32, #tpu.memory_space<hbm>>
        %dma_wait3A_64 = arith.constant 0 : i32
        %dma_wait3A_65 = tpu.memref_slice %arg9[%add3A_39, %dma_wait3A_64] : memref<321536x16xf32, #tpu.memory_space<hbm>> -> memref<64x16xf32, #tpu.memory_space<hbm>>
        tpu.wait_dma2 semaphore(%run_scoped3A : memref<!tpu.dma_semaphore, #tpu.memory_space<semaphore_mem>>) src(%arg15 : memref<64x16xf32, #tpu.memory_space<vmem>>) dst(%dma_wait3A_65 : memref<64x16xf32, #tpu.memory_space<hbm>>)
        tpu.yield
      }) : () -> ()
      %scan3A_57 = arith.constant 0 : i32
      scf.yield %scan3A_57 : i32
    }
    %scan3A_34 = arith.constant 157 : i32
    return
  }
}

#map = affine_map<(d0, d1) -> (0, 0)>
#map1 = affine_map<(d0, d1) -> (0)>
module attributes {stable_mosaic.version = 14 : i64} {
  func.func @body(%arg0: i32, %arg1: i32, %arg2: memref<10240x128xf32, #tpu.memory_space<hbm>>, %arg3: memref<321536xi32, #tpu.memory_space<hbm>>, %arg4: memref<321536xi32, #tpu.memory_space<hbm>>, %arg5: memref<20480x128xf32, #tpu.memory_space<hbm>>, %arg6: memref<10240x128xf32, #tpu.memory_space<vmem_shared>>, %arg7: memref<64x128xf32, #tpu.memory_space<vmem>>, %arg8: memref<64xi32, #tpu.memory_space<vmem>>, %arg9: memref<64xi32, #tpu.memory_space<vmem>>, %arg10: memref<!tpu.dma_semaphore, #tpu.memory_space<semaphore_mem>>) attributes {dimension_semantics = [#tpu.dimension_semantics<core_parallel>, #tpu.dimension_semantics<subcore_parallel>], iteration_bounds = array<i64: 2, 16>, scalar_prefetch = 0 : i64, scratch_operands = 5 : i64, tpu.core_type = #tpu.core_type<sc_vector_subcore>, window_params = [{transform_indices = #map}, {transform_indices = #map1}, {transform_indices = #map1}, {transform_indices = #map}]} {
    %mul3A = arith.constant 16 : i32
    %mul3A_0 = arith.muli %arg0, %mul3A : i32
    %add3A = arith.addi %mul3A_0, %arg1 : i32
    %scan3A = arith.constant 0 : i32
    %scan3A_1 = arith.constant 0 : i32
    %scan3A_2 = arith.constant 64 : i32
    %scan3A_3 = arith.addi %scan3A_1, %scan3A_2 : i32
    %scan3A_4 = arith.constant 1 : i32
    %scan3A_5 = scf.for %scan3A_122 = %scan3A_1 to %scan3A_3 step %scan3A_4 iter_args(%scan3A_123 = %scan3A) -> (i32)  : i32 {
      %broadcast_in_dim3A = arith.constant 0.000000e+00 : f32
      %broadcast_in_dim3A_124 = vector.broadcast %broadcast_in_dim3A : f32 to vector<16xf32>
      %swap3A = arith.index_cast %scan3A_122 : i32 to index
      %swap3A_125 = arith.constant 0 : index
      %swap3A_126 = tpu.vector_load %arg7[%swap3A, %swap3A_125] {strides = array<i32>} : memref<64x128xf32, #tpu.memory_space<vmem>>, vector<1x16xf32>,
      %swap3A_127 = vector.shape_cast %swap3A_126 : vector<1x16xf32> to vector<16xf32>
      %swap3A_128 = vector.shape_cast %broadcast_in_dim3A_124 : vector<16xf32> to vector<1x16xf32>
      tpu.vector_store %arg7[%swap3A, %swap3A_125], %swap3A_128 {strides = array<i32>} : memref<64x128xf32, #tpu.memory_space<vmem>>, vector<1x16xf32>,
      %broadcast_in_dim3A_129 = arith.constant 0.000000e+00 : f32
      %broadcast_in_dim3A_130 = vector.broadcast %broadcast_in_dim3A_129 : f32 to vector<16xf32>
      %swap3A_131 = arith.index_cast %scan3A_122 : i32 to index
      %swap3A_132 = arith.constant 16 : index
      %swap3A_133 = tpu.vector_load %arg7[%swap3A_131, %swap3A_132] {strides = array<i32>} : memref<64x128xf32, #tpu.memory_space<vmem>>, vector<1x16xf32>,
      %swap3A_134 = vector.shape_cast %swap3A_133 : vector<1x16xf32> to vector<16xf32>
      %swap3A_135 = vector.shape_cast %broadcast_in_dim3A_130 : vector<16xf32> to vector<1x16xf32>
      tpu.vector_store %arg7[%swap3A_131, %swap3A_132], %swap3A_135 {strides = array<i32>} : memref<64x128xf32, #tpu.memory_space<vmem>>, vector<1x16xf32>,
      %broadcast_in_dim3A_136 = arith.constant 0.000000e+00 : f32
      %broadcast_in_dim3A_137 = vector.broadcast %broadcast_in_dim3A_136 : f32 to vector<16xf32>
      %swap3A_138 = arith.index_cast %scan3A_122 : i32 to index
      %swap3A_139 = arith.constant 32 : index
      %swap3A_140 = tpu.vector_load %arg7[%swap3A_138, %swap3A_139] {strides = array<i32>} : memref<64x128xf32, #tpu.memory_space<vmem>>, vector<1x16xf32>,
      %swap3A_141 = vector.shape_cast %swap3A_140 : vector<1x16xf32> to vector<16xf32>
      %swap3A_142 = vector.shape_cast %broadcast_in_dim3A_137 : vector<16xf32> to vector<1x16xf32>
      tpu.vector_store %arg7[%swap3A_138, %swap3A_139], %swap3A_142 {strides = array<i32>} : memref<64x128xf32, #tpu.memory_space<vmem>>, vector<1x16xf32>,
      %broadcast_in_dim3A_143 = arith.constant 0.000000e+00 : f32
      %broadcast_in_dim3A_144 = vector.broadcast %broadcast_in_dim3A_143 : f32 to vector<16xf32>
      %swap3A_145 = arith.index_cast %scan3A_122 : i32 to index
      %swap3A_146 = arith.constant 48 : index
      %swap3A_147 = tpu.vector_load %arg7[%swap3A_145, %swap3A_146] {strides = array<i32>} : memref<64x128xf32, #tpu.memory_space<vmem>>, vector<1x16xf32>,
      %swap3A_148 = vector.shape_cast %swap3A_147 : vector<1x16xf32> to vector<16xf32>
      %swap3A_149 = vector.shape_cast %broadcast_in_dim3A_144 : vector<16xf32> to vector<1x16xf32>
      tpu.vector_store %arg7[%swap3A_145, %swap3A_146], %swap3A_149 {strides = array<i32>} : memref<64x128xf32, #tpu.memory_space<vmem>>, vector<1x16xf32>,
      %broadcast_in_dim3A_150 = arith.constant 0.000000e+00 : f32
      %broadcast_in_dim3A_151 = vector.broadcast %broadcast_in_dim3A_150 : f32 to vector<16xf32>
      %swap3A_152 = arith.index_cast %scan3A_122 : i32 to index
      %swap3A_153 = arith.constant 64 : index
      %swap3A_154 = tpu.vector_load %arg7[%swap3A_152, %swap3A_153] {strides = array<i32>} : memref<64x128xf32, #tpu.memory_space<vmem>>, vector<1x16xf32>,
      %swap3A_155 = vector.shape_cast %swap3A_154 : vector<1x16xf32> to vector<16xf32>
      %swap3A_156 = vector.shape_cast %broadcast_in_dim3A_151 : vector<16xf32> to vector<1x16xf32>
      tpu.vector_store %arg7[%swap3A_152, %swap3A_153], %swap3A_156 {strides = array<i32>} : memref<64x128xf32, #tpu.memory_space<vmem>>, vector<1x16xf32>,
      %broadcast_in_dim3A_157 = arith.constant 0.000000e+00 : f32
      %broadcast_in_dim3A_158 = vector.broadcast %broadcast_in_dim3A_157 : f32 to vector<16xf32>
      %swap3A_159 = arith.index_cast %scan3A_122 : i32 to index
      %swap3A_160 = arith.constant 80 : index
      %swap3A_161 = tpu.vector_load %arg7[%swap3A_159, %swap3A_160] {strides = array<i32>} : memref<64x128xf32, #tpu.memory_space<vmem>>, vector<1x16xf32>,
      %swap3A_162 = vector.shape_cast %swap3A_161 : vector<1x16xf32> to vector<16xf32>
      %swap3A_163 = vector.shape_cast %broadcast_in_dim3A_158 : vector<16xf32> to vector<1x16xf32>
      tpu.vector_store %arg7[%swap3A_159, %swap3A_160], %swap3A_163 {strides = array<i32>} : memref<64x128xf32, #tpu.memory_space<vmem>>, vector<1x16xf32>,
      %broadcast_in_dim3A_164 = arith.constant 0.000000e+00 : f32
      %broadcast_in_dim3A_165 = vector.broadcast %broadcast_in_dim3A_164 : f32 to vector<16xf32>
      %swap3A_166 = arith.index_cast %scan3A_122 : i32 to index
      %swap3A_167 = arith.constant 96 : index
      %swap3A_168 = tpu.vector_load %arg7[%swap3A_166, %swap3A_167] {strides = array<i32>} : memref<64x128xf32, #tpu.memory_space<vmem>>, vector<1x16xf32>,
      %swap3A_169 = vector.shape_cast %swap3A_168 : vector<1x16xf32> to vector<16xf32>
      %swap3A_170 = vector.shape_cast %broadcast_in_dim3A_165 : vector<16xf32> to vector<1x16xf32>
      tpu.vector_store %arg7[%swap3A_166, %swap3A_167], %swap3A_170 {strides = array<i32>} : memref<64x128xf32, #tpu.memory_space<vmem>>, vector<1x16xf32>,
      %broadcast_in_dim3A_171 = arith.constant 0.000000e+00 : f32
      %broadcast_in_dim3A_172 = vector.broadcast %broadcast_in_dim3A_171 : f32 to vector<16xf32>
      %swap3A_173 = arith.index_cast %scan3A_122 : i32 to index
      %swap3A_174 = arith.constant 112 : index
      %swap3A_175 = tpu.vector_load %arg7[%swap3A_173, %swap3A_174] {strides = array<i32>} : memref<64x128xf32, #tpu.memory_space<vmem>>, vector<1x16xf32>,
      %swap3A_176 = vector.shape_cast %swap3A_175 : vector<1x16xf32> to vector<16xf32>
      %swap3A_177 = vector.shape_cast %broadcast_in_dim3A_172 : vector<16xf32> to vector<1x16xf32>
      tpu.vector_store %arg7[%swap3A_173, %swap3A_174], %swap3A_177 {strides = array<i32>} : memref<64x128xf32, #tpu.memory_space<vmem>>, vector<1x16xf32>,
      %scan3A_178 = arith.constant 0 : i32
      scf.yield %scan3A_178 : i32
    }
    %scan3A_6 = arith.constant 64 : i32
    %mul3A_7 = arith.constant 640 : i32
    %mul3A_8 = arith.muli %arg1, %mul3A_7 : i32
    %add3A_9 = arith.constant 0 : i32
    %add3A_10 = arith.addi %mul3A_8, %add3A_9 : i32
    "tpu.region"() ({
      %run_scoped3A = tpu.sem_alloc : memref<!tpu.dma_semaphore, #tpu.memory_space<semaphore_mem>>
      %dma_start3A = arith.constant 0 : i32
      %dma_start3A_122 = arith.constant 0 : i32
      %dma_start3A_123 = tpu.memref_slice %arg7[%dma_start3A, %dma_start3A_122] : memref<64x128xf32, #tpu.memory_space<vmem>> -> memref<64x128xf32, #tpu.memory_space<vmem>>
      %dma_start3A_124 = arith.constant 0 : i32
      %dma_start3A_125 = tpu.memref_slice %arg6[%add3A_10, %dma_start3A_124] : memref<10240x128xf32, #tpu.memory_space<vmem_shared>> -> memref<64x128xf32, #tpu.memory_space<vmem_shared>>
      %dma_start3A_126 = arith.constant 0 : i32
      %dma_start3A_127 = tpu.memref_slice %arg6[%add3A_10, %dma_start3A_126] : memref<10240x128xf32, #tpu.memory_space<vmem_shared>> -> memref<64x128xf32, #tpu.memory_space<vmem_shared>>
      %dma_start3A_128 = arith.constant 0 : i32
      %dma_start3A_129 = arith.constant 0 : i32
      %dma_start3A_130 = tpu.memref_slice %arg7[%dma_start3A_128, %dma_start3A_129] : memref<64x128xf32, #tpu.memory_space<vmem>> -> memref<64x128xf32, #tpu.memory_space<vmem>>
      tpu.enqueue_dma source(%dma_start3A_130 : memref<64x128xf32, #tpu.memory_space<vmem>>) target(%dma_start3A_127 : memref<64x128xf32, #tpu.memory_space<vmem_shared>>) target_semaphore(%run_scoped3A : memref<!tpu.dma_semaphore, #tpu.memory_space<semaphore_mem>>)
      %dma_wait3A = arith.constant 0 : i32
      %dma_wait3A_131 = arith.constant 0 : i32
      %dma_wait3A_132 = tpu.memref_slice %arg7[%dma_wait3A, %dma_wait3A_131] : memref<64x128xf32, #tpu.memory_space<vmem>> -> memref<64x128xf32, #tpu.memory_space<vmem>>
      %dma_wait3A_133 = arith.constant 0 : i32
      %dma_wait3A_134 = tpu.memref_slice %arg6[%add3A_10, %dma_wait3A_133] : memref<10240x128xf32, #tpu.memory_space<vmem_shared>> -> memref<64x128xf32, #tpu.memory_space<vmem_shared>>
      %dma_wait3A_135 = arith.constant 0 : i32
      %dma_wait3A_136 = tpu.memref_slice %arg6[%add3A_10, %dma_wait3A_135] : memref<10240x128xf32, #tpu.memory_space<vmem_shared>> -> memref<64x128xf32, #tpu.memory_space<vmem_shared>>
      %dma_wait3A_137 = arith.constant 0 : i32
      %dma_wait3A_138 = arith.constant 0 : i32
      %dma_wait3A_139 = tpu.memref_slice %arg7[%dma_wait3A_137, %dma_wait3A_138] : memref<64x128xf32, #tpu.memory_space<vmem>> -> memref<64x128xf32, #tpu.memory_space<vmem>>
      tpu.wait_dma2 semaphore(%run_scoped3A : memref<!tpu.dma_semaphore, #tpu.memory_space<semaphore_mem>>) src(%dma_wait3A_139 : memref<64x128xf32, #tpu.memory_space<vmem>>) dst(%dma_wait3A_136 : memref<64x128xf32, #tpu.memory_space<vmem_shared>>)
      tpu.yield
    }) : () -> ()
    %mul3A_11 = arith.constant 640 : i32
    %mul3A_12 = arith.muli %arg1, %mul3A_11 : i32
    %add3A_13 = arith.constant 64 : i32
    %add3A_14 = arith.addi %mul3A_12, %add3A_13 : i32
    "tpu.region"() ({
      %run_scoped3A = tpu.sem_alloc : memref<!tpu.dma_semaphore, #tpu.memory_space<semaphore_mem>>
      %dma_start3A = arith.constant 0 : i32
      %dma_start3A_122 = arith.constant 0 : i32
      %dma_start3A_123 = tpu.memref_slice %arg7[%dma_start3A, %dma_start3A_122] : memref<64x128xf32, #tpu.memory_space<vmem>> -> memref<64x128xf32, #tpu.memory_space<vmem>>
      %dma_start3A_124 = arith.constant 0 : i32
      %dma_start3A_125 = tpu.memref_slice %arg6[%add3A_14, %dma_start3A_124] : memref<10240x128xf32, #tpu.memory_space<vmem_shared>> -> memref<64x128xf32, #tpu.memory_space<vmem_shared>>
      %dma_start3A_126 = arith.constant 0 : i32
      %dma_start3A_127 = tpu.memref_slice %arg6[%add3A_14, %dma_start3A_126] : memref<10240x128xf32, #tpu.memory_space<vmem_shared>> -> memref<64x128xf32, #tpu.memory_space<vmem_shared>>
      %dma_start3A_128 = arith.constant 0 : i32
      %dma_start3A_129 = arith.constant 0 : i32
      %dma_start3A_130 = tpu.memref_slice %arg7[%dma_start3A_128, %dma_start3A_129] : memref<64x128xf32, #tpu.memory_space<vmem>> -> memref<64x128xf32, #tpu.memory_space<vmem>>
      tpu.enqueue_dma source(%dma_start3A_130 : memref<64x128xf32, #tpu.memory_space<vmem>>) target(%dma_start3A_127 : memref<64x128xf32, #tpu.memory_space<vmem_shared>>) target_semaphore(%run_scoped3A : memref<!tpu.dma_semaphore, #tpu.memory_space<semaphore_mem>>)
      %dma_wait3A = arith.constant 0 : i32
      %dma_wait3A_131 = arith.constant 0 : i32
      %dma_wait3A_132 = tpu.memref_slice %arg7[%dma_wait3A, %dma_wait3A_131] : memref<64x128xf32, #tpu.memory_space<vmem>> -> memref<64x128xf32, #tpu.memory_space<vmem>>
      %dma_wait3A_133 = arith.constant 0 : i32
      %dma_wait3A_134 = tpu.memref_slice %arg6[%add3A_14, %dma_wait3A_133] : memref<10240x128xf32, #tpu.memory_space<vmem_shared>> -> memref<64x128xf32, #tpu.memory_space<vmem_shared>>
      %dma_wait3A_135 = arith.constant 0 : i32
      %dma_wait3A_136 = tpu.memref_slice %arg6[%add3A_14, %dma_wait3A_135] : memref<10240x128xf32, #tpu.memory_space<vmem_shared>> -> memref<64x128xf32, #tpu.memory_space<vmem_shared>>
      %dma_wait3A_137 = arith.constant 0 : i32
      %dma_wait3A_138 = arith.constant 0 : i32
      %dma_wait3A_139 = tpu.memref_slice %arg7[%dma_wait3A_137, %dma_wait3A_138] : memref<64x128xf32, #tpu.memory_space<vmem>> -> memref<64x128xf32, #tpu.memory_space<vmem>>
      tpu.wait_dma2 semaphore(%run_scoped3A : memref<!tpu.dma_semaphore, #tpu.memory_space<semaphore_mem>>) src(%dma_wait3A_139 : memref<64x128xf32, #tpu.memory_space<vmem>>) dst(%dma_wait3A_136 : memref<64x128xf32, #tpu.memory_space<vmem_shared>>)
      tpu.yield
    }) : () -> ()
    %mul3A_15 = arith.constant 640 : i32
    %mul3A_16 = arith.muli %arg1, %mul3A_15 : i32
    %add3A_17 = arith.constant 128 : i32
    %add3A_18 = arith.addi %mul3A_16, %add3A_17 : i32
    "tpu.region"() ({
      %run_scoped3A = tpu.sem_alloc : memref<!tpu.dma_semaphore, #tpu.memory_space<semaphore_mem>>
      %dma_start3A = arith.constant 0 : i32
      %dma_start3A_122 = arith.constant 0 : i32
      %dma_start3A_123 = tpu.memref_slice %arg7[%dma_start3A, %dma_start3A_122] : memref<64x128xf32, #tpu.memory_space<vmem>> -> memref<64x128xf32, #tpu.memory_space<vmem>>
      %dma_start3A_124 = arith.constant 0 : i32
      %dma_start3A_125 = tpu.memref_slice %arg6[%add3A_18, %dma_start3A_124] : memref<10240x128xf32, #tpu.memory_space<vmem_shared>> -> memref<64x128xf32, #tpu.memory_space<vmem_shared>>
      %dma_start3A_126 = arith.constant 0 : i32
      %dma_start3A_127 = tpu.memref_slice %arg6[%add3A_18, %dma_start3A_126] : memref<10240x128xf32, #tpu.memory_space<vmem_shared>> -> memref<64x128xf32, #tpu.memory_space<vmem_shared>>
      %dma_start3A_128 = arith.constant 0 : i32
      %dma_start3A_129 = arith.constant 0 : i32
      %dma_start3A_130 = tpu.memref_slice %arg7[%dma_start3A_128, %dma_start3A_129] : memref<64x128xf32, #tpu.memory_space<vmem>> -> memref<64x128xf32, #tpu.memory_space<vmem>>
      tpu.enqueue_dma source(%dma_start3A_130 : memref<64x128xf32, #tpu.memory_space<vmem>>) target(%dma_start3A_127 : memref<64x128xf32, #tpu.memory_space<vmem_shared>>) target_semaphore(%run_scoped3A : memref<!tpu.dma_semaphore, #tpu.memory_space<semaphore_mem>>)
      %dma_wait3A = arith.constant 0 : i32
      %dma_wait3A_131 = arith.constant 0 : i32
      %dma_wait3A_132 = tpu.memref_slice %arg7[%dma_wait3A, %dma_wait3A_131] : memref<64x128xf32, #tpu.memory_space<vmem>> -> memref<64x128xf32, #tpu.memory_space<vmem>>
      %dma_wait3A_133 = arith.constant 0 : i32
      %dma_wait3A_134 = tpu.memref_slice %arg6[%add3A_18, %dma_wait3A_133] : memref<10240x128xf32, #tpu.memory_space<vmem_shared>> -> memref<64x128xf32, #tpu.memory_space<vmem_shared>>
      %dma_wait3A_135 = arith.constant 0 : i32
      %dma_wait3A_136 = tpu.memref_slice %arg6[%add3A_18, %dma_wait3A_135] : memref<10240x128xf32, #tpu.memory_space<vmem_shared>> -> memref<64x128xf32, #tpu.memory_space<vmem_shared>>
      %dma_wait3A_137 = arith.constant 0 : i32
      %dma_wait3A_138 = arith.constant 0 : i32
      %dma_wait3A_139 = tpu.memref_slice %arg7[%dma_wait3A_137, %dma_wait3A_138] : memref<64x128xf32, #tpu.memory_space<vmem>> -> memref<64x128xf32, #tpu.memory_space<vmem>>
      tpu.wait_dma2 semaphore(%run_scoped3A : memref<!tpu.dma_semaphore, #tpu.memory_space<semaphore_mem>>) src(%dma_wait3A_139 : memref<64x128xf32, #tpu.memory_space<vmem>>) dst(%dma_wait3A_136 : memref<64x128xf32, #tpu.memory_space<vmem_shared>>)
      tpu.yield
    }) : () -> ()
    %mul3A_19 = arith.constant 640 : i32
    %mul3A_20 = arith.muli %arg1, %mul3A_19 : i32
    %add3A_21 = arith.constant 192 : i32
    %add3A_22 = arith.addi %mul3A_20, %add3A_21 : i32
    "tpu.region"() ({
      %run_scoped3A = tpu.sem_alloc : memref<!tpu.dma_semaphore, #tpu.memory_space<semaphore_mem>>
      %dma_start3A = arith.constant 0 : i32
      %dma_start3A_122 = arith.constant 0 : i32
      %dma_start3A_123 = tpu.memref_slice %arg7[%dma_start3A, %dma_start3A_122] : memref<64x128xf32, #tpu.memory_space<vmem>> -> memref<64x128xf32, #tpu.memory_space<vmem>>
      %dma_start3A_124 = arith.constant 0 : i32
      %dma_start3A_125 = tpu.memref_slice %arg6[%add3A_22, %dma_start3A_124] : memref<10240x128xf32, #tpu.memory_space<vmem_shared>> -> memref<64x128xf32, #tpu.memory_space<vmem_shared>>
      %dma_start3A_126 = arith.constant 0 : i32
      %dma_start3A_127 = tpu.memref_slice %arg6[%add3A_22, %dma_start3A_126] : memref<10240x128xf32, #tpu.memory_space<vmem_shared>> -> memref<64x128xf32, #tpu.memory_space<vmem_shared>>
      %dma_start3A_128 = arith.constant 0 : i32
      %dma_start3A_129 = arith.constant 0 : i32
      %dma_start3A_130 = tpu.memref_slice %arg7[%dma_start3A_128, %dma_start3A_129] : memref<64x128xf32, #tpu.memory_space<vmem>> -> memref<64x128xf32, #tpu.memory_space<vmem>>
      tpu.enqueue_dma source(%dma_start3A_130 : memref<64x128xf32, #tpu.memory_space<vmem>>) target(%dma_start3A_127 : memref<64x128xf32, #tpu.memory_space<vmem_shared>>) target_semaphore(%run_scoped3A : memref<!tpu.dma_semaphore, #tpu.memory_space<semaphore_mem>>)
      %dma_wait3A = arith.constant 0 : i32
      %dma_wait3A_131 = arith.constant 0 : i32
      %dma_wait3A_132 = tpu.memref_slice %arg7[%dma_wait3A, %dma_wait3A_131] : memref<64x128xf32, #tpu.memory_space<vmem>> -> memref<64x128xf32, #tpu.memory_space<vmem>>
      %dma_wait3A_133 = arith.constant 0 : i32
      %dma_wait3A_134 = tpu.memref_slice %arg6[%add3A_22, %dma_wait3A_133] : memref<10240x128xf32, #tpu.memory_space<vmem_shared>> -> memref<64x128xf32, #tpu.memory_space<vmem_shared>>
      %dma_wait3A_135 = arith.constant 0 : i32
      %dma_wait3A_136 = tpu.memref_slice %arg6[%add3A_22, %dma_wait3A_135] : memref<10240x128xf32, #tpu.memory_space<vmem_shared>> -> memref<64x128xf32, #tpu.memory_space<vmem_shared>>
      %dma_wait3A_137 = arith.constant 0 : i32
      %dma_wait3A_138 = arith.constant 0 : i32
      %dma_wait3A_139 = tpu.memref_slice %arg7[%dma_wait3A_137, %dma_wait3A_138] : memref<64x128xf32, #tpu.memory_space<vmem>> -> memref<64x128xf32, #tpu.memory_space<vmem>>
      tpu.wait_dma2 semaphore(%run_scoped3A : memref<!tpu.dma_semaphore, #tpu.memory_space<semaphore_mem>>) src(%dma_wait3A_139 : memref<64x128xf32, #tpu.memory_space<vmem>>) dst(%dma_wait3A_136 : memref<64x128xf32, #tpu.memory_space<vmem_shared>>)
      tpu.yield
    }) : () -> ()
    %mul3A_23 = arith.constant 640 : i32
    %mul3A_24 = arith.muli %arg1, %mul3A_23 : i32
    %add3A_25 = arith.constant 256 : i32
    %add3A_26 = arith.addi %mul3A_24, %add3A_25 : i32
    "tpu.region"() ({
      %run_scoped3A = tpu.sem_alloc : memref<!tpu.dma_semaphore, #tpu.memory_space<semaphore_mem>>
      %dma_start3A = arith.constant 0 : i32
      %dma_start3A_122 = arith.constant 0 : i32
      %dma_start3A_123 = tpu.memref_slice %arg7[%dma_start3A, %dma_start3A_122] : memref<64x128xf32, #tpu.memory_space<vmem>> -> memref<64x128xf32, #tpu.memory_space<vmem>>
      %dma_start3A_124 = arith.constant 0 : i32
      %dma_start3A_125 = tpu.memref_slice %arg6[%add3A_26, %dma_start3A_124] : memref<10240x128xf32, #tpu.memory_space<vmem_shared>> -> memref<64x128xf32, #tpu.memory_space<vmem_shared>>
      %dma_start3A_126 = arith.constant 0 : i32
      %dma_start3A_127 = tpu.memref_slice %arg6[%add3A_26, %dma_start3A_126] : memref<10240x128xf32, #tpu.memory_space<vmem_shared>> -> memref<64x128xf32, #tpu.memory_space<vmem_shared>>
      %dma_start3A_128 = arith.constant 0 : i32
      %dma_start3A_129 = arith.constant 0 : i32
      %dma_start3A_130 = tpu.memref_slice %arg7[%dma_start3A_128, %dma_start3A_129] : memref<64x128xf32, #tpu.memory_space<vmem>> -> memref<64x128xf32, #tpu.memory_space<vmem>>
      tpu.enqueue_dma source(%dma_start3A_130 : memref<64x128xf32, #tpu.memory_space<vmem>>) target(%dma_start3A_127 : memref<64x128xf32, #tpu.memory_space<vmem_shared>>) target_semaphore(%run_scoped3A : memref<!tpu.dma_semaphore, #tpu.memory_space<semaphore_mem>>)
      %dma_wait3A = arith.constant 0 : i32
      %dma_wait3A_131 = arith.constant 0 : i32
      %dma_wait3A_132 = tpu.memref_slice %arg7[%dma_wait3A, %dma_wait3A_131] : memref<64x128xf32, #tpu.memory_space<vmem>> -> memref<64x128xf32, #tpu.memory_space<vmem>>
      %dma_wait3A_133 = arith.constant 0 : i32
      %dma_wait3A_134 = tpu.memref_slice %arg6[%add3A_26, %dma_wait3A_133] : memref<10240x128xf32, #tpu.memory_space<vmem_shared>> -> memref<64x128xf32, #tpu.memory_space<vmem_shared>>
      %dma_wait3A_135 = arith.constant 0 : i32
      %dma_wait3A_136 = tpu.memref_slice %arg6[%add3A_26, %dma_wait3A_135] : memref<10240x128xf32, #tpu.memory_space<vmem_shared>> -> memref<64x128xf32, #tpu.memory_space<vmem_shared>>
      %dma_wait3A_137 = arith.constant 0 : i32
      %dma_wait3A_138 = arith.constant 0 : i32
      %dma_wait3A_139 = tpu.memref_slice %arg7[%dma_wait3A_137, %dma_wait3A_138] : memref<64x128xf32, #tpu.memory_space<vmem>> -> memref<64x128xf32, #tpu.memory_space<vmem>>
      tpu.wait_dma2 semaphore(%run_scoped3A : memref<!tpu.dma_semaphore, #tpu.memory_space<semaphore_mem>>) src(%dma_wait3A_139 : memref<64x128xf32, #tpu.memory_space<vmem>>) dst(%dma_wait3A_136 : memref<64x128xf32, #tpu.memory_space<vmem_shared>>)
      tpu.yield
    }) : () -> ()
    %mul3A_27 = arith.constant 640 : i32
    %mul3A_28 = arith.muli %arg1, %mul3A_27 : i32
    %add3A_29 = arith.constant 320 : i32
    %add3A_30 = arith.addi %mul3A_28, %add3A_29 : i32
    "tpu.region"() ({
      %run_scoped3A = tpu.sem_alloc : memref<!tpu.dma_semaphore, #tpu.memory_space<semaphore_mem>>
      %dma_start3A = arith.constant 0 : i32
      %dma_start3A_122 = arith.constant 0 : i32
      %dma_start3A_123 = tpu.memref_slice %arg7[%dma_start3A, %dma_start3A_122] : memref<64x128xf32, #tpu.memory_space<vmem>> -> memref<64x128xf32, #tpu.memory_space<vmem>>
      %dma_start3A_124 = arith.constant 0 : i32
      %dma_start3A_125 = tpu.memref_slice %arg6[%add3A_30, %dma_start3A_124] : memref<10240x128xf32, #tpu.memory_space<vmem_shared>> -> memref<64x128xf32, #tpu.memory_space<vmem_shared>>
      %dma_start3A_126 = arith.constant 0 : i32
      %dma_start3A_127 = tpu.memref_slice %arg6[%add3A_30, %dma_start3A_126] : memref<10240x128xf32, #tpu.memory_space<vmem_shared>> -> memref<64x128xf32, #tpu.memory_space<vmem_shared>>
      %dma_start3A_128 = arith.constant 0 : i32
      %dma_start3A_129 = arith.constant 0 : i32
      %dma_start3A_130 = tpu.memref_slice %arg7[%dma_start3A_128, %dma_start3A_129] : memref<64x128xf32, #tpu.memory_space<vmem>> -> memref<64x128xf32, #tpu.memory_space<vmem>>
      tpu.enqueue_dma source(%dma_start3A_130 : memref<64x128xf32, #tpu.memory_space<vmem>>) target(%dma_start3A_127 : memref<64x128xf32, #tpu.memory_space<vmem_shared>>) target_semaphore(%run_scoped3A : memref<!tpu.dma_semaphore, #tpu.memory_space<semaphore_mem>>)
      %dma_wait3A = arith.constant 0 : i32
      %dma_wait3A_131 = arith.constant 0 : i32
      %dma_wait3A_132 = tpu.memref_slice %arg7[%dma_wait3A, %dma_wait3A_131] : memref<64x128xf32, #tpu.memory_space<vmem>> -> memref<64x128xf32, #tpu.memory_space<vmem>>
      %dma_wait3A_133 = arith.constant 0 : i32
      %dma_wait3A_134 = tpu.memref_slice %arg6[%add3A_30, %dma_wait3A_133] : memref<10240x128xf32, #tpu.memory_space<vmem_shared>> -> memref<64x128xf32, #tpu.memory_space<vmem_shared>>
      %dma_wait3A_135 = arith.constant 0 : i32
      %dma_wait3A_136 = tpu.memref_slice %arg6[%add3A_30, %dma_wait3A_135] : memref<10240x128xf32, #tpu.memory_space<vmem_shared>> -> memref<64x128xf32, #tpu.memory_space<vmem_shared>>
      %dma_wait3A_137 = arith.constant 0 : i32
      %dma_wait3A_138 = arith.constant 0 : i32
      %dma_wait3A_139 = tpu.memref_slice %arg7[%dma_wait3A_137, %dma_wait3A_138] : memref<64x128xf32, #tpu.memory_space<vmem>> -> memref<64x128xf32, #tpu.memory_space<vmem>>
      tpu.wait_dma2 semaphore(%run_scoped3A : memref<!tpu.dma_semaphore, #tpu.memory_space<semaphore_mem>>) src(%dma_wait3A_139 : memref<64x128xf32, #tpu.memory_space<vmem>>) dst(%dma_wait3A_136 : memref<64x128xf32, #tpu.memory_space<vmem_shared>>)
      tpu.yield
    }) : () -> ()
    %mul3A_31 = arith.constant 640 : i32
    %mul3A_32 = arith.muli %arg1, %mul3A_31 : i32
    %add3A_33 = arith.constant 384 : i32
    %add3A_34 = arith.addi %mul3A_32, %add3A_33 : i32
    "tpu.region"() ({
      %run_scoped3A = tpu.sem_alloc : memref<!tpu.dma_semaphore, #tpu.memory_space<semaphore_mem>>
      %dma_start3A = arith.constant 0 : i32
      %dma_start3A_122 = arith.constant 0 : i32
      %dma_start3A_123 = tpu.memref_slice %arg7[%dma_start3A, %dma_start3A_122] : memref<64x128xf32, #tpu.memory_space<vmem>> -> memref<64x128xf32, #tpu.memory_space<vmem>>
      %dma_start3A_124 = arith.constant 0 : i32
      %dma_start3A_125 = tpu.memref_slice %arg6[%add3A_34, %dma_start3A_124] : memref<10240x128xf32, #tpu.memory_space<vmem_shared>> -> memref<64x128xf32, #tpu.memory_space<vmem_shared>>
      %dma_start3A_126 = arith.constant 0 : i32
      %dma_start3A_127 = tpu.memref_slice %arg6[%add3A_34, %dma_start3A_126] : memref<10240x128xf32, #tpu.memory_space<vmem_shared>> -> memref<64x128xf32, #tpu.memory_space<vmem_shared>>
      %dma_start3A_128 = arith.constant 0 : i32
      %dma_start3A_129 = arith.constant 0 : i32
      %dma_start3A_130 = tpu.memref_slice %arg7[%dma_start3A_128, %dma_start3A_129] : memref<64x128xf32, #tpu.memory_space<vmem>> -> memref<64x128xf32, #tpu.memory_space<vmem>>
      tpu.enqueue_dma source(%dma_start3A_130 : memref<64x128xf32, #tpu.memory_space<vmem>>) target(%dma_start3A_127 : memref<64x128xf32, #tpu.memory_space<vmem_shared>>) target_semaphore(%run_scoped3A : memref<!tpu.dma_semaphore, #tpu.memory_space<semaphore_mem>>)
      %dma_wait3A = arith.constant 0 : i32
      %dma_wait3A_131 = arith.constant 0 : i32
      %dma_wait3A_132 = tpu.memref_slice %arg7[%dma_wait3A, %dma_wait3A_131] : memref<64x128xf32, #tpu.memory_space<vmem>> -> memref<64x128xf32, #tpu.memory_space<vmem>>
      %dma_wait3A_133 = arith.constant 0 : i32
      %dma_wait3A_134 = tpu.memref_slice %arg6[%add3A_34, %dma_wait3A_133] : memref<10240x128xf32, #tpu.memory_space<vmem_shared>> -> memref<64x128xf32, #tpu.memory_space<vmem_shared>>
      %dma_wait3A_135 = arith.constant 0 : i32
      %dma_wait3A_136 = tpu.memref_slice %arg6[%add3A_34, %dma_wait3A_135] : memref<10240x128xf32, #tpu.memory_space<vmem_shared>> -> memref<64x128xf32, #tpu.memory_space<vmem_shared>>
      %dma_wait3A_137 = arith.constant 0 : i32
      %dma_wait3A_138 = arith.constant 0 : i32
      %dma_wait3A_139 = tpu.memref_slice %arg7[%dma_wait3A_137, %dma_wait3A_138] : memref<64x128xf32, #tpu.memory_space<vmem>> -> memref<64x128xf32, #tpu.memory_space<vmem>>
      tpu.wait_dma2 semaphore(%run_scoped3A : memref<!tpu.dma_semaphore, #tpu.memory_space<semaphore_mem>>) src(%dma_wait3A_139 : memref<64x128xf32, #tpu.memory_space<vmem>>) dst(%dma_wait3A_136 : memref<64x128xf32, #tpu.memory_space<vmem_shared>>)
      tpu.yield
    }) : () -> ()
    %mul3A_35 = arith.constant 640 : i32
    %mul3A_36 = arith.muli %arg1, %mul3A_35 : i32
    %add3A_37 = arith.constant 448 : i32
    %add3A_38 = arith.addi %mul3A_36, %add3A_37 : i32
    "tpu.region"() ({
      %run_scoped3A = tpu.sem_alloc : memref<!tpu.dma_semaphore, #tpu.memory_space<semaphore_mem>>
      %dma_start3A = arith.constant 0 : i32
      %dma_start3A_122 = arith.constant 0 : i32
      %dma_start3A_123 = tpu.memref_slice %arg7[%dma_start3A, %dma_start3A_122] : memref<64x128xf32, #tpu.memory_space<vmem>> -> memref<64x128xf32, #tpu.memory_space<vmem>>
      %dma_start3A_124 = arith.constant 0 : i32
      %dma_start3A_125 = tpu.memref_slice %arg6[%add3A_38, %dma_start3A_124] : memref<10240x128xf32, #tpu.memory_space<vmem_shared>> -> memref<64x128xf32, #tpu.memory_space<vmem_shared>>
      %dma_start3A_126 = arith.constant 0 : i32
      %dma_start3A_127 = tpu.memref_slice %arg6[%add3A_38, %dma_start3A_126] : memref<10240x128xf32, #tpu.memory_space<vmem_shared>> -> memref<64x128xf32, #tpu.memory_space<vmem_shared>>
      %dma_start3A_128 = arith.constant 0 : i32
      %dma_start3A_129 = arith.constant 0 : i32
      %dma_start3A_130 = tpu.memref_slice %arg7[%dma_start3A_128, %dma_start3A_129] : memref<64x128xf32, #tpu.memory_space<vmem>> -> memref<64x128xf32, #tpu.memory_space<vmem>>
      tpu.enqueue_dma source(%dma_start3A_130 : memref<64x128xf32, #tpu.memory_space<vmem>>) target(%dma_start3A_127 : memref<64x128xf32, #tpu.memory_space<vmem_shared>>) target_semaphore(%run_scoped3A : memref<!tpu.dma_semaphore, #tpu.memory_space<semaphore_mem>>)
      %dma_wait3A = arith.constant 0 : i32
      %dma_wait3A_131 = arith.constant 0 : i32
      %dma_wait3A_132 = tpu.memref_slice %arg7[%dma_wait3A, %dma_wait3A_131] : memref<64x128xf32, #tpu.memory_space<vmem>> -> memref<64x128xf32, #tpu.memory_space<vmem>>
      %dma_wait3A_133 = arith.constant 0 : i32
      %dma_wait3A_134 = tpu.memref_slice %arg6[%add3A_38, %dma_wait3A_133] : memref<10240x128xf32, #tpu.memory_space<vmem_shared>> -> memref<64x128xf32, #tpu.memory_space<vmem_shared>>
      %dma_wait3A_135 = arith.constant 0 : i32
      %dma_wait3A_136 = tpu.memref_slice %arg6[%add3A_38, %dma_wait3A_135] : memref<10240x128xf32, #tpu.memory_space<vmem_shared>> -> memref<64x128xf32, #tpu.memory_space<vmem_shared>>
      %dma_wait3A_137 = arith.constant 0 : i32
      %dma_wait3A_138 = arith.constant 0 : i32
      %dma_wait3A_139 = tpu.memref_slice %arg7[%dma_wait3A_137, %dma_wait3A_138] : memref<64x128xf32, #tpu.memory_space<vmem>> -> memref<64x128xf32, #tpu.memory_space<vmem>>
      tpu.wait_dma2 semaphore(%run_scoped3A : memref<!tpu.dma_semaphore, #tpu.memory_space<semaphore_mem>>) src(%dma_wait3A_139 : memref<64x128xf32, #tpu.memory_space<vmem>>) dst(%dma_wait3A_136 : memref<64x128xf32, #tpu.memory_space<vmem_shared>>)
      tpu.yield
    }) : () -> ()
    %mul3A_39 = arith.constant 640 : i32
    %mul3A_40 = arith.muli %arg1, %mul3A_39 : i32
    %add3A_41 = arith.constant 512 : i32
    %add3A_42 = arith.addi %mul3A_40, %add3A_41 : i32
    "tpu.region"() ({
      %run_scoped3A = tpu.sem_alloc : memref<!tpu.dma_semaphore, #tpu.memory_space<semaphore_mem>>
      %dma_start3A = arith.constant 0 : i32
      %dma_start3A_122 = arith.constant 0 : i32
      %dma_start3A_123 = tpu.memref_slice %arg7[%dma_start3A, %dma_start3A_122] : memref<64x128xf32, #tpu.memory_space<vmem>> -> memref<64x128xf32, #tpu.memory_space<vmem>>
      %dma_start3A_124 = arith.constant 0 : i32
      %dma_start3A_125 = tpu.memref_slice %arg6[%add3A_42, %dma_start3A_124] : memref<10240x128xf32, #tpu.memory_space<vmem_shared>> -> memref<64x128xf32, #tpu.memory_space<vmem_shared>>
      %dma_start3A_126 = arith.constant 0 : i32
      %dma_start3A_127 = tpu.memref_slice %arg6[%add3A_42, %dma_start3A_126] : memref<10240x128xf32, #tpu.memory_space<vmem_shared>> -> memref<64x128xf32, #tpu.memory_space<vmem_shared>>
      %dma_start3A_128 = arith.constant 0 : i32
      %dma_start3A_129 = arith.constant 0 : i32
      %dma_start3A_130 = tpu.memref_slice %arg7[%dma_start3A_128, %dma_start3A_129] : memref<64x128xf32, #tpu.memory_space<vmem>> -> memref<64x128xf32, #tpu.memory_space<vmem>>
      tpu.enqueue_dma source(%dma_start3A_130 : memref<64x128xf32, #tpu.memory_space<vmem>>) target(%dma_start3A_127 : memref<64x128xf32, #tpu.memory_space<vmem_shared>>) target_semaphore(%run_scoped3A : memref<!tpu.dma_semaphore, #tpu.memory_space<semaphore_mem>>)
      %dma_wait3A = arith.constant 0 : i32
      %dma_wait3A_131 = arith.constant 0 : i32
      %dma_wait3A_132 = tpu.memref_slice %arg7[%dma_wait3A, %dma_wait3A_131] : memref<64x128xf32, #tpu.memory_space<vmem>> -> memref<64x128xf32, #tpu.memory_space<vmem>>
      %dma_wait3A_133 = arith.constant 0 : i32
      %dma_wait3A_134 = tpu.memref_slice %arg6[%add3A_42, %dma_wait3A_133] : memref<10240x128xf32, #tpu.memory_space<vmem_shared>> -> memref<64x128xf32, #tpu.memory_space<vmem_shared>>
      %dma_wait3A_135 = arith.constant 0 : i32
      %dma_wait3A_136 = tpu.memref_slice %arg6[%add3A_42, %dma_wait3A_135] : memref<10240x128xf32, #tpu.memory_space<vmem_shared>> -> memref<64x128xf32, #tpu.memory_space<vmem_shared>>
      %dma_wait3A_137 = arith.constant 0 : i32
      %dma_wait3A_138 = arith.constant 0 : i32
      %dma_wait3A_139 = tpu.memref_slice %arg7[%dma_wait3A_137, %dma_wait3A_138] : memref<64x128xf32, #tpu.memory_space<vmem>> -> memref<64x128xf32, #tpu.memory_space<vmem>>
      tpu.wait_dma2 semaphore(%run_scoped3A : memref<!tpu.dma_semaphore, #tpu.memory_space<semaphore_mem>>) src(%dma_wait3A_139 : memref<64x128xf32, #tpu.memory_space<vmem>>) dst(%dma_wait3A_136 : memref<64x128xf32, #tpu.memory_space<vmem_shared>>)
      tpu.yield
    }) : () -> ()
    %mul3A_43 = arith.constant 640 : i32
    %mul3A_44 = arith.muli %arg1, %mul3A_43 : i32
    %add3A_45 = arith.constant 576 : i32
    %add3A_46 = arith.addi %mul3A_44, %add3A_45 : i32
    "tpu.region"() ({
      %run_scoped3A = tpu.sem_alloc : memref<!tpu.dma_semaphore, #tpu.memory_space<semaphore_mem>>
      %dma_start3A = arith.constant 0 : i32
      %dma_start3A_122 = arith.constant 0 : i32
      %dma_start3A_123 = tpu.memref_slice %arg7[%dma_start3A, %dma_start3A_122] : memref<64x128xf32, #tpu.memory_space<vmem>> -> memref<64x128xf32, #tpu.memory_space<vmem>>
      %dma_start3A_124 = arith.constant 0 : i32
      %dma_start3A_125 = tpu.memref_slice %arg6[%add3A_46, %dma_start3A_124] : memref<10240x128xf32, #tpu.memory_space<vmem_shared>> -> memref<64x128xf32, #tpu.memory_space<vmem_shared>>
      %dma_start3A_126 = arith.constant 0 : i32
      %dma_start3A_127 = tpu.memref_slice %arg6[%add3A_46, %dma_start3A_126] : memref<10240x128xf32, #tpu.memory_space<vmem_shared>> -> memref<64x128xf32, #tpu.memory_space<vmem_shared>>
      %dma_start3A_128 = arith.constant 0 : i32
      %dma_start3A_129 = arith.constant 0 : i32
      %dma_start3A_130 = tpu.memref_slice %arg7[%dma_start3A_128, %dma_start3A_129] : memref<64x128xf32, #tpu.memory_space<vmem>> -> memref<64x128xf32, #tpu.memory_space<vmem>>
      tpu.enqueue_dma source(%dma_start3A_130 : memref<64x128xf32, #tpu.memory_space<vmem>>) target(%dma_start3A_127 : memref<64x128xf32, #tpu.memory_space<vmem_shared>>) target_semaphore(%run_scoped3A : memref<!tpu.dma_semaphore, #tpu.memory_space<semaphore_mem>>)
      %dma_wait3A = arith.constant 0 : i32
      %dma_wait3A_131 = arith.constant 0 : i32
      %dma_wait3A_132 = tpu.memref_slice %arg7[%dma_wait3A, %dma_wait3A_131] : memref<64x128xf32, #tpu.memory_space<vmem>> -> memref<64x128xf32, #tpu.memory_space<vmem>>
      %dma_wait3A_133 = arith.constant 0 : i32
      %dma_wait3A_134 = tpu.memref_slice %arg6[%add3A_46, %dma_wait3A_133] : memref<10240x128xf32, #tpu.memory_space<vmem_shared>> -> memref<64x128xf32, #tpu.memory_space<vmem_shared>>
      %dma_wait3A_135 = arith.constant 0 : i32
      %dma_wait3A_136 = tpu.memref_slice %arg6[%add3A_46, %dma_wait3A_135] : memref<10240x128xf32, #tpu.memory_space<vmem_shared>> -> memref<64x128xf32, #tpu.memory_space<vmem_shared>>
      %dma_wait3A_137 = arith.constant 0 : i32
      %dma_wait3A_138 = arith.constant 0 : i32
      %dma_wait3A_139 = tpu.memref_slice %arg7[%dma_wait3A_137, %dma_wait3A_138] : memref<64x128xf32, #tpu.memory_space<vmem>> -> memref<64x128xf32, #tpu.memory_space<vmem>>
      tpu.wait_dma2 semaphore(%run_scoped3A : memref<!tpu.dma_semaphore, #tpu.memory_space<semaphore_mem>>) src(%dma_wait3A_139 : memref<64x128xf32, #tpu.memory_space<vmem>>) dst(%dma_wait3A_136 : memref<64x128xf32, #tpu.memory_space<vmem_shared>>)
      tpu.yield
    }) : () -> ()
    %barrier3A = arith.constant 0 : index
    tpu.barrier barrier_id(%barrier3A)
    %mul3A_47 = arith.constant 10048 : i32
    %mul3A_48 = arith.muli %add3A, %mul3A_47 : i32
    %scan3A_49 = arith.constant 0 : i32
    %scan3A_50 = arith.constant 0 : i32
    %scan3A_51 = arith.constant 157 : i32
    %scan3A_52 = arith.addi %scan3A_50, %scan3A_51 : i32
    %scan3A_53 = arith.constant 1 : i32
    %scan3A_54 = scf.for %scan3A_122 = %scan3A_50 to %scan3A_52 step %scan3A_53 iter_args(%scan3A_123 = %scan3A_49) -> (i32)  : i32 {
      %mul3A_124 = arith.constant 64 : i32
      %mul3A_125 = arith.muli %scan3A_122, %mul3A_124 : i32
      %add3A_126 = arith.addi %mul3A_48, %mul3A_125 : i32
      "tpu.region"() ({
        %run_scoped3A = tpu.sem_alloc : memref<!tpu.dma_semaphore, #tpu.memory_space<semaphore_mem>>
        %dma_start3A_132 = tpu.memref_slice %arg3[%add3A_126] : memref<321536xi32, #tpu.memory_space<hbm>> -> memref<64xi32, #tpu.memory_space<hbm>>
        %dma_start3A_133 = tpu.memref_slice %arg3[%add3A_126] : memref<321536xi32, #tpu.memory_space<hbm>> -> memref<64xi32, #tpu.memory_space<hbm>>
        tpu.enqueue_dma source(%dma_start3A_133 : memref<64xi32, #tpu.memory_space<hbm>>) target(%arg8 : memref<64xi32, #tpu.memory_space<vmem>>) target_semaphore(%run_scoped3A : memref<!tpu.dma_semaphore, #tpu.memory_space<semaphore_mem>>)
        %dma_wait3A_134 = tpu.memref_slice %arg3[%add3A_126] : memref<321536xi32, #tpu.memory_space<hbm>> -> memref<64xi32, #tpu.memory_space<hbm>>
        %dma_wait3A_135 = tpu.memref_slice %arg3[%add3A_126] : memref<321536xi32, #tpu.memory_space<hbm>> -> memref<64xi32, #tpu.memory_space<hbm>>
        tpu.wait_dma2 semaphore(%run_scoped3A : memref<!tpu.dma_semaphore, #tpu.memory_space<semaphore_mem>>) src(%dma_wait3A_135 : memref<64xi32, #tpu.memory_space<hbm>>) dst(%arg8 : memref<64xi32, #tpu.memory_space<vmem>>)
        tpu.yield
      }) : () -> ()
      "tpu.region"() ({
        %run_scoped3A = tpu.sem_alloc : memref<!tpu.dma_semaphore, #tpu.memory_space<semaphore_mem>>
        %dma_start3A_132 = tpu.memref_slice %arg4[%add3A_126] : memref<321536xi32, #tpu.memory_space<hbm>> -> memref<64xi32, #tpu.memory_space<hbm>>
        %dma_start3A_133 = tpu.memref_slice %arg4[%add3A_126] : memref<321536xi32, #tpu.memory_space<hbm>> -> memref<64xi32, #tpu.memory_space<hbm>>
        tpu.enqueue_dma source(%dma_start3A_133 : memref<64xi32, #tpu.memory_space<hbm>>) target(%arg9 : memref<64xi32, #tpu.memory_space<vmem>>) target_semaphore(%run_scoped3A : memref<!tpu.dma_semaphore, #tpu.memory_space<semaphore_mem>>)
        %dma_wait3A_134 = tpu.memref_slice %arg4[%add3A_126] : memref<321536xi32, #tpu.memory_space<hbm>> -> memref<64xi32, #tpu.memory_space<hbm>>
        %dma_wait3A_135 = tpu.memref_slice %arg4[%add3A_126] : memref<321536xi32, #tpu.memory_space<hbm>> -> memref<64xi32, #tpu.memory_space<hbm>>
        tpu.wait_dma2 semaphore(%run_scoped3A : memref<!tpu.dma_semaphore, #tpu.memory_space<semaphore_mem>>) src(%dma_wait3A_135 : memref<64xi32, #tpu.memory_space<hbm>>) dst(%arg9 : memref<64xi32, #tpu.memory_space<vmem>>)
        tpu.yield
      }) : () -> ()
      %dma_start3A = arith.constant 0 : i32
      %dma_start3A_127 = arith.constant 0 : i32
      %dma_start3A_128 = tpu.memref_slice %arg2[%dma_start3A, %dma_start3A_127] : memref<10240x128xf32, #tpu.memory_space<hbm>> -> memref<10240x128xf32, #tpu.memory_space<hbm>>
      tpu.enqueue_indirect_dma source(%dma_start3A_128 : memref<10240x128xf32, #tpu.memory_space<hbm>>) target(%arg7 : memref<64x128xf32, #tpu.memory_space<vmem>>) offsets(%arg8 : memref<64xi32, #tpu.memory_space<vmem>>) semaphore(%arg10 : memref<!tpu.dma_semaphore, #tpu.memory_space<semaphore_mem>>)
      %dma_wait3A = arith.constant 0 : i32
      %dma_wait3A_129 = arith.constant 0 : i32
      %dma_wait3A_130 = tpu.memref_slice %arg2[%dma_wait3A, %dma_wait3A_129] : memref<10240x128xf32, #tpu.memory_space<hbm>> -> memref<10240x128xf32, #tpu.memory_space<hbm>>
      tpu.wait_indirect_dma semaphore(%arg10 : memref<!tpu.dma_semaphore, #tpu.memory_space<semaphore_mem>>) src(%dma_wait3A_130 : memref<10240x128xf32, #tpu.memory_space<hbm>>) dst(%arg7 : memref<64x128xf32, #tpu.memory_space<vmem>>)
      "tpu.region"() ({
        %run_scoped3A = tpu.sem_alloc : memref<!tpu.dma_semaphore, #tpu.memory_space<semaphore_mem>>
        %dma_start3A_132 = arith.constant 0 : i32
        %dma_start3A_133 = arith.constant 0 : i32
        %dma_start3A_134 = tpu.memref_slice %arg6[%dma_start3A_132, %dma_start3A_133] : memref<10240x128xf32, #tpu.memory_space<vmem_shared>> -> memref<10240x128xf32, #tpu.memory_space<vmem_shared>>
        tpu.enqueue_indirect_dma source(%arg7 : memref<64x128xf32, #tpu.memory_space<vmem>>) target(%dma_start3A_134 : memref<10240x128xf32, #tpu.memory_space<vmem_shared>>) offsets(%arg9 : memref<64xi32, #tpu.memory_space<vmem>>) semaphore(%run_scoped3A : memref<!tpu.dma_semaphore, #tpu.memory_space<semaphore_mem>>) {add = true}
        %dma_wait3A_135 = arith.constant 0 : i32
        %dma_wait3A_136 = arith.constant 0 : i32
        %dma_wait3A_137 = tpu.memref_slice %arg6[%dma_wait3A_135, %dma_wait3A_136] : memref<10240x128xf32, #tpu.memory_space<vmem_shared>> -> memref<10240x128xf32, #tpu.memory_space<vmem_shared>>
        tpu.wait_indirect_dma semaphore(%run_scoped3A : memref<!tpu.dma_semaphore, #tpu.memory_space<semaphore_mem>>) src(%arg7 : memref<64x128xf32, #tpu.memory_space<vmem>>) dst(%dma_wait3A_137 : memref<10240x128xf32, #tpu.memory_space<vmem_shared>>)
        tpu.yield
      }) : () -> ()
      %scan3A_131 = arith.constant 0 : i32
      scf.yield %scan3A_131 : i32
    }
    %scan3A_55 = arith.constant 157 : i32
    %barrier3A_56 = arith.constant 0 : index
    tpu.barrier barrier_id(%barrier3A_56)
    %mul3A_57 = arith.constant 10240 : i32
    %mul3A_58 = arith.muli %arg0, %mul3A_57 : i32
    %mul3A_59 = arith.constant 640 : i32
    %mul3A_60 = arith.muli %arg1, %mul3A_59 : i32
    %add3A_61 = arith.addi %mul3A_58, %mul3A_60 : i32
    %mul3A_62 = arith.constant 640 : i32
    %mul3A_63 = arith.muli %arg1, %mul3A_62 : i32
    %add3A_64 = arith.constant 0 : i32
    %add3A_65 = arith.addi %mul3A_63, %add3A_64 : i32
    %add3A_66 = arith.constant 0 : i32
    %add3A_67 = arith.addi %add3A_61, %add3A_66 : i32
    "tpu.region"() ({
      %run_scoped3A = tpu.sem_alloc : memref<!tpu.dma_semaphore, #tpu.memory_space<semaphore_mem>>
      %dma_start3A = arith.constant 0 : i32
      %dma_start3A_122 = tpu.memref_slice %arg5[%add3A_67, %dma_start3A] : memref<20480x128xf32, #tpu.memory_space<hbm>> -> memref<64x128xf32, #tpu.memory_space<hbm>>
      %dma_start3A_123 = arith.constant 0 : i32
      %dma_start3A_124 = tpu.memref_slice %arg6[%add3A_65, %dma_start3A_123] : memref<10240x128xf32, #tpu.memory_space<vmem_shared>> -> memref<64x128xf32, #tpu.memory_space<vmem_shared>>
      tpu.enqueue_dma source(%dma_start3A_124 : memref<64x128xf32, #tpu.memory_space<vmem_shared>>) target(%dma_start3A_122 : memref<64x128xf32, #tpu.memory_space<hbm>>) target_semaphore(%run_scoped3A : memref<!tpu.dma_semaphore, #tpu.memory_space<semaphore_mem>>)
      %dma_wait3A = arith.constant 0 : i32
      %dma_wait3A_125 = tpu.memref_slice %arg5[%add3A_67, %dma_wait3A] : memref<20480x128xf32, #tpu.memory_space<hbm>> -> memref<64x128xf32, #tpu.memory_space<hbm>>
      %dma_wait3A_126 = arith.constant 0 : i32
      %dma_wait3A_127 = tpu.memref_slice %arg6[%add3A_65, %dma_wait3A_126] : memref<10240x128xf32, #tpu.memory_space<vmem_shared>> -> memref<64x128xf32, #tpu.memory_space<vmem_shared>>
      tpu.wait_dma2 semaphore(%run_scoped3A : memref<!tpu.dma_semaphore, #tpu.memory_space<semaphore_mem>>) src(%dma_wait3A_127 : memref<64x128xf32, #tpu.memory_space<vmem_shared>>) dst(%dma_wait3A_125 : memref<64x128xf32, #tpu.memory_space<hbm>>)
      tpu.yield
    }) : () -> ()
    %mul3A_68 = arith.constant 640 : i32
    %mul3A_69 = arith.muli %arg1, %mul3A_68 : i32
    %add3A_70 = arith.constant 64 : i32
    %add3A_71 = arith.addi %mul3A_69, %add3A_70 : i32
    %add3A_72 = arith.constant 64 : i32
    %add3A_73 = arith.addi %add3A_61, %add3A_72 : i32
    "tpu.region"() ({
      %run_scoped3A = tpu.sem_alloc : memref<!tpu.dma_semaphore, #tpu.memory_space<semaphore_mem>>
      %dma_start3A = arith.constant 0 : i32
      %dma_start3A_122 = tpu.memref_slice %arg5[%add3A_73, %dma_start3A] : memref<20480x128xf32, #tpu.memory_space<hbm>> -> memref<64x128xf32, #tpu.memory_space<hbm>>
      %dma_start3A_123 = arith.constant 0 : i32
      %dma_start3A_124 = tpu.memref_slice %arg6[%add3A_71, %dma_start3A_123] : memref<10240x128xf32, #tpu.memory_space<vmem_shared>> -> memref<64x128xf32, #tpu.memory_space<vmem_shared>>
      tpu.enqueue_dma source(%dma_start3A_124 : memref<64x128xf32, #tpu.memory_space<vmem_shared>>) target(%dma_start3A_122 : memref<64x128xf32, #tpu.memory_space<hbm>>) target_semaphore(%run_scoped3A : memref<!tpu.dma_semaphore, #tpu.memory_space<semaphore_mem>>)
      %dma_wait3A = arith.constant 0 : i32
      %dma_wait3A_125 = tpu.memref_slice %arg5[%add3A_73, %dma_wait3A] : memref<20480x128xf32, #tpu.memory_space<hbm>> -> memref<64x128xf32, #tpu.memory_space<hbm>>
      %dma_wait3A_126 = arith.constant 0 : i32
      %dma_wait3A_127 = tpu.memref_slice %arg6[%add3A_71, %dma_wait3A_126] : memref<10240x128xf32, #tpu.memory_space<vmem_shared>> -> memref<64x128xf32, #tpu.memory_space<vmem_shared>>
      tpu.wait_dma2 semaphore(%run_scoped3A : memref<!tpu.dma_semaphore, #tpu.memory_space<semaphore_mem>>) src(%dma_wait3A_127 : memref<64x128xf32, #tpu.memory_space<vmem_shared>>) dst(%dma_wait3A_125 : memref<64x128xf32, #tpu.memory_space<hbm>>)
      tpu.yield
    }) : () -> ()
    %mul3A_74 = arith.constant 640 : i32
    %mul3A_75 = arith.muli %arg1, %mul3A_74 : i32
    %add3A_76 = arith.constant 128 : i32
    %add3A_77 = arith.addi %mul3A_75, %add3A_76 : i32
    %add3A_78 = arith.constant 128 : i32
    %add3A_79 = arith.addi %add3A_61, %add3A_78 : i32
    "tpu.region"() ({
      %run_scoped3A = tpu.sem_alloc : memref<!tpu.dma_semaphore, #tpu.memory_space<semaphore_mem>>
      %dma_start3A = arith.constant 0 : i32
      %dma_start3A_122 = tpu.memref_slice %arg5[%add3A_79, %dma_start3A] : memref<20480x128xf32, #tpu.memory_space<hbm>> -> memref<64x128xf32, #tpu.memory_space<hbm>>
      %dma_start3A_123 = arith.constant 0 : i32
      %dma_start3A_124 = tpu.memref_slice %arg6[%add3A_77, %dma_start3A_123] : memref<10240x128xf32, #tpu.memory_space<vmem_shared>> -> memref<64x128xf32, #tpu.memory_space<vmem_shared>>
      tpu.enqueue_dma source(%dma_start3A_124 : memref<64x128xf32, #tpu.memory_space<vmem_shared>>) target(%dma_start3A_122 : memref<64x128xf32, #tpu.memory_space<hbm>>) target_semaphore(%run_scoped3A : memref<!tpu.dma_semaphore, #tpu.memory_space<semaphore_mem>>)
      %dma_wait3A = arith.constant 0 : i32
      %dma_wait3A_125 = tpu.memref_slice %arg5[%add3A_79, %dma_wait3A] : memref<20480x128xf32, #tpu.memory_space<hbm>> -> memref<64x128xf32, #tpu.memory_space<hbm>>
      %dma_wait3A_126 = arith.constant 0 : i32
      %dma_wait3A_127 = tpu.memref_slice %arg6[%add3A_77, %dma_wait3A_126] : memref<10240x128xf32, #tpu.memory_space<vmem_shared>> -> memref<64x128xf32, #tpu.memory_space<vmem_shared>>
      tpu.wait_dma2 semaphore(%run_scoped3A : memref<!tpu.dma_semaphore, #tpu.memory_space<semaphore_mem>>) src(%dma_wait3A_127 : memref<64x128xf32, #tpu.memory_space<vmem_shared>>) dst(%dma_wait3A_125 : memref<64x128xf32, #tpu.memory_space<hbm>>)
      tpu.yield
    }) : () -> ()
    %mul3A_80 = arith.constant 640 : i32
    %mul3A_81 = arith.muli %arg1, %mul3A_80 : i32
    %add3A_82 = arith.constant 192 : i32
    %add3A_83 = arith.addi %mul3A_81, %add3A_82 : i32
    %add3A_84 = arith.constant 192 : i32
    %add3A_85 = arith.addi %add3A_61, %add3A_84 : i32
    "tpu.region"() ({
      %run_scoped3A = tpu.sem_alloc : memref<!tpu.dma_semaphore, #tpu.memory_space<semaphore_mem>>
      %dma_start3A = arith.constant 0 : i32
      %dma_start3A_122 = tpu.memref_slice %arg5[%add3A_85, %dma_start3A] : memref<20480x128xf32, #tpu.memory_space<hbm>> -> memref<64x128xf32, #tpu.memory_space<hbm>>
      %dma_start3A_123 = arith.constant 0 : i32
      %dma_start3A_124 = tpu.memref_slice %arg6[%add3A_83, %dma_start3A_123] : memref<10240x128xf32, #tpu.memory_space<vmem_shared>> -> memref<64x128xf32, #tpu.memory_space<vmem_shared>>
      tpu.enqueue_dma source(%dma_start3A_124 : memref<64x128xf32, #tpu.memory_space<vmem_shared>>) target(%dma_start3A_122 : memref<64x128xf32, #tpu.memory_space<hbm>>) target_semaphore(%run_scoped3A : memref<!tpu.dma_semaphore, #tpu.memory_space<semaphore_mem>>)
      %dma_wait3A = arith.constant 0 : i32
      %dma_wait3A_125 = tpu.memref_slice %arg5[%add3A_85, %dma_wait3A] : memref<20480x128xf32, #tpu.memory_space<hbm>> -> memref<64x128xf32, #tpu.memory_space<hbm>>
      %dma_wait3A_126 = arith.constant 0 : i32
      %dma_wait3A_127 = tpu.memref_slice %arg6[%add3A_83, %dma_wait3A_126] : memref<10240x128xf32, #tpu.memory_space<vmem_shared>> -> memref<64x128xf32, #tpu.memory_space<vmem_shared>>
      tpu.wait_dma2 semaphore(%run_scoped3A : memref<!tpu.dma_semaphore, #tpu.memory_space<semaphore_mem>>) src(%dma_wait3A_127 : memref<64x128xf32, #tpu.memory_space<vmem_shared>>) dst(%dma_wait3A_125 : memref<64x128xf32, #tpu.memory_space<hbm>>)
      tpu.yield
    }) : () -> ()
    %mul3A_86 = arith.constant 640 : i32
    %mul3A_87 = arith.muli %arg1, %mul3A_86 : i32
    %add3A_88 = arith.constant 256 : i32
    %add3A_89 = arith.addi %mul3A_87, %add3A_88 : i32
    %add3A_90 = arith.constant 256 : i32
    %add3A_91 = arith.addi %add3A_61, %add3A_90 : i32
    "tpu.region"() ({
      %run_scoped3A = tpu.sem_alloc : memref<!tpu.dma_semaphore, #tpu.memory_space<semaphore_mem>>
      %dma_start3A = arith.constant 0 : i32
      %dma_start3A_122 = tpu.memref_slice %arg5[%add3A_91, %dma_start3A] : memref<20480x128xf32, #tpu.memory_space<hbm>> -> memref<64x128xf32, #tpu.memory_space<hbm>>
      %dma_start3A_123 = arith.constant 0 : i32
      %dma_start3A_124 = tpu.memref_slice %arg6[%add3A_89, %dma_start3A_123] : memref<10240x128xf32, #tpu.memory_space<vmem_shared>> -> memref<64x128xf32, #tpu.memory_space<vmem_shared>>
      tpu.enqueue_dma source(%dma_start3A_124 : memref<64x128xf32, #tpu.memory_space<vmem_shared>>) target(%dma_start3A_122 : memref<64x128xf32, #tpu.memory_space<hbm>>) target_semaphore(%run_scoped3A : memref<!tpu.dma_semaphore, #tpu.memory_space<semaphore_mem>>)
      %dma_wait3A = arith.constant 0 : i32
      %dma_wait3A_125 = tpu.memref_slice %arg5[%add3A_91, %dma_wait3A] : memref<20480x128xf32, #tpu.memory_space<hbm>> -> memref<64x128xf32, #tpu.memory_space<hbm>>
      %dma_wait3A_126 = arith.constant 0 : i32
      %dma_wait3A_127 = tpu.memref_slice %arg6[%add3A_89, %dma_wait3A_126] : memref<10240x128xf32, #tpu.memory_space<vmem_shared>> -> memref<64x128xf32, #tpu.memory_space<vmem_shared>>
      tpu.wait_dma2 semaphore(%run_scoped3A : memref<!tpu.dma_semaphore, #tpu.memory_space<semaphore_mem>>) src(%dma_wait3A_127 : memref<64x128xf32, #tpu.memory_space<vmem_shared>>) dst(%dma_wait3A_125 : memref<64x128xf32, #tpu.memory_space<hbm>>)
      tpu.yield
    }) : () -> ()
    %mul3A_92 = arith.constant 640 : i32
    %mul3A_93 = arith.muli %arg1, %mul3A_92 : i32
    %add3A_94 = arith.constant 320 : i32
    %add3A_95 = arith.addi %mul3A_93, %add3A_94 : i32
    %add3A_96 = arith.constant 320 : i32
    %add3A_97 = arith.addi %add3A_61, %add3A_96 : i32
    "tpu.region"() ({
      %run_scoped3A = tpu.sem_alloc : memref<!tpu.dma_semaphore, #tpu.memory_space<semaphore_mem>>
      %dma_start3A = arith.constant 0 : i32
      %dma_start3A_122 = tpu.memref_slice %arg5[%add3A_97, %dma_start3A] : memref<20480x128xf32, #tpu.memory_space<hbm>> -> memref<64x128xf32, #tpu.memory_space<hbm>>
      %dma_start3A_123 = arith.constant 0 : i32
      %dma_start3A_124 = tpu.memref_slice %arg6[%add3A_95, %dma_start3A_123] : memref<10240x128xf32, #tpu.memory_space<vmem_shared>> -> memref<64x128xf32, #tpu.memory_space<vmem_shared>>
      tpu.enqueue_dma source(%dma_start3A_124 : memref<64x128xf32, #tpu.memory_space<vmem_shared>>) target(%dma_start3A_122 : memref<64x128xf32, #tpu.memory_space<hbm>>) target_semaphore(%run_scoped3A : memref<!tpu.dma_semaphore, #tpu.memory_space<semaphore_mem>>)
      %dma_wait3A = arith.constant 0 : i32
      %dma_wait3A_125 = tpu.memref_slice %arg5[%add3A_97, %dma_wait3A] : memref<20480x128xf32, #tpu.memory_space<hbm>> -> memref<64x128xf32, #tpu.memory_space<hbm>>
      %dma_wait3A_126 = arith.constant 0 : i32
      %dma_wait3A_127 = tpu.memref_slice %arg6[%add3A_95, %dma_wait3A_126] : memref<10240x128xf32, #tpu.memory_space<vmem_shared>> -> memref<64x128xf32, #tpu.memory_space<vmem_shared>>
      tpu.wait_dma2 semaphore(%run_scoped3A : memref<!tpu.dma_semaphore, #tpu.memory_space<semaphore_mem>>) src(%dma_wait3A_127 : memref<64x128xf32, #tpu.memory_space<vmem_shared>>) dst(%dma_wait3A_125 : memref<64x128xf32, #tpu.memory_space<hbm>>)
      tpu.yield
    }) : () -> ()
    %mul3A_98 = arith.constant 640 : i32
    %mul3A_99 = arith.muli %arg1, %mul3A_98 : i32
    %add3A_100 = arith.constant 384 : i32
    %add3A_101 = arith.addi %mul3A_99, %add3A_100 : i32
    %add3A_102 = arith.constant 384 : i32
    %add3A_103 = arith.addi %add3A_61, %add3A_102 : i32
    "tpu.region"() ({
      %run_scoped3A = tpu.sem_alloc : memref<!tpu.dma_semaphore, #tpu.memory_space<semaphore_mem>>
      %dma_start3A = arith.constant 0 : i32
      %dma_start3A_122 = tpu.memref_slice %arg5[%add3A_103, %dma_start3A] : memref<20480x128xf32, #tpu.memory_space<hbm>> -> memref<64x128xf32, #tpu.memory_space<hbm>>
      %dma_start3A_123 = arith.constant 0 : i32
      %dma_start3A_124 = tpu.memref_slice %arg6[%add3A_101, %dma_start3A_123] : memref<10240x128xf32, #tpu.memory_space<vmem_shared>> -> memref<64x128xf32, #tpu.memory_space<vmem_shared>>
      tpu.enqueue_dma source(%dma_start3A_124 : memref<64x128xf32, #tpu.memory_space<vmem_shared>>) target(%dma_start3A_122 : memref<64x128xf32, #tpu.memory_space<hbm>>) target_semaphore(%run_scoped3A : memref<!tpu.dma_semaphore, #tpu.memory_space<semaphore_mem>>)
      %dma_wait3A = arith.constant 0 : i32
      %dma_wait3A_125 = tpu.memref_slice %arg5[%add3A_103, %dma_wait3A] : memref<20480x128xf32, #tpu.memory_space<hbm>> -> memref<64x128xf32, #tpu.memory_space<hbm>>
      %dma_wait3A_126 = arith.constant 0 : i32
      %dma_wait3A_127 = tpu.memref_slice %arg6[%add3A_101, %dma_wait3A_126] : memref<10240x128xf32, #tpu.memory_space<vmem_shared>> -> memref<64x128xf32, #tpu.memory_space<vmem_shared>>
      tpu.wait_dma2 semaphore(%run_scoped3A : memref<!tpu.dma_semaphore, #tpu.memory_space<semaphore_mem>>) src(%dma_wait3A_127 : memref<64x128xf32, #tpu.memory_space<vmem_shared>>) dst(%dma_wait3A_125 : memref<64x128xf32, #tpu.memory_space<hbm>>)
      tpu.yield
    }) : () -> ()
    %mul3A_104 = arith.constant 640 : i32
    %mul3A_105 = arith.muli %arg1, %mul3A_104 : i32
    %add3A_106 = arith.constant 448 : i32
    %add3A_107 = arith.addi %mul3A_105, %add3A_106 : i32
    %add3A_108 = arith.constant 448 : i32
    %add3A_109 = arith.addi %add3A_61, %add3A_108 : i32
    "tpu.region"() ({
      %run_scoped3A = tpu.sem_alloc : memref<!tpu.dma_semaphore, #tpu.memory_space<semaphore_mem>>
      %dma_start3A = arith.constant 0 : i32
      %dma_start3A_122 = tpu.memref_slice %arg5[%add3A_109, %dma_start3A] : memref<20480x128xf32, #tpu.memory_space<hbm>> -> memref<64x128xf32, #tpu.memory_space<hbm>>
      %dma_start3A_123 = arith.constant 0 : i32
      %dma_start3A_124 = tpu.memref_slice %arg6[%add3A_107, %dma_start3A_123] : memref<10240x128xf32, #tpu.memory_space<vmem_shared>> -> memref<64x128xf32, #tpu.memory_space<vmem_shared>>
      tpu.enqueue_dma source(%dma_start3A_124 : memref<64x128xf32, #tpu.memory_space<vmem_shared>>) target(%dma_start3A_122 : memref<64x128xf32, #tpu.memory_space<hbm>>) target_semaphore(%run_scoped3A : memref<!tpu.dma_semaphore, #tpu.memory_space<semaphore_mem>>)
      %dma_wait3A = arith.constant 0 : i32
      %dma_wait3A_125 = tpu.memref_slice %arg5[%add3A_109, %dma_wait3A] : memref<20480x128xf32, #tpu.memory_space<hbm>> -> memref<64x128xf32, #tpu.memory_space<hbm>>
      %dma_wait3A_126 = arith.constant 0 : i32
      %dma_wait3A_127 = tpu.memref_slice %arg6[%add3A_107, %dma_wait3A_126] : memref<10240x128xf32, #tpu.memory_space<vmem_shared>> -> memref<64x128xf32, #tpu.memory_space<vmem_shared>>
      tpu.wait_dma2 semaphore(%run_scoped3A : memref<!tpu.dma_semaphore, #tpu.memory_space<semaphore_mem>>) src(%dma_wait3A_127 : memref<64x128xf32, #tpu.memory_space<vmem_shared>>) dst(%dma_wait3A_125 : memref<64x128xf32, #tpu.memory_space<hbm>>)
      tpu.yield
    }) : () -> ()
    %mul3A_110 = arith.constant 640 : i32
    %mul3A_111 = arith.muli %arg1, %mul3A_110 : i32
    %add3A_112 = arith.constant 512 : i32
    %add3A_113 = arith.addi %mul3A_111, %add3A_112 : i32
    %add3A_114 = arith.constant 512 : i32
    %add3A_115 = arith.addi %add3A_61, %add3A_114 : i32
    "tpu.region"() ({
      %run_scoped3A = tpu.sem_alloc : memref<!tpu.dma_semaphore, #tpu.memory_space<semaphore_mem>>
      %dma_start3A = arith.constant 0 : i32
      %dma_start3A_122 = tpu.memref_slice %arg5[%add3A_115, %dma_start3A] : memref<20480x128xf32, #tpu.memory_space<hbm>> -> memref<64x128xf32, #tpu.memory_space<hbm>>
      %dma_start3A_123 = arith.constant 0 : i32
      %dma_start3A_124 = tpu.memref_slice %arg6[%add3A_113, %dma_start3A_123] : memref<10240x128xf32, #tpu.memory_space<vmem_shared>> -> memref<64x128xf32, #tpu.memory_space<vmem_shared>>
      tpu.enqueue_dma source(%dma_start3A_124 : memref<64x128xf32, #tpu.memory_space<vmem_shared>>) target(%dma_start3A_122 : memref<64x128xf32, #tpu.memory_space<hbm>>) target_semaphore(%run_scoped3A : memref<!tpu.dma_semaphore, #tpu.memory_space<semaphore_mem>>)
      %dma_wait3A = arith.constant 0 : i32
      %dma_wait3A_125 = tpu.memref_slice %arg5[%add3A_115, %dma_wait3A] : memref<20480x128xf32, #tpu.memory_space<hbm>> -> memref<64x128xf32, #tpu.memory_space<hbm>>
      %dma_wait3A_126 = arith.constant 0 : i32
      %dma_wait3A_127 = tpu.memref_slice %arg6[%add3A_113, %dma_wait3A_126] : memref<10240x128xf32, #tpu.memory_space<vmem_shared>> -> memref<64x128xf32, #tpu.memory_space<vmem_shared>>
      tpu.wait_dma2 semaphore(%run_scoped3A : memref<!tpu.dma_semaphore, #tpu.memory_space<semaphore_mem>>) src(%dma_wait3A_127 : memref<64x128xf32, #tpu.memory_space<vmem_shared>>) dst(%dma_wait3A_125 : memref<64x128xf32, #tpu.memory_space<hbm>>)
      tpu.yield
    }) : () -> ()
    %mul3A_116 = arith.constant 640 : i32
    %mul3A_117 = arith.muli %arg1, %mul3A_116 : i32
    %add3A_118 = arith.constant 576 : i32
    %add3A_119 = arith.addi %mul3A_117, %add3A_118 : i32
    %add3A_120 = arith.constant 576 : i32
    %add3A_121 = arith.addi %add3A_61, %add3A_120 : i32
    "tpu.region"() ({
      %run_scoped3A = tpu.sem_alloc : memref<!tpu.dma_semaphore, #tpu.memory_space<semaphore_mem>>
      %dma_start3A = arith.constant 0 : i32
      %dma_start3A_122 = tpu.memref_slice %arg5[%add3A_121, %dma_start3A] : memref<20480x128xf32, #tpu.memory_space<hbm>> -> memref<64x128xf32, #tpu.memory_space<hbm>>
      %dma_start3A_123 = arith.constant 0 : i32
      %dma_start3A_124 = tpu.memref_slice %arg6[%add3A_119, %dma_start3A_123] : memref<10240x128xf32, #tpu.memory_space<vmem_shared>> -> memref<64x128xf32, #tpu.memory_space<vmem_shared>>
      tpu.enqueue_dma source(%dma_start3A_124 : memref<64x128xf32, #tpu.memory_space<vmem_shared>>) target(%dma_start3A_122 : memref<64x128xf32, #tpu.memory_space<hbm>>) target_semaphore(%run_scoped3A : memref<!tpu.dma_semaphore, #tpu.memory_space<semaphore_mem>>)
      %dma_wait3A = arith.constant 0 : i32
      %dma_wait3A_125 = tpu.memref_slice %arg5[%add3A_121, %dma_wait3A] : memref<20480x128xf32, #tpu.memory_space<hbm>> -> memref<64x128xf32, #tpu.memory_space<hbm>>
      %dma_wait3A_126 = arith.constant 0 : i32
      %dma_wait3A_127 = tpu.memref_slice %arg6[%add3A_119, %dma_wait3A_126] : memref<10240x128xf32, #tpu.memory_space<vmem_shared>> -> memref<64x128xf32, #tpu.memory_space<vmem_shared>>
      tpu.wait_dma2 semaphore(%run_scoped3A : memref<!tpu.dma_semaphore, #tpu.memory_space<semaphore_mem>>) src(%dma_wait3A_127 : memref<64x128xf32, #tpu.memory_space<vmem_shared>>) dst(%dma_wait3A_125 : memref<64x128xf32, #tpu.memory_space<hbm>>)
      tpu.yield
    }) : () -> ()
    return
  }
}

module attributes {stable_mosaic.version = 14 : i64} {
  func.func @body(%arg0: i32, %arg1: memref<2x512x128xf32, #tpu.memory_space<vmem>>, %arg2: memref<2x512x128xf32, #tpu.memory_space<vmem>>, %arg3: memref<512x128xf32, #tpu.memory_space<vmem>>, %arg4: memref<128x128xf32, #tpu.memory_space<vmem>>, %arg5: memref<1x128xf32, #tpu.memory_space<vmem>>, %arg6: memref<128x128xf32, #tpu.memory_space<vmem>>, %arg7: memref<512x128xf32, #tpu.memory_space<vmem>>) attributes {dimension_semantics = [#tpu.dimension_semantics<arbitrary>], iteration_bounds = array<i64: 20>, scalar_prefetch = 0 : i64, scratch_operands = 0 : i64, tpu.core_type = #tpu.core_type<tc>, window_params = [{transform_indices = @transform_0, window_bounds = array<i64: 2, 512, 128>}, {transform_indices = @transform_1, window_bounds = array<i64: 2, 512, 128>}, {transform_indices = @transform_2, window_bounds = array<i64: 512, 128>}, {pipeline_mode = #tpu.pipeline_mode<synchronous>, transform_indices = @transform_3, window_bounds = array<i64: 128, 128>}, {pipeline_mode = #tpu.pipeline_mode<synchronous>, transform_indices = @transform_4, window_bounds = array<i64: 1, 128>}, {pipeline_mode = #tpu.pipeline_mode<synchronous>, transform_indices = @transform_5, window_bounds = array<i64: 128, 128>}, {transform_indices = @transform_6, window_bounds = array<i64: 512, 128>}]} {
    %get3A = arith.constant 0 : index
    %get3A_0 = arith.constant 0 : index
    %get3A_1 = arith.constant 0 : index
    %get3A_2 = vector.load %arg1[%get3A, %get3A_0, %get3A_1] : memref<2x512x128xf32, #tpu.memory_space<vmem>>, vector<1x512x128xf32>
    %get3A_3 = vector.shape_cast %get3A_2 : vector<1x512x128xf32> to vector<512x128xf32>
    %get3A_4 = arith.constant 1 : index
    %get3A_5 = arith.constant 0 : index
    %get3A_6 = arith.constant 0 : index
    %get3A_7 = vector.load %arg1[%get3A_4, %get3A_5, %get3A_6] : memref<2x512x128xf32, #tpu.memory_space<vmem>>, vector<1x512x128xf32>
    %get3A_8 = vector.shape_cast %get3A_7 : vector<1x512x128xf32> to vector<512x128xf32>
    %add3A = arith.addf %get3A_3, %get3A_8 : vector<512x128xf32>
    %get3A_9 = arith.constant 0 : index
    %get3A_10 = arith.constant 0 : index
    %get3A_11 = arith.constant 0 : index
    %get3A_12 = vector.load %arg2[%get3A_9, %get3A_10, %get3A_11] : memref<2x512x128xf32, #tpu.memory_space<vmem>>, vector<1x512x1xf32>
    %get3A_13 = vector.shape_cast %get3A_12 : vector<1x512x1xf32> to vector<512x1xf32>
    %get3A_14 = arith.constant 1 : index
    %get3A_15 = arith.constant 0 : index
    %get3A_16 = arith.constant 0 : index
    %get3A_17 = vector.load %arg2[%get3A_14, %get3A_15, %get3A_16] : memref<2x512x128xf32, #tpu.memory_space<vmem>>, vector<1x512x1xf32>
    %get3A_18 = vector.shape_cast %get3A_17 : vector<1x512x1xf32> to vector<512x1xf32>
    %add3A_19 = arith.addf %get3A_13, %get3A_18 : vector<512x1xf32>
    %max3A = arith.constant 1.000000e+00 : f32
    %max3A_20 = vector.broadcast %max3A : f32 to vector<512x1xf32>
    %max3A_21 = arith.maximumf %add3A_19, %max3A_20 : vector<512x1xf32>
    %div3A = vector.broadcast %max3A_21 : vector<512x1xf32> to vector<512x128xf32>
    %div3A_22 = arith.divf %add3A, %div3A : vector<512x128xf32>
    %get3A_23 = arith.constant 0 : index
    %get3A_24 = arith.constant 0 : index
    %get3A_25 = vector.load %arg4[%get3A_23, %get3A_24] : memref<128x128xf32, #tpu.memory_space<vmem>>, vector<128x128xf32>
    %dot_general3A = arith.constant dense<0.000000e+00> : vector<512x128xf32>
    %dot_general3A_26 = tpu.matmul %div3A_22, %get3A_25, %dot_general3A {dimension_numbers = #tpu.dot_dimension_numbers<[1], [0], [0], [1], [0, 0, 1, 1], [], []>, transpose_lhs_hint = false} : vector<512x128xf32>, vector<128x128xf32>, vector<512x128xf32> -> vector<512x128xf32>
    %get3A_27 = arith.constant 0 : index
    %get3A_28 = arith.constant 0 : index
    %get3A_29 = vector.load %arg5[%get3A_27, %get3A_28] : memref<1x128xf32, #tpu.memory_space<vmem>>, vector<1x128xf32>
    %add3A_30 = vector.broadcast %get3A_29 : vector<1x128xf32> to vector<512x128xf32>
    %add3A_31 = arith.addf %dot_general3A_26, %add3A_30 : vector<512x128xf32>
    %get3A_32 = arith.constant 0 : index
    %get3A_33 = arith.constant 0 : index
    %get3A_34 = vector.load %arg3[%get3A_32, %get3A_33] : memref<512x128xf32, #tpu.memory_space<vmem>>, vector<512x128xf32>
    %get3A_35 = arith.constant 0 : index
    %get3A_36 = arith.constant 0 : index
    %get3A_37 = vector.load %arg6[%get3A_35, %get3A_36] : memref<128x128xf32, #tpu.memory_space<vmem>>, vector<128x128xf32>
    %dot_general3A_38 = arith.constant dense<0.000000e+00> : vector<512x128xf32>
    %dot_general3A_39 = tpu.matmul %get3A_34, %get3A_37, %dot_general3A_38 {dimension_numbers = #tpu.dot_dimension_numbers<[1], [0], [0], [1], [0, 0, 1, 1], [], []>, transpose_lhs_hint = false} : vector<512x128xf32>, vector<128x128xf32>, vector<512x128xf32> -> vector<512x128xf32>
    %add3A_40 = arith.addf %add3A_31, %dot_general3A_39 : vector<512x128xf32>
    %max3A_41 = arith.constant 0.000000e+00 : f32
    %max3A_42 = vector.broadcast %max3A_41 : f32 to vector<512x128xf32>
    %max3A_43 = arith.maximumf %add3A_40, %max3A_42 : vector<512x128xf32>
    %swap3A = arith.constant 0 : index
    %swap3A_44 = arith.constant 0 : index
    %swap3A_45 = vector.load %arg7[%swap3A, %swap3A_44] : memref<512x128xf32, #tpu.memory_space<vmem>>, vector<512x128xf32>
    tpu.vector_store %arg7[%swap3A, %swap3A_44], %max3A_43 {strides = array<i32>} : memref<512x128xf32, #tpu.memory_space<vmem>>, vector<512x128xf32>,
    return
  }
  func.func @transform_0(%arg0: i32) -> (i32, i32, i32) {
    %c0_i32 = arith.constant 0 : i32
    %c0_i32_0 = arith.constant 0 : i32
    %c0_i32_1 = arith.constant 0 : i32
    return %c0_i32, %arg0, %c0_i32_0 : i32, i32, i32
  }
  func.func @transform_1(%arg0: i32) -> (i32, i32, i32) {
    %c0_i32 = arith.constant 0 : i32
    %c0_i32_0 = arith.constant 0 : i32
    %c0_i32_1 = arith.constant 0 : i32
    return %c0_i32, %arg0, %c0_i32_0 : i32, i32, i32
  }
  func.func @transform_2(%arg0: i32) -> (i32, i32) {
    %c0_i32 = arith.constant 0 : i32
    %c0_i32_0 = arith.constant 0 : i32
    return %arg0, %c0_i32 : i32, i32
  }
  func.func @transform_3(%arg0: i32) -> (i32, i32) {
    %c0_i32 = arith.constant 0 : i32
    %c0_i32_0 = arith.constant 0 : i32
    %c0_i32_1 = arith.constant 0 : i32
    return %c0_i32, %c0_i32_0 : i32, i32
  }
  func.func @transform_4(%arg0: i32) -> (i32, i32) {
    %c0_i32 = arith.constant 0 : i32
    %c0_i32_0 = arith.constant 0 : i32
    %c0_i32_1 = arith.constant 0 : i32
    return %c0_i32, %c0_i32_0 : i32, i32
  }
  func.func @transform_5(%arg0: i32) -> (i32, i32) {
    %c0_i32 = arith.constant 0 : i32
    %c0_i32_0 = arith.constant 0 : i32
    %c0_i32_1 = arith.constant 0 : i32
    return %c0_i32, %c0_i32_0 : i32, i32
  }
  func.func @transform_6(%arg0: i32) -> (i32, i32) {
    %c0_i32 = arith.constant 0 : i32
    %c0_i32_0 = arith.constant 0 : i32
    return %arg0, %c0_i32 : i32, i32
  }
}

module attributes {stable_mosaic.version = 14 : i64} {
  func.func @body(%arg0: i32, %arg1: memref<2048x16xf32, #tpu.memory_space<vmem>>, %arg2: memref<16x128xf32, #tpu.memory_space<vmem>>, %arg3: memref<1x128xf32, #tpu.memory_space<vmem>>, %arg4: memref<2048x128xf32, #tpu.memory_space<vmem>>) attributes {dimension_semantics = [#tpu.dimension_semantics<arbitrary>], iteration_bounds = array<i64: 157>, scalar_prefetch = 0 : i64, scratch_operands = 0 : i64, tpu.core_type = #tpu.core_type<tc>, window_params = [{transform_indices = @transform_0, window_bounds = array<i64: 2048, 16>}, {pipeline_mode = #tpu.pipeline_mode<synchronous>, transform_indices = @transform_1, window_bounds = array<i64: 16, 128>}, {pipeline_mode = #tpu.pipeline_mode<synchronous>, transform_indices = @transform_2, window_bounds = array<i64: 1, 128>}, {transform_indices = @transform_3, window_bounds = array<i64: 2048, 128>}]} {
    %get3A = arith.constant 0 : index
    %get3A_0 = arith.constant 0 : index
    %get3A_1 = vector.load %arg1[%get3A, %get3A_0] : memref<2048x16xf32, #tpu.memory_space<vmem>>, vector<2048x16xf32>
    %get3A_2 = arith.constant 0 : index
    %get3A_3 = arith.constant 0 : index
    %get3A_4 = vector.load %arg2[%get3A_2, %get3A_3] : memref<16x128xf32, #tpu.memory_space<vmem>>, vector<16x128xf32>
    %dot_general3A = arith.constant dense<0.000000e+00> : vector<2048x128xf32>
    %dot_general3A_5 = tpu.matmul %get3A_1, %get3A_4, %dot_general3A {dimension_numbers = #tpu.dot_dimension_numbers<[1], [0], [0], [1], [0, 0, 1, 1], [], []>, transpose_lhs_hint = false} : vector<2048x16xf32>, vector<16x128xf32>, vector<2048x128xf32> -> vector<2048x128xf32>
    %get3A_6 = arith.constant 0 : index
    %get3A_7 = arith.constant 0 : index
    %get3A_8 = vector.load %arg3[%get3A_6, %get3A_7] : memref<1x128xf32, #tpu.memory_space<vmem>>, vector<1x128xf32>
    %add3A = vector.broadcast %get3A_8 : vector<1x128xf32> to vector<2048x128xf32>
    %add3A_9 = arith.addf %dot_general3A_5, %add3A : vector<2048x128xf32>
    %swap3A = arith.constant 0 : index
    %swap3A_10 = arith.constant 0 : index
    %swap3A_11 = vector.load %arg4[%swap3A, %swap3A_10] : memref<2048x128xf32, #tpu.memory_space<vmem>>, vector<2048x128xf32>
    tpu.vector_store %arg4[%swap3A, %swap3A_10], %add3A_9 {strides = array<i32>} : memref<2048x128xf32, #tpu.memory_space<vmem>>, vector<2048x128xf32>,
    return
  }
  func.func @transform_0(%arg0: i32) -> (i32, i32) {
    %c0_i32 = arith.constant 0 : i32
    %c0_i32_0 = arith.constant 0 : i32
    return %arg0, %c0_i32 : i32, i32
  }
  func.func @transform_1(%arg0: i32) -> (i32, i32) {
    %c0_i32 = arith.constant 0 : i32
    %c0_i32_0 = arith.constant 0 : i32
    %c0_i32_1 = arith.constant 0 : i32
    return %c0_i32, %c0_i32_0 : i32, i32
  }
  func.func @transform_2(%arg0: i32) -> (i32, i32) {
    %c0_i32 = arith.constant 0 : i32
    %c0_i32_0 = arith.constant 0 : i32
    %c0_i32_1 = arith.constant 0 : i32
    return %c0_i32, %c0_i32_0 : i32, i32
  }
  func.func @transform_3(%arg0: i32) -> (i32, i32) {
    %c0_i32 = arith.constant 0 : i32
    %c0_i32_0 = arith.constant 0 : i32
    return %arg0, %c0_i32 : i32, i32
  }
}

module attributes {stable_mosaic.version = 14 : i64} {
  func.func @body(%arg0: i32, %arg1: memref<2x512x128xf32, #tpu.memory_space<vmem>>, %arg2: memref<2x512x128xf32, #tpu.memory_space<vmem>>, %arg3: memref<512x128xf32, #tpu.memory_space<vmem>>, %arg4: memref<128x128xf32, #tpu.memory_space<vmem>>, %arg5: memref<1x128xf32, #tpu.memory_space<vmem>>, %arg6: memref<128x128xf32, #tpu.memory_space<vmem>>, %arg7: memref<128x128xf32, #tpu.memory_space<vmem>>, %arg8: memref<128x128xf32, #tpu.memory_space<vmem>>, %arg9: memref<512x128xf32, #tpu.memory_space<vmem>>, %arg10: memref<512x128xf32, #tpu.memory_space<vmem>>) attributes {dimension_semantics = [#tpu.dimension_semantics<arbitrary>], iteration_bounds = array<i64: 20>, scalar_prefetch = 0 : i64, scratch_operands = 0 : i64, tpu.core_type = #tpu.core_type<tc>, window_params = [{transform_indices = @transform_0, window_bounds = array<i64: 2, 512, 128>}, {transform_indices = @transform_1, window_bounds = array<i64: 2, 512, 128>}, {transform_indices = @transform_2, window_bounds = array<i64: 512, 128>}, {pipeline_mode = #tpu.pipeline_mode<synchronous>, transform_indices = @transform_3, window_bounds = array<i64: 128, 128>}, {pipeline_mode = #tpu.pipeline_mode<synchronous>, transform_indices = @transform_4, window_bounds = array<i64: 1, 128>}, {pipeline_mode = #tpu.pipeline_mode<synchronous>, transform_indices = @transform_5, window_bounds = array<i64: 128, 128>}, {pipeline_mode = #tpu.pipeline_mode<synchronous>, transform_indices = @transform_6, window_bounds = array<i64: 128, 128>}, {pipeline_mode = #tpu.pipeline_mode<synchronous>, transform_indices = @transform_7, window_bounds = array<i64: 128, 128>}, {transform_indices = @transform_8, window_bounds = array<i64: 512, 128>}, {transform_indices = @transform_9, window_bounds = array<i64: 512, 128>}]} {
    %get3A = arith.constant 0 : index
    %get3A_0 = arith.constant 0 : index
    %get3A_1 = arith.constant 0 : index
    %get3A_2 = vector.load %arg1[%get3A, %get3A_0, %get3A_1] : memref<2x512x128xf32, #tpu.memory_space<vmem>>, vector<1x512x128xf32>
    %get3A_3 = vector.shape_cast %get3A_2 : vector<1x512x128xf32> to vector<512x128xf32>
    %get3A_4 = arith.constant 1 : index
    %get3A_5 = arith.constant 0 : index
    %get3A_6 = arith.constant 0 : index
    %get3A_7 = vector.load %arg1[%get3A_4, %get3A_5, %get3A_6] : memref<2x512x128xf32, #tpu.memory_space<vmem>>, vector<1x512x128xf32>
    %get3A_8 = vector.shape_cast %get3A_7 : vector<1x512x128xf32> to vector<512x128xf32>
    %add3A = arith.addf %get3A_3, %get3A_8 : vector<512x128xf32>
    %get3A_9 = arith.constant 0 : index
    %get3A_10 = arith.constant 0 : index
    %get3A_11 = arith.constant 0 : index
    %get3A_12 = vector.load %arg2[%get3A_9, %get3A_10, %get3A_11] : memref<2x512x128xf32, #tpu.memory_space<vmem>>, vector<1x512x1xf32>
    %get3A_13 = vector.shape_cast %get3A_12 : vector<1x512x1xf32> to vector<512x1xf32>
    %get3A_14 = arith.constant 1 : index
    %get3A_15 = arith.constant 0 : index
    %get3A_16 = arith.constant 0 : index
    %get3A_17 = vector.load %arg2[%get3A_14, %get3A_15, %get3A_16] : memref<2x512x128xf32, #tpu.memory_space<vmem>>, vector<1x512x1xf32>
    %get3A_18 = vector.shape_cast %get3A_17 : vector<1x512x1xf32> to vector<512x1xf32>
    %add3A_19 = arith.addf %get3A_13, %get3A_18 : vector<512x1xf32>
    %max3A = arith.constant 1.000000e+00 : f32
    %max3A_20 = vector.broadcast %max3A : f32 to vector<512x1xf32>
    %max3A_21 = arith.maximumf %add3A_19, %max3A_20 : vector<512x1xf32>
    %div3A = vector.broadcast %max3A_21 : vector<512x1xf32> to vector<512x128xf32>
    %div3A_22 = arith.divf %add3A, %div3A : vector<512x128xf32>
    %get3A_23 = arith.constant 0 : index
    %get3A_24 = arith.constant 0 : index
    %get3A_25 = vector.load %arg4[%get3A_23, %get3A_24] : memref<128x128xf32, #tpu.memory_space<vmem>>, vector<128x128xf32>
    %dot_general3A = arith.constant dense<0.000000e+00> : vector<512x128xf32>
    %dot_general3A_26 = tpu.matmul %div3A_22, %get3A_25, %dot_general3A {dimension_numbers = #tpu.dot_dimension_numbers<[1], [0], [0], [1], [0, 0, 1, 1], [], []>, transpose_lhs_hint = false} : vector<512x128xf32>, vector<128x128xf32>, vector<512x128xf32> -> vector<512x128xf32>
    %get3A_27 = arith.constant 0 : index
    %get3A_28 = arith.constant 0 : index
    %get3A_29 = vector.load %arg5[%get3A_27, %get3A_28] : memref<1x128xf32, #tpu.memory_space<vmem>>, vector<1x128xf32>
    %add3A_30 = vector.broadcast %get3A_29 : vector<1x128xf32> to vector<512x128xf32>
    %add3A_31 = arith.addf %dot_general3A_26, %add3A_30 : vector<512x128xf32>
    %get3A_32 = arith.constant 0 : index
    %get3A_33 = arith.constant 0 : index
    %get3A_34 = vector.load %arg3[%get3A_32, %get3A_33] : memref<512x128xf32, #tpu.memory_space<vmem>>, vector<512x128xf32>
    %get3A_35 = arith.constant 0 : index
    %get3A_36 = arith.constant 0 : index
    %get3A_37 = vector.load %arg6[%get3A_35, %get3A_36] : memref<128x128xf32, #tpu.memory_space<vmem>>, vector<128x128xf32>
    %dot_general3A_38 = arith.constant dense<0.000000e+00> : vector<512x128xf32>
    %dot_general3A_39 = tpu.matmul %get3A_34, %get3A_37, %dot_general3A_38 {dimension_numbers = #tpu.dot_dimension_numbers<[1], [0], [0], [1], [0, 0, 1, 1], [], []>, transpose_lhs_hint = false} : vector<512x128xf32>, vector<128x128xf32>, vector<512x128xf32> -> vector<512x128xf32>
    %add3A_40 = arith.addf %add3A_31, %dot_general3A_39 : vector<512x128xf32>
    %get3A_41 = arith.constant 0 : index
    %get3A_42 = arith.constant 0 : index
    %get3A_43 = vector.load %arg7[%get3A_41, %get3A_42] : memref<128x128xf32, #tpu.memory_space<vmem>>, vector<128x128xf32>
    %dot_general3A_44 = arith.constant dense<0.000000e+00> : vector<512x128xf32>
    %dot_general3A_45 = tpu.matmul %add3A_40, %get3A_43, %dot_general3A_44 {dimension_numbers = #tpu.dot_dimension_numbers<[1], [0], [0], [1], [0, 0, 1, 1], [], []>, transpose_lhs_hint = false} : vector<512x128xf32>, vector<128x128xf32>, vector<512x128xf32> -> vector<512x128xf32>
    %swap3A = arith.constant 0 : index
    %swap3A_46 = arith.constant 0 : index
    %swap3A_47 = vector.load %arg9[%swap3A, %swap3A_46] : memref<512x128xf32, #tpu.memory_space<vmem>>, vector<512x128xf32>
    tpu.vector_store %arg9[%swap3A, %swap3A_46], %dot_general3A_45 {strides = array<i32>} : memref<512x128xf32, #tpu.memory_space<vmem>>, vector<512x128xf32>,
    %get3A_48 = arith.constant 0 : index
    %get3A_49 = arith.constant 0 : index
    %get3A_50 = vector.load %arg8[%get3A_48, %get3A_49] : memref<128x128xf32, #tpu.memory_space<vmem>>, vector<128x128xf32>
    %dot_general3A_51 = arith.constant dense<0.000000e+00> : vector<512x128xf32>
    %dot_general3A_52 = tpu.matmul %add3A_40, %get3A_50, %dot_general3A_51 {dimension_numbers = #tpu.dot_dimension_numbers<[1], [0], [0], [1], [0, 0, 1, 1], [], []>, transpose_lhs_hint = false} : vector<512x128xf32>, vector<128x128xf32>, vector<512x128xf32> -> vector<512x128xf32>
    %swap3A_53 = arith.constant 0 : index
    %swap3A_54 = arith.constant 0 : index
    %swap3A_55 = vector.load %arg10[%swap3A_53, %swap3A_54] : memref<512x128xf32, #tpu.memory_space<vmem>>, vector<512x128xf32>
    tpu.vector_store %arg10[%swap3A_53, %swap3A_54], %dot_general3A_52 {strides = array<i32>} : memref<512x128xf32, #tpu.memory_space<vmem>>, vector<512x128xf32>,
    return
  }
  func.func @transform_0(%arg0: i32) -> (i32, i32, i32) {
    %c0_i32 = arith.constant 0 : i32
    %c0_i32_0 = arith.constant 0 : i32
    %c0_i32_1 = arith.constant 0 : i32
    return %c0_i32, %arg0, %c0_i32_0 : i32, i32, i32
  }
  func.func @transform_1(%arg0: i32) -> (i32, i32, i32) {
    %c0_i32 = arith.constant 0 : i32
    %c0_i32_0 = arith.constant 0 : i32
    %c0_i32_1 = arith.constant 0 : i32
    return %c0_i32, %arg0, %c0_i32_0 : i32, i32, i32
  }
  func.func @transform_2(%arg0: i32) -> (i32, i32) {
    %c0_i32 = arith.constant 0 : i32
    %c0_i32_0 = arith.constant 0 : i32
    return %arg0, %c0_i32 : i32, i32
  }
  func.func @transform_3(%arg0: i32) -> (i32, i32) {
    %c0_i32 = arith.constant 0 : i32
    %c0_i32_0 = arith.constant 0 : i32
    %c0_i32_1 = arith.constant 0 : i32
    return %c0_i32, %c0_i32_0 : i32, i32
  }
  func.func @transform_4(%arg0: i32) -> (i32, i32) {
    %c0_i32 = arith.constant 0 : i32
    %c0_i32_0 = arith.constant 0 : i32
    %c0_i32_1 = arith.constant 0 : i32
    return %c0_i32, %c0_i32_0 : i32, i32
  }
  func.func @transform_5(%arg0: i32) -> (i32, i32) {
    %c0_i32 = arith.constant 0 : i32
    %c0_i32_0 = arith.constant 0 : i32
    %c0_i32_1 = arith.constant 0 : i32
    return %c0_i32, %c0_i32_0 : i32, i32
  }
  func.func @transform_6(%arg0: i32) -> (i32, i32) {
    %c0_i32 = arith.constant 0 : i32
    %c0_i32_0 = arith.constant 0 : i32
    %c0_i32_1 = arith.constant 0 : i32
    return %c0_i32, %c0_i32_0 : i32, i32
  }
  func.func @transform_7(%arg0: i32) -> (i32, i32) {
    %c0_i32 = arith.constant 0 : i32
    %c0_i32_0 = arith.constant 0 : i32
    %c0_i32_1 = arith.constant 0 : i32
    return %c0_i32, %c0_i32_0 : i32, i32
  }
  func.func @transform_8(%arg0: i32) -> (i32, i32) {
    %c0_i32 = arith.constant 0 : i32
    %c0_i32_0 = arith.constant 0 : i32
    return %arg0, %c0_i32 : i32, i32
  }
  func.func @transform_9(%arg0: i32) -> (i32, i32) {
    %c0_i32 = arith.constant 0 : i32
    %c0_i32_0 = arith.constant 0 : i32
    return %arg0, %c0_i32 : i32, i32
  }
}

module attributes {stable_mosaic.version = 14 : i64} {
  func.func @body(%arg0: i32, %arg1: memref<3200x16xf32, #tpu.memory_space<vmem>>, %arg2: memref<3200x1xf32, #tpu.memory_space<vmem>>) attributes {dimension_semantics = [#tpu.dimension_semantics<arbitrary>], iteration_bounds = array<i64: 100>, scalar_prefetch = 0 : i64, scratch_operands = 0 : i64, tpu.core_type = #tpu.core_type<tc>, window_params = [{transform_indices = @transform_0, window_bounds = array<i64: 3200, 16>}, {transform_indices = @transform_1, window_bounds = array<i64: 3200, 1>}]} {
    %get3A = arith.constant 0 : index
    %get3A_0 = arith.constant 0 : index
    %get3A_1 = vector.load %arg1[%get3A, %get3A_0] : memref<3200x16xf32, #tpu.memory_space<vmem>>, vector<3200x16xf32>
    %reduce_sum3A = arith.constant dense<0.000000e+00> : vector<3200xf32>
    %reduce_sum3A_2 = vector.multi_reduction <add>, %get3A_1, %reduce_sum3A [1] : vector<3200x16xf32> to vector<3200xf32>
    %broadcast_in_dim3A = vector.shape_cast %reduce_sum3A_2 : vector<3200xf32> to vector<3200x1xf32>
    %swap3A = arith.constant 0 : index
    %swap3A_3 = arith.constant 0 : index
    %swap3A_4 = vector.load %arg2[%swap3A, %swap3A_3] : memref<3200x1xf32, #tpu.memory_space<vmem>>, vector<3200x1xf32>
    tpu.vector_store %arg2[%swap3A, %swap3A_3], %broadcast_in_dim3A {strides = array<i32>} : memref<3200x1xf32, #tpu.memory_space<vmem>>, vector<3200x1xf32>,
    return
  }
  func.func @transform_0(%arg0: i32) -> (i32, i32) {
    %c0_i32 = arith.constant 0 : i32
    %c0_i32_0 = arith.constant 0 : i32
    return %arg0, %c0_i32 : i32, i32
  }
  func.func @transform_1(%arg0: i32) -> (i32, i32) {
    %c0_i32 = arith.constant 0 : i32
    %c0_i32_0 = arith.constant 0 : i32
    return %arg0, %c0_i32 : i32, i32
  }
}

</mosaic_0001>

<sc_bundles>
// kernel: kernel.10.cloned.1.call-start
scs
__scs_entry_jumppad:
0x0: {  	(pc) =	sbr.rel $0x88, $3  }
0x1: {  	(tag) =	ssettag $0x0;
	lr =	simm.s32 $0x1  }
0x2: {  	[smem:$0x3F94] =	sst lr;
	_ =	strace $0xD0000000  }
0x3: {  	_ = 	snop  }
0x4: {  	_ = 	snop  }
0x5: {  	_ = 	snop  }
0x6: {  	_ = 	snop  }
0x7: {  	_ = 	snop  }
__scs_overlays_trampoline_lowered:
0x8: {  	[smem:$0x3FA3] =	sst s0  }
0x9: {  	[smem:$0x3FA4] =	sst s1  }
0xa: {  	[smem:$0x3FA5] =	sst s2  }
0xb: {  	[smem:$0x3FA6] =	sst s3  }
0xc: {  	[smem:$0x3FA7] =	sst s4  }
0xd: {  	[smem:$0x3FA8] =	sst s5  }
0xe: {  	[smem:$0x3FA9] =	sst s6  }
0xf: {  	[smem:$0x3FAA] =	sst s7  }
0x10: {  	[smem:$0x3FAB] =	sst s8  }
0x11: {  	[smem:$0x3FAC] =	sst s9;
	s0 =	simm.s32 @!p0 $0x0  }
0x12: {  	s1 =	sld [smem:$0x3F92];
	s0 =	simm.s32 @p0 $0x1  }
0x13: {  	[smem:$0x3FAD] =	sst s0;
	s0 =	simm.s32 @!p1 $0x0  }
0x14: {  	s2 =	sld [smem:$0x3F91];
	s0 =	simm.s32 @p1 $0x1  }
0x15: {  	[smem:$0x3FAE] =	sst s0;
	s0 =	simm.s32 @!p2 $0x0  }
0x16: {  	s3 =	sld [smem:$0x3FDB];
	s0 =	simm.s32 @p2 $0x1  }
0x17: {  	s4 =	simm.s32 $0x1BF5;
	[smem:$0x3FB0] =	sst s0  }
0x18: {  	s0 =	sld [smem:$0x3F93];
	_ =	swait.ge [sflag:s4], $0x0  }
0x19: {  	s7 =	sld [smem:$0x3F94]  }
0x1a: {  	s8 =	sadd.s32 $0xFFFFE003, lr  }
0x1b: {  	s9 =	sadd.s32 $0xFFFFFEF7, lr;
	s5 =	simm.s32 $0xFFFFFFFF;
	p2 =	slt.u32 s8, $0xFFFFF086  }
0x1c: {  	p1 =	slt.u32 s9, $0xF7A;
	s5 =	simm.s32 @!p2 $0x0  }
0x1d: {  	s5 =	simm.s32 @p1 $0x1;
	p0 =	seq.s32 s7, s2  }
0x1e: {  	s7 =	smul.u32 @!p0 $0xF7A, s2;
	p2 =	seq.s32 @!p0 s5, $0x0  }
0x1f: {  	s9 =	smul.u32 $0xF7A, s1;
	s8 =	simm.s32 @!p0 $0x1BF5;
	p2 =	por !p2, p0  }
0x20: {  	[sflag:s8] =	ssyncset.s32 @!p0 $0xFFFFF086;
	s6 =	sadd.s32 @!p0 s3, s7;
	s7 =	simm.s32 @!p0 $0x108  }
0x21: {  	s3 =	sadd.s32 s3, s9;
	s6 =	sadd.s32 @!p0 $0x88, s6;
	s7 =	simm.s32 @p2 $0x1082  }
0x22: {  	[simem:s7], [sflag:s8] =	dma.local @!p0 [hbm:s6], $0xF7A  }
0x23: {  	s9 =	sor.u32 $0xD0000000, s2;
	s6 =	simm.s32 $0x108;
	_ =	swait.ge @!p0 [sflag:s8], $0x0  }
0x24: {  	s3 =	sadd.s32 $0x88, s3;
	s6 =	simm.s32 @!p1 $0x1082;
	[sflag:s4] =	ssyncset.s32 $0xFFFFF086  }
0x25: {  	[simem:s6], [sflag:s4] =	dma.local [hbm:s3], $0xF7A  }
0x26: {  	[smem:$0x3F94] =	sst s1;
	(tag) =	ssettag s2;
	_ =	strace s9  }
0x27: {  	s1 =	sld [smem:$0x3FA4]  }
0x28: {  	s2 =	sld [smem:$0x3FA5]  }
0x29: {  	s4 =	sld [smem:$0x3FA7]  }
0x2a: {  	p0 =	seq.s32 s5, $0x0;
	s5 =	sld [smem:$0x3FA8]  }
0x2b: {  	s6 =	sld [smem:$0x3FA9]  }
0x2c: {  	s7 =	sld [smem:$0x3FAA]  }
0x2d: {  	s3 =	simm.s32 $0x108;
	s8 =	sld [smem:$0x3FAB]  }
0x2e: {  	s3 =	simm.s32 @!p0 $0x1082;
	s9 =	sld [smem:$0x3FAC]  }
0x2f: {  	lr =	sadd.s32 s0, s3;
	s0 =	sld [smem:$0x3FA3]  }
0x30: {  	s3 =	sld [smem:$0x3FA6]  }
0x31: {  	[smem:$0x3FAF] =	sst s10  }
0x32: {  	s10 =	sld [smem:$0x3FAD];
	_ =	sdelay $0x3  }
0x33: {  	p0 =	seq.s32 s10, $0x1;
	s10 =	sld [smem:$0x3FAF];
	_ =	sdelay $0x3  }
0x34: {  	[smem:$0x3FAF] =	sst s10  }
0x35: {  	s10 =	sld [smem:$0x3FAE];
	_ =	sdelay $0x3  }
0x36: {  	p1 =	seq.s32 s10, $0x1;
	s10 =	sld [smem:$0x3FAF];
	_ =	sdelay $0x3  }
0x37: {  	[smem:$0x3FAF] =	sst s10  }
0x38: {  	s10 =	sld [smem:$0x3FB0]  }
0x39: {  	_ = 	snop;
	(pc) =	sbr.ind lr, $3  }
0x3a: {  	_ = 	snop  }
0x3b: {  	_ = 	snop  }
0x3c: {  	p2 =	seq.s32 s10, $0x1;
	s10 =	sld [smem:$0x3FAF]  }
0x3d: {  	_ =	shalt  }
0x3e: {  	_ =	shalt  }
0x3f: {  	_ =	shalt  }
0x40: {  	_ =	shalt  }
0x41: {  	_ =	shalt  }
0x42: {  	_ =	shalt  }
0x43: {  	_ =	shalt  }
0x44: {  	_ =	shalt  }
0x45: {  	_ =	shalt  }
0x46: {  	_ =	shalt  }
0x47: {  	_ =	shalt  }
0x48: {  	_ =	shalt  }
0x49: {  	_ =	shalt  }
0x4a: {  	_ =	shalt  }
0x4b: {  	_ =	shalt  }
0x4c: {  	_ =	shalt  }
0x4d: {  	_ =	shalt  }
0x4e: {  	_ =	shalt  }
0x4f: {  	_ =	shalt  }
0x50: {  	_ =	shalt  }
0x51: {  	_ =	shalt  }
0x52: {  	_ =	shalt  }
0x53: {  	_ =	shalt  }
0x54: {  	_ =	shalt  }
0x55: {  	_ =	shalt  }
0x56: {  	_ =	shalt  }
0x57: {  	_ =	shalt  }
0x58: {  	_ =	shalt  }
0x59: {  	_ =	shalt  }
0x5a: {  	_ =	shalt  }
0x5b: {  	_ =	shalt  }
0x5c: {  	_ =	shalt  }
0x5d: {  	_ =	shalt  }
0x5e: {  	_ =	shalt  }
0x5f: {  	_ =	shalt  }
0x60: {  	_ =	shalt  }
0x61: {  	_ =	shalt  }
0x62: {  	_ =	shalt  }
0x63: {  	_ =	shalt  }
0x64: {  	_ =	shalt  }
0x65: {  	_ =	shalt  }
0x66: {  	_ =	shalt  }
0x67: {  	_ =	shalt  }
0x68: {  	_ =	shalt  }
0x69: {  	_ =	shalt  }
0x6a: {  	_ =	shalt  }
0x6b: {  	_ =	shalt  }
0x6c: {  	_ =	shalt  }
0x6d: {  	_ =	shalt  }
0x6e: {  	_ =	shalt  }
0x6f: {  	_ =	shalt  }
0x70: {  	_ =	shalt  }
0x71: {  	_ =	shalt  }
0x72: {  	_ =	shalt  }
0x73: {  	_ =	shalt  }
0x74: {  	_ =	shalt  }
0x75: {  	_ =	shalt  }
0x76: {  	_ =	shalt  }
0x77: {  	_ =	shalt  }
0x78: {  	_ =	shalt  }
0x79: {  	_ =	shalt  }
0x7a: {  	_ =	shalt  }
0x7b: {  	_ =	shalt  }
0x7c: {  	_ =	shalt  }
0x7d: {  	_ =	shalt  }
0x7e: {  	_ =	shalt  }
0x7f: {  	_ =	shalt  }
0x80: {  	_ =	shalt  }
0x81: {  	_ =	shalt  }
0x82: {  	_ =	shalt  }
0x83: {  	_ =	shalt  }
0x84: {  	_ =	shalt  }
0x85: {  	_ =	shalt  }
0x86: {  	_ =	shalt  }
0x87: {  	_ =	shalt  }
.Lfunc_end0:
.L_simem_size_0:
called_computation_lowered:
.L_overlay_start_0:
0x88: {  	s2 =	sld [smem:$0x3FD9]  }
0x89: {  	s3 =	sld [smem:$0x3FFE];
	_ =	sdelay $0x1  }
0x8a: {  	s1 =	srdreg.scid  }
0x8b: {  	s0 =	sand.u32 $0x1, s1  }
0x8c: {  	s17 =	sshll.u32 s0, $0xA;
	s2 =	sadd.s32 s3, s2  }
0x8d: {  	s2 =	sadd.s32 s2, s17  }
0x8e: {  	[smem:$0x3FBB] =	sst s2  }
0x8f: {  	_ = 	snop  }
0x90: {  	(tm) =	ssettm $0x1  }
0x91: {  	s18 =	sld [smem:$0x3FFB];
	_ =	sdelay $0x3  }
0x92: {  	_ =	strace s18  }
0x93: {  	s2 =	sld [smem:$0x3FFC];
	_ =	sdelay $0x3  }
0x94: {  	_ =	strace s2  }
0x95: {  	s2 =	sld [smem:$0x3FFD];
	_ =	sdelay $0x3  }
0x96: {  	_ =	strace s2  }
0x97: {  	_ =	strace $0x8FFFFFFF  }
0x98: {  	s19 =	sld [smem:$0x3FDB];
	_ =	sdelay $0x1  }
0x99: {  	s20 =	simm.s32 $_scs_section_size  }
0x9a: {  	s4 =	simm.s32 $_size__tile_overlayer_lowered;
	s5 =	simm.s32 $_tile_overlayer_lowered  }
0x9b: {  	s6 =	simm.s32 $0x1BFF;
	s21 =	sshll.u32 s5, $0x1;
	s3 =	sadd.s32 s20, s19  }
0x9c: {  	s22 =	simm.s32 $0x0;
	s4 =	sshll.u32 s4, $0x1;
	s5 =	sadd.s32 s21, s3  }
0x9d: {  	[timem:s22], [sflag:s6] =	dma.local [hbm:s5], s4  }
0x9e: {  	_ =	swait.ge [sflag:s6], s4  }
0x9f: {  	s4 =	ssub.s32 $0x0, s4;
	[sflag:s6] =	ssyncset.done $0x0  }
0xa0: {  	[sflag:s6] =	ssyncadd.s32 s4;
	_ =	sdelay $0x1  }
0xa1: {  	s23 =	simm.s32 $0x1B8B  }
0xa2: {  	_ =	swait.ge [sflag:s23], $0x1  }
0xa3: {  	[sflag:s23] =	ssyncset.done $0x0  }
0xa4: {  	[sflag:s23] =	ssyncadd.s32 $0xFFFFFFFF  }
0xa5: {  	s4 =	sld [smem:$0x0]  }
0xa6: {  	s5 =	sand.u32 $0xFFFFFFFE, s1  }
0xa7: {  	p0 =	sne.s32 s1, s5  }
0xa8: {  	s5 =	sshll.u32 @p0 s5, $0xE  }
0xa9: {  	s5 =	sadd.s32 @p0 $0x11B8D, s5;
	s6 =	sshll.u32 @p0 s4, $0x11  }
0xaa: {  	s5 =	sor.u32 @p0 s6, s5  }
0xab: {  	[sflag:s5] =	ssyncadd.remote.s32 @p0 $0x1;
	_ =	sdelay $0x1  }
0xac: {  	s5 =	simm.s32 @p0 $0x1B8D  }
0xad: {  	_ =	swait.eq @p0 [sflag:s5], $0x1  }
0xae: {  	[sflag:s5] =	ssyncadd.s32 @p0 $0xFFFFFFFF  }
0xaf: {  	s6 =	sshll.u32 @!p0 s1, $0xE  }
0xb0: {  	s6 =	sor.u32 @!p0 $0x4000, s6;
	s5 =	simm.s32 @!p0 $0x1B8D  }
0xb1: {  	s4 =	sshll.u32 @!p0 s4, $0x11;
	s6 =	sadd.s32 @!p0 $0x11B8D, s6;
	_ =	swait.eq @!p0 [sflag:s5], $0x1  }
0xb2: {  	s4 =	sor.u32 @!p0 s4, s6;
	[sflag:s5] =	ssyncadd.s32 @!p0 $0xFFFFFFFF  }
0xb3: {  	s25 =	simm.s32 $0x1B8E;
	s24 =	sld [smem:$0x3FFE];
	[sflag:s4] =	ssyncadd.remote.s32 @!p0 $0x1  }
0xb4: {  	s26 =	simm.s32 $execute0_lowered;
	[smem:$0x3FD2] =	sst s25  }
0xb5: {  	s5 =	sshll.u32 s26, $0x1;
	_ =	strace $0x80000049;
	[dreg:$0x1] =	wrdreg $0xFFFFFFFF  }
0xb6: {  	s28 =	simm.s32 $_size_execute0_lowered;
	s3 =	sadd.s32 s3, s5;
	[dreg:$0x0] =	wrdreg $0x0  }
0xb7: {  	s5 =	sshll.u32 s28, $0x1;
	[dreg:$0x2] =	wrdreg s3  }
0xb8: {  	[dreg:$0x3] =	wrdreg s5  }
0xb9: {  	[dreg:$0x4] =	wrdreg $0xC0  }
0xba: {  	_ =	task [dreg:s22], $0x5FFFF  }
0xbb: {  	[dreg:$0x1] =	wrdreg $0xFFFFFFFF  }
0xbc: {  	[dreg:$0x0] =	wrdreg $0x60  }
0xbd: {  	[dreg:$0x2] =	wrdreg s24  }
0xbe: {  	[dreg:$0x3] =	wrdreg $0x0  }
0xbf: {  	[dreg:$0x4] =	wrdreg $0x9  }
0xc0: {  	_ =	task.clear_ibuf [dreg:s22], $0x5FFFF;
	_ =	strace $0x90000049  }
0xc1: {  	s29 =	simm.s32 $0x9;
	_ =	strace $0x8000004B  }
0xc2: {  	_ =	swait.ge [sflag:s29], $0x1  }
0xc3: {  	[sflag:s29] =	ssyncadd.s32 $0xFFFFFFFF  }
0xc4: {  	_ =	strace $0x9000004B  }
0xc5: {  	_ =	sfence  }
0xc6: {  	s30 =	sld [smem:$0x0];
	_ =	sdelay $0x2  }
0xc7: {  	s31 =	sshll.u32 s1, $0xD;
	s1 =	sshrl.u32 s1, $0x2  }
0xc8: {  	s4 =	sand.u32 $0x4000, s31;
	s1 =	sadd.s32 s1, s30  }
0xc9: {  	s0 =	sor.u32 s4, s0;
	s1 =	sshll.u32 s1, $0x11  }
0xca: {  	s0 =	sor.u32 s1, s0  }
0xcb: {  	s0 =	sadd.s32 $0x8F2B, s0  }
0xcc: {  	[sflag:s0] =	ssyncadd.remote.s32 $0x1  }
0xcd: {  	_ =	sfence.sel $0xFFFF  }
0xce: {  	[dreg:$0x0] =	wrdreg $0xFFFFFFFF;
	(pc) =	sbr.abs _section_cstart, $3  }
0xcf: {  	[dreg:$0x1] =	wrdreg $0xFFFFFFFF  }
0xd0: {  	_ =	task.clear_ibuf [dreg:s22], $0x2FFFF;
	_ =	strace $0x9FFFFFFF  }
0xd1: {  	(tm) =	ssettm $0x7FFFFFFF  }
tec
execute0_lowered:
.L_overlay_start_1:
0x0: {  	(tag) =	ssettag $0x1  }
0x1: {  	s0 =	srdreg.scid;
	s7 =	stileid.u32  }
0x2: {  	s1 =	rddreg [dreg:$0x0];
	s5 =	smul.u32 $0x2740, s7  }
0x3: {  	s2 =	rddreg [dreg:$0x1];
	s3 =	simm.s32 $0x0;
	s6 =	smul.u32 $0x280, s7  }
0x4: {  	s28 =	simm.s32 $0x1;
	s0 =	sand.u32 $0x1, s0;
	s7 =	smul.u32 $0x50000, s7  }
0x5: {  	s29 =	simm.s32 $0x16000;
	s30 =	simm.s32 $0x40;
	s4 =	smul.u32 $0x27400, s0  }
0x6: {  	s31 =	simm.s32 $0x0;
	[smem:$0x7FF] =	sst s3;
	s21 =	smul.u32 $0x2800, s0  }
0x7: {  	_ =	strace $0x8000004A;
	s0 =	ssub.s32 $0x2, s0;
	s4 =	sadd.s32 s5, s4  }
0x8: {  	s23 =	sshrl.u32 s7, $0x2;
	s22 =	sadd.s32 s6, s21;
	s4 =	sshrl.u32 s4, $0x3  }
0x9: {  	s24 =	sshrl.u32 s0, $0x1;
	s25 =	sadd.s32 s4, s1;
	s4 =	sshll.u32 s22, $0x4  }
0xa: {  	s0 =	ssub.s32 s0, s24;
	s1 =	sadd.s32 s4, s1;
	s4 =	sadd.s32 s23, s2  }
0xb: {  	s24 =	smax.u32 s0, $0x1;
	s25 =	sadd.s32 $0x3E00, s25;
	s5 =	sadd.s32 $0x2000, s4  }
0xc: {  	s6 =	sadd.s32 $0x4000, s4;
	s7 =	sadd.s32 $0x6000, s4;
	s8 =	sadd.s32 $0x8000, s4  }
0xd: {  	s9 =	sadd.s32 $0xA000, s4;
	s10 =	sadd.s32 $0xC000, s4;
	s11 =	sadd.s32 $0xE000, s4  }
0xe: {  	s12 =	sadd.s32 $0x10000, s4;
	s13 =	sadd.s32 $0x12000, s4;
	s14 =	sadd.s32 $0x8FA00, s1  }
0xf: {  	s26 =	sadd.s32 $0x8FE00, s1;
	s16 =	sadd.s32 $0x90200, s1;
	s17 =	sadd.s32 $0x90600, s1  }
0x10: {  	s18 =	sadd.s32 $0x90A00, s1;
	s19 =	sadd.s32 $0x90E00, s1;
	s20 =	sadd.s32 $0x91200, s1  }
0x11: {  	s21 =	sadd.s32 $0x91600, s1;
	s22 =	sadd.s32 $0x91A00, s1;
	[dreg:$0x3] =	wrdreg s14  }
0x12: {  	v0 =	vimm.f32 $0.0e+00;
	v1 =	vimm.f32 $1.000000000e+00;
	s23 =	sadd.s32 $0x91E00, s1;
	[dreg:$0x4] =	wrdreg s26;
	s26 =	simm.s32 $0x14000  }
.LBB2_1:
0x13: {  	s1 =	simm.s32 $0x0;
	s0 =	simm.s32 $0x200  }
.LBB2_2:
0x14: {  	p0 =	sne.s32 s0, $0x7E00;
	[tilespmem:s1+$0x14070] =	vst v0  }
0x15: {  	[tilespmem:s1+$0x14000] =	vst v0  }
0x16: {  	[tilespmem:s1+$0x14010] =	vst v0  }
.Ltmp0:
0x17: {  	[tilespmem:s1+$0x14020] =	vst v0;
	(pc) =	sbr.rel @p0 .LBB2_2-.Ltmp0, $4  }
0x18: {  	[tilespmem:s1+$0x14030] =	vst v0  }
0x19: {  	[tilespmem:s1+$0x14040] =	vst v0  }
0x1a: {  	[tilespmem:s1+$0x14050] =	vst v0  }
0x1b: {  	[tilespmem:s1+$0x14060] =	vst v0;
	s1 =	sshra.s32 s0, $0x2;
	s0 =	sadd.s32 $0x200, s0  }
0x1c: {  	[tilespmem:s1+$0x14070] =	vst v0  }
0x1d: {  	[tilespmem:s1+$0x14000] =	vst v0  }
0x1e: {  	[tilespmem:s1+$0x14010] =	vst v0  }
0x1f: {  	[tilespmem:s1+$0x14020] =	vst v0  }
0x20: {  	[tilespmem:s1+$0x14030] =	vst v0  }
0x21: {  	[tilespmem:s1+$0x14040] =	vst v0  }
0x22: {  	[tilespmem:s1+$0x14050] =	vst v0  }
0x23: {  	[tilespmem:s1+$0x14060] =	vst v0  }
0x24: {  	[spmem:s4] =	stream.linear.scatter [tilespmem:s26], [sflag:$0x1], $0x2000, $0x38;
	[tilespmem:$0x16080] =	vst v63  }
0x25: {  	_ =	swait.ge [sflag:s28], $0x2000  }
0x26: {  	[sflag:s28] =	ssyncset.done $0x0  }
0x27: {  	[sflag:s28] =	ssyncadd.s32 $0xFFFFE000  }
0x28: {  	[spmem:s5] =	stream.linear.scatter [tilespmem:s26], [sflag:$0x1], $0x2000, $0x38;
	[tilespmem:$0x16080] =	vst v63  }
0x29: {  	_ =	swait.ge [sflag:s28], $0x2000  }
0x2a: {  	[sflag:s28] =	ssyncset.done $0x0  }
0x2b: {  	[sflag:s28] =	ssyncadd.s32 $0xFFFFE000  }
0x2c: {  	[spmem:s6] =	stream.linear.scatter [tilespmem:s26], [sflag:$0x1], $0x2000, $0x38;
	[tilespmem:$0x16080] =	vst v63  }
0x2d: {  	_ =	swait.ge [sflag:s28], $0x2000  }
0x2e: {  	[sflag:s28] =	ssyncset.done $0x0  }
0x2f: {  	[sflag:s28] =	ssyncadd.s32 $0xFFFFE000  }
0x30: {  	[spmem:s7] =	stream.linear.scatter [tilespmem:s26], [sflag:$0x1], $0x2000, $0x38;
	[tilespmem:$0x16080] =	vst v63  }
0x31: {  	_ =	swait.ge [sflag:s28], $0x2000  }
0x32: {  	[sflag:s28] =	ssyncset.done $0x0  }
0x33: {  	[sflag:s28] =	ssyncadd.s32 $0xFFFFE000  }
0x34: {  	[spmem:s8] =	stream.linear.scatter [tilespmem:s26], [sflag:$0x1], $0x2000, $0x38;
	[tilespmem:$0x16080] =	vst v63  }
0x35: {  	_ =	swait.ge [sflag:s28], $0x2000  }
0x36: {  	[sflag:s28] =	ssyncset.done $0x0  }
0x37: {  	[sflag:s28] =	ssyncadd.s32 $0xFFFFE000  }
0x38: {  	[spmem:s9] =	stream.linear.scatter [tilespmem:s26], [sflag:$0x1], $0x2000, $0x38;
	[tilespmem:$0x16080] =	vst v63  }
0x39: {  	_ =	swait.ge [sflag:s28], $0x2000  }
0x3a: {  	[sflag:s28] =	ssyncset.done $0x0  }
0x3b: {  	[sflag:s28] =	ssyncadd.s32 $0xFFFFE000  }
0x3c: {  	[spmem:s10] =	stream.linear.scatter [tilespmem:s26], [sflag:$0x1], $0x2000, $0x38;
	[tilespmem:$0x16080] =	vst v63  }
0x3d: {  	_ =	swait.ge [sflag:s28], $0x2000  }
0x3e: {  	[sflag:s28] =	ssyncset.done $0x0  }
0x3f: {  	[sflag:s28] =	ssyncadd.s32 $0xFFFFE000  }
0x40: {  	[spmem:s11] =	stream.linear.scatter [tilespmem:s26], [sflag:$0x1], $0x2000, $0x38;
	[tilespmem:$0x16080] =	vst v63  }
0x41: {  	_ =	swait.ge [sflag:s28], $0x2000  }
0x42: {  	[sflag:s28] =	ssyncset.done $0x0  }
0x43: {  	[sflag:s28] =	ssyncadd.s32 $0xFFFFE000  }
0x44: {  	[spmem:s12] =	stream.linear.scatter [tilespmem:s26], [sflag:$0x1], $0x2000, $0x38;
	[tilespmem:$0x16080] =	vst v63  }
0x45: {  	_ =	swait.ge [sflag:s28], $0x2000  }
0x46: {  	[sflag:s28] =	ssyncset.done $0x0  }
0x47: {  	[sflag:s28] =	ssyncadd.s32 $0xFFFFE000  }
0x48: {  	[spmem:s13] =	stream.linear.scatter [tilespmem:s26], [sflag:$0x1], $0x2000, $0x38;
	[tilespmem:$0x16080] =	vst v63  }
0x49: {  	_ =	swait.ge [sflag:s28], $0x2000  }
0x4a: {  	[sflag:s28] =	ssyncset.done $0x0  }
0x4b: {  	s1 =	simm.s32 $0x0;
	s0 =	simm.s32 $0x200;
	[sflag:s28] =	ssyncadd.s32 $0xFFFFE000  }
.LBB2_4:
0x4c: {  	p0 =	sne.s32 s0, $0x7E00;
	[tilespmem:s1+$0x14070] =	vst v1  }
0x4d: {  	[tilespmem:s1+$0x14000] =	vst v1  }
0x4e: {  	[tilespmem:s1+$0x14010] =	vst v1  }
.Ltmp1:
0x4f: {  	[tilespmem:s1+$0x14020] =	vst v1;
	(pc) =	sbr.rel @p0 .LBB2_4-.Ltmp1, $4  }
0x50: {  	[tilespmem:s1+$0x14030] =	vst v1  }
0x51: {  	[tilespmem:s1+$0x14040] =	vst v1  }
0x52: {  	[tilespmem:s1+$0x14050] =	vst v1  }
0x53: {  	[tilespmem:s1+$0x14060] =	vst v1;
	s1 =	sshra.s32 s0, $0x2;
	s0 =	sadd.s32 $0x200, s0  }
0x54: {  	[tilespmem:s1+$0x14070] =	vst v1  }
0x55: {  	[tilespmem:s1+$0x14000] =	vst v1  }
0x56: {  	[tilespmem:s1+$0x14010] =	vst v1  }
0x57: {  	[tilespmem:s1+$0x14020] =	vst v1  }
0x58: {  	[tilespmem:s1+$0x14030] =	vst v1  }
0x59: {  	[tilespmem:s1+$0x14040] =	vst v1  }
0x5a: {  	[tilespmem:s1+$0x14050] =	vst v1  }
0x5b: {  	[tilespmem:s1+$0x14060] =	vst v1  }
0x5c: {  	s0 =	sadd.s32 $0x0, s25;
	[bflag:$0x0] =	sbarrier.arrive $0xFFFF  }
0x5d: {  	[tilespmem:s29], [sflag:$0x1] =	stream.linear.gather [hbm4b:s0+s3], $0x40, $0x38;
	[tilespmem:$0x16080] =	vst v63  }
0x5e: {  	_ =	swait.ge [sflag:s28], $0x40  }
0x5f: {  	[sflag:s28] =	ssyncset.done $0x0  }
0x60: {  	[sflag:s28] =	ssyncadd.s32 $0xFFFFFFC0  }
0x61: {  	[spmem:s2] =	stream.indirect.scatter.add.f32 [tilespmem:s26], [sflag:$0x1], $0x80, s29, s30, $0xb8;
	[tilespmem:$0x16080] =	vst v63  }
0x62: {  	_ =	swait.ge [sflag:s28], $0x2000  }
0x63: {  	s1 =	simm.s32 $0x8;
	s0 =	simm.s32 $0x10;
	[sflag:s28] =	ssyncset.done $0x0  }
.LBB2_6:
0x64: {  	s14 =	sadd.s32 s1, s25  }
0x65: {  	[sflag:s28] =	ssyncadd.s32 $0xFFFFE000;
	s1 =	smov.u32 s0;
	s15 =	sadd.s32 $0x8, s0  }
0x66: {  	[tilespmem:s29], [sflag:$0x1] =	stream.linear.gather [hbm4b:s14+s3], $0x40, $0x38;
	[tilespmem:$0x16080] =	vst v63  }
0x67: {  	p0 =	sne.s32 s0, $0x4E0;
	_ =	swait.ge [sflag:s28], $0x40  }
.Ltmp2:
0x68: {  	[sflag:s28] =	ssyncset.done $0x0;
	(pc) =	sbr.rel @p0 .LBB2_6-.Ltmp2, $4  }
0x69: {  	[sflag:s28] =	ssyncadd.s32 $0xFFFFFFC0  }
0x6a: {  	[spmem:s2] =	stream.indirect.scatter.add.f32 [tilespmem:s26], [sflag:$0x1], $0x80, s29, s30, $0xb8;
	[tilespmem:$0x16080] =	vst v63  }
0x6b: {  	_ =	swait.ge [sflag:s28], $0x2000  }
0x6c: {  	s0 =	smov.u32 s15;
	[sflag:s28] =	ssyncset.done $0x0  }
0x6d: {  	s0 =	sadd.s32 s1, s25;
	[sflag:s28] =	ssyncadd.s32 $0xFFFFE000  }
0x6e: {  	[tilespmem:s29], [sflag:$0x1] =	stream.linear.gather [hbm4b:s0+s3], $0x40, $0x38;
	[tilespmem:$0x16080] =	vst v63  }
0x6f: {  	_ =	swait.ge [sflag:s28], $0x40  }
0x70: {  	[sflag:s28] =	ssyncset.done $0x0  }
0x71: {  	[sflag:s28] =	ssyncadd.s32 $0xFFFFFFC0  }
0x72: {  	[spmem:s2] =	stream.indirect.scatter.add.f32 [tilespmem:s26], [sflag:$0x1], $0x80, s29, s30, $0xb8;
	[tilespmem:$0x16080] =	vst v63  }
0x73: {  	_ =	swait.ge [sflag:s28], $0x2000  }
0x74: {  	[sflag:s28] =	ssyncset.done $0x0  }
0x75: {  	s14 =	stileid.u32;
	[sflag:s28] =	ssyncadd.s32 $0xFFFFE000  }
0x76: {  	s0 =	sshll.u32 s14, $0x6;
	[bflag:$0x0] =	sbarrier.arrive $0xFFFF  }
0x77: {  	s15 =	sshrl.u32 s4, $0x3;
	s0 =	sor.u32 $0x1C01, s0;
	s14 =	rddreg [dreg:$0x3]  }
0x78: {  	[hbm:s14], [sflag:s0] =	dma.local [spmem:s15], $0x400  }
0x79: {  	_ =	swait.ge [sflag:s28], $0x400  }
0x7a: {  	[sflag:s28] =	ssyncset.done $0x0  }
0x7b: {  	s14 =	sshrl.u32 s5, $0x3;
	s15 =	rddreg [dreg:$0x4];
	[sflag:s28] =	ssyncadd.s32 $0xFFFFFC00  }
0x7c: {  	[hbm:s15], [sflag:s0] =	dma.local [spmem:s14], $0x400  }
0x7d: {  	_ =	swait.ge [sflag:s28], $0x400  }
0x7e: {  	[sflag:s28] =	ssyncset.done $0x0  }
0x7f: {  	s14 =	sshrl.u32 s6, $0x3;
	[sflag:s28] =	ssyncadd.s32 $0xFFFFFC00  }
0x80: {  	[hbm:s16], [sflag:s0] =	dma.local [spmem:s14], $0x400  }
0x81: {  	_ =	swait.ge [sflag:s28], $0x400  }
0x82: {  	[sflag:s28] =	ssyncset.done $0x0  }
0x83: {  	s15 =	sshrl.u32 s7, $0x3;
	[sflag:s28] =	ssyncadd.s32 $0xFFFFFC00  }
0x84: {  	[hbm:s17], [sflag:s0] =	dma.local [spmem:s15], $0x400  }
0x85: {  	_ =	swait.ge [sflag:s28], $0x400  }
0x86: {  	[sflag:s28] =	ssyncset.done $0x0  }
0x87: {  	s14 =	sshrl.u32 s8, $0x3;
	[sflag:s28] =	ssyncadd.s32 $0xFFFFFC00  }
0x88: {  	[hbm:s18], [sflag:s0] =	dma.local [spmem:s14], $0x400  }
0x89: {  	_ =	swait.ge [sflag:s28], $0x400  }
0x8a: {  	[sflag:s28] =	ssyncset.done $0x0  }
0x8b: {  	s15 =	sshrl.u32 s9, $0x3;
	[sflag:s28] =	ssyncadd.s32 $0xFFFFFC00  }
0x8c: {  	[hbm:s19], [sflag:s0] =	dma.local [spmem:s15], $0x400  }
0x8d: {  	_ =	swait.ge [sflag:s28], $0x400  }
0x8e: {  	[sflag:s28] =	ssyncset.done $0x0  }
0x8f: {  	s14 =	sshrl.u32 s10, $0x3;
	[sflag:s28] =	ssyncadd.s32 $0xFFFFFC00  }
0x90: {  	[hbm:s20], [sflag:s0] =	dma.local [spmem:s14], $0x400  }
0x91: {  	_ =	swait.ge [sflag:s28], $0x400  }
0x92: {  	[sflag:s28] =	ssyncset.done $0x0  }
0x93: {  	s15 =	sshrl.u32 s11, $0x3;
	[sflag:s28] =	ssyncadd.s32 $0xFFFFFC00  }
0x94: {  	[hbm:s21], [sflag:s0] =	dma.local [spmem:s15], $0x400  }
0x95: {  	_ =	swait.ge [sflag:s28], $0x400  }
0x96: {  	[sflag:s28] =	ssyncset.done $0x0  }
0x97: {  	s14 =	sshrl.u32 s12, $0x3;
	[sflag:s28] =	ssyncadd.s32 $0xFFFFFC00  }
0x98: {  	[hbm:s22], [sflag:s0] =	dma.local [spmem:s14], $0x400  }
0x99: {  	s31 =	sadd.s32 $0x1, s31;
	_ =	swait.ge [sflag:s28], $0x400  }
0x9a: {  	p0 =	sne.s32 s31, s24;
	[sflag:s28] =	ssyncset.done $0x0  }
.Ltmp3:
0x9b: {  	s15 =	sshrl.u32 s13, $0x3;
	[sflag:s28] =	ssyncadd.s32 $0xFFFFFC00;
	(pc) =	sbr.rel @p0 .LBB2_1-.Ltmp3, $4  }
0x9c: {  	[hbm:s23], [sflag:s0] =	dma.local [spmem:s15], $0x400  }
0x9d: {  	_ =	swait.ge [sflag:s28], $0x400  }
0x9e: {  	[sflag:s28] =	ssyncset.done $0x0  }
0x9f: {  	[sflag:s28] =	ssyncadd.s32 $0xFFFFFC00  }
0xa0: {  	_ =	sfence.sel $0x180000  }
0xa1: {  	[bflag:$0x0] =	sbarrier.arrive $0xFFFF  }
0xa2: {  	_ =	strace $0x9000004A  }
0xa3: {  	s0 =	stileid.u32;
	[bflag:$0x2] =	sbarrier.arrive $0xFFFF  }
0xa4: {  	p0 =	sne.s32 s0, $0x0;
	s0 =	rddreg [dreg:$0x2]  }
0xa5: {  	s0 =	sadd.s32 @!p0 $0x100000, s0  }
0xa6: {  	[sflag:s0] =	ssyncadd.tile.s32 @!p0 $0x1;
	_ =	shalt  }
.Lfunc_end2:
_tile_overlayer_lowered:
.L_overlay_start_2:
0xa7: {  	(tag) =	ssettag $0x2  }
0xa8: {  	s0 =	rddreg [dreg:$0x0];
	s2 =	stileid.u32  }
0xa9: {  	s1 =	rddreg [dreg:$0x1];
	p0 =	sne.s32 s2, $0x0  }
0xaa: {  	s3 =	rddreg [dreg:$0x2];
	[bflag:$0x3] =	sbarrier.arrive $0xFFFF;
	s2 =	simm.s32 @!p0 $0x1C01  }
0xab: {  	[timem:s3], [sflag:s2] =	dma.local @!p0 [hbm:s0], s1  }
0xac: {  	s0 =	simm.s32 @!p0 $0x1  }
0xad: {  	_ =	swait.ge @!p0 [sflag:s0], s1  }
0xae: {  	s1 =	ssub.s32 @!p0 $0x0, s1;
	[sflag:s0] =	ssyncset.done @!p0 $0x0  }
0xaf: {  	[sflag:s0] =	ssyncadd.s32 @!p0 s1  }
0xb0: {  	[bflag:$0x3] =	sbarrier.arrive $0xFFFF  }
0xb1: {  	_ =	shalt  }

// kernel: kernel.13.cloned.1.call-start
scs
__scs_entry_jumppad:
0x0: {  	(pc) =	sbr.rel $0x88, $3  }
0x1: {  	(tag) =	ssettag $0x0;
	lr =	simm.s32 $0x1  }
0x2: {  	[smem:$0x3F94] =	sst lr;
	_ =	strace $0xD0000000  }
0x3: {  	_ = 	snop  }
0x4: {  	_ = 	snop  }
0x5: {  	_ = 	snop  }
0x6: {  	_ = 	snop  }
0x7: {  	_ = 	snop  }
__scs_overlays_trampoline_lowered:
0x8: {  	[smem:$0x3FA3] =	sst s0  }
0x9: {  	[smem:$0x3FA4] =	sst s1  }
0xa: {  	[smem:$0x3FA5] =	sst s2  }
0xb: {  	[smem:$0x3FA6] =	sst s3  }
0xc: {  	[smem:$0x3FA7] =	sst s4  }
0xd: {  	[smem:$0x3FA8] =	sst s5  }
0xe: {  	[smem:$0x3FA9] =	sst s6  }
0xf: {  	[smem:$0x3FAA] =	sst s7  }
0x10: {  	[smem:$0x3FAB] =	sst s8  }
0x11: {  	[smem:$0x3FAC] =	sst s9;
	s0 =	simm.s32 @!p0 $0x0  }
0x12: {  	s1 =	sld [smem:$0x3F92];
	s0 =	simm.s32 @p0 $0x1  }
0x13: {  	[smem:$0x3FAD] =	sst s0;
	s0 =	simm.s32 @!p1 $0x0  }
0x14: {  	s2 =	sld [smem:$0x3F91];
	s0 =	simm.s32 @p1 $0x1  }
0x15: {  	[smem:$0x3FAE] =	sst s0;
	s0 =	simm.s32 @!p2 $0x0  }
0x16: {  	s3 =	sld [smem:$0x3FDB];
	s0 =	simm.s32 @p2 $0x1  }
0x17: {  	s4 =	simm.s32 $0x1BF5;
	[smem:$0x3FB0] =	sst s0  }
0x18: {  	s0 =	sld [smem:$0x3F93];
	_ =	swait.ge [sflag:s4], $0x0  }
0x19: {  	s7 =	sld [smem:$0x3F94]  }
0x1a: {  	s8 =	sadd.s32 $0xFFFFE003, lr  }
0x1b: {  	s9 =	sadd.s32 $0xFFFFFEF7, lr;
	s5 =	simm.s32 $0xFFFFFFFF;
	p2 =	slt.u32 s8, $0xFFFFF086  }
0x1c: {  	p1 =	slt.u32 s9, $0xF7A;
	s5 =	simm.s32 @!p2 $0x0  }
0x1d: {  	s5 =	simm.s32 @p1 $0x1;
	p0 =	seq.s32 s7, s2  }
0x1e: {  	s7 =	smul.u32 @!p0 $0xF7A, s2;
	p2 =	seq.s32 @!p0 s5, $0x0  }
0x1f: {  	s9 =	smul.u32 $0xF7A, s1;
	s8 =	simm.s32 @!p0 $0x1BF5;
	p2 =	por !p2, p0  }
0x20: {  	[sflag:s8] =	ssyncset.s32 @!p0 $0xFFFFF086;
	s6 =	sadd.s32 @!p0 s3, s7;
	s7 =	simm.s32 @!p0 $0x108  }
0x21: {  	s3 =	sadd.s32 s3, s9;
	s6 =	sadd.s32 @!p0 $0x88, s6;
	s7 =	simm.s32 @p2 $0x1082  }
0x22: {  	[simem:s7], [sflag:s8] =	dma.local @!p0 [hbm:s6], $0xF7A  }
0x23: {  	s9 =	sor.u32 $0xD0000000, s2;
	s6 =	simm.s32 $0x108;
	_ =	swait.ge @!p0 [sflag:s8], $0x0  }
0x24: {  	s3 =	sadd.s32 $0x88, s3;
	s6 =	simm.s32 @!p1 $0x1082;
	[sflag:s4] =	ssyncset.s32 $0xFFFFF086  }
0x25: {  	[simem:s6], [sflag:s4] =	dma.local [hbm:s3], $0xF7A  }
0x26: {  	[smem:$0x3F94] =	sst s1;
	(tag) =	ssettag s2;
	_ =	strace s9  }
0x27: {  	s1 =	sld [smem:$0x3FA4]  }
0x28: {  	s2 =	sld [smem:$0x3FA5]  }
0x29: {  	s4 =	sld [smem:$0x3FA7]  }
0x2a: {  	p0 =	seq.s32 s5, $0x0;
	s5 =	sld [smem:$0x3FA8]  }
0x2b: {  	s6 =	sld [smem:$0x3FA9]  }
0x2c: {  	s7 =	sld [smem:$0x3FAA]  }
0x2d: {  	s3 =	simm.s32 $0x108;
	s8 =	sld [smem:$0x3FAB]  }
0x2e: {  	s3 =	simm.s32 @!p0 $0x1082;
	s9 =	sld [smem:$0x3FAC]  }
0x2f: {  	lr =	sadd.s32 s0, s3;
	s0 =	sld [smem:$0x3FA3]  }
0x30: {  	s3 =	sld [smem:$0x3FA6]  }
0x31: {  	[smem:$0x3FAF] =	sst s10  }
0x32: {  	s10 =	sld [smem:$0x3FAD];
	_ =	sdelay $0x3  }
0x33: {  	p0 =	seq.s32 s10, $0x1;
	s10 =	sld [smem:$0x3FAF];
	_ =	sdelay $0x3  }
0x34: {  	[smem:$0x3FAF] =	sst s10  }
0x35: {  	s10 =	sld [smem:$0x3FAE];
	_ =	sdelay $0x3  }
0x36: {  	p1 =	seq.s32 s10, $0x1;
	s10 =	sld [smem:$0x3FAF];
	_ =	sdelay $0x3  }
0x37: {  	[smem:$0x3FAF] =	sst s10  }
0x38: {  	s10 =	sld [smem:$0x3FB0]  }
0x39: {  	_ = 	snop;
	(pc) =	sbr.ind lr, $3  }
0x3a: {  	_ = 	snop  }
0x3b: {  	_ = 	snop  }
0x3c: {  	p2 =	seq.s32 s10, $0x1;
	s10 =	sld [smem:$0x3FAF]  }
0x3d: {  	_ =	shalt  }
0x3e: {  	_ =	shalt  }
0x3f: {  	_ =	shalt  }
0x40: {  	_ =	shalt  }
0x41: {  	_ =	shalt  }
0x42: {  	_ =	shalt  }
0x43: {  	_ =	shalt  }
0x44: {  	_ =	shalt  }
0x45: {  	_ =	shalt  }
0x46: {  	_ =	shalt  }
0x47: {  	_ =	shalt  }
0x48: {  	_ =	shalt  }
0x49: {  	_ =	shalt  }
0x4a: {  	_ =	shalt  }
0x4b: {  	_ =	shalt  }
0x4c: {  	_ =	shalt  }
0x4d: {  	_ =	shalt  }
0x4e: {  	_ =	shalt  }
0x4f: {  	_ =	shalt  }
0x50: {  	_ =	shalt  }
0x51: {  	_ =	shalt  }
0x52: {  	_ =	shalt  }
0x53: {  	_ =	shalt  }
0x54: {  	_ =	shalt  }
0x55: {  	_ =	shalt  }
0x56: {  	_ =	shalt  }
0x57: {  	_ =	shalt  }
0x58: {  	_ =	shalt  }
0x59: {  	_ =	shalt  }
0x5a: {  	_ =	shalt  }
0x5b: {  	_ =	shalt  }
0x5c: {  	_ =	shalt  }
0x5d: {  	_ =	shalt  }
0x5e: {  	_ =	shalt  }
0x5f: {  	_ =	shalt  }
0x60: {  	_ =	shalt  }
0x61: {  	_ =	shalt  }
0x62: {  	_ =	shalt  }
0x63: {  	_ =	shalt  }
0x64: {  	_ =	shalt  }
0x65: {  	_ =	shalt  }
0x66: {  	_ =	shalt  }
0x67: {  	_ =	shalt  }
0x68: {  	_ =	shalt  }
0x69: {  	_ =	shalt  }
0x6a: {  	_ =	shalt  }
0x6b: {  	_ =	shalt  }
0x6c: {  	_ =	shalt  }
0x6d: {  	_ =	shalt  }
0x6e: {  	_ =	shalt  }
0x6f: {  	_ =	shalt  }
0x70: {  	_ =	shalt  }
0x71: {  	_ =	shalt  }
0x72: {  	_ =	shalt  }
0x73: {  	_ =	shalt  }
0x74: {  	_ =	shalt  }
0x75: {  	_ =	shalt  }
0x76: {  	_ =	shalt  }
0x77: {  	_ =	shalt  }
0x78: {  	_ =	shalt  }
0x79: {  	_ =	shalt  }
0x7a: {  	_ =	shalt  }
0x7b: {  	_ =	shalt  }
0x7c: {  	_ =	shalt  }
0x7d: {  	_ =	shalt  }
0x7e: {  	_ =	shalt  }
0x7f: {  	_ =	shalt  }
0x80: {  	_ =	shalt  }
0x81: {  	_ =	shalt  }
0x82: {  	_ =	shalt  }
0x83: {  	_ =	shalt  }
0x84: {  	_ =	shalt  }
0x85: {  	_ =	shalt  }
0x86: {  	_ =	shalt  }
0x87: {  	_ =	shalt  }
.Lfunc_end0:
.L_simem_size_0:
called_computation.1_lowered:
.L_overlay_start_0:
0x88: {  	s2 =	sld [smem:$0x3FD9]  }
0x89: {  	s3 =	sld [smem:$0x3FFE];
	_ =	sdelay $0x1  }
0x8a: {  	s1 =	srdreg.scid  }
0x8b: {  	s0 =	sand.u32 $0x1, s1  }
0x8c: {  	s16 =	sshll.u32 s0, $0xA;
	s2 =	sadd.s32 s3, s2  }
0x8d: {  	s2 =	sadd.s32 s2, s16  }
0x8e: {  	[smem:$0x3FBB] =	sst s2  }
0x8f: {  	_ = 	snop  }
0x90: {  	(tm) =	ssettm $0x1  }
0x91: {  	s17 =	sld [smem:$0x3FFB];
	_ =	sdelay $0x3  }
0x92: {  	_ =	strace s17  }
0x93: {  	s2 =	sld [smem:$0x3FFC];
	_ =	sdelay $0x3  }
0x94: {  	_ =	strace s2  }
0x95: {  	s2 =	sld [smem:$0x3FFD];
	_ =	sdelay $0x3  }
0x96: {  	_ =	strace s2  }
0x97: {  	_ =	strace $0x8FFFFFFF  }
0x98: {  	s18 =	sld [smem:$0x3FDB];
	_ =	sdelay $0x1  }
0x99: {  	s19 =	simm.s32 $_scs_section_size  }
0x9a: {  	s4 =	simm.s32 $_size__tile_overlayer_lowered;
	s5 =	simm.s32 $_tile_overlayer_lowered  }
0x9b: {  	s22 =	simm.s32 $0x1BFF;
	s21 =	sshll.u32 s5, $0x1;
	s2 =	sadd.s32 s19, s18  }
0x9c: {  	s6 =	simm.s32 $0x0;
	s20 =	sshll.u32 s4, $0x1;
	s4 =	sadd.s32 s21, s2  }
0x9d: {  	[timem:s6], [sflag:s22] =	dma.local [hbm:s4], s20  }
0x9e: {  	_ =	swait.ge [sflag:s22], s20  }
0x9f: {  	s3 =	ssub.s32 $0x0, s20;
	[sflag:s22] =	ssyncset.done $0x0  }
0xa0: {  	[sflag:s22] =	ssyncadd.s32 s3;
	_ =	sdelay $0x1  }
0xa1: {  	s23 =	simm.s32 $0x1B8B  }
0xa2: {  	_ =	swait.ge [sflag:s23], $0x1  }
0xa3: {  	[sflag:s23] =	ssyncset.done $0x0  }
0xa4: {  	s25 =	simm.s32 $0x1B8E;
	s24 =	sld [smem:$0x3FFE];
	[sflag:s23] =	ssyncadd.s32 $0xFFFFFFFF  }
0xa5: {  	s26 =	simm.s32 $execute0_lowered;
	[smem:$0x3FD2] =	sst s25  }
0xa6: {  	s4 =	sshll.u32 s26, $0x1;
	_ =	strace $0x80000046;
	[dreg:$0x1] =	wrdreg $0xFFFFFFFF  }
0xa7: {  	s28 =	simm.s32 $_size_execute0_lowered;
	s2 =	sadd.s32 s2, s4;
	[dreg:$0x0] =	wrdreg $0x0  }
0xa8: {  	s4 =	sshll.u32 s28, $0x1;
	[dreg:$0x2] =	wrdreg s2  }
0xa9: {  	[dreg:$0x3] =	wrdreg s4  }
0xaa: {  	[dreg:$0x4] =	wrdreg $0xC0  }
0xab: {  	_ =	task [dreg:s6], $0x5FFFF  }
0xac: {  	[dreg:$0x1] =	wrdreg $0xFFFFFFFF  }
0xad: {  	[dreg:$0x0] =	wrdreg $0x60  }
0xae: {  	[dreg:$0x2] =	wrdreg s24  }
0xaf: {  	[dreg:$0x3] =	wrdreg $0x0  }
0xb0: {  	[dreg:$0x4] =	wrdreg $0xA  }
0xb1: {  	_ =	task.clear_ibuf [dreg:s6], $0x5FFFF;
	_ =	strace $0x90000046  }
0xb2: {  	s29 =	simm.s32 $0xA;
	_ =	strace $0x80000048  }
0xb3: {  	_ =	swait.ge [sflag:s29], $0x1  }
0xb4: {  	[sflag:s29] =	ssyncadd.s32 $0xFFFFFFFF  }
0xb5: {  	_ =	strace $0x90000048  }
0xb6: {  	_ =	sfence  }
0xb7: {  	s30 =	sld [smem:$0x0];
	_ =	sdelay $0x2  }
0xb8: {  	s31 =	sshll.u32 s1, $0xD;
	s1 =	sshrl.u32 s1, $0x2  }
0xb9: {  	s3 =	sand.u32 $0x4000, s31;
	s1 =	sadd.s32 s1, s30  }
0xba: {  	s0 =	sor.u32 s3, s0;
	s1 =	sshll.u32 s1, $0x11  }
0xbb: {  	s0 =	sor.u32 s1, s0  }
0xbc: {  	s0 =	sadd.s32 $0x8F2B, s0  }
0xbd: {  	[sflag:s0] =	ssyncadd.remote.s32 $0x1  }
0xbe: {  	_ =	sfence.sel $0xFFFF  }
0xbf: {  	[dreg:$0x0] =	wrdreg $0xFFFFFFFF;
	(pc) =	sbr.abs _section_cstart, $3  }
0xc0: {  	[dreg:$0x1] =	wrdreg $0xFFFFFFFF  }
0xc1: {  	_ =	task.clear_ibuf [dreg:s6], $0x2FFFF;
	_ =	strace $0x9FFFFFFF  }
0xc2: {  	(tm) =	ssettm $0x7FFFFFFF  }
0xc3: {  	_ =	shalt  }
tec
execute0_lowered:
.L_overlay_start_1:
0x0: {  	(tag) =	ssettag $0x1  }
0x1: {  	s0 =	srdreg.scid;
	s8 =	stileid.u32  }
0x2: {  	s1 =	rddreg [dreg:$0x0];
	s5 =	smul.u32 $0x2740, s8  }
0x3: {  	s2 =	rddreg [dreg:$0x1];
	s3 =	simm.s32 $0x0;
	s6 =	smul.u32 $0x280, s8  }
0x4: {  	s29 =	simm.s32 $0x14000;
	s0 =	sand.u32 $0x1, s0;
	s8 =	smul.u32 $0x50000, s8  }
0x5: {  	s30 =	simm.s32 $0x2;
	s31 =	simm.s32 $0x16000;
	s4 =	smul.u32 $0x27400, s0  }
0x6: {  	[smem:$0x7FF] =	sst s3;
	s18 =	smul.u32 $0x2800, s0;
	s0 =	ssub.s32 $0x2, s0  }
0x7: {  	_ =	strace $0x80000047;
	s19 =	sshrl.u32 s8, $0x2;
	s20 =	sshrl.u32 s0, $0x1  }
0x8: {  	s4 =	sadd.s32 s5, s4;
	s5 =	sadd.s32 s6, s18;
	s0 =	ssub.s32 s0, s20  }
0x9: {  	s7 =	sshrl.u32 s4, $0x3;
	s4 =	sadd.s32 $0x17A00, s1;
	s5 =	sshll.u32 s5, $0x4  }
0xa: {  	s13 =	sadd.s32 s7, s1;
	s1 =	sadd.s32 s5, s1;
	s5 =	sadd.s32 s19, s2  }
0xb: {  	s6 =	sadd.s32 $0x2000, s5;
	s7 =	sadd.s32 $0x4000, s5;
	s14 =	sadd.s32 $0x3FA00, s1  }
0xc: {  	s8 =	sadd.s32 $0x6000, s5;
	s21 =	sadd.s32 $0x3FE00, s1;
	[dreg:$0x3] =	wrdreg s14  }
0xd: {  	s9 =	sadd.s32 $0x8000, s5;
	s22 =	sadd.s32 $0x40200, s1;
	[dreg:$0x4] =	wrdreg s21  }
0xe: {  	s10 =	sadd.s32 $0xA000, s5;
	s23 =	sadd.s32 $0x40600, s1;
	[dreg:$0x5] =	wrdreg s22  }
0xf: {  	s11 =	sadd.s32 $0xC000, s5;
	s24 =	sadd.s32 $0x40A00, s1;
	[dreg:$0x6] =	wrdreg s23  }
0x10: {  	s12 =	sadd.s32 $0xE000, s5;
	s25 =	sadd.s32 $0x40E00, s1;
	[dreg:$0x7] =	wrdreg s24  }
0x11: {  	s26 =	sadd.s32 $0x41200, s1;
	s20 =	sadd.s32 $0x41600, s1;
	[dreg:$0x8] =	wrdreg s25  }
0x12: {  	s28 =	sadd.s32 $0x12000, s5;
	[dreg:$0x9] =	wrdreg s26;
	s21 =	sadd.s32 $0x41A00, s1  }
0x13: {  	s22 =	sadd.s32 $0x41E00, s1;
	s23 =	smax.u32 s0, $0x1;
	s24 =	sadd.s32 $0x3E00, s13  }
0x14: {  	s25 =	sadd.s32 $0xDC00, s13;
	s26 =	sadd.s32 $0x10000, s5;
	s1 =	simm.s32 $0x16080  }
0x15: {  	v0 =	vimm.f32 $0.0e+00;
	s0 =	simm.s32 $0x40;
	s13 =	simm.s32 $0x1;
	s14 =	simm.s32 $0x0  }
.LBB2_1:
0x16: {  	s15 =	simm.s32 $0x0;
	s16 =	simm.s32 $0x200  }
.LBB2_2:
0x17: {  	p0 =	sne.s32 s16, $0x7E00;
	[tilespmem:s15+$0x14070] =	vst v0  }
0x18: {  	[tilespmem:s15+$0x14000] =	vst v0  }
0x19: {  	[tilespmem:s15+$0x14010] =	vst v0  }
.Ltmp0:
0x1a: {  	[tilespmem:s15+$0x14020] =	vst v0;
	(pc) =	sbr.rel @p0 .LBB2_2-.Ltmp0, $4  }
0x1b: {  	[tilespmem:s15+$0x14030] =	vst v0  }
0x1c: {  	[tilespmem:s15+$0x14040] =	vst v0  }
0x1d: {  	[tilespmem:s15+$0x14050] =	vst v0  }
0x1e: {  	[tilespmem:s15+$0x14060] =	vst v0;
	s15 =	sshra.s32 s16, $0x2;
	s16 =	sadd.s32 $0x200, s16  }
0x1f: {  	[tilespmem:s15+$0x14070] =	vst v0  }
0x20: {  	[tilespmem:s15+$0x14000] =	vst v0  }
0x21: {  	[tilespmem:s15+$0x14010] =	vst v0  }
0x22: {  	[tilespmem:s15+$0x14020] =	vst v0  }
0x23: {  	[tilespmem:s15+$0x14030] =	vst v0  }
0x24: {  	[tilespmem:s15+$0x14040] =	vst v0  }
0x25: {  	[tilespmem:s15+$0x14050] =	vst v0  }
0x26: {  	[tilespmem:s15+$0x14060] =	vst v0  }
0x27: {  	[spmem:s5] =	stream.linear.scatter [tilespmem:s29], [sflag:$0x2], $0x2000, $0x38;
	[tilespmem:$0x16100] =	vst v63  }
0x28: {  	_ =	swait.ge [sflag:s30], $0x2000  }
0x29: {  	[sflag:s30] =	ssyncset.done $0x0  }
0x2a: {  	[sflag:s30] =	ssyncadd.s32 $0xFFFFE000  }
0x2b: {  	[spmem:s6] =	stream.linear.scatter [tilespmem:s29], [sflag:$0x2], $0x2000, $0x38;
	[tilespmem:$0x16100] =	vst v63  }
0x2c: {  	_ =	swait.ge [sflag:s30], $0x2000  }
0x2d: {  	[sflag:s30] =	ssyncset.done $0x0  }
0x2e: {  	[sflag:s30] =	ssyncadd.s32 $0xFFFFE000  }
0x2f: {  	[spmem:s7] =	stream.linear.scatter [tilespmem:s29], [sflag:$0x2], $0x2000, $0x38;
	[tilespmem:$0x16100] =	vst v63  }
0x30: {  	_ =	swait.ge [sflag:s30], $0x2000  }
0x31: {  	[sflag:s30] =	ssyncset.done $0x0  }
0x32: {  	[sflag:s30] =	ssyncadd.s32 $0xFFFFE000  }
0x33: {  	[spmem:s8] =	stream.linear.scatter [tilespmem:s29], [sflag:$0x2], $0x2000, $0x38;
	[tilespmem:$0x16100] =	vst v63  }
0x34: {  	_ =	swait.ge [sflag:s30], $0x2000  }
0x35: {  	[sflag:s30] =	ssyncset.done $0x0  }
0x36: {  	[sflag:s30] =	ssyncadd.s32 $0xFFFFE000  }
0x37: {  	[spmem:s9] =	stream.linear.scatter [tilespmem:s29], [sflag:$0x2], $0x2000, $0x38;
	[tilespmem:$0x16100] =	vst v63  }
0x38: {  	_ =	swait.ge [sflag:s30], $0x2000  }
0x39: {  	[sflag:s30] =	ssyncset.done $0x0  }
0x3a: {  	[sflag:s30] =	ssyncadd.s32 $0xFFFFE000  }
0x3b: {  	[spmem:s10] =	stream.linear.scatter [tilespmem:s29], [sflag:$0x2], $0x2000, $0x38;
	[tilespmem:$0x16100] =	vst v63  }
0x3c: {  	_ =	swait.ge [sflag:s30], $0x2000  }
0x3d: {  	[sflag:s30] =	ssyncset.done $0x0  }
0x3e: {  	[sflag:s30] =	ssyncadd.s32 $0xFFFFE000  }
0x3f: {  	[spmem:s11] =	stream.linear.scatter [tilespmem:s29], [sflag:$0x2], $0x2000, $0x38;
	[tilespmem:$0x16100] =	vst v63  }
0x40: {  	_ =	swait.ge [sflag:s30], $0x2000  }
0x41: {  	[sflag:s30] =	ssyncset.done $0x0  }
0x42: {  	[sflag:s30] =	ssyncadd.s32 $0xFFFFE000  }
0x43: {  	[spmem:s12] =	stream.linear.scatter [tilespmem:s29], [sflag:$0x2], $0x2000, $0x38;
	[tilespmem:$0x16100] =	vst v63  }
0x44: {  	_ =	swait.ge [sflag:s30], $0x2000  }
0x45: {  	[sflag:s30] =	ssyncset.done $0x0  }
0x46: {  	[sflag:s30] =	ssyncadd.s32 $0xFFFFE000  }
0x47: {  	[spmem:s26] =	stream.linear.scatter [tilespmem:s29], [sflag:$0x2], $0x2000, $0x38;
	[tilespmem:$0x16100] =	vst v63  }
0x48: {  	_ =	swait.ge [sflag:s30], $0x2000  }
0x49: {  	[sflag:s30] =	ssyncset.done $0x0  }
0x4a: {  	[sflag:s30] =	ssyncadd.s32 $0xFFFFE000  }
0x4b: {  	[spmem:s28] =	stream.linear.scatter [tilespmem:s29], [sflag:$0x2], $0x2000, $0x38;
	[tilespmem:$0x16100] =	vst v63  }
0x4c: {  	_ =	swait.ge [sflag:s30], $0x2000  }
0x4d: {  	[sflag:s30] =	ssyncset.done $0x0  }
0x4e: {  	[sflag:s30] =	ssyncadd.s32 $0xFFFFE000  }
0x4f: {  	s18 =	sadd.s32 $0x0, s25;
	[bflag:$0x0] =	sbarrier.arrive $0xFFFF  }
0x50: {  	[tilespmem:s31], [sflag:$0x2] =	stream.linear.gather [hbm4b:s18+s3], $0x40, $0x38;
	[tilespmem:$0x16100] =	vst v63  }
0x51: {  	_ =	swait.ge [sflag:s30], $0x40  }
0x52: {  	[sflag:s30] =	ssyncset.done $0x0  }
0x53: {  	s19 =	sadd.s32 $0x0, s24;
	[sflag:s30] =	ssyncadd.s32 $0xFFFFFFC0  }
0x54: {  	[tilespmem:s1], [sflag:$0x2] =	stream.linear.gather [hbm4b:s19+s3], $0x40, $0x38;
	[tilespmem:$0x16100] =	vst v63  }
0x55: {  	_ =	swait.ge [sflag:s30], $0x40  }
0x56: {  	[sflag:s30] =	ssyncset.done $0x0  }
0x57: {  	[sflag:s30] =	ssyncadd.s32 $0xFFFFFFC0  }
0x58: {  	[tilespmem:s29], [sflag:$0x1] =	stream.indirect.gather [hbm4b:s4+s0], $0x80, s31, s0, $0xb8;
	[tilespmem:$0x16100] =	vst v63  }
0x59: {  	_ =	swait.ge [sflag:s13], $0x2000  }
0x5a: {  	[sflag:s13] =	ssyncset.done $0x0  }
0x5b: {  	[sflag:s13] =	ssyncadd.s32 $0xFFFFE000  }
0x5c: {  	[spmem:s2] =	stream.indirect.scatter.add.f32 [tilespmem:s29], [sflag:$0x2], $0x80, s1, s0, $0xb8;
	[tilespmem:$0x16100] =	vst v63  }
0x5d: {  	_ =	swait.ge [sflag:s30], $0x2000  }
0x5e: {  	s15 =	simm.s32 $0x8;
	s16 =	simm.s32 $0x10;
	[sflag:s30] =	ssyncset.done $0x0  }
.LBB2_4:
0x5f: {  	s17 =	sadd.s32 s15, s25  }
0x60: {  	[sflag:s30] =	ssyncadd.s32 $0xFFFFE000;
	s18 =	smov.u32 s16;
	s19 =	sadd.s32 $0x8, s16  }
0x61: {  	[tilespmem:s31], [sflag:$0x2] =	stream.linear.gather [hbm4b:s17+s3], $0x40, $0x38;
	[tilespmem:$0x16100] =	vst v63  }
0x62: {  	p0 =	sne.s32 s16, $0x4E0;
	_ =	swait.ge [sflag:s30], $0x40  }
0x63: {  	[sflag:s30] =	ssyncset.done $0x0  }
0x64: {  	s16 =	sadd.s32 s15, s24;
	s15 =	smov.u32 s18;
	[sflag:s30] =	ssyncadd.s32 $0xFFFFFFC0  }
0x65: {  	[tilespmem:s1], [sflag:$0x2] =	stream.linear.gather [hbm4b:s16+s3], $0x40, $0x38;
	[tilespmem:$0x16100] =	vst v63  }
0x66: {  	_ =	swait.ge [sflag:s30], $0x40  }
0x67: {  	[sflag:s30] =	ssyncset.done $0x0  }
0x68: {  	[sflag:s30] =	ssyncadd.s32 $0xFFFFFFC0  }
0x69: {  	[tilespmem:s29], [sflag:$0x1] =	stream.indirect.gather [hbm4b:s4+s0], $0x80, s31, s0, $0xb8;
	[tilespmem:$0x16100] =	vst v63  }
0x6a: {  	_ =	swait.ge [sflag:s13], $0x2000  }
.Ltmp1:
0x6b: {  	[sflag:s13] =	ssyncset.done $0x0;
	(pc) =	sbr.rel @p0 .LBB2_4-.Ltmp1, $4  }
0x6c: {  	[sflag:s13] =	ssyncadd.s32 $0xFFFFE000  }
0x6d: {  	[spmem:s2] =	stream.indirect.scatter.add.f32 [tilespmem:s29], [sflag:$0x2], $0x80, s1, s0, $0xb8;
	[tilespmem:$0x16100] =	vst v63  }
0x6e: {  	_ =	swait.ge [sflag:s30], $0x2000  }
0x6f: {  	s16 =	smov.u32 s19;
	[sflag:s30] =	ssyncset.done $0x0  }
0x70: {  	s16 =	sadd.s32 s15, s25;
	[sflag:s30] =	ssyncadd.s32 $0xFFFFE000  }
0x71: {  	[tilespmem:s31], [sflag:$0x2] =	stream.linear.gather [hbm4b:s16+s3], $0x40, $0x38;
	[tilespmem:$0x16100] =	vst v63  }
0x72: {  	_ =	swait.ge [sflag:s30], $0x40  }
0x73: {  	[sflag:s30] =	ssyncset.done $0x0  }
0x74: {  	s17 =	sadd.s32 s15, s24;
	[sflag:s30] =	ssyncadd.s32 $0xFFFFFFC0  }
0x75: {  	[tilespmem:s1], [sflag:$0x2] =	stream.linear.gather [hbm4b:s17+s3], $0x40, $0x38;
	[tilespmem:$0x16100] =	vst v63  }
0x76: {  	_ =	swait.ge [sflag:s30], $0x40  }
0x77: {  	[sflag:s30] =	ssyncset.done $0x0  }
0x78: {  	[sflag:s30] =	ssyncadd.s32 $0xFFFFFFC0  }
0x79: {  	[tilespmem:s29], [sflag:$0x1] =	stream.indirect.gather [hbm4b:s4+s0], $0x80, s31, s0, $0xb8;
	[tilespmem:$0x16100] =	vst v63  }
0x7a: {  	_ =	swait.ge [sflag:s13], $0x2000  }
0x7b: {  	[sflag:s13] =	ssyncset.done $0x0  }
0x7c: {  	[sflag:s13] =	ssyncadd.s32 $0xFFFFE000  }
0x7d: {  	[spmem:s2] =	stream.indirect.scatter.add.f32 [tilespmem:s29], [sflag:$0x2], $0x80, s1, s0, $0xb8;
	[tilespmem:$0x16100] =	vst v63  }
0x7e: {  	_ =	swait.ge [sflag:s30], $0x2000  }
0x7f: {  	[sflag:s30] =	ssyncset.done $0x0  }
0x80: {  	s18 =	stileid.u32;
	[sflag:s30] =	ssyncadd.s32 $0xFFFFE000  }
0x81: {  	s15 =	sshll.u32 s18, $0x6;
	[bflag:$0x0] =	sbarrier.arrive $0xFFFF  }
0x82: {  	s19 =	sshrl.u32 s5, $0x3;
	s15 =	sor.u32 $0x1C02, s15;
	s17 =	rddreg [dreg:$0x3]  }
0x83: {  	[hbm:s17], [sflag:s15] =	dma.local [spmem:s19], $0x400  }
0x84: {  	_ =	swait.ge [sflag:s30], $0x400  }
0x85: {  	[sflag:s30] =	ssyncset.done $0x0  }
0x86: {  	s18 =	sshrl.u32 s6, $0x3;
	s19 =	rddreg [dreg:$0x4];
	[sflag:s30] =	ssyncadd.s32 $0xFFFFFC00  }
0x87: {  	[hbm:s19], [sflag:s15] =	dma.local [spmem:s18], $0x400  }
0x88: {  	_ =	swait.ge [sflag:s30], $0x400  }
0x89: {  	[sflag:s30] =	ssyncset.done $0x0  }
0x8a: {  	s18 =	sshrl.u32 s7, $0x3;
	s19 =	rddreg [dreg:$0x5];
	[sflag:s30] =	ssyncadd.s32 $0xFFFFFC00  }
0x8b: {  	[hbm:s19], [sflag:s15] =	dma.local [spmem:s18], $0x400  }
0x8c: {  	_ =	swait.ge [sflag:s30], $0x400  }
0x8d: {  	[sflag:s30] =	ssyncset.done $0x0  }
0x8e: {  	s18 =	sshrl.u32 s8, $0x3;
	s19 =	rddreg [dreg:$0x6];
	[sflag:s30] =	ssyncadd.s32 $0xFFFFFC00  }
0x8f: {  	[hbm:s19], [sflag:s15] =	dma.local [spmem:s18], $0x400  }
0x90: {  	_ =	swait.ge [sflag:s30], $0x400  }
0x91: {  	[sflag:s30] =	ssyncset.done $0x0  }
0x92: {  	s18 =	sshrl.u32 s9, $0x3;
	s19 =	rddreg [dreg:$0x7];
	[sflag:s30] =	ssyncadd.s32 $0xFFFFFC00  }
0x93: {  	[hbm:s19], [sflag:s15] =	dma.local [spmem:s18], $0x400  }
0x94: {  	_ =	swait.ge [sflag:s30], $0x400  }
0x95: {  	[sflag:s30] =	ssyncset.done $0x0  }
0x96: {  	s18 =	sshrl.u32 s10, $0x3;
	s19 =	rddreg [dreg:$0x8];
	[sflag:s30] =	ssyncadd.s32 $0xFFFFFC00  }
0x97: {  	[hbm:s19], [sflag:s15] =	dma.local [spmem:s18], $0x400  }
0x98: {  	_ =	swait.ge [sflag:s30], $0x400  }
0x99: {  	[sflag:s30] =	ssyncset.done $0x0  }
0x9a: {  	s18 =	sshrl.u32 s11, $0x3;
	s19 =	rddreg [dreg:$0x9];
	[sflag:s30] =	ssyncadd.s32 $0xFFFFFC00  }
0x9b: {  	[hbm:s19], [sflag:s15] =	dma.local [spmem:s18], $0x400  }
0x9c: {  	_ =	swait.ge [sflag:s30], $0x400  }
0x9d: {  	[sflag:s30] =	ssyncset.done $0x0  }
0x9e: {  	s17 =	sshrl.u32 s12, $0x3;
	[sflag:s30] =	ssyncadd.s32 $0xFFFFFC00  }
0x9f: {  	[hbm:s20], [sflag:s15] =	dma.local [spmem:s17], $0x400  }
0xa0: {  	_ =	swait.ge [sflag:s30], $0x400  }
0xa1: {  	[sflag:s30] =	ssyncset.done $0x0  }
0xa2: {  	s18 =	sshrl.u32 s26, $0x3;
	[sflag:s30] =	ssyncadd.s32 $0xFFFFFC00  }
0xa3: {  	[hbm:s21], [sflag:s15] =	dma.local [spmem:s18], $0x400  }
0xa4: {  	s14 =	sadd.s32 $0x1, s14;
	_ =	swait.ge [sflag:s30], $0x400  }
0xa5: {  	p0 =	sne.s32 s14, s23;
	[sflag:s30] =	ssyncset.done $0x0  }
.Ltmp2:
0xa6: {  	s19 =	sshrl.u32 s28, $0x3;
	[sflag:s30] =	ssyncadd.s32 $0xFFFFFC00;
	(pc) =	sbr.rel @p0 .LBB2_1-.Ltmp2, $4  }
0xa7: {  	[hbm:s22], [sflag:s15] =	dma.local [spmem:s19], $0x400  }
0xa8: {  	_ =	swait.ge [sflag:s30], $0x400  }
0xa9: {  	[sflag:s30] =	ssyncset.done $0x0  }
0xaa: {  	[sflag:s30] =	ssyncadd.s32 $0xFFFFFC00  }
0xab: {  	_ =	sfence.sel $0x180000  }
0xac: {  	[bflag:$0x0] =	sbarrier.arrive $0xFFFF  }
0xad: {  	_ =	strace $0x90000047  }
0xae: {  	s0 =	stileid.u32;
	[bflag:$0x2] =	sbarrier.arrive $0xFFFF  }
0xaf: {  	p0 =	sne.s32 s0, $0x0;
	s0 =	rddreg [dreg:$0x2]  }
0xb0: {  	s0 =	sadd.s32 @!p0 $0x100000, s0  }
0xb1: {  	[sflag:s0] =	ssyncadd.tile.s32 @!p0 $0x1;
	_ =	shalt  }
.Lfunc_end2:
_tile_overlayer_lowered:
.L_overlay_start_2:
0xb2: {  	(tag) =	ssettag $0x2  }
0xb3: {  	s0 =	rddreg [dreg:$0x0];
	s2 =	stileid.u32  }
0xb4: {  	s1 =	rddreg [dreg:$0x1];
	p0 =	sne.s32 s2, $0x0  }
0xb5: {  	s3 =	rddreg [dreg:$0x2];
	[bflag:$0x3] =	sbarrier.arrive $0xFFFF;
	s2 =	simm.s32 @!p0 $0x1C02  }
0xb6: {  	[timem:s3], [sflag:s2] =	dma.local @!p0 [hbm:s0], s1  }
0xb7: {  	s0 =	simm.s32 @!p0 $0x2  }
0xb8: {  	_ =	swait.ge @!p0 [sflag:s0], s1  }
0xb9: {  	s1 =	ssub.s32 @!p0 $0x0, s1;
	[sflag:s0] =	ssyncset.done @!p0 $0x0  }
0xba: {  	[sflag:s0] =	ssyncadd.s32 @!p0 s1  }
0xbb: {  	[bflag:$0x3] =	sbarrier.arrive $0xFFFF  }
0xbc: {  	_ =	shalt  }

// kernel: kernel.16.cloned.1.call-start
scs
__scs_entry_jumppad:
0x0: {  	(pc) =	sbr.rel $0x88, $3  }
0x1: {  	(tag) =	ssettag $0x0;
	lr =	simm.s32 $0x1  }
0x2: {  	[smem:$0x3F94] =	sst lr;
	_ =	strace $0xD0000000  }
0x3: {  	_ = 	snop  }
0x4: {  	_ = 	snop  }
0x5: {  	_ = 	snop  }
0x6: {  	_ = 	snop  }
0x7: {  	_ = 	snop  }
__scs_overlays_trampoline_lowered:
0x8: {  	[smem:$0x3FA3] =	sst s0  }
0x9: {  	[smem:$0x3FA4] =	sst s1  }
0xa: {  	[smem:$0x3FA5] =	sst s2  }
0xb: {  	[smem:$0x3FA6] =	sst s3  }
0xc: {  	[smem:$0x3FA7] =	sst s4  }
0xd: {  	[smem:$0x3FA8] =	sst s5  }
0xe: {  	[smem:$0x3FA9] =	sst s6  }
0xf: {  	[smem:$0x3FAA] =	sst s7  }
0x10: {  	[smem:$0x3FAB] =	sst s8  }
0x11: {  	[smem:$0x3FAC] =	sst s9;
	s0 =	simm.s32 @!p0 $0x0  }
0x12: {  	s1 =	sld [smem:$0x3F92];
	s0 =	simm.s32 @p0 $0x1  }
0x13: {  	[smem:$0x3FAD] =	sst s0;
	s0 =	simm.s32 @!p1 $0x0  }
0x14: {  	s2 =	sld [smem:$0x3F91];
	s0 =	simm.s32 @p1 $0x1  }
0x15: {  	[smem:$0x3FAE] =	sst s0;
	s0 =	simm.s32 @!p2 $0x0  }
0x16: {  	s3 =	sld [smem:$0x3FDB];
	s0 =	simm.s32 @p2 $0x1  }
0x17: {  	s4 =	simm.s32 $0x1BF5;
	[smem:$0x3FB0] =	sst s0  }
0x18: {  	s0 =	sld [smem:$0x3F93];
	_ =	swait.ge [sflag:s4], $0x0  }
0x19: {  	s7 =	sld [smem:$0x3F94]  }
0x1a: {  	s8 =	sadd.s32 $0xFFFFE003, lr  }
0x1b: {  	s9 =	sadd.s32 $0xFFFFFEF7, lr;
	s5 =	simm.s32 $0xFFFFFFFF;
	p2 =	slt.u32 s8, $0xFFFFF086  }
0x1c: {  	p1 =	slt.u32 s9, $0xF7A;
	s5 =	simm.s32 @!p2 $0x0  }
0x1d: {  	s5 =	simm.s32 @p1 $0x1;
	p0 =	seq.s32 s7, s2  }
0x1e: {  	s7 =	smul.u32 @!p0 $0xF7A, s2;
	p2 =	seq.s32 @!p0 s5, $0x0  }
0x1f: {  	s9 =	smul.u32 $0xF7A, s1;
	s8 =	simm.s32 @!p0 $0x1BF5;
	p2 =	por !p2, p0  }
0x20: {  	[sflag:s8] =	ssyncset.s32 @!p0 $0xFFFFF086;
	s6 =	sadd.s32 @!p0 s3, s7;
	s7 =	simm.s32 @!p0 $0x108  }
0x21: {  	s3 =	sadd.s32 s3, s9;
	s6 =	sadd.s32 @!p0 $0x88, s6;
	s7 =	simm.s32 @p2 $0x1082  }
0x22: {  	[simem:s7], [sflag:s8] =	dma.local @!p0 [hbm:s6], $0xF7A  }
0x23: {  	s9 =	sor.u32 $0xD0000000, s2;
	s6 =	simm.s32 $0x108;
	_ =	swait.ge @!p0 [sflag:s8], $0x0  }
0x24: {  	s3 =	sadd.s32 $0x88, s3;
	s6 =	simm.s32 @!p1 $0x1082;
	[sflag:s4] =	ssyncset.s32 $0xFFFFF086  }
0x25: {  	[simem:s6], [sflag:s4] =	dma.local [hbm:s3], $0xF7A  }
0x26: {  	[smem:$0x3F94] =	sst s1;
	(tag) =	ssettag s2;
	_ =	strace s9  }
0x27: {  	s1 =	sld [smem:$0x3FA4]  }
0x28: {  	s2 =	sld [smem:$0x3FA5]  }
0x29: {  	s4 =	sld [smem:$0x3FA7]  }
0x2a: {  	p0 =	seq.s32 s5, $0x0;
	s5 =	sld [smem:$0x3FA8]  }
0x2b: {  	s6 =	sld [smem:$0x3FA9]  }
0x2c: {  	s7 =	sld [smem:$0x3FAA]  }
0x2d: {  	s3 =	simm.s32 $0x108;
	s8 =	sld [smem:$0x3FAB]  }
0x2e: {  	s3 =	simm.s32 @!p0 $0x1082;
	s9 =	sld [smem:$0x3FAC]  }
0x2f: {  	lr =	sadd.s32 s0, s3;
	s0 =	sld [smem:$0x3FA3]  }
0x30: {  	s3 =	sld [smem:$0x3FA6]  }
0x31: {  	[smem:$0x3FAF] =	sst s10  }
0x32: {  	s10 =	sld [smem:$0x3FAD];
	_ =	sdelay $0x3  }
0x33: {  	p0 =	seq.s32 s10, $0x1;
	s10 =	sld [smem:$0x3FAF];
	_ =	sdelay $0x3  }
0x34: {  	[smem:$0x3FAF] =	sst s10  }
0x35: {  	s10 =	sld [smem:$0x3FAE];
	_ =	sdelay $0x3  }
0x36: {  	p1 =	seq.s32 s10, $0x1;
	s10 =	sld [smem:$0x3FAF];
	_ =	sdelay $0x3  }
0x37: {  	[smem:$0x3FAF] =	sst s10  }
0x38: {  	s10 =	sld [smem:$0x3FB0]  }
0x39: {  	_ = 	snop;
	(pc) =	sbr.ind lr, $3  }
0x3a: {  	_ = 	snop  }
0x3b: {  	_ = 	snop  }
0x3c: {  	p2 =	seq.s32 s10, $0x1;
	s10 =	sld [smem:$0x3FAF]  }
0x3d: {  	_ =	shalt  }
0x3e: {  	_ =	shalt  }
0x3f: {  	_ =	shalt  }
0x40: {  	_ =	shalt  }
0x41: {  	_ =	shalt  }
0x42: {  	_ =	shalt  }
0x43: {  	_ =	shalt  }
0x44: {  	_ =	shalt  }
0x45: {  	_ =	shalt  }
0x46: {  	_ =	shalt  }
0x47: {  	_ =	shalt  }
0x48: {  	_ =	shalt  }
0x49: {  	_ =	shalt  }
0x4a: {  	_ =	shalt  }
0x4b: {  	_ =	shalt  }
0x4c: {  	_ =	shalt  }
0x4d: {  	_ =	shalt  }
0x4e: {  	_ =	shalt  }
0x4f: {  	_ =	shalt  }
0x50: {  	_ =	shalt  }
0x51: {  	_ =	shalt  }
0x52: {  	_ =	shalt  }
0x53: {  	_ =	shalt  }
0x54: {  	_ =	shalt  }
0x55: {  	_ =	shalt  }
0x56: {  	_ =	shalt  }
0x57: {  	_ =	shalt  }
0x58: {  	_ =	shalt  }
0x59: {  	_ =	shalt  }
0x5a: {  	_ =	shalt  }
0x5b: {  	_ =	shalt  }
0x5c: {  	_ =	shalt  }
0x5d: {  	_ =	shalt  }
0x5e: {  	_ =	shalt  }
0x5f: {  	_ =	shalt  }
0x60: {  	_ =	shalt  }
0x61: {  	_ =	shalt  }
0x62: {  	_ =	shalt  }
0x63: {  	_ =	shalt  }
0x64: {  	_ =	shalt  }
0x65: {  	_ =	shalt  }
0x66: {  	_ =	shalt  }
0x67: {  	_ =	shalt  }
0x68: {  	_ =	shalt  }
0x69: {  	_ =	shalt  }
0x6a: {  	_ =	shalt  }
0x6b: {  	_ =	shalt  }
0x6c: {  	_ =	shalt  }
0x6d: {  	_ =	shalt  }
0x6e: {  	_ =	shalt  }
0x6f: {  	_ =	shalt  }
0x70: {  	_ =	shalt  }
0x71: {  	_ =	shalt  }
0x72: {  	_ =	shalt  }
0x73: {  	_ =	shalt  }
0x74: {  	_ =	shalt  }
0x75: {  	_ =	shalt  }
0x76: {  	_ =	shalt  }
0x77: {  	_ =	shalt  }
0x78: {  	_ =	shalt  }
0x79: {  	_ =	shalt  }
0x7a: {  	_ =	shalt  }
0x7b: {  	_ =	shalt  }
0x7c: {  	_ =	shalt  }
0x7d: {  	_ =	shalt  }
0x7e: {  	_ =	shalt  }
0x7f: {  	_ =	shalt  }
0x80: {  	_ =	shalt  }
0x81: {  	_ =	shalt  }
0x82: {  	_ =	shalt  }
0x83: {  	_ =	shalt  }
0x84: {  	_ =	shalt  }
0x85: {  	_ =	shalt  }
0x86: {  	_ =	shalt  }
0x87: {  	_ =	shalt  }
.Lfunc_end0:
.L_simem_size_0:
called_computation.2_lowered:
.L_overlay_start_0:
0x88: {  	s2 =	sld [smem:$0x3FD9]  }
0x89: {  	s3 =	sld [smem:$0x3FFE];
	_ =	sdelay $0x1  }
0x8a: {  	s1 =	srdreg.scid  }
0x8b: {  	s0 =	sand.u32 $0x1, s1  }
0x8c: {  	s16 =	sshll.u32 s0, $0xA;
	s2 =	sadd.s32 s3, s2  }
0x8d: {  	s2 =	sadd.s32 s2, s16  }
0x8e: {  	[smem:$0x3FBB] =	sst s2  }
0x8f: {  	_ = 	snop  }
0x90: {  	(tm) =	ssettm $0x1  }
0x91: {  	s17 =	sld [smem:$0x3FFB];
	_ =	sdelay $0x3  }
0x92: {  	_ =	strace s17  }
0x93: {  	s2 =	sld [smem:$0x3FFC];
	_ =	sdelay $0x3  }
0x94: {  	_ =	strace s2  }
0x95: {  	s2 =	sld [smem:$0x3FFD];
	_ =	sdelay $0x3  }
0x96: {  	_ =	strace s2  }
0x97: {  	_ =	strace $0x8FFFFFFF  }
0x98: {  	s18 =	sld [smem:$0x3FDB];
	_ =	sdelay $0x1  }
0x99: {  	s19 =	simm.s32 $_scs_section_size  }
0x9a: {  	s4 =	simm.s32 $_size__tile_overlayer_lowered;
	s5 =	simm.s32 $_tile_overlayer_lowered  }
0x9b: {  	s22 =	simm.s32 $0x1BFF;
	s21 =	sshll.u32 s5, $0x1;
	s2 =	sadd.s32 s19, s18  }
0x9c: {  	s6 =	simm.s32 $0x0;
	s20 =	sshll.u32 s4, $0x1;
	s4 =	sadd.s32 s21, s2  }
0x9d: {  	[timem:s6], [sflag:s22] =	dma.local [hbm:s4], s20  }
0x9e: {  	_ =	swait.ge [sflag:s22], s20  }
0x9f: {  	s3 =	ssub.s32 $0x0, s20;
	[sflag:s22] =	ssyncset.done $0x0  }
0xa0: {  	[sflag:s22] =	ssyncadd.s32 s3;
	_ =	sdelay $0x1  }
0xa1: {  	s23 =	simm.s32 $0x1B8B  }
0xa2: {  	_ =	swait.ge [sflag:s23], $0x1  }
0xa3: {  	[sflag:s23] =	ssyncset.done $0x0  }
0xa4: {  	s25 =	simm.s32 $0x1B8E;
	s24 =	sld [smem:$0x3FFE];
	[sflag:s23] =	ssyncadd.s32 $0xFFFFFFFF  }
0xa5: {  	s26 =	simm.s32 $execute0_lowered;
	[smem:$0x3FD2] =	sst s25  }
0xa6: {  	s4 =	sshll.u32 s26, $0x1;
	_ =	strace $0x8000004C;
	[dreg:$0x1] =	wrdreg $0xFFFFFFFF  }
0xa7: {  	s28 =	simm.s32 $_size_execute0_lowered;
	s2 =	sadd.s32 s2, s4;
	[dreg:$0x0] =	wrdreg $0x0  }
0xa8: {  	s4 =	sshll.u32 s28, $0x1;
	[dreg:$0x2] =	wrdreg s2  }
0xa9: {  	[dreg:$0x3] =	wrdreg s4  }
0xaa: {  	[dreg:$0x4] =	wrdreg $0xC0  }
0xab: {  	_ =	task [dreg:s6], $0x5FFFF  }
0xac: {  	[dreg:$0x1] =	wrdreg $0xFFFFFFFF  }
0xad: {  	[dreg:$0x0] =	wrdreg $0x60  }
0xae: {  	[dreg:$0x2] =	wrdreg s24  }
0xaf: {  	[dreg:$0x3] =	wrdreg $0x0  }
0xb0: {  	[dreg:$0x4] =	wrdreg $0x9  }
0xb1: {  	_ =	task.clear_ibuf [dreg:s6], $0x5FFFF;
	_ =	strace $0x9000004C  }
0xb2: {  	s29 =	simm.s32 $0x9;
	_ =	strace $0x8000004E  }
0xb3: {  	_ =	swait.ge [sflag:s29], $0x1  }
0xb4: {  	[sflag:s29] =	ssyncadd.s32 $0xFFFFFFFF  }
0xb5: {  	_ =	strace $0x9000004E  }
0xb6: {  	_ =	sfence  }
0xb7: {  	s30 =	sld [smem:$0x0];
	_ =	sdelay $0x2  }
0xb8: {  	s31 =	sshll.u32 s1, $0xD;
	s1 =	sshrl.u32 s1, $0x2  }
0xb9: {  	s3 =	sand.u32 $0x4000, s31;
	s1 =	sadd.s32 s1, s30  }
0xba: {  	s0 =	sor.u32 s3, s0;
	s1 =	sshll.u32 s1, $0x11  }
0xbb: {  	s0 =	sor.u32 s1, s0  }
0xbc: {  	s0 =	sadd.s32 $0x8F2B, s0  }
0xbd: {  	[sflag:s0] =	ssyncadd.remote.s32 $0x1  }
0xbe: {  	_ =	sfence.sel $0xFFFF  }
0xbf: {  	[dreg:$0x0] =	wrdreg $0xFFFFFFFF;
	(pc) =	sbr.abs _section_cstart, $3  }
0xc0: {  	[dreg:$0x1] =	wrdreg $0xFFFFFFFF  }
0xc1: {  	_ =	task.clear_ibuf [dreg:s6], $0x2FFFF;
	_ =	strace $0x9FFFFFFF  }
0xc2: {  	(tm) =	ssettm $0x7FFFFFFF  }
0xc3: {  	_ =	shalt  }
tec
execute0_lowered:
.L_overlay_start_1:
0x0: {  	(tag) =	ssettag $0x1  }
0x1: {  	s0 =	srdreg.scid;
	s8 =	stileid.u32  }
0x2: {  	s1 =	rddreg [dreg:$0x0];
	s5 =	smul.u32 $0x2740, s8  }
0x3: {  	s2 =	rddreg [dreg:$0x1];
	s3 =	simm.s32 $0x0;
	s6 =	smul.u32 $0x280, s8  }
0x4: {  	s29 =	simm.s32 $0x14000;
	s0 =	sand.u32 $0x1, s0;
	s8 =	smul.u32 $0x50000, s8  }
0x5: {  	s30 =	simm.s32 $0x2;
	s31 =	simm.s32 $0x16000;
	s4 =	smul.u32 $0x27400, s0  }
0x6: {  	[smem:$0x7FF] =	sst s3;
	s18 =	smul.u32 $0x2800, s0;
	s0 =	ssub.s32 $0x2, s0  }
0x7: {  	_ =	strace $0x8000004D;
	s19 =	sshrl.u32 s8, $0x2;
	s20 =	sshrl.u32 s0, $0x1  }
0x8: {  	s4 =	sadd.s32 s5, s4;
	s5 =	sadd.s32 s6, s18;
	s0 =	ssub.s32 s0, s20  }
0x9: {  	s7 =	sshrl.u32 s4, $0x3;
	s4 =	sadd.s32 $0x17A00, s1;
	s5 =	sshll.u32 s5, $0x4  }
0xa: {  	s13 =	sadd.s32 s7, s1;
	s1 =	sadd.s32 s5, s1;
	s5 =	sadd.s32 s19, s2  }
0xb: {  	s6 =	sadd.s32 $0x2000, s5;
	s7 =	sadd.s32 $0x4000, s5;
	s14 =	sadd.s32 $0x3FA00, s1  }
0xc: {  	s8 =	sadd.s32 $0x6000, s5;
	s21 =	sadd.s32 $0x3FE00, s1;
	[dreg:$0x3] =	wrdreg s14  }
0xd: {  	s9 =	sadd.s32 $0x8000, s5;
	s22 =	sadd.s32 $0x40200, s1;
	[dreg:$0x4] =	wrdreg s21  }
0xe: {  	s10 =	sadd.s32 $0xA000, s5;
	s23 =	sadd.s32 $0x40600, s1;
	[dreg:$0x5] =	wrdreg s22  }
0xf: {  	s11 =	sadd.s32 $0xC000, s5;
	s24 =	sadd.s32 $0x40A00, s1;
	[dreg:$0x6] =	wrdreg s23  }
0x10: {  	s12 =	sadd.s32 $0xE000, s5;
	s25 =	sadd.s32 $0x40E00, s1;
	[dreg:$0x7] =	wrdreg s24  }
0x11: {  	s26 =	sadd.s32 $0x41200, s1;
	s20 =	sadd.s32 $0x41600, s1;
	[dreg:$0x8] =	wrdreg s25  }
0x12: {  	s28 =	sadd.s32 $0x12000, s5;
	[dreg:$0x9] =	wrdreg s26;
	s21 =	sadd.s32 $0x41A00, s1  }
0x13: {  	s22 =	sadd.s32 $0x41E00, s1;
	s23 =	smax.u32 s0, $0x1;
	s24 =	sadd.s32 $0x3E00, s13  }
0x14: {  	s25 =	sadd.s32 $0xDC00, s13;
	s26 =	sadd.s32 $0x10000, s5;
	s1 =	simm.s32 $0x16080  }
0x15: {  	v0 =	vimm.f32 $0.0e+00;
	s0 =	simm.s32 $0x40;
	s13 =	simm.s32 $0x1;
	s14 =	simm.s32 $0x0  }
.LBB2_1:
0x16: {  	s15 =	simm.s32 $0x0;
	s16 =	simm.s32 $0x200  }
.LBB2_2:
0x17: {  	p0 =	sne.s32 s16, $0x7E00;
	[tilespmem:s15+$0x14070] =	vst v0  }
0x18: {  	[tilespmem:s15+$0x14000] =	vst v0  }
0x19: {  	[tilespmem:s15+$0x14010] =	vst v0  }
.Ltmp0:
0x1a: {  	[tilespmem:s15+$0x14020] =	vst v0;
	(pc) =	sbr.rel @p0 .LBB2_2-.Ltmp0, $4  }
0x1b: {  	[tilespmem:s15+$0x14030] =	vst v0  }
0x1c: {  	[tilespmem:s15+$0x14040] =	vst v0  }
0x1d: {  	[tilespmem:s15+$0x14050] =	vst v0  }
0x1e: {  	[tilespmem:s15+$0x14060] =	vst v0;
	s15 =	sshra.s32 s16, $0x2;
	s16 =	sadd.s32 $0x200, s16  }
0x1f: {  	[tilespmem:s15+$0x14070] =	vst v0  }
0x20: {  	[tilespmem:s15+$0x14000] =	vst v0  }
0x21: {  	[tilespmem:s15+$0x14010] =	vst v0  }
0x22: {  	[tilespmem:s15+$0x14020] =	vst v0  }
0x23: {  	[tilespmem:s15+$0x14030] =	vst v0  }
0x24: {  	[tilespmem:s15+$0x14040] =	vst v0  }
0x25: {  	[tilespmem:s15+$0x14050] =	vst v0  }
0x26: {  	[tilespmem:s15+$0x14060] =	vst v0  }
0x27: {  	[spmem:s5] =	stream.linear.scatter [tilespmem:s29], [sflag:$0x2], $0x2000, $0x38;
	[tilespmem:$0x16100] =	vst v63  }
0x28: {  	_ =	swait.ge [sflag:s30], $0x2000  }
0x29: {  	[sflag:s30] =	ssyncset.done $0x0  }
0x2a: {  	[sflag:s30] =	ssyncadd.s32 $0xFFFFE000  }
0x2b: {  	[spmem:s6] =	stream.linear.scatter [tilespmem:s29], [sflag:$0x2], $0x2000, $0x38;
	[tilespmem:$0x16100] =	vst v63  }
0x2c: {  	_ =	swait.ge [sflag:s30], $0x2000  }
0x2d: {  	[sflag:s30] =	ssyncset.done $0x0  }
0x2e: {  	[sflag:s30] =	ssyncadd.s32 $0xFFFFE000  }
0x2f: {  	[spmem:s7] =	stream.linear.scatter [tilespmem:s29], [sflag:$0x2], $0x2000, $0x38;
	[tilespmem:$0x16100] =	vst v63  }
0x30: {  	_ =	swait.ge [sflag:s30], $0x2000  }
0x31: {  	[sflag:s30] =	ssyncset.done $0x0  }
0x32: {  	[sflag:s30] =	ssyncadd.s32 $0xFFFFE000  }
0x33: {  	[spmem:s8] =	stream.linear.scatter [tilespmem:s29], [sflag:$0x2], $0x2000, $0x38;
	[tilespmem:$0x16100] =	vst v63  }
0x34: {  	_ =	swait.ge [sflag:s30], $0x2000  }
0x35: {  	[sflag:s30] =	ssyncset.done $0x0  }
0x36: {  	[sflag:s30] =	ssyncadd.s32 $0xFFFFE000  }
0x37: {  	[spmem:s9] =	stream.linear.scatter [tilespmem:s29], [sflag:$0x2], $0x2000, $0x38;
	[tilespmem:$0x16100] =	vst v63  }
0x38: {  	_ =	swait.ge [sflag:s30], $0x2000  }
0x39: {  	[sflag:s30] =	ssyncset.done $0x0  }
0x3a: {  	[sflag:s30] =	ssyncadd.s32 $0xFFFFE000  }
0x3b: {  	[spmem:s10] =	stream.linear.scatter [tilespmem:s29], [sflag:$0x2], $0x2000, $0x38;
	[tilespmem:$0x16100] =	vst v63  }
0x3c: {  	_ =	swait.ge [sflag:s30], $0x2000  }
0x3d: {  	[sflag:s30] =	ssyncset.done $0x0  }
0x3e: {  	[sflag:s30] =	ssyncadd.s32 $0xFFFFE000  }
0x3f: {  	[spmem:s11] =	stream.linear.scatter [tilespmem:s29], [sflag:$0x2], $0x2000, $0x38;
	[tilespmem:$0x16100] =	vst v63  }
0x40: {  	_ =	swait.ge [sflag:s30], $0x2000  }
0x41: {  	[sflag:s30] =	ssyncset.done $0x0  }
0x42: {  	[sflag:s30] =	ssyncadd.s32 $0xFFFFE000  }
0x43: {  	[spmem:s12] =	stream.linear.scatter [tilespmem:s29], [sflag:$0x2], $0x2000, $0x38;
	[tilespmem:$0x16100] =	vst v63  }
0x44: {  	_ =	swait.ge [sflag:s30], $0x2000  }
0x45: {  	[sflag:s30] =	ssyncset.done $0x0  }
0x46: {  	[sflag:s30] =	ssyncadd.s32 $0xFFFFE000  }
0x47: {  	[spmem:s26] =	stream.linear.scatter [tilespmem:s29], [sflag:$0x2], $0x2000, $0x38;
	[tilespmem:$0x16100] =	vst v63  }
0x48: {  	_ =	swait.ge [sflag:s30], $0x2000  }
0x49: {  	[sflag:s30] =	ssyncset.done $0x0  }
0x4a: {  	[sflag:s30] =	ssyncadd.s32 $0xFFFFE000  }
0x4b: {  	[spmem:s28] =	stream.linear.scatter [tilespmem:s29], [sflag:$0x2], $0x2000, $0x38;
	[tilespmem:$0x16100] =	vst v63  }
0x4c: {  	_ =	swait.ge [sflag:s30], $0x2000  }
0x4d: {  	[sflag:s30] =	ssyncset.done $0x0  }
0x4e: {  	[sflag:s30] =	ssyncadd.s32 $0xFFFFE000  }
0x4f: {  	s18 =	sadd.s32 $0x0, s25;
	[bflag:$0x0] =	sbarrier.arrive $0xFFFF  }
0x50: {  	[tilespmem:s31], [sflag:$0x2] =	stream.linear.gather [hbm4b:s18+s3], $0x40, $0x38;
	[tilespmem:$0x16100] =	vst v63  }
0x51: {  	_ =	swait.ge [sflag:s30], $0x40  }
0x52: {  	[sflag:s30] =	ssyncset.done $0x0  }
0x53: {  	s19 =	sadd.s32 $0x0, s24;
	[sflag:s30] =	ssyncadd.s32 $0xFFFFFFC0  }
0x54: {  	[tilespmem:s1], [sflag:$0x2] =	stream.linear.gather [hbm4b:s19+s3], $0x40, $0x38;
	[tilespmem:$0x16100] =	vst v63  }
0x55: {  	_ =	swait.ge [sflag:s30], $0x40  }
0x56: {  	[sflag:s30] =	ssyncset.done $0x0  }
0x57: {  	[sflag:s30] =	ssyncadd.s32 $0xFFFFFFC0  }
0x58: {  	[tilespmem:s29], [sflag:$0x1] =	stream.indirect.gather [hbm4b:s4+s0], $0x80, s31, s0, $0xb8;
	[tilespmem:$0x16100] =	vst v63  }
0x59: {  	_ =	swait.ge [sflag:s13], $0x2000  }
0x5a: {  	[sflag:s13] =	ssyncset.done $0x0  }
0x5b: {  	[sflag:s13] =	ssyncadd.s32 $0xFFFFE000  }
0x5c: {  	[spmem:s2] =	stream.indirect.scatter.add.f32 [tilespmem:s29], [sflag:$0x2], $0x80, s1, s0, $0xb8;
	[tilespmem:$0x16100] =	vst v63  }
0x5d: {  	_ =	swait.ge [sflag:s30], $0x2000  }
0x5e: {  	s15 =	simm.s32 $0x8;
	s16 =	simm.s32 $0x10;
	[sflag:s30] =	ssyncset.done $0x0  }
.LBB2_4:
0x5f: {  	s17 =	sadd.s32 s15, s25  }
0x60: {  	[sflag:s30] =	ssyncadd.s32 $0xFFFFE000;
	s18 =	smov.u32 s16;
	s19 =	sadd.s32 $0x8, s16  }
0x61: {  	[tilespmem:s31], [sflag:$0x2] =	stream.linear.gather [hbm4b:s17+s3], $0x40, $0x38;
	[tilespmem:$0x16100] =	vst v63  }
0x62: {  	p0 =	sne.s32 s16, $0x4E0;
	_ =	swait.ge [sflag:s30], $0x40  }
0x63: {  	[sflag:s30] =	ssyncset.done $0x0  }
0x64: {  	s16 =	sadd.s32 s15, s24;
	s15 =	smov.u32 s18;
	[sflag:s30] =	ssyncadd.s32 $0xFFFFFFC0  }
0x65: {  	[tilespmem:s1], [sflag:$0x2] =	stream.linear.gather [hbm4b:s16+s3], $0x40, $0x38;
	[tilespmem:$0x16100] =	vst v63  }
0x66: {  	_ =	swait.ge [sflag:s30], $0x40  }
0x67: {  	[sflag:s30] =	ssyncset.done $0x0  }
0x68: {  	[sflag:s30] =	ssyncadd.s32 $0xFFFFFFC0  }
0x69: {  	[tilespmem:s29], [sflag:$0x1] =	stream.indirect.gather [hbm4b:s4+s0], $0x80, s31, s0, $0xb8;
	[tilespmem:$0x16100] =	vst v63  }
0x6a: {  	_ =	swait.ge [sflag:s13], $0x2000  }
.Ltmp1:
0x6b: {  	[sflag:s13] =	ssyncset.done $0x0;
	(pc) =	sbr.rel @p0 .LBB2_4-.Ltmp1, $4  }
0x6c: {  	[sflag:s13] =	ssyncadd.s32 $0xFFFFE000  }
0x6d: {  	[spmem:s2] =	stream.indirect.scatter.add.f32 [tilespmem:s29], [sflag:$0x2], $0x80, s1, s0, $0xb8;
	[tilespmem:$0x16100] =	vst v63  }
0x6e: {  	_ =	swait.ge [sflag:s30], $0x2000  }
0x6f: {  	s16 =	smov.u32 s19;
	[sflag:s30] =	ssyncset.done $0x0  }
0x70: {  	s16 =	sadd.s32 s15, s25;
	[sflag:s30] =	ssyncadd.s32 $0xFFFFE000  }
0x71: {  	[tilespmem:s31], [sflag:$0x2] =	stream.linear.gather [hbm4b:s16+s3], $0x40, $0x38;
	[tilespmem:$0x16100] =	vst v63  }
0x72: {  	_ =	swait.ge [sflag:s30], $0x40  }
0x73: {  	[sflag:s30] =	ssyncset.done $0x0  }
0x74: {  	s17 =	sadd.s32 s15, s24;
	[sflag:s30] =	ssyncadd.s32 $0xFFFFFFC0  }
0x75: {  	[tilespmem:s1], [sflag:$0x2] =	stream.linear.gather [hbm4b:s17+s3], $0x40, $0x38;
	[tilespmem:$0x16100] =	vst v63  }
0x76: {  	_ =	swait.ge [sflag:s30], $0x40  }
0x77: {  	[sflag:s30] =	ssyncset.done $0x0  }
0x78: {  	[sflag:s30] =	ssyncadd.s32 $0xFFFFFFC0  }
0x79: {  	[tilespmem:s29], [sflag:$0x1] =	stream.indirect.gather [hbm4b:s4+s0], $0x80, s31, s0, $0xb8;
	[tilespmem:$0x16100] =	vst v63  }
0x7a: {  	_ =	swait.ge [sflag:s13], $0x2000  }
0x7b: {  	[sflag:s13] =	ssyncset.done $0x0  }
0x7c: {  	[sflag:s13] =	ssyncadd.s32 $0xFFFFE000  }
0x7d: {  	[spmem:s2] =	stream.indirect.scatter.add.f32 [tilespmem:s29], [sflag:$0x2], $0x80, s1, s0, $0xb8;
	[tilespmem:$0x16100] =	vst v63  }
0x7e: {  	_ =	swait.ge [sflag:s30], $0x2000  }
0x7f: {  	[sflag:s30] =	ssyncset.done $0x0  }
0x80: {  	s18 =	stileid.u32;
	[sflag:s30] =	ssyncadd.s32 $0xFFFFE000  }
0x81: {  	s15 =	sshll.u32 s18, $0x6;
	[bflag:$0x0] =	sbarrier.arrive $0xFFFF  }
0x82: {  	s19 =	sshrl.u32 s5, $0x3;
	s15 =	sor.u32 $0x1C02, s15;
	s17 =	rddreg [dreg:$0x3]  }
0x83: {  	[hbm:s17], [sflag:s15] =	dma.local [spmem:s19], $0x400  }
0x84: {  	_ =	swait.ge [sflag:s30], $0x400  }
0x85: {  	[sflag:s30] =	ssyncset.done $0x0  }
0x86: {  	s18 =	sshrl.u32 s6, $0x3;
	s19 =	rddreg [dreg:$0x4];
	[sflag:s30] =	ssyncadd.s32 $0xFFFFFC00  }
0x87: {  	[hbm:s19], [sflag:s15] =	dma.local [spmem:s18], $0x400  }
0x88: {  	_ =	swait.ge [sflag:s30], $0x400  }
0x89: {  	[sflag:s30] =	ssyncset.done $0x0  }
0x8a: {  	s18 =	sshrl.u32 s7, $0x3;
	s19 =	rddreg [dreg:$0x5];
	[sflag:s30] =	ssyncadd.s32 $0xFFFFFC00  }
0x8b: {  	[hbm:s19], [sflag:s15] =	dma.local [spmem:s18], $0x400  }
0x8c: {  	_ =	swait.ge [sflag:s30], $0x400  }
0x8d: {  	[sflag:s30] =	ssyncset.done $0x0  }
0x8e: {  	s18 =	sshrl.u32 s8, $0x3;
	s19 =	rddreg [dreg:$0x6];
	[sflag:s30] =	ssyncadd.s32 $0xFFFFFC00  }
0x8f: {  	[hbm:s19], [sflag:s15] =	dma.local [spmem:s18], $0x400  }
0x90: {  	_ =	swait.ge [sflag:s30], $0x400  }
0x91: {  	[sflag:s30] =	ssyncset.done $0x0  }
0x92: {  	s18 =	sshrl.u32 s9, $0x3;
	s19 =	rddreg [dreg:$0x7];
	[sflag:s30] =	ssyncadd.s32 $0xFFFFFC00  }
0x93: {  	[hbm:s19], [sflag:s15] =	dma.local [spmem:s18], $0x400  }
0x94: {  	_ =	swait.ge [sflag:s30], $0x400  }
0x95: {  	[sflag:s30] =	ssyncset.done $0x0  }
0x96: {  	s18 =	sshrl.u32 s10, $0x3;
	s19 =	rddreg [dreg:$0x8];
	[sflag:s30] =	ssyncadd.s32 $0xFFFFFC00  }
0x97: {  	[hbm:s19], [sflag:s15] =	dma.local [spmem:s18], $0x400  }
0x98: {  	_ =	swait.ge [sflag:s30], $0x400  }
0x99: {  	[sflag:s30] =	ssyncset.done $0x0  }
0x9a: {  	s18 =	sshrl.u32 s11, $0x3;
	s19 =	rddreg [dreg:$0x9];
	[sflag:s30] =	ssyncadd.s32 $0xFFFFFC00  }
0x9b: {  	[hbm:s19], [sflag:s15] =	dma.local [spmem:s18], $0x400  }
0x9c: {  	_ =	swait.ge [sflag:s30], $0x400  }
0x9d: {  	[sflag:s30] =	ssyncset.done $0x0  }
0x9e: {  	s17 =	sshrl.u32 s12, $0x3;
	[sflag:s30] =	ssyncadd.s32 $0xFFFFFC00  }
0x9f: {  	[hbm:s20], [sflag:s15] =	dma.local [spmem:s17], $0x400  }
0xa0: {  	_ =	swait.ge [sflag:s30], $0x400  }
0xa1: {  	[sflag:s30] =	ssyncset.done $0x0  }
0xa2: {  	s18 =	sshrl.u32 s26, $0x3;
	[sflag:s30] =	ssyncadd.s32 $0xFFFFFC00  }
0xa3: {  	[hbm:s21], [sflag:s15] =	dma.local [spmem:s18], $0x400  }
0xa4: {  	s14 =	sadd.s32 $0x1, s14;
	_ =	swait.ge [sflag:s30], $0x400  }
0xa5: {  	p0 =	sne.s32 s14, s23;
	[sflag:s30] =	ssyncset.done $0x0  }
.Ltmp2:
0xa6: {  	s19 =	sshrl.u32 s28, $0x3;
	[sflag:s30] =	ssyncadd.s32 $0xFFFFFC00;
	(pc) =	sbr.rel @p0 .LBB2_1-.Ltmp2, $4  }
0xa7: {  	[hbm:s22], [sflag:s15] =	dma.local [spmem:s19], $0x400  }
0xa8: {  	_ =	swait.ge [sflag:s30], $0x400  }
0xa9: {  	[sflag:s30] =	ssyncset.done $0x0  }
0xaa: {  	[sflag:s30] =	ssyncadd.s32 $0xFFFFFC00  }
0xab: {  	_ =	sfence.sel $0x180000  }
0xac: {  	[bflag:$0x0] =	sbarrier.arrive $0xFFFF  }
0xad: {  	_ =	strace $0x9000004D  }
0xae: {  	s0 =	stileid.u32;
	[bflag:$0x2] =	sbarrier.arrive $0xFFFF  }
0xaf: {  	p0 =	sne.s32 s0, $0x0;
	s0 =	rddreg [dreg:$0x2]  }
0xb0: {  	s0 =	sadd.s32 @!p0 $0x100000, s0  }
0xb1: {  	[sflag:s0] =	ssyncadd.tile.s32 @!p0 $0x1;
	_ =	shalt  }
.Lfunc_end2:
_tile_overlayer_lowered:
.L_overlay_start_2:
0xb2: {  	(tag) =	ssettag $0x2  }
0xb3: {  	s0 =	rddreg [dreg:$0x0];
	s2 =	stileid.u32  }
0xb4: {  	s1 =	rddreg [dreg:$0x1];
	p0 =	sne.s32 s2, $0x0  }
0xb5: {  	s3 =	rddreg [dreg:$0x2];
	[bflag:$0x3] =	sbarrier.arrive $0xFFFF;
	s2 =	simm.s32 @!p0 $0x1C02  }
0xb6: {  	[timem:s3], [sflag:s2] =	dma.local @!p0 [hbm:s0], s1  }
0xb7: {  	s0 =	simm.s32 @!p0 $0x2  }
0xb8: {  	_ =	swait.ge @!p0 [sflag:s0], s1  }
0xb9: {  	s1 =	ssub.s32 @!p0 $0x0, s1;
	[sflag:s0] =	ssyncset.done @!p0 $0x0  }
0xba: {  	[sflag:s0] =	ssyncadd.s32 @!p0 s1  }
0xbb: {  	[bflag:$0x3] =	sbarrier.arrive $0xFFFF  }
0xbc: {  	_ =	shalt  }

// kernel: kernel.19.cloned.1.call-start
scs
__scs_entry_jumppad:
0x0: {  	(pc) =	sbr.rel $0x88, $3  }
0x1: {  	(tag) =	ssettag $0x0;
	lr =	simm.s32 $0x1  }
0x2: {  	[smem:$0x3F94] =	sst lr;
	_ =	strace $0xD0000000  }
0x3: {  	_ = 	snop  }
0x4: {  	_ = 	snop  }
0x5: {  	_ = 	snop  }
0x6: {  	_ = 	snop  }
0x7: {  	_ = 	snop  }
__scs_overlays_trampoline_lowered:
0x8: {  	[smem:$0x3FA3] =	sst s0  }
0x9: {  	[smem:$0x3FA4] =	sst s1  }
0xa: {  	[smem:$0x3FA5] =	sst s2  }
0xb: {  	[smem:$0x3FA6] =	sst s3  }
0xc: {  	[smem:$0x3FA7] =	sst s4  }
0xd: {  	[smem:$0x3FA8] =	sst s5  }
0xe: {  	[smem:$0x3FA9] =	sst s6  }
0xf: {  	[smem:$0x3FAA] =	sst s7  }
0x10: {  	[smem:$0x3FAB] =	sst s8  }
0x11: {  	[smem:$0x3FAC] =	sst s9;
	s0 =	simm.s32 @!p0 $0x0  }
0x12: {  	s1 =	sld [smem:$0x3F92];
	s0 =	simm.s32 @p0 $0x1  }
0x13: {  	[smem:$0x3FAD] =	sst s0;
	s0 =	simm.s32 @!p1 $0x0  }
0x14: {  	s2 =	sld [smem:$0x3F91];
	s0 =	simm.s32 @p1 $0x1  }
0x15: {  	[smem:$0x3FAE] =	sst s0;
	s0 =	simm.s32 @!p2 $0x0  }
0x16: {  	s3 =	sld [smem:$0x3FDB];
	s0 =	simm.s32 @p2 $0x1  }
0x17: {  	s4 =	simm.s32 $0x1BF5;
	[smem:$0x3FB0] =	sst s0  }
0x18: {  	s0 =	sld [smem:$0x3F93];
	_ =	swait.ge [sflag:s4], $0x0  }
0x19: {  	s7 =	sld [smem:$0x3F94]  }
0x1a: {  	s8 =	sadd.s32 $0xFFFFE003, lr  }
0x1b: {  	s9 =	sadd.s32 $0xFFFFFEF7, lr;
	s5 =	simm.s32 $0xFFFFFFFF;
	p2 =	slt.u32 s8, $0xFFFFF086  }
0x1c: {  	p1 =	slt.u32 s9, $0xF7A;
	s5 =	simm.s32 @!p2 $0x0  }
0x1d: {  	s5 =	simm.s32 @p1 $0x1;
	p0 =	seq.s32 s7, s2  }
0x1e: {  	s7 =	smul.u32 @!p0 $0xF7A, s2;
	p2 =	seq.s32 @!p0 s5, $0x0  }
0x1f: {  	s9 =	smul.u32 $0xF7A, s1;
	s8 =	simm.s32 @!p0 $0x1BF5;
	p2 =	por !p2, p0  }
0x20: {  	[sflag:s8] =	ssyncset.s32 @!p0 $0xFFFFF086;
	s6 =	sadd.s32 @!p0 s3, s7;
	s7 =	simm.s32 @!p0 $0x108  }
0x21: {  	s3 =	sadd.s32 s3, s9;
	s6 =	sadd.s32 @!p0 $0x88, s6;
	s7 =	simm.s32 @p2 $0x1082  }
0x22: {  	[simem:s7], [sflag:s8] =	dma.local @!p0 [hbm:s6], $0xF7A  }
0x23: {  	s9 =	sor.u32 $0xD0000000, s2;
	s6 =	simm.s32 $0x108;
	_ =	swait.ge @!p0 [sflag:s8], $0x0  }
0x24: {  	s3 =	sadd.s32 $0x88, s3;
	s6 =	simm.s32 @!p1 $0x1082;
	[sflag:s4] =	ssyncset.s32 $0xFFFFF086  }
0x25: {  	[simem:s6], [sflag:s4] =	dma.local [hbm:s3], $0xF7A  }
0x26: {  	[smem:$0x3F94] =	sst s1;
	(tag) =	ssettag s2;
	_ =	strace s9  }
0x27: {  	s1 =	sld [smem:$0x3FA4]  }
0x28: {  	s2 =	sld [smem:$0x3FA5]  }
0x29: {  	s4 =	sld [smem:$0x3FA7]  }
0x2a: {  	p0 =	seq.s32 s5, $0x0;
	s5 =	sld [smem:$0x3FA8]  }
0x2b: {  	s6 =	sld [smem:$0x3FA9]  }
0x2c: {  	s7 =	sld [smem:$0x3FAA]  }
0x2d: {  	s3 =	simm.s32 $0x108;
	s8 =	sld [smem:$0x3FAB]  }
0x2e: {  	s3 =	simm.s32 @!p0 $0x1082;
	s9 =	sld [smem:$0x3FAC]  }
0x2f: {  	lr =	sadd.s32 s0, s3;
	s0 =	sld [smem:$0x3FA3]  }
0x30: {  	s3 =	sld [smem:$0x3FA6]  }
0x31: {  	[smem:$0x3FAF] =	sst s10  }
0x32: {  	s10 =	sld [smem:$0x3FAD];
	_ =	sdelay $0x3  }
0x33: {  	p0 =	seq.s32 s10, $0x1;
	s10 =	sld [smem:$0x3FAF];
	_ =	sdelay $0x3  }
0x34: {  	[smem:$0x3FAF] =	sst s10  }
0x35: {  	s10 =	sld [smem:$0x3FAE];
	_ =	sdelay $0x3  }
0x36: {  	p1 =	seq.s32 s10, $0x1;
	s10 =	sld [smem:$0x3FAF];
	_ =	sdelay $0x3  }
0x37: {  	[smem:$0x3FAF] =	sst s10  }
0x38: {  	s10 =	sld [smem:$0x3FB0]  }
0x39: {  	_ = 	snop;
	(pc) =	sbr.ind lr, $3  }
0x3a: {  	_ = 	snop  }
0x3b: {  	_ = 	snop  }
0x3c: {  	p2 =	seq.s32 s10, $0x1;
	s10 =	sld [smem:$0x3FAF]  }
0x3d: {  	_ =	shalt  }
0x3e: {  	_ =	shalt  }
0x3f: {  	_ =	shalt  }
0x40: {  	_ =	shalt  }
0x41: {  	_ =	shalt  }
0x42: {  	_ =	shalt  }
0x43: {  	_ =	shalt  }
0x44: {  	_ =	shalt  }
0x45: {  	_ =	shalt  }
0x46: {  	_ =	shalt  }
0x47: {  	_ =	shalt  }
0x48: {  	_ =	shalt  }
0x49: {  	_ =	shalt  }
0x4a: {  	_ =	shalt  }
0x4b: {  	_ =	shalt  }
0x4c: {  	_ =	shalt  }
0x4d: {  	_ =	shalt  }
0x4e: {  	_ =	shalt  }
0x4f: {  	_ =	shalt  }
0x50: {  	_ =	shalt  }
0x51: {  	_ =	shalt  }
0x52: {  	_ =	shalt  }
0x53: {  	_ =	shalt  }
0x54: {  	_ =	shalt  }
0x55: {  	_ =	shalt  }
0x56: {  	_ =	shalt  }
0x57: {  	_ =	shalt  }
0x58: {  	_ =	shalt  }
0x59: {  	_ =	shalt  }
0x5a: {  	_ =	shalt  }
0x5b: {  	_ =	shalt  }
0x5c: {  	_ =	shalt  }
0x5d: {  	_ =	shalt  }
0x5e: {  	_ =	shalt  }
0x5f: {  	_ =	shalt  }
0x60: {  	_ =	shalt  }
0x61: {  	_ =	shalt  }
0x62: {  	_ =	shalt  }
0x63: {  	_ =	shalt  }
0x64: {  	_ =	shalt  }
0x65: {  	_ =	shalt  }
0x66: {  	_ =	shalt  }
0x67: {  	_ =	shalt  }
0x68: {  	_ =	shalt  }
0x69: {  	_ =	shalt  }
0x6a: {  	_ =	shalt  }
0x6b: {  	_ =	shalt  }
0x6c: {  	_ =	shalt  }
0x6d: {  	_ =	shalt  }
0x6e: {  	_ =	shalt  }
0x6f: {  	_ =	shalt  }
0x70: {  	_ =	shalt  }
0x71: {  	_ =	shalt  }
0x72: {  	_ =	shalt  }
0x73: {  	_ =	shalt  }
0x74: {  	_ =	shalt  }
0x75: {  	_ =	shalt  }
0x76: {  	_ =	shalt  }
0x77: {  	_ =	shalt  }
0x78: {  	_ =	shalt  }
0x79: {  	_ =	shalt  }
0x7a: {  	_ =	shalt  }
0x7b: {  	_ =	shalt  }
0x7c: {  	_ =	shalt  }
0x7d: {  	_ =	shalt  }
0x7e: {  	_ =	shalt  }
0x7f: {  	_ =	shalt  }
0x80: {  	_ =	shalt  }
0x81: {  	_ =	shalt  }
0x82: {  	_ =	shalt  }
0x83: {  	_ =	shalt  }
0x84: {  	_ =	shalt  }
0x85: {  	_ =	shalt  }
0x86: {  	_ =	shalt  }
0x87: {  	_ =	shalt  }
.Lfunc_end0:
.L_simem_size_0:
called_computation.3_lowered:
.L_overlay_start_0:
0x88: {  	s2 =	sld [smem:$0x3FD9]  }
0x89: {  	s3 =	sld [smem:$0x3FFE];
	_ =	sdelay $0x1  }
0x8a: {  	s1 =	srdreg.scid  }
0x8b: {  	s0 =	sand.u32 $0x1, s1  }
0x8c: {  	s17 =	sshll.u32 s0, $0xA;
	s2 =	sadd.s32 s3, s2  }
0x8d: {  	s2 =	sadd.s32 s2, s17  }
0x8e: {  	[smem:$0x3FBB] =	sst s2  }
0x8f: {  	_ = 	snop  }
0x90: {  	s2 =	sld [smem:$0x3FBE]  }
0x91: {  	s18 =	sld [smem:$0x3FD0];
	(tm) =	ssettm $0x1  }
0x92: {  	s4 =	sld [smem:$0x3FFB];
	_ =	sdelay $0x3  }
0x93: {  	_ =	strace s4  }
0x94: {  	s4 =	sld [smem:$0x3FFC];
	_ =	sdelay $0x3  }
0x95: {  	_ =	strace s4  }
0x96: {  	s4 =	sld [smem:$0x3FFD];
	_ =	sdelay $0x3  }
0x97: {  	_ =	strace s4  }
0x98: {  	_ =	strace $0x8FFFFFFF  }
0x99: {  	s19 =	sld [smem:$0x3FDB];
	_ =	sdelay $0x1  }
0x9a: {  	s5 =	simm.s32 $_scs_section_size  }
0x9b: {  	s6 =	simm.s32 $_size__tile_overlayer_lowered;
	s7 =	simm.s32 $_tile_overlayer_lowered  }
0x9c: {  	s22 =	simm.s32 $0x1BFF;
	s21 =	sshll.u32 s7, $0x1;
	s4 =	sadd.s32 s5, s19  }
0x9d: {  	s8 =	simm.s32 $0x0;
	s20 =	sshll.u32 s6, $0x1;
	s6 =	sadd.s32 s21, s4  }
0x9e: {  	[timem:s8], [sflag:s22] =	dma.local [hbm:s6], s20  }
0x9f: {  	_ =	swait.ge [sflag:s22], s20  }
0xa0: {  	s5 =	ssub.s32 $0x0, s20;
	[sflag:s22] =	ssyncset.done $0x0  }
0xa1: {  	[sflag:s22] =	ssyncadd.s32 s5;
	_ =	sdelay $0x1  }
0xa2: {  	s23 =	simm.s32 $0x1B8B  }
0xa3: {  	_ =	swait.ge [sflag:s23], $0x1  }
0xa4: {  	[sflag:s23] =	ssyncset.done $0x0  }
0xa5: {  	s25 =	simm.s32 $0x1B8E;
	s24 =	sld [smem:$0x3FFE];
	[sflag:s23] =	ssyncadd.s32 $0xFFFFFFFF  }
0xa6: {  	s26 =	simm.s32 $execute0_lowered;
	[smem:$0x3FD2] =	sst s25  }
0xa7: {  	s6 =	sshll.u32 s26, $0x1;
	_ =	strace $0x8000004F;
	[dreg:$0x1] =	wrdreg $0xFFFFFFFF  }
0xa8: {  	s28 =	simm.s32 $_size_execute0_lowered;
	s4 =	sadd.s32 s4, s6;
	[dreg:$0x0] =	wrdreg $0x0  }
0xa9: {  	s6 =	sshll.u32 s28, $0x1;
	[dreg:$0x2] =	wrdreg s4  }
0xaa: {  	[dreg:$0x3] =	wrdreg s6  }
0xab: {  	[dreg:$0x4] =	wrdreg $0xC0  }
0xac: {  	_ =	task [dreg:s8], $0x5FFFF  }
0xad: {  	[dreg:$0x1] =	wrdreg $0xFFFFFFFF  }
0xae: {  	[dreg:$0x0] =	wrdreg $0x60  }
0xaf: {  	[dreg:$0x2] =	wrdreg s24  }
0xb0: {  	[dreg:$0x3] =	wrdreg s2  }
0xb1: {  	[dreg:$0x4] =	wrdreg s18  }
0xb2: {  	[dreg:$0x5] =	wrdreg $0x9  }
0xb3: {  	_ =	task.clear_ibuf [dreg:s8], $0x6FFFF;
	_ =	strace $0x9000004F  }
0xb4: {  	s29 =	simm.s32 $0x9;
	_ =	strace $0x80000051  }
0xb5: {  	_ =	swait.ge [sflag:s29], $0x1  }
0xb6: {  	[sflag:s29] =	ssyncadd.s32 $0xFFFFFFFF  }
0xb7: {  	_ =	strace $0x90000051  }
0xb8: {  	_ =	sfence  }
0xb9: {  	s30 =	sld [smem:$0x0];
	_ =	sdelay $0x2  }
0xba: {  	s31 =	sshll.u32 s1, $0xD;
	s1 =	sshrl.u32 s1, $0x2  }
0xbb: {  	s3 =	sand.u32 $0x4000, s31;
	s1 =	sadd.s32 s1, s30  }
0xbc: {  	s0 =	sor.u32 s3, s0;
	s1 =	sshll.u32 s1, $0x11  }
0xbd: {  	s0 =	sor.u32 s1, s0  }
0xbe: {  	s0 =	sadd.s32 $0x8F2B, s0  }
0xbf: {  	[sflag:s0] =	ssyncadd.remote.s32 $0x1  }
0xc0: {  	_ =	sfence.sel $0xFFFF  }
0xc1: {  	[dreg:$0x0] =	wrdreg $0xFFFFFFFF;
	(pc) =	sbr.abs _section_cstart, $3  }
0xc2: {  	[dreg:$0x1] =	wrdreg $0xFFFFFFFF  }
0xc3: {  	_ =	task.clear_ibuf [dreg:s8], $0x2FFFF;
	_ =	strace $0x9FFFFFFF  }
0xc4: {  	(tm) =	ssettm $0x7FFFFFFF  }
0xc5: {  	_ =	shalt  }
tec
execute0_lowered:
.L_overlay_start_1:
0x0: {  	(tag) =	ssettag $0x1  }
0x1: {  	s10 =	rddreg [dreg:$0x0]  }
0x2: {  	s1 =	rddreg [dreg:$0x1]  }
0x3: {  	s2 =	rddreg [dreg:$0x2]  }
0x4: {  	s0 =	rddreg [dreg:$0x3];
	s3 =	simm.s32 $0x0  }
0x5: {  	s6 =	srdreg.scid;
	s14 =	simm.s32 $0x3;
	s15 =	simm.s32 $0x8180  }
0x6: {  	s16 =	simm.s32 $0x6000;
	s17 =	simm.s32 $0x6080;
	s18 =	simm.s32 $0x40  }
0x7: {  	s19 =	simm.s32 $0x2000;
	s20 =	simm.s32 $0x4000;
	s21 =	simm.s32 $0x1  }
0x8: {  	s22 =	simm.s32 $0x2;
	s23 =	simm.s32 $0x6100;
	s24 =	simm.s32 $0x0  }
0x9: {  	[smem:$0x7FF] =	sst s3;
	s4 =	sadd.s32 $0x17A00, s10;
	s5 =	sadd.s32 $0x3FA00, s10  }
0xa: {  	s9 =	sand.u32 $0x1, s6;
	s7 =	sadd.s32 $0xAA9A00, s10;
	s8 =	sadd.s32 $0xDC00, s10  }
0xb: {  	s6 =	stileid.u32;
	_ =	strace $0x80000050;
	s11 =	ssub.s32 $0x2, s9  }
0xc: {  	s13 =	sshll.u32 s9, $0x4;
	s9 =	sadd.s32 $0x3E00, s10;
	s12 =	sshrl.u32 s11, $0x1  }
0xd: {  	s10 =	sadd.s32 $0x67A00, s10;
	s31 =	sor.u32 s6, s13;
	s12 =	ssub.s32 s11, s12  }
0xe: {  	s13 =	simm.s32 $0x8100;
	s11 =	smul.u32 $0x2740, s31;
	s12 =	smax.u32 s12, $0x1  }
.LBB2_1:
0xf: {  	[tilespmem:s13], [sflag:$0x3] =	stream.linear.gather [hbm4b:s1+s3], $0x80, $0x38;
	[tilespmem:$0x8200] =	vst v63  }
0x10: {  	_ =	swait.ge [sflag:s14], $0x80  }
0x11: {  	[sflag:s14] =	ssyncset.done $0x0  }
0x12: {  	[sflag:s14] =	ssyncadd.s32 $0xFFFFFF80  }
0x13: {  	[tilespmem:s15], [sflag:$0x3] =	stream.linear.gather [hbm4b:s2+s3], $0x80, $0x38;
	[tilespmem:$0x8200] =	vst v63  }
0x14: {  	_ =	swait.ge [sflag:s14], $0x80  }
0x15: {  	[sflag:s14] =	ssyncset.done $0x0  }
0x16: {  	[sflag:s14] =	ssyncadd.s32 $0xFFFFFF80  }
0x17: {  	v0 =	vld [tilespmem:$0x8100]  }
0x18: {  	v1 =	vld [tilespmem:$0x8110]  }
0x19: {  	v2 =	vld [tilespmem:$0x8120]  }
0x1a: {  	v3 =	vld [tilespmem:$0x8130]  }
0x1b: {  	v7 =	vld [tilespmem:$0x8170]  }
0x1c: {  	v4 =	vld [tilespmem:$0x8140]  }
0x1d: {  	v5 =	vld [tilespmem:$0x8150]  }
0x1e: {  	v6 =	vld [tilespmem:$0x8160]  }
0x1f: {  	s25 =	simm.s32 $0x0;
	v8 =	vld [tilespmem:$0x8180]  }
.LBB2_2:
0x20: {  	s26 =	sshll.u32 s25, $0x6  }
0x21: {  	s26 =	sadd.s32 s11, s26  }
0x22: {  	s28 =	sshrl.u32 s26, $0x3  }
0x23: {  	s30 =	simm.s32 $0x0;
	s29 =	sadd.s32 s8, s28  }
0x24: {  	[tilespmem:s16], [sflag:$0x3] =	stream.linear.gather [hbm4b:s29+s30], $0x40, $0x38;
	[tilespmem:$0x8200] =	vst v63  }
0x25: {  	_ =	swait.ge [sflag:s14], $0x40  }
0x26: {  	[sflag:s14] =	ssyncset.done $0x0  }
0x27: {  	s28 =	sadd.s32 s9, s28;
	[sflag:s14] =	ssyncadd.s32 $0xFFFFFFC0  }
0x28: {  	[tilespmem:s17], [sflag:$0x3] =	stream.linear.gather [hbm4b:s28+s30], $0x40, $0x38;
	[tilespmem:$0x8200] =	vst v63  }
0x29: {  	_ =	swait.ge [sflag:s14], $0x40  }
0x2a: {  	[sflag:s14] =	ssyncset.done $0x0  }
0x2b: {  	[sflag:s14] =	ssyncadd.s32 $0xFFFFFFC0  }
0x2c: {  	[tilespmem:s30], [sflag:$0x1] =	stream.indirect.gather [hbm4b:s4+s18], $0x80, s16, s18, $0xb8;
	[tilespmem:$0x8200] =	vst v63  }
0x2d: {  	s26 =	sshll.u32 s26, $0x4  }
0x2e: {  	[tilespmem:s19], [sflag:$0x2] =	stream.indirect.gather [hbm4b:s5+s18], $0x80, s17, s18, $0xb8;
	[tilespmem:$0x8200] =	vst v63  }
0x2f: {  	s28 =	sadd.s32 s7, s26  }
0x30: {  	[tilespmem:s20], [sflag:$0x3] =	stream.linear.gather [hbm4b:s28+s30], $0x2000, $0x38;
	[tilespmem:$0x8200] =	vst v63  }
0x31: {  	_ =	swait.ge [sflag:s14], $0x2000  }
0x32: {  	[sflag:s14] =	ssyncset.done $0x0  }
0x33: {  	[sflag:s14] =	ssyncadd.s32 $0xFFFFE000  }
0x34: {  	_ =	swait.ge [sflag:s21], $0x2000  }
0x35: {  	[sflag:s21] =	ssyncset.done $0x0  }
0x36: {  	[sflag:s21] =	ssyncadd.s32 $0xFFFFE000  }
0x37: {  	_ =	swait.ge [sflag:s22], $0x2000  }
0x38: {  	[sflag:s22] =	ssyncset.done $0x0  }
0x39: {  	s28 =	simm.s32 $0x0;
	[sflag:s22] =	ssyncadd.s32 $0xFFFFE000  }
0x3a: {  	v13 =	vld [tilespmem:s28+$0x4060]  }
0x3b: {  	v11 =	vld [tilespmem:s28+$0x4050]  }
0x3c: {  	v9 =	vld [tilespmem:s28+$0x4040]  }
0x3d: {  	v10 =	vld [tilespmem:s28+$0x4030]  }
0x3e: {  	v12 =	vld [tilespmem:s28+$0x4020]  }
0x3f: {  	v14 =	vld [tilespmem:s28+$0x4010]  }
0x40: {  	v15 =	vld [tilespmem:s28+$0x4000]  }
0x41: {  	v16 =	vld [tilespmem:s28+$0x0]  }
0x42: {  	v17 =	vld [tilespmem:s28+$0x2000]  }
0x43: {  	v18 =	vld [tilespmem:s28+$0x10]  }
0x44: {  	v19 =	vld [tilespmem:s28+$0x2010]  }
0x45: {  	v20 =	vld [tilespmem:s28+$0x20]  }
0x46: {  	v21 =	vld [tilespmem:s28+$0x2020]  }
0x47: {  	v22 =	vld [tilespmem:s28+$0x30];
	v16 =	vadd.f32 v17, v16  }
0x48: {  	v17 =	vld [tilespmem:s28+$0x2030]  }
0x49: {  	v23 =	vld [tilespmem:s28+$0x40];
	v15 =	vadd.f32 v15, v16;
	v16 =	vadd.f32 v19, v18  }
0x4a: {  	v18 =	vld [tilespmem:s28+$0x2040]  }
0x4b: {  	v19 =	vld [tilespmem:s28+$0x50];
	v15 =	vmax.f32 v15, $0.0e+00;
	v14 =	vadd.f32 v14, v16;
	v16 =	vadd.f32 v21, v20  }
0x4c: {  	v20 =	vld [tilespmem:s28+$0x2050];
	v15 =	vmul.f32 v15, v0  }
0x4d: {  	v61 =	vld [tilespmem:s28+$0x60];
	v14 =	vmax.f32 v14, $0.0e+00;
	v12 =	vadd.f32 v12, v16;
	v16 =	vadd.f32 v17, v22  }
0x4e: {  	v17 =	vld [tilespmem:s28+$0x2060];
	v15 =	vadd.f32 v15, v8;
	v14 =	vmul.f32 v14, v1  }
0x4f: {  	v62 =	vld [tilespmem:s28+$0x70];
	v10 =	vadd.f32 v10, v16;
	v12 =	vmax.f32 v12, $0.0e+00;
	v16 =	vadd.f32 v18, v23  }
0x50: {  	v18 =	vld [tilespmem:s28+$0x2070];
	v14 =	vadd.f32 v14, v15;
	v12 =	vmul.f32 v12, v2  }
0x51: {  	s29 =	simm.s32 $0x80;
	v15 =	vld [tilespmem:s28+$0x4070];
	v19 =	vadd.f32 v20, v19;
	v63 =	vmax.f32 v10, $0.0e+00;
	v16 =	vadd.f32 v9, v16  }
0x52: {  	v10 =	vld [tilespmem:s29+$0x4060];
	v12 =	vadd.f32 v12, v14;
	v14 =	vmul.f32 v63, v3  }
0x53: {  	v9 =	vld [tilespmem:s29+$0x4050];
	v19 =	vadd.f32 v11, v19;
	v17 =	vadd.f32 v17, v61;
	v16 =	vmax.f32 v16, $0.0e+00  }
0x54: {  	v11 =	vld [tilespmem:s29+$0x4040];
	v14 =	vadd.f32 v14, v12;
	v16 =	vmul.f32 v16, v4  }
0x55: {  	v12 =	vld [tilespmem:s29+$0x4030];
	v18 =	vadd.f32 v18, v62;
	v19 =	vmax.f32 v19, $0.0e+00;
	v17 =	vadd.f32 v13, v17  }
0x56: {  	v13 =	vld [tilespmem:s29+$0x4020];
	v19 =	vmul.f32 v19, v5;
	v16 =	vadd.f32 v16, v14  }
0x57: {  	v14 =	vld [tilespmem:s29+$0x4010];
	v20 =	vadd.f32 v15, v18;
	v18 =	vmax.f32 v17, $0.0e+00  }
0x58: {  	v15 =	vld [tilespmem:s29+$0x4000];
	v18 =	vmul.f32 v18, v6;
	v17 =	vadd.f32 v19, v16  }
0x59: {  	s30 =	simm.s32 $0x400;
	v16 =	vld [tilespmem:s29+$0x0];
	v19 =	vmax.f32 v20, $0.0e+00  }
.LBB2_3:
0x5a: {  	p0 =	sne.s32 s30, $0x7E00;
	v20 =	vld [tilespmem:s29+$0x2000];
	v17 =	vadd.f32 v18, v17;
	v18 =	vmul.f32 v19, v7  }
0x5b: {  	v19 =	vld [tilespmem:s29+$0x10]  }
0x5c: {  	v21 =	vld [tilespmem:s29+$0x2010];
	v17 =	vadd.f32 v18, v17  }
0x5d: {  	v18 =	vld [tilespmem:s29+$0x20]  }
0x5e: {  	v22 =	vld [tilespmem:s29+$0x2020];
	[tilespmem:s28+$0x6100] =	vst v17;
	s28 =	smov.u32 s29  }
0x5f: {  	v16 =	vadd.f32 v20, v16;
	v17 =	vld [tilespmem:s28+$0x30]  }
0x60: {  	v20 =	vld [tilespmem:s28+$0x2030]  }
0x61: {  	v15 =	vadd.f32 v15, v16;
	v16 =	vadd.f32 v21, v19;
	v19 =	vld [tilespmem:s28+$0x40]  }
0x62: {  	v21 =	vld [tilespmem:s28+$0x2040]  }
0x63: {  	v15 =	vmax.f32 v15, $0.0e+00;
	v14 =	vadd.f32 v14, v16;
	v16 =	vadd.f32 v22, v18;
	v18 =	vld [tilespmem:s28+$0x50]  }
0x64: {  	v15 =	vmul.f32 v15, v0;
	v22 =	vld [tilespmem:s28+$0x2050]  }
0x65: {  	v14 =	vmax.f32 v14, $0.0e+00;
	v13 =	vadd.f32 v13, v16;
	v16 =	vadd.f32 v20, v17;
	v17 =	vld [tilespmem:s28+$0x60]  }
0x66: {  	v15 =	vadd.f32 v15, v8;
	v14 =	vmul.f32 v14, v1;
	v20 =	vld [tilespmem:s28+$0x2060]  }
0x67: {  	v13 =	vmax.f32 v13, $0.0e+00;
	v12 =	vadd.f32 v12, v16;
	v16 =	vadd.f32 v21, v19;
	v19 =	vld [tilespmem:s28+$0x70]  }
0x68: {  	v14 =	vadd.f32 v14, v15;
	v13 =	vmul.f32 v13, v2;
	v15 =	vld [tilespmem:s28+$0x2070]  }
0x69: {  	s29 =	sshra.s32 s30, $0x2;
	v12 =	vmax.f32 v12, $0.0e+00;
	v11 =	vadd.f32 v11, v16;
	v16 =	vadd.f32 v22, v18;
	v18 =	vld [tilespmem:s28+$0x4070]  }
0x6a: {  	v21 =	vld [tilespmem:s29+$0x4060];
	v13 =	vadd.f32 v13, v14;
	v12 =	vmul.f32 v12, v3  }
0x6b: {  	v14 =	vmax.f32 v11, $0.0e+00;
	v16 =	vadd.f32 v9, v16;
	v9 =	vld [tilespmem:s29+$0x4050];
	v17 =	vadd.f32 v20, v17  }
0x6c: {  	v11 =	vld [tilespmem:s29+$0x4040];
	v20 =	vadd.f32 v12, v13;
	v14 =	vmul.f32 v14, v4  }
.Ltmp0:
0x6d: {  	v12 =	vld [tilespmem:s29+$0x4030];
	v16 =	vmax.f32 v16, $0.0e+00;
	v22 =	vadd.f32 v10, v17;
	v15 =	vadd.f32 v15, v19;
	(pc) =	sbr.rel @p0 .LBB2_3-.Ltmp0, $4  }
0x6e: {  	v13 =	vld [tilespmem:s29+$0x4020];
	v17 =	vadd.f32 v14, v20;
	v16 =	vmul.f32 v16, v5  }
0x6f: {  	v14 =	vld [tilespmem:s29+$0x4010];
	v19 =	vmax.f32 v22, $0.0e+00;
	v20 =	vadd.f32 v18, v15;
	v10 =	vmov v21  }
0x70: {  	v15 =	vld [tilespmem:s29+$0x4000];
	v17 =	vadd.f32 v16, v17;
	v18 =	vmul.f32 v19, v6  }
0x71: {  	s30 =	sadd.s32 $0x200, s30;
	v16 =	vld [tilespmem:s29+$0x0];
	v19 =	vmax.f32 v20, $0.0e+00  }
0x72: {  	v20 =	vld [tilespmem:s29+$0x2000];
	v17 =	vadd.f32 v18, v17;
	v43 =	vmul.f32 v19, v7  }
0x73: {  	v44 =	vld [tilespmem:s29+$0x10]  }
0x74: {  	v21 =	vld [tilespmem:s29+$0x2010];
	v17 =	vadd.f32 v43, v17  }
0x75: {  	v45 =	vld [tilespmem:s29+$0x20]  }
0x76: {  	v22 =	vld [tilespmem:s29+$0x2020];
	[tilespmem:s28+$0x6100] =	vst v17  }
0x77: {  	v16 =	vadd.f32 v20, v16;
	v17 =	vld [tilespmem:s29+$0x30]  }
0x78: {  	v46 =	vld [tilespmem:s29+$0x2030]  }
0x79: {  	v47 =	vadd.f32 v21, v44;
	v48 =	vld [tilespmem:s29+$0x40];
	v15 =	vadd.f32 v15, v16  }
0x7a: {  	v49 =	vld [tilespmem:s29+$0x2040]  }
0x7b: {  	v50 =	vadd.f32 v22, v45;
	v51 =	vld [tilespmem:s29+$0x50];
	v14 =	vadd.f32 v14, v47;
	v15 =	vmax.f32 v15, $0.0e+00  }
0x7c: {  	v52 =	vld [tilespmem:s29+$0x2050];
	v15 =	vmul.f32 v15, v0  }
0x7d: {  	v54 =	vld [tilespmem:s29+$0x60];
	v13 =	vadd.f32 v13, v50;
	v14 =	vmax.f32 v14, $0.0e+00;
	v53 =	vadd.f32 v46, v17  }
0x7e: {  	v55 =	vld [tilespmem:s29+$0x2060];
	v14 =	vmul.f32 v14, v1;
	v15 =	vadd.f32 v15, v8  }
0x7f: {  	v57 =	vld [tilespmem:s29+$0x70];
	v13 =	vmax.f32 v13, $0.0e+00;
	v56 =	vadd.f32 v49, v48;
	v12 =	vadd.f32 v12, v53  }
0x80: {  	v58 =	vld [tilespmem:s29+$0x2070];
	v13 =	vmul.f32 v13, v2;
	v14 =	vadd.f32 v14, v15  }
0x81: {  	v59 =	vadd.f32 v52, v51;
	v11 =	vadd.f32 v11, v56;
	v12 =	vmax.f32 v12, $0.0e+00  }
0x82: {  	v60 =	vld [tilespmem:s29+$0x4070];
	v12 =	vmul.f32 v12, v3;
	v13 =	vadd.f32 v13, v14  }
0x83: {  	v61 =	vadd.f32 v55, v54;
	v9 =	vadd.f32 v9, v59;
	v11 =	vmax.f32 v11, $0.0e+00  }
0x84: {  	v11 =	vmul.f32 v11, v4;
	v12 =	vadd.f32 v12, v13  }
0x85: {  	v62 =	vadd.f32 v58, v57;
	v10 =	vadd.f32 v10, v61;
	v9 =	vmax.f32 v9, $0.0e+00  }
0x86: {  	v9 =	vmul.f32 v9, v5;
	v11 =	vadd.f32 v11, v12  }
0x87: {  	v63 =	vadd.f32 v60, v62;
	v10 =	vmax.f32 v10, $0.0e+00  }
0x88: {  	v10 =	vmul.f32 v10, v6;
	v9 =	vadd.f32 v9, v11  }
0x89: {  	v11 =	vmax.f32 v63, $0.0e+00  }
0x8a: {  	v9 =	vadd.f32 v10, v9;
	v10 =	vmul.f32 v11, v7;
	_ =	sdelay $0x1  }
0x8b: {  	s25 =	sadd.s32 $0x1, s25;
	v9 =	vadd.f32 v10, v9  }
0x8c: {  	p0 =	sne.s32 s25, $0x9D  }
.Ltmp1:
0x8d: {  	s26 =	sadd.s32 s10, s26;
	[tilespmem:s29+$0x6100] =	vst v9;
	(pc) =	sbr.rel @p0 .LBB2_2-.Ltmp1, $4  }
0x8e: {  	[hbm4b:s26+s3] =	stream.linear.scatter [tilespmem:s23], [sflag:$0x3], $0x2000, $0x38;
	[tilespmem:$0x8200] =	vst v63  }
0x8f: {  	_ =	swait.ge [sflag:s14], $0x2000  }
0x90: {  	[sflag:s14] =	ssyncset.done $0x0  }
0x91: {  	[sflag:s14] =	ssyncadd.s32 $0xFFFFE000  }
0x92: {  	s24 =	sadd.s32 $0x1, s24  }
0x93: {  	p0 =	sne.s32 s24, s12  }
.Ltmp2:
0x94: {  	_ = 	snop;
	(pc) =	sbr.rel @p0 .LBB2_1-.Ltmp2, $1  }
0x95: {  	_ =	sdelay $0x3  }
0x96: {  	_ =	sfence.sel $0x180000  }
0x97: {  	[bflag:$0x0] =	sbarrier.arrive $0xFFFF  }
0x98: {  	p0 =	sne.s32 s6, $0x0;
	_ =	strace $0x90000050  }
0x99: {  	s0 =	sadd.s32 @!p0 $0x100000, s0;
	[bflag:$0x2] =	sbarrier.arrive $0xFFFF  }
0x9a: {  	[sflag:s0] =	ssyncadd.tile.s32 @!p0 $0x1;
	_ =	shalt  }
.Lfunc_end2:
_tile_overlayer_lowered:
.L_overlay_start_2:
0x9b: {  	(tag) =	ssettag $0x2  }
0x9c: {  	s0 =	rddreg [dreg:$0x0];
	s2 =	stileid.u32  }
0x9d: {  	s1 =	rddreg [dreg:$0x1];
	p0 =	sne.s32 s2, $0x0  }
0x9e: {  	s3 =	rddreg [dreg:$0x2];
	[bflag:$0x3] =	sbarrier.arrive $0xFFFF;
	s2 =	simm.s32 @!p0 $0x1C03  }
0x9f: {  	[timem:s3], [sflag:s2] =	dma.local @!p0 [hbm:s0], s1  }
0xa0: {  	s0 =	simm.s32 @!p0 $0x3  }
0xa1: {  	_ =	swait.ge @!p0 [sflag:s0], s1  }
0xa2: {  	s1 =	ssub.s32 @!p0 $0x0, s1;
	[sflag:s0] =	ssyncset.done @!p0 $0x0  }
0xa3: {  	[sflag:s0] =	ssyncadd.s32 @!p0 s1  }
0xa4: {  	[bflag:$0x3] =	sbarrier.arrive $0xFFFF  }
0xa5: {  	_ =	shalt  }

</sc_bundles>
